<compile_context>
chip_gen: v7x
topology: tpu7x:2x2x1
jax: 0.10.2.dev20260603
libtpu: 0.0.44.dev20260713+nightly
codegen_flags: <defaults>
</compile_context>

<pallas_src>
import functools

import jax
import jax.numpy as jnp
from jax import lax
from jax.experimental import pallas as pl
from jax.experimental.pallas import tpu as pltpu
from jax.experimental.pallas import tpu_sc as plsc

f32 = jnp.float32
i32 = jnp.int32

_N1, _E1 = 10000, 320000
_N2, _E2 = 400, 6400
_G, _K = 20, 50
_NP1, _NP2 = 10240, 512
_NT = 16


def _rsqrt(x):
    i = plsc.bitcast(x, i32)
    i = jnp.int32(0x5F3759DF) - (i >> 1)
    y = plsc.bitcast(i, f32)
    xh = x * 0.5
    for _ in range(3):
        y = y * (1.5 - xh * y * y)
    return y


def _zero(ref, nv):
    z = jnp.zeros((16,), f32)

    def b(j, c):
        ref[pl.ds(j * 16, 16)] = z
        return c

    lax.fori_loop(0, nv, b, None)


def _graph_pipeline(tid, edge_hbm, sh_t, src_v, dst_v, gat_v, acc_v, acc2_v,
                    sl_d, sl_g, red2_v, sh_a, sh_b, sh_full, *, E, NP):
    ECH = E // _NT
    EV = ECH // 16
    SL = NP // _NT
    SV = SL // 16
    NV = NP // 16
    ebase = tid * ECH
    sbase = tid * SL

    pltpu.sync_copy(edge_hbm.at[pl.ds(ebase, ECH)], src_v.at[pl.ds(0, ECH)])
    pltpu.sync_copy(edge_hbm.at[pl.ds(E + ebase, ECH)], dst_v.at[pl.ds(0, ECH)])

    def _reduce(sh, red2_v, out_ref):
        if SL % 128 == 0:
            pltpu.sync_copy(sh.at[:, pl.ds(sbase, SL)], red2_v.at[:, pl.ds(0, SL)])
            rbase = 0
        else:
            pltpu.sync_copy(sh.at[:, pl.ds(0, NP)], red2_v.at[:, pl.ds(0, NP)])
            rbase = sbase

        def rj(j, cc):
            acc = red2_v[0, pl.ds(rbase + j * 16, 16)]
            for c in range(1, _NT):
                acc = acc + red2_v[c, pl.ds(rbase + j * 16, 16)]
            out_ref[pl.ds(j * 16, 16)] = acc
            return cc

        lax.fori_loop(0, SV, rj, None)

    _zero(acc_v, NV)
    _zero(acc2_v, NV)
    ones = jnp.full((16,), 1.0, f32)

    @plsc.parallel_loop(0, ECH, step=16, unroll=4)
    def _(e):
        sv = src_v[pl.ds(e, 16)]
        dv = dst_v[pl.ds(e, 16)]
        plsc.addupdate_scatter(acc_v, [sv], ones)
        plsc.addupdate_scatter(acc2_v, [dv], ones)
    pltpu.sync_copy(acc_v.at[pl.ds(0, NP)], sh_a.at[tid, pl.ds(0, NP)])
    pltpu.sync_copy(acc2_v.at[pl.ds(0, NP)], sh_b.at[tid, pl.ds(0, NP)])
    plsc.subcore_barrier()

    _reduce(sh_a, red2_v, gat_v)
    _reduce(sh_b, red2_v, sl_g)

    def pa(j, c):
        x = gat_v[pl.ds(j * 16, 16)]
        deg = sl_g[pl.ds(j * 16, 16)] + 1.0
        dinv = _rsqrt(deg)
        sl_d[pl.ds(j * 16, 16)] = dinv
        sl_g[pl.ds(j * 16, 16)] = x * dinv
        return c

    lax.fori_loop(0, SV, pa, None)
    pltpu.sync_copy(sl_g.at[pl.ds(0, SL)], sh_full.at[pl.ds(sbase, SL)])
    plsc.subcore_barrier()

    for phase in (0, 1):
        pltpu.sync_copy(sh_full.at[pl.ds(0, NP)], gat_v.at[pl.ds(0, NP)])
        _zero(acc_v, NV)

        @plsc.parallel_loop(0, ECH, step=16, unroll=4)
        def _(e):
            sv = src_v[pl.ds(e, 16)]
            dv = dst_v[pl.ds(e, 16)]
            vals = plsc.load_gather(gat_v, [sv])
            plsc.addupdate_scatter(acc_v, [dv], vals)
        pltpu.sync_copy(acc_v.at[pl.ds(0, NP)], sh_a.at[tid, pl.ds(0, NP)])
        plsc.subcore_barrier()
        _reduce(sh_a, red2_v, acc2_v)

        def pb(j, c):
            agg = acc2_v[pl.ds(j * 16, 16)]
            dinv = sl_d[pl.ds(j * 16, 16)]
            gv = sl_g[pl.ds(j * 16, 16)]
            sval = dinv * (agg + gv)
            if phase == 0:
                sl_g[pl.ds(j * 16, 16)] = sval * dinv
            else:
                sl_g[pl.ds(j * 16, 16)] = sval
            return c

        lax.fori_loop(0, SV, pb, None)
        if phase == 0:
            pltpu.sync_copy(sl_g.at[pl.ds(0, SL)], sh_full.at[pl.ds(sbase, SL)])
        else:
            pltpu.sync_copy(sl_g.at[pl.ds(0, SL)], sh_t.at[pl.ds(sbase, SL)])
        plsc.subcore_barrier()


def _km_body(edges1, edges2, batch, sel_out, val_out, t2_out,
             src_v, dst_v, gat_v, acc_v, acc2_v, sl_d, sl_g, red2_v,
             batch_v, selbuf, vbuf, c16, sh_a, sh_b, sh_full, sh_t1, sh_t2):
    cid = lax.axis_index("c")
    tid = lax.axis_index("s")
    args = (src_v, dst_v, gat_v, acc_v, acc2_v, sl_d, sl_g, red2_v,
            sh_a, sh_b, sh_full)

    _graph_pipeline(tid, edges1, sh_t1, *args, E=_E1, NP=_NP1)
    _graph_pipeline(tid, edges2, sh_t2, *args, E=_E2, NP=_NP2)

    @pl.when(cid == 0)
    def _():
        sl2 = _NP2 // _NT
        pltpu.sync_copy(sl_g.at[pl.ds(0, sl2)],
                        t2_out.at[pl.ds(tid * sl2, sl2)])

    g = cid * _NT + tid

    @pl.when(g < _G)
    def _():
        pltpu.sync_copy(batch, batch_v.at[pl.ds(0, _N1)])
        pltpu.sync_copy(sh_t1.at[pl.ds(0, _NP1)], gat_v.at[pl.ds(0, _NP1)])
        pltpu.sync_copy(sh_t2.at[pl.ds(_N2 - 16, 16)], c16)
        iota = lax.iota(i32, 16)
        cval = jnp.sum(jnp.where(iota == 15, c16[pl.ds(0, 16)], 0.0))

        def bb(i, carry):
            lt, le = carry
            bv = batch_v[pl.ds(i * 16, 16)]
            lt = lt + jnp.where(bv < g, 1, 0).astype(i32)
            le = le + jnp.where(bv <= g, 1, 0).astype(i32)
            return lt, le

        z16 = jnp.zeros((16,), i32)
        lt, le = lax.fori_loop(0, _N1 // 16, bb, (z16, z16), unroll=4)
        start = jnp.sum(lt)
        end = jnp.sum(le)
        js = start >> 4
        je = (end + 15) >> 4

        def kb(j, c):
            gi = j * 16 + iota
            t1v = gat_v[pl.ds(j * 16, 16)]
            d = t1v - cval
            k = d * d
            inside = (gi >= start) & (gi < end)
            acc_v[pl.ds(j * 16, 16)] = jnp.where(inside, k, -1.0)
            return c

        lax.fori_loop(js, je, kb, None)
        _zero(selbuf, 4)
        _zero(vbuf, 4)
        big = jnp.int32(1 << 30)

        def ext(r, c):
            def mx(j, carry):
                mv, miv = carry
                kv = acc_v[pl.ds(j * 16, 16)]
                gi = j * 16 + iota
                better = kv > mv
                return (jnp.where(better, kv, mv),
                        jnp.where(better, gi, miv))

            mv, miv = lax.fori_loop(
                js, je, mx,
                (jnp.full((16,), -2.0, f32), jnp.full((16,), big, i32)))
            m = jnp.max(mv)
            idx = jnp.min(jnp.where(mv == m, miv, big))
            validf = jnp.where(m >= 0.0, 1.0, 0.0).astype(f32)
            idx = jnp.minimum(idx, jnp.int32(_NP1 - 1))
            av = idx & jnp.int32(-16)
            lane = idx & jnp.int32(15)
            t1vv = gat_v[pl.ds(av, 16)]
            val = jnp.sum(jnp.where(iota == lane, t1vv, 0.0))
            kvv = acc_v[pl.ds(av, 16)]
            acc_v[pl.ds(av, 16)] = jnp.where(iota == lane, -1.0, kvv)
            rb = r & jnp.int32(-16)
            rl = r & jnp.int32(15)
            sb = selbuf[pl.ds(rb, 16)]
            selbuf[pl.ds(rb, 16)] = jnp.where(iota == rl, val * validf, sb)
            vb = vbuf[pl.ds(rb, 16)]
            vbuf[pl.ds(rb, 16)] = jnp.where(iota == rl, validf, vb)
            return c

        lax.fori_loop(0, _K, ext, None)
        pltpu.sync_copy(selbuf, sel_out.at[g])
        pltpu.sync_copy(vbuf, val_out.at[g])


_km = functools.partial(
    pl.kernel,
    out_type=(jax.ShapeDtypeStruct((_G, 64), f32),
              jax.ShapeDtypeStruct((_G, 64), f32),
              jax.ShapeDtypeStruct((_NP2,), f32)),
    compiler_params=pltpu.CompilerParams(needs_layout_passes=False),
    mesh=plsc.VectorSubcoreMesh(core_axis_name="c", subcore_axis_name="s"),
    scratch_types=(
        pltpu.VMEM((_E1 // _NT,), i32),
        pltpu.VMEM((_E1 // _NT,), i32),
        pltpu.VMEM((_NP1,), f32),
        pltpu.VMEM((_NP1,), f32),
        pltpu.VMEM((_NP1,), f32),
        pltpu.VMEM((_NP1 // _NT,), f32),
        pltpu.VMEM((_NP1 // _NT,), f32),
        pltpu.VMEM((_NT, _NP1 // _NT), f32),
        pltpu.VMEM((_N1,), i32),
        pltpu.VMEM((64,), f32),
        pltpu.VMEM((64,), f32),
        pltpu.VMEM((16,), f32),
        pltpu.VMEM_SHARED((_NT, _NP1), f32),
        pltpu.VMEM_SHARED((_NT, _NP1), f32),
        pltpu.VMEM_SHARED((_NP1,), f32),
        pltpu.VMEM_SHARED((_NP1,), f32),
        pltpu.VMEM_SHARED((_NP2,), f32),
    ),
)(_km_body)


def _k3_body(t1s_ref, vm_ref, t2_ref, w1_ref, w2_ref, fc1w_ref, fc1b_ref,
             g1_ref, b1_ref, fc2w_ref, fc2b_ref, g2_ref, b2_ref,
             fc3w_ref, fc3b_ref, o_ref):
    w1r = jnp.maximum(w1_ref[...], 0.0)
    u = jnp.maximum(jnp.dot(w1r, w2_ref[...],
                            preferred_element_type=f32), 0.0)
    nu2 = jnp.sum(u * u)
    t2 = t2_ref[...][:, :_N2]
    t1s = t1s_ref[...]
    vm = vm_ref[...]

    h = jnp.zeros((_G, 128), f32)
    for r in range(_K):
        tcol = t1s[:, r:r + 1]
        vcol = vm[:, r:r + 1]
        d2 = (tcol - t2) ** 2 * nu2
        dr = vcol * jnp.sqrt(jnp.maximum(d2, 1e-12))
        h = h + jnp.dot(dr, fc1w_ref[r * _N2:(r + 1) * _N2, :],
                        preferred_element_type=f32)
    h = h + fc1b_ref[...]

    def ln(x, gg, bb):
        mu = jnp.mean(x, axis=1, keepdims=True)
        va = jnp.mean((x - mu) ** 2, axis=1, keepdims=True)
        return (x - mu) / jnp.sqrt(va + 1e-5) * gg + bb

    h = jnp.maximum(ln(h, g1_ref[...], b1_ref[...]), 0.0)
    h = jnp.dot(h, fc2w_ref[...], preferred_element_type=f32) + fc2b_ref[...]
    h = jnp.maximum(ln(h, g2_ref[...], b2_ref[...]), 0.0)
    o = jnp.dot(h, fc3w_ref[...], preferred_element_type=f32) + fc3b_ref[...]
    o_ref[...] = 1.0 / (1.0 + jnp.exp(-o))


_k3 = pl.pallas_call(
    _k3_body,
    out_shape=jax.ShapeDtypeStruct((_G, 1), f32),
)


def kernel(edge_index1, batch1, edge_index2, W1, b1, W2, b2,
           fc1_W, fc1_b, ln1_g, ln1_b, fc2_W, fc2_b, ln2_g, ln2_b,
           fc3_W, fc3_b):
    t1sel, validm, t2p = _km(edge_index1.astype(i32).reshape(-1),
                             edge_index2.astype(i32).reshape(-1),
                             batch1.astype(i32))
    out = _k3(t1sel, validm, t2p.reshape(1, _NP2),
              W1.reshape(1, 128), W2,
              fc1_W, fc1_b.reshape(1, 128), ln1_g.reshape(1, 128),
              ln1_b.reshape(1, 128), fc2_W, fc2_b.reshape(1, 64),
              ln2_g.reshape(1, 64), ln2_b.reshape(1, 64), fc3_W,
              fc3_b.reshape(1, 1))
    return out

# --- scband reference (transcript-rebuilt; emitter-appended) ---
"""Pipeline reference for scband-siamese-gnn-21801253995180 (READ-ONLY COPY).

The authoritative reference and input builder live on the scoring server;
editing this copy changes nothing except your own understanding.
"""

import jax, jax.numpy as jnp
import numpy as np

N1 = 10000
N2 = 400
E1 = 320000
E2 = 6400
NUM_GRAPHS = 20
K_SORT = 50


def gcn_conv(x, W, b, edge_index, n):
    src = jnp.concatenate([edge_index[0], jnp.arange(n, dtype=edge_index.dtype)])
    dst = jnp.concatenate([edge_index[1], jnp.arange(n, dtype=edge_index.dtype)])
    xw = x @ W
    deg = jnp.zeros((n,), xw.dtype).at[dst].add(1.0)
    dinv = jnp.where(deg > 0, 1.0 / jnp.sqrt(deg), 0.0)
    norm = dinv[src] * dinv[dst]
    msg = xw[src] * norm[:, None]
    out = jnp.zeros((n, W.shape[1]), xw.dtype).at[dst].add(msg)
    return out + b


def gnn(edge_index, n, W1, b1, W2, b2):
    x = jnp.bincount(edge_index[0], length=n).astype(jnp.float32)[:, None]
    x = jax.nn.relu(gcn_conv(x, W1, b1, edge_index, n))
    x = jax.nn.relu(gcn_conv(x, W2, b2, edge_index, n))
    return x


def cdist(a, b):
    d2 = jnp.sum(a * a, axis=1)[:, None] + jnp.sum(b * b, axis=1)[None, :] - 2.0 * (a @ b.T)
    return jnp.sqrt(jnp.maximum(d2, 1e-12))


def sort_aggregation(x, batch, num_graphs, k):
    key_ch = x[:, -1]
    outs = []
    for g in range(num_graphs):
        mask = batch == g
        keyv = jnp.where(mask, key_ch, -jnp.inf)
        order = jnp.argsort(-keyv)[:k]
        sel = x[order] * mask[order][:, None].astype(x.dtype)
        outs.append(sel.reshape(-1))
    return jnp.stack(outs, axis=0)


def layer_norm(x, g, b, eps=1e-5):
    m = jnp.mean(x, axis=-1, keepdims=True)
    v = jnp.var(x, axis=-1, keepdims=True)
    return (x - m) / jnp.sqrt(v + eps) * g + b


def setup_inputs(seed: int = 0) -> dict:
    key = jax.random.key(seed)
    ks = jax.random.split(key, 16)
    edge_index1 = jax.random.randint(ks[0], (2, E1), 0, N1, dtype=jnp.int64)
    batch1 = jnp.sort(jax.random.randint(ks[1], (N1,), 0, NUM_GRAPHS, dtype=jnp.int64))
    edge_index2 = jax.random.randint(ks[2], (2, E2), 0, N2, dtype=jnp.int64)
    W1 = jax.random.normal(ks[3], (1, 128), dtype=jnp.float32) * (1.0 / np.sqrt(1))
    b1 = jnp.zeros((128,), jnp.float32)
    W2 = jax.random.normal(ks[4], (128, 64), dtype=jnp.float32) * (1.0 / np.sqrt(128))
    b2 = jnp.zeros((64,), jnp.float32)
    fc1_W = jax.random.normal(ks[5], (20000, 128), dtype=jnp.float32) * (1.0 / np.sqrt(20000))
    fc1_b = jnp.zeros((128,), jnp.float32)
    ln1_g = jnp.ones((128,), jnp.float32)
    ln1_b = jnp.zeros((128,), jnp.float32)
    fc2_W = jax.random.normal(ks[6], (128, 64), dtype=jnp.float32) * (1.0 / np.sqrt(128))
    fc2_b = jnp.zeros((64,), jnp.float32)
    ln2_g = jnp.ones((64,), jnp.float32)
    ln2_b = jnp.zeros((64,), jnp.float32)
    fc3_W = jax.random.normal(ks[7], (64, 1), dtype=jnp.float32) * (1.0 / np.sqrt(64))
    fc3_b = jnp.zeros((1,), jnp.float32)
    return {"edge_index1": edge_index1, "batch1": batch1, "edge_index2": edge_index2,
            "W1": W1, "b1": b1, "W2": W2, "b2": b2,
            "fc1_W": fc1_W, "fc1_b": fc1_b, "ln1_g": ln1_g, "ln1_b": ln1_b,
            "fc2_W": fc2_W, "fc2_b": fc2_b, "ln2_g": ln2_g, "ln2_b": ln2_b,
            "fc3_W": fc3_W, "fc3_b": fc3_b}


def reference(edge_index1, batch1, edge_index2, W1, b1, W2, b2,
              fc1_W, fc1_b, ln1_g, ln1_b, fc2_W, fc2_b, ln2_g, ln2_b, fc3_W, fc3_b):
    out1 = gnn(edge_index1, N1, W1, b1, W2, b2)
    out2 = gnn(edge_index2, N2, W1, b1, W2, b2)
    out = cdist(out1, out2)
    out = sort_aggregation(out, batch1, NUM_GRAPHS, K_SORT)
    out = out.reshape(out.shape[0], -1)
    out = out @ fc1_W + fc1_b
    out = layer_norm(out, ln1_g, ln1_b)
    out = jax.nn.relu(out)
    out = out @ fc2_W + fc2_b
    out = layer_norm(out, ln2_g, ln2_b)
    out = jax.nn.relu(out)
    out = out @ fc3_W + fc3_b
    return jax.nn.sigmoid(out)

if __name__ == "__main__":
    import jax
    _d = setup_inputs()
    print(jax.jit(kernel)(*tuple(_d.values())))

</pallas_src>

<mosaic_0001>
#map = affine_map<(d0, d1) -> (0)>
#map1 = affine_map<(d0, d1) -> (0, 0)>
module attributes {stable_mosaic.version = 14 : i64} {
  func.func @_km_body(%arg0: i32, %arg1: i32, %arg2: memref<640000xi32, #tpu.memory_space<hbm>>, %arg3: memref<12800xi32, #tpu.memory_space<hbm>>, %arg4: memref<10000xi32, #tpu.memory_space<hbm>>, %arg5: memref<20x64xf32, #tpu.memory_space<hbm>>, %arg6: memref<20x64xf32, #tpu.memory_space<hbm>>, %arg7: memref<512xf32, #tpu.memory_space<hbm>>, %arg8: memref<20000xi32, #tpu.memory_space<vmem>>, %arg9: memref<20000xi32, #tpu.memory_space<vmem>>, %arg10: memref<10240xf32, #tpu.memory_space<vmem>>, %arg11: memref<10240xf32, #tpu.memory_space<vmem>>, %arg12: memref<10240xf32, #tpu.memory_space<vmem>>, %arg13: memref<640xf32, #tpu.memory_space<vmem>>, %arg14: memref<640xf32, #tpu.memory_space<vmem>>, %arg15: memref<16x640xf32, #tpu.memory_space<vmem>>, %arg16: memref<10000xi32, #tpu.memory_space<vmem>>, %arg17: memref<64xf32, #tpu.memory_space<vmem>>, %arg18: memref<64xf32, #tpu.memory_space<vmem>>, %arg19: memref<16xf32, #tpu.memory_space<vmem>>, %arg20: memref<16x10240xf32, #tpu.memory_space<vmem_shared>>, %arg21: memref<16x10240xf32, #tpu.memory_space<vmem_shared>>, %arg22: memref<10240xf32, #tpu.memory_space<vmem_shared>>, %arg23: memref<10240xf32, #tpu.memory_space<vmem_shared>>, %arg24: memref<512xf32, #tpu.memory_space<vmem_shared>>) attributes {dimension_semantics = [#tpu.dimension_semantics<core_parallel>, #tpu.dimension_semantics<subcore_parallel>], iteration_bounds = array<i64: 2, 16>, scalar_prefetch = 0 : i64, scratch_operands = 17 : i64, tpu.core_type = #tpu.core_type<sc_vector_subcore>, window_params = [{transform_indices = #map}, {transform_indices = #map}, {transform_indices = #map}, {transform_indices = #map1}, {transform_indices = #map1}, {transform_indices = #map}]} {
    %mul3A = arith.constant 20000 : i32
    %mul3A_0 = arith.muli %arg1, %mul3A : i32
    %mul3A_1 = arith.constant 640 : i32
    %mul3A_2 = arith.muli %arg1, %mul3A_1 : i32
    "tpu.region"() ({
      %run_scoped3A = tpu.sem_alloc : memref<!tpu.dma_semaphore, #tpu.memory_space<semaphore_mem>>
      %dma_start3A = arith.constant 0 : i32
      %dma_start3A_175 = tpu.memref_slice %arg8[%dma_start3A] : memref<20000xi32, #tpu.memory_space<vmem>> -> memref<20000xi32, #tpu.memory_space<vmem>>
      %dma_start3A_176 = tpu.memref_slice %arg2[%mul3A_0] : memref<640000xi32, #tpu.memory_space<hbm>> -> memref<20000xi32, #tpu.memory_space<hbm>>
      %dma_start3A_177 = arith.constant 0 : i32
      %dma_start3A_178 = tpu.memref_slice %arg8[%dma_start3A_177] : memref<20000xi32, #tpu.memory_space<vmem>> -> memref<20000xi32, #tpu.memory_space<vmem>>
      %dma_start3A_179 = tpu.memref_slice %arg2[%mul3A_0] : memref<640000xi32, #tpu.memory_space<hbm>> -> memref<20000xi32, #tpu.memory_space<hbm>>
      tpu.enqueue_dma source(%dma_start3A_179 : memref<20000xi32, #tpu.memory_space<hbm>>) target(%dma_start3A_178 : memref<20000xi32, #tpu.memory_space<vmem>>) target_semaphore(%run_scoped3A : memref<!tpu.dma_semaphore, #tpu.memory_space<semaphore_mem>>)
      %dma_wait3A = arith.constant 0 : i32
      %dma_wait3A_180 = tpu.memref_slice %arg8[%dma_wait3A] : memref<20000xi32, #tpu.memory_space<vmem>> -> memref<20000xi32, #tpu.memory_space<vmem>>
      %dma_wait3A_181 = tpu.memref_slice %arg2[%mul3A_0] : memref<640000xi32, #tpu.memory_space<hbm>> -> memref<20000xi32, #tpu.memory_space<hbm>>
      %dma_wait3A_182 = arith.constant 0 : i32
      %dma_wait3A_183 = tpu.memref_slice %arg8[%dma_wait3A_182] : memref<20000xi32, #tpu.memory_space<vmem>> -> memref<20000xi32, #tpu.memory_space<vmem>>
      %dma_wait3A_184 = tpu.memref_slice %arg2[%mul3A_0] : memref<640000xi32, #tpu.memory_space<hbm>> -> memref<20000xi32, #tpu.memory_space<hbm>>
      tpu.wait_dma2 semaphore(%run_scoped3A : memref<!tpu.dma_semaphore, #tpu.memory_space<semaphore_mem>>) src(%dma_wait3A_184 : memref<20000xi32, #tpu.memory_space<hbm>>) dst(%dma_wait3A_183 : memref<20000xi32, #tpu.memory_space<vmem>>)
      tpu.yield
    }) : () -> ()
    %add3A = arith.constant 320000 : i32
    %add3A_3 = arith.addi %add3A, %mul3A_0 : i32
    "tpu.region"() ({
      %run_scoped3A = tpu.sem_alloc : memref<!tpu.dma_semaphore, #tpu.memory_space<semaphore_mem>>
      %dma_start3A = arith.constant 0 : i32
      %dma_start3A_175 = tpu.memref_slice %arg9[%dma_start3A] : memref<20000xi32, #tpu.memory_space<vmem>> -> memref<20000xi32, #tpu.memory_space<vmem>>
      %dma_start3A_176 = tpu.memref_slice %arg2[%add3A_3] : memref<640000xi32, #tpu.memory_space<hbm>> -> memref<20000xi32, #tpu.memory_space<hbm>>
      %dma_start3A_177 = arith.constant 0 : i32
      %dma_start3A_178 = tpu.memref_slice %arg9[%dma_start3A_177] : memref<20000xi32, #tpu.memory_space<vmem>> -> memref<20000xi32, #tpu.memory_space<vmem>>
      %dma_start3A_179 = tpu.memref_slice %arg2[%add3A_3] : memref<640000xi32, #tpu.memory_space<hbm>> -> memref<20000xi32, #tpu.memory_space<hbm>>
      tpu.enqueue_dma source(%dma_start3A_179 : memref<20000xi32, #tpu.memory_space<hbm>>) target(%dma_start3A_178 : memref<20000xi32, #tpu.memory_space<vmem>>) target_semaphore(%run_scoped3A : memref<!tpu.dma_semaphore, #tpu.memory_space<semaphore_mem>>)
      %dma_wait3A = arith.constant 0 : i32
      %dma_wait3A_180 = tpu.memref_slice %arg9[%dma_wait3A] : memref<20000xi32, #tpu.memory_space<vmem>> -> memref<20000xi32, #tpu.memory_space<vmem>>
      %dma_wait3A_181 = tpu.memref_slice %arg2[%add3A_3] : memref<640000xi32, #tpu.memory_space<hbm>> -> memref<20000xi32, #tpu.memory_space<hbm>>
      %dma_wait3A_182 = arith.constant 0 : i32
      %dma_wait3A_183 = tpu.memref_slice %arg9[%dma_wait3A_182] : memref<20000xi32, #tpu.memory_space<vmem>> -> memref<20000xi32, #tpu.memory_space<vmem>>
      %dma_wait3A_184 = tpu.memref_slice %arg2[%add3A_3] : memref<640000xi32, #tpu.memory_space<hbm>> -> memref<20000xi32, #tpu.memory_space<hbm>>
      tpu.wait_dma2 semaphore(%run_scoped3A : memref<!tpu.dma_semaphore, #tpu.memory_space<semaphore_mem>>) src(%dma_wait3A_184 : memref<20000xi32, #tpu.memory_space<hbm>>) dst(%dma_wait3A_183 : memref<20000xi32, #tpu.memory_space<vmem>>)
      tpu.yield
    }) : () -> ()
    %broadcast_in_dim3A = arith.constant 0.000000e+00 : f32
    %broadcast_in_dim3A_4 = vector.broadcast %broadcast_in_dim3A : f32 to vector<16xf32>
    %scan3A = arith.constant 0 : i32
    %scan3A_5 = arith.constant 640 : i32
    %scan3A_6 = arith.addi %scan3A, %scan3A_5 : i32
    %scan3A_7 = arith.constant 1 : i32
    scf.for %scan3A_175 = %scan3A to %scan3A_6 step %scan3A_7  : i32 {
      %mul3A_176 = arith.constant 16 : i32
      %mul3A_177 = arith.muli %scan3A_175, %mul3A_176 : i32
      %swap3A = arith.index_cast %mul3A_177 : i32 to index
      %swap3A_178 = tpu.vector_load %arg11[%swap3A] {strides = array<i32>} : memref<10240xf32, #tpu.memory_space<vmem>>, vector<16xf32>,
      tpu.vector_store %arg11[%swap3A], %broadcast_in_dim3A_4 {strides = array<i32>} : memref<10240xf32, #tpu.memory_space<vmem>>, vector<16xf32>,
    }
    %scan3A_8 = arith.constant 640 : i32
    %broadcast_in_dim3A_9 = arith.constant 0.000000e+00 : f32
    %broadcast_in_dim3A_10 = vector.broadcast %broadcast_in_dim3A_9 : f32 to vector<16xf32>
    %scan3A_11 = arith.constant 0 : i32
    %scan3A_12 = arith.constant 640 : i32
    %scan3A_13 = arith.addi %scan3A_11, %scan3A_12 : i32
    %scan3A_14 = arith.constant 1 : i32
    scf.for %scan3A_175 = %scan3A_11 to %scan3A_13 step %scan3A_14  : i32 {
      %mul3A_176 = arith.constant 16 : i32
      %mul3A_177 = arith.muli %scan3A_175, %mul3A_176 : i32
      %swap3A = arith.index_cast %mul3A_177 : i32 to index
      %swap3A_178 = tpu.vector_load %arg12[%swap3A] {strides = array<i32>} : memref<10240xf32, #tpu.memory_space<vmem>>, vector<16xf32>,
      tpu.vector_store %arg12[%swap3A], %broadcast_in_dim3A_10 {strides = array<i32>} : memref<10240xf32, #tpu.memory_space<vmem>>, vector<16xf32>,
    }
    %scan3A_15 = arith.constant 640 : i32
    %broadcast_in_dim3A_16 = arith.constant 1.000000e+00 : f32
    %broadcast_in_dim3A_17 = vector.broadcast %broadcast_in_dim3A_16 : f32 to vector<16xf32>
    %parallel_loop3A = arith.constant 0 : i32
    %parallel_loop3A_18 = arith.constant 20000 : i32
    %parallel_loop3A_19 = arith.constant 16 : i32
    scf.for %parallel_loop3A_175 = %parallel_loop3A to %parallel_loop3A_18 step %parallel_loop3A_19  : i32 {
      %parallel_loop3A_176 = arith.index_cast %parallel_loop3A_175 : i32 to index
      %parallel_loop3A_177 = tpu.vector_load %arg8[%parallel_loop3A_176] {strides = array<i32>} : memref<20000xi32, #tpu.memory_space<vmem>>, vector<16xi32>,
      %parallel_loop3A_178 = arith.index_cast %parallel_loop3A_175 : i32 to index
      %parallel_loop3A_179 = tpu.vector_load %arg9[%parallel_loop3A_178] {strides = array<i32>} : memref<20000xi32, #tpu.memory_space<vmem>>, vector<16xi32>,
      tpu.vector_store_idx %arg11[%parallel_loop3A_177], %broadcast_in_dim3A_17 {add = true} : memref<10240xf32, #tpu.memory_space<vmem>>[vector<16xi32>], vector<16xf32>,
      tpu.vector_store_idx %arg12[%parallel_loop3A_179], %broadcast_in_dim3A_17 {add = true} : memref<10240xf32, #tpu.memory_space<vmem>>[vector<16xi32>], vector<16xf32>,
    } {sc.loop_unroll_factor = 4 : i64, sc.parallel_access}
    "tpu.region"() ({
      %run_scoped3A = tpu.sem_alloc : memref<!tpu.dma_semaphore, #tpu.memory_space<semaphore_mem>>
      %dma_start3A = arith.constant 0 : i32
      %dma_start3A_175 = tpu.memref_slice %arg11[%dma_start3A] : memref<10240xf32, #tpu.memory_space<vmem>> -> memref<10240xf32, #tpu.memory_space<vmem>>
      %dma_start3A_176 = arith.constant 0 : i32
      %dma_start3A_177 = tpu.memref_slice %arg20[%arg1, %dma_start3A_176] : memref<16x10240xf32, #tpu.memory_space<vmem_shared>> -> memref<1x10240xf32, #tpu.memory_space<vmem_shared>>
      %dma_start3A_178 = tpu.memref_squeeze %dma_start3A_177 : memref<1x10240xf32, #tpu.memory_space<vmem_shared>> -> memref<10240xf32, #tpu.memory_space<vmem_shared>>
      %dma_start3A_179 = arith.constant 0 : i32
      %dma_start3A_180 = tpu.memref_slice %arg20[%arg1, %dma_start3A_179] : memref<16x10240xf32, #tpu.memory_space<vmem_shared>> -> memref<1x10240xf32, #tpu.memory_space<vmem_shared>>
      %dma_start3A_181 = tpu.memref_squeeze %dma_start3A_180 : memref<1x10240xf32, #tpu.memory_space<vmem_shared>> -> memref<10240xf32, #tpu.memory_space<vmem_shared>>
      %dma_start3A_182 = arith.constant 0 : i32
      %dma_start3A_183 = tpu.memref_slice %arg11[%dma_start3A_182] : memref<10240xf32, #tpu.memory_space<vmem>> -> memref<10240xf32, #tpu.memory_space<vmem>>
      tpu.enqueue_dma source(%dma_start3A_183 : memref<10240xf32, #tpu.memory_space<vmem>>) target(%dma_start3A_181 : memref<10240xf32, #tpu.memory_space<vmem_shared>>) target_semaphore(%run_scoped3A : memref<!tpu.dma_semaphore, #tpu.memory_space<semaphore_mem>>)
      %dma_wait3A = arith.constant 0 : i32
      %dma_wait3A_184 = tpu.memref_slice %arg11[%dma_wait3A] : memref<10240xf32, #tpu.memory_space<vmem>> -> memref<10240xf32, #tpu.memory_space<vmem>>
      %dma_wait3A_185 = arith.constant 0 : i32
      %dma_wait3A_186 = tpu.memref_slice %arg20[%arg1, %dma_wait3A_185] : memref<16x10240xf32, #tpu.memory_space<vmem_shared>> -> memref<1x10240xf32, #tpu.memory_space<vmem_shared>>
      %dma_wait3A_187 = tpu.memref_squeeze %dma_wait3A_186 : memref<1x10240xf32, #tpu.memory_space<vmem_shared>> -> memref<10240xf32, #tpu.memory_space<vmem_shared>>
      %dma_wait3A_188 = arith.constant 0 : i32
      %dma_wait3A_189 = tpu.memref_slice %arg20[%arg1, %dma_wait3A_188] : memref<16x10240xf32, #tpu.memory_space<vmem_shared>> -> memref<1x10240xf32, #tpu.memory_space<vmem_shared>>
      %dma_wait3A_190 = tpu.memref_squeeze %dma_wait3A_189 : memref<1x10240xf32, #tpu.memory_space<vmem_shared>> -> memref<10240xf32, #tpu.memory_space<vmem_shared>>
      %dma_wait3A_191 = arith.constant 0 : i32
      %dma_wait3A_192 = tpu.memref_slice %arg11[%dma_wait3A_191] : memref<10240xf32, #tpu.memory_space<vmem>> -> memref<10240xf32, #tpu.memory_space<vmem>>
      tpu.wait_dma2 semaphore(%run_scoped3A : memref<!tpu.dma_semaphore, #tpu.memory_space<semaphore_mem>>) src(%dma_wait3A_192 : memref<10240xf32, #tpu.memory_space<vmem>>) dst(%dma_wait3A_190 : memref<10240xf32, #tpu.memory_space<vmem_shared>>)
      tpu.yield
    }) : () -> ()
    "tpu.region"() ({
      %run_scoped3A = tpu.sem_alloc : memref<!tpu.dma_semaphore, #tpu.memory_space<semaphore_mem>>
      %dma_start3A = arith.constant 0 : i32
      %dma_start3A_175 = tpu.memref_slice %arg12[%dma_start3A] : memref<10240xf32, #tpu.memory_space<vmem>> -> memref<10240xf32, #tpu.memory_space<vmem>>
      %dma_start3A_176 = arith.constant 0 : i32
      %dma_start3A_177 = tpu.memref_slice %arg21[%arg1, %dma_start3A_176] : memref<16x10240xf32, #tpu.memory_space<vmem_shared>> -> memref<1x10240xf32, #tpu.memory_space<vmem_shared>>
      %dma_start3A_178 = tpu.memref_squeeze %dma_start3A_177 : memref<1x10240xf32, #tpu.memory_space<vmem_shared>> -> memref<10240xf32, #tpu.memory_space<vmem_shared>>
      %dma_start3A_179 = arith.constant 0 : i32
      %dma_start3A_180 = tpu.memref_slice %arg21[%arg1, %dma_start3A_179] : memref<16x10240xf32, #tpu.memory_space<vmem_shared>> -> memref<1x10240xf32, #tpu.memory_space<vmem_shared>>
      %dma_start3A_181 = tpu.memref_squeeze %dma_start3A_180 : memref<1x10240xf32, #tpu.memory_space<vmem_shared>> -> memref<10240xf32, #tpu.memory_space<vmem_shared>>
      %dma_start3A_182 = arith.constant 0 : i32
      %dma_start3A_183 = tpu.memref_slice %arg12[%dma_start3A_182] : memref<10240xf32, #tpu.memory_space<vmem>> -> memref<10240xf32, #tpu.memory_space<vmem>>
      tpu.enqueue_dma source(%dma_start3A_183 : memref<10240xf32, #tpu.memory_space<vmem>>) target(%dma_start3A_181 : memref<10240xf32, #tpu.memory_space<vmem_shared>>) target_semaphore(%run_scoped3A : memref<!tpu.dma_semaphore, #tpu.memory_space<semaphore_mem>>)
      %dma_wait3A = arith.constant 0 : i32
      %dma_wait3A_184 = tpu.memref_slice %arg12[%dma_wait3A] : memref<10240xf32, #tpu.memory_space<vmem>> -> memref<10240xf32, #tpu.memory_space<vmem>>
      %dma_wait3A_185 = arith.constant 0 : i32
      %dma_wait3A_186 = tpu.memref_slice %arg21[%arg1, %dma_wait3A_185] : memref<16x10240xf32, #tpu.memory_space<vmem_shared>> -> memref<1x10240xf32, #tpu.memory_space<vmem_shared>>
      %dma_wait3A_187 = tpu.memref_squeeze %dma_wait3A_186 : memref<1x10240xf32, #tpu.memory_space<vmem_shared>> -> memref<10240xf32, #tpu.memory_space<vmem_shared>>
      %dma_wait3A_188 = arith.constant 0 : i32
      %dma_wait3A_189 = tpu.memref_slice %arg21[%arg1, %dma_wait3A_188] : memref<16x10240xf32, #tpu.memory_space<vmem_shared>> -> memref<1x10240xf32, #tpu.memory_space<vmem_shared>>
      %dma_wait3A_190 = tpu.memref_squeeze %dma_wait3A_189 : memref<1x10240xf32, #tpu.memory_space<vmem_shared>> -> memref<10240xf32, #tpu.memory_space<vmem_shared>>
      %dma_wait3A_191 = arith.constant 0 : i32
      %dma_wait3A_192 = tpu.memref_slice %arg12[%dma_wait3A_191] : memref<10240xf32, #tpu.memory_space<vmem>> -> memref<10240xf32, #tpu.memory_space<vmem>>
      tpu.wait_dma2 semaphore(%run_scoped3A : memref<!tpu.dma_semaphore, #tpu.memory_space<semaphore_mem>>) src(%dma_wait3A_192 : memref<10240xf32, #tpu.memory_space<vmem>>) dst(%dma_wait3A_190 : memref<10240xf32, #tpu.memory_space<vmem_shared>>)
      tpu.yield
    }) : () -> ()
    %barrier3A = arith.constant 0 : index
    tpu.barrier barrier_id(%barrier3A)
    "tpu.region"() ({
      %run_scoped3A = tpu.sem_alloc : memref<!tpu.dma_semaphore, #tpu.memory_space<semaphore_mem>>
      %dma_start3A = arith.constant 0 : i32
      %dma_start3A_175 = arith.constant 0 : i32
      %dma_start3A_176 = tpu.memref_slice %arg15[%dma_start3A, %dma_start3A_175] : memref<16x640xf32, #tpu.memory_space<vmem>> -> memref<16x640xf32, #tpu.memory_space<vmem>>
      %dma_start3A_177 = arith.constant 0 : i32
      %dma_start3A_178 = tpu.memref_slice %arg20[%dma_start3A_177, %mul3A_2] : memref<16x10240xf32, #tpu.memory_space<vmem_shared>> -> memref<16x640xf32, #tpu.memory_space<vmem_shared>>
      %dma_start3A_179 = arith.constant 0 : i32
      %dma_start3A_180 = arith.constant 0 : i32
      %dma_start3A_181 = tpu.memref_slice %arg15[%dma_start3A_179, %dma_start3A_180] : memref<16x640xf32, #tpu.memory_space<vmem>> -> memref<16x640xf32, #tpu.memory_space<vmem>>
      %dma_start3A_182 = arith.constant 0 : i32
      %dma_start3A_183 = tpu.memref_slice %arg20[%dma_start3A_182, %mul3A_2] : memref<16x10240xf32, #tpu.memory_space<vmem_shared>> -> memref<16x640xf32, #tpu.memory_space<vmem_shared>>
      tpu.enqueue_dma source(%dma_start3A_183 : memref<16x640xf32, #tpu.memory_space<vmem_shared>>) target(%dma_start3A_181 : memref<16x640xf32, #tpu.memory_space<vmem>>) target_semaphore(%run_scoped3A : memref<!tpu.dma_semaphore, #tpu.memory_space<semaphore_mem>>)
      %dma_wait3A = arith.constant 0 : i32
      %dma_wait3A_184 = arith.constant 0 : i32
      %dma_wait3A_185 = tpu.memref_slice %arg15[%dma_wait3A, %dma_wait3A_184] : memref<16x640xf32, #tpu.memory_space<vmem>> -> memref<16x640xf32, #tpu.memory_space<vmem>>
      %dma_wait3A_186 = arith.constant 0 : i32
      %dma_wait3A_187 = tpu.memref_slice %arg20[%dma_wait3A_186, %mul3A_2] : memref<16x10240xf32, #tpu.memory_space<vmem_shared>> -> memref<16x640xf32, #tpu.memory_space<vmem_shared>>
      %dma_wait3A_188 = arith.constant 0 : i32
      %dma_wait3A_189 = arith.constant 0 : i32
      %dma_wait3A_190 = tpu.memref_slice %arg15[%dma_wait3A_188, %dma_wait3A_189] : memref<16x640xf32, #tpu.memory_space<vmem>> -> memref<16x640xf32, #tpu.memory_space<vmem>>
      %dma_wait3A_191 = arith.constant 0 : i32
      %dma_wait3A_192 = tpu.memref_slice %arg20[%dma_wait3A_191, %mul3A_2] : memref<16x10240xf32, #tpu.memory_space<vmem_shared>> -> memref<16x640xf32, #tpu.memory_space<vmem_shared>>
      tpu.wait_dma2 semaphore(%run_scoped3A : memref<!tpu.dma_semaphore, #tpu.memory_space<semaphore_mem>>) src(%dma_wait3A_192 : memref<16x640xf32, #tpu.memory_space<vmem_shared>>) dst(%dma_wait3A_190 : memref<16x640xf32, #tpu.memory_space<vmem>>)
      tpu.yield
    }) : () -> ()
    %scan3A_20 = arith.constant 0 : i32
    %scan3A_21 = arith.constant 40 : i32
    %scan3A_22 = arith.addi %scan3A_20, %scan3A_21 : i32
    %scan3A_23 = arith.constant 1 : i32
    scf.for %scan3A_175 = %scan3A_20 to %scan3A_22 step %scan3A_23  : i32 {
      %mul3A_176 = arith.constant 16 : i32
      %mul3A_177 = arith.muli %scan3A_175, %mul3A_176 : i32
      %add3A_178 = arith.constant 0 : i32
      %add3A_179 = arith.addi %add3A_178, %mul3A_177 : i32
      %get3A = arith.constant 0 : i32
      %get3A_180 = arith.index_cast %get3A : i32 to index
      %get3A_181 = arith.index_cast %add3A_179 : i32 to index
      %get3A_182 = tpu.vector_load %arg15[%get3A_180, %get3A_181] {strides = array<i32>} : memref<16x640xf32, #tpu.memory_space<vmem>>, vector<16xf32>,
      %mul3A_183 = arith.constant 16 : i32
      %mul3A_184 = arith.muli %scan3A_175, %mul3A_183 : i32
      %add3A_185 = arith.constant 0 : i32
      %add3A_186 = arith.addi %add3A_185, %mul3A_184 : i32
      %get3A_187 = arith.constant 1 : i32
      %get3A_188 = arith.index_cast %get3A_187 : i32 to index
      %get3A_189 = arith.index_cast %add3A_186 : i32 to index
      %get3A_190 = tpu.vector_load %arg15[%get3A_188, %get3A_189] {strides = array<i32>} : memref<16x640xf32, #tpu.memory_space<vmem>>, vector<16xf32>,
      %add3A_191 = arith.addf %get3A_182, %get3A_190 : vector<16xf32>
      %mul3A_192 = arith.constant 16 : i32
      %mul3A_193 = arith.muli %scan3A_175, %mul3A_192 : i32
      %add3A_194 = arith.constant 0 : i32
      %add3A_195 = arith.addi %add3A_194, %mul3A_193 : i32
      %get3A_196 = arith.constant 2 : i32
      %get3A_197 = arith.index_cast %get3A_196 : i32 to index
      %get3A_198 = arith.index_cast %add3A_195 : i32 to index
      %get3A_199 = tpu.vector_load %arg15[%get3A_197, %get3A_198] {strides = array<i32>} : memref<16x640xf32, #tpu.memory_space<vmem>>, vector<16xf32>,
      %add3A_200 = arith.addf %add3A_191, %get3A_199 : vector<16xf32>
      %mul3A_201 = arith.constant 16 : i32
      %mul3A_202 = arith.muli %scan3A_175, %mul3A_201 : i32
      %add3A_203 = arith.constant 0 : i32
      %add3A_204 = arith.addi %add3A_203, %mul3A_202 : i32
      %get3A_205 = arith.constant 3 : i32
      %get3A_206 = arith.index_cast %get3A_205 : i32 to index
      %get3A_207 = arith.index_cast %add3A_204 : i32 to index
      %get3A_208 = tpu.vector_load %arg15[%get3A_206, %get3A_207] {strides = array<i32>} : memref<16x640xf32, #tpu.memory_space<vmem>>, vector<16xf32>,
      %add3A_209 = arith.addf %add3A_200, %get3A_208 : vector<16xf32>
      %mul3A_210 = arith.constant 16 : i32
      %mul3A_211 = arith.muli %scan3A_175, %mul3A_210 : i32
      %add3A_212 = arith.constant 0 : i32
      %add3A_213 = arith.addi %add3A_212, %mul3A_211 : i32
      %get3A_214 = arith.constant 4 : i32
      %get3A_215 = arith.index_cast %get3A_214 : i32 to index
      %get3A_216 = arith.index_cast %add3A_213 : i32 to index
      %get3A_217 = tpu.vector_load %arg15[%get3A_215, %get3A_216] {strides = array<i32>} : memref<16x640xf32, #tpu.memory_space<vmem>>, vector<16xf32>,
      %add3A_218 = arith.addf %add3A_209, %get3A_217 : vector<16xf32>
      %mul3A_219 = arith.constant 16 : i32
      %mul3A_220 = arith.muli %scan3A_175, %mul3A_219 : i32
      %add3A_221 = arith.constant 0 : i32
      %add3A_222 = arith.addi %add3A_221, %mul3A_220 : i32
      %get3A_223 = arith.constant 5 : i32
      %get3A_224 = arith.index_cast %get3A_223 : i32 to index
      %get3A_225 = arith.index_cast %add3A_222 : i32 to index
      %get3A_226 = tpu.vector_load %arg15[%get3A_224, %get3A_225] {strides = array<i32>} : memref<16x640xf32, #tpu.memory_space<vmem>>, vector<16xf32>,
      %add3A_227 = arith.addf %add3A_218, %get3A_226 : vector<16xf32>
      %mul3A_228 = arith.constant 16 : i32
      %mul3A_229 = arith.muli %scan3A_175, %mul3A_228 : i32
      %add3A_230 = arith.constant 0 : i32
      %add3A_231 = arith.addi %add3A_230, %mul3A_229 : i32
      %get3A_232 = arith.constant 6 : i32
      %get3A_233 = arith.index_cast %get3A_232 : i32 to index
      %get3A_234 = arith.index_cast %add3A_231 : i32 to index
      %get3A_235 = tpu.vector_load %arg15[%get3A_233, %get3A_234] {strides = array<i32>} : memref<16x640xf32, #tpu.memory_space<vmem>>, vector<16xf32>,
      %add3A_236 = arith.addf %add3A_227, %get3A_235 : vector<16xf32>
      %mul3A_237 = arith.constant 16 : i32
      %mul3A_238 = arith.muli %scan3A_175, %mul3A_237 : i32
      %add3A_239 = arith.constant 0 : i32
      %add3A_240 = arith.addi %add3A_239, %mul3A_238 : i32
      %get3A_241 = arith.constant 7 : i32
      %get3A_242 = arith.index_cast %get3A_241 : i32 to index
      %get3A_243 = arith.index_cast %add3A_240 : i32 to index
      %get3A_244 = tpu.vector_load %arg15[%get3A_242, %get3A_243] {strides = array<i32>} : memref<16x640xf32, #tpu.memory_space<vmem>>, vector<16xf32>,
      %add3A_245 = arith.addf %add3A_236, %get3A_244 : vector<16xf32>
      %mul3A_246 = arith.constant 16 : i32
      %mul3A_247 = arith.muli %scan3A_175, %mul3A_246 : i32
      %add3A_248 = arith.constant 0 : i32
      %add3A_249 = arith.addi %add3A_248, %mul3A_247 : i32
      %get3A_250 = arith.constant 8 : i32
      %get3A_251 = arith.index_cast %get3A_250 : i32 to index
      %get3A_252 = arith.index_cast %add3A_249 : i32 to index
      %get3A_253 = tpu.vector_load %arg15[%get3A_251, %get3A_252] {strides = array<i32>} : memref<16x640xf32, #tpu.memory_space<vmem>>, vector<16xf32>,
      %add3A_254 = arith.addf %add3A_245, %get3A_253 : vector<16xf32>
      %mul3A_255 = arith.constant 16 : i32
      %mul3A_256 = arith.muli %scan3A_175, %mul3A_255 : i32
      %add3A_257 = arith.constant 0 : i32
      %add3A_258 = arith.addi %add3A_257, %mul3A_256 : i32
      %get3A_259 = arith.constant 9 : i32
      %get3A_260 = arith.index_cast %get3A_259 : i32 to index
      %get3A_261 = arith.index_cast %add3A_258 : i32 to index
      %get3A_262 = tpu.vector_load %arg15[%get3A_260, %get3A_261] {strides = array<i32>} : memref<16x640xf32, #tpu.memory_space<vmem>>, vector<16xf32>,
      %add3A_263 = arith.addf %add3A_254, %get3A_262 : vector<16xf32>
      %mul3A_264 = arith.constant 16 : i32
      %mul3A_265 = arith.muli %scan3A_175, %mul3A_264 : i32
      %add3A_266 = arith.constant 0 : i32
      %add3A_267 = arith.addi %add3A_266, %mul3A_265 : i32
      %get3A_268 = arith.constant 10 : i32
      %get3A_269 = arith.index_cast %get3A_268 : i32 to index
      %get3A_270 = arith.index_cast %add3A_267 : i32 to index
      %get3A_271 = tpu.vector_load %arg15[%get3A_269, %get3A_270] {strides = array<i32>} : memref<16x640xf32, #tpu.memory_space<vmem>>, vector<16xf32>,
      %add3A_272 = arith.addf %add3A_263, %get3A_271 : vector<16xf32>
      %mul3A_273 = arith.constant 16 : i32
      %mul3A_274 = arith.muli %scan3A_175, %mul3A_273 : i32
      %add3A_275 = arith.constant 0 : i32
      %add3A_276 = arith.addi %add3A_275, %mul3A_274 : i32
      %get3A_277 = arith.constant 11 : i32
      %get3A_278 = arith.index_cast %get3A_277 : i32 to index
      %get3A_279 = arith.index_cast %add3A_276 : i32 to index
      %get3A_280 = tpu.vector_load %arg15[%get3A_278, %get3A_279] {strides = array<i32>} : memref<16x640xf32, #tpu.memory_space<vmem>>, vector<16xf32>,
      %add3A_281 = arith.addf %add3A_272, %get3A_280 : vector<16xf32>
      %mul3A_282 = arith.constant 16 : i32
      %mul3A_283 = arith.muli %scan3A_175, %mul3A_282 : i32
      %add3A_284 = arith.constant 0 : i32
      %add3A_285 = arith.addi %add3A_284, %mul3A_283 : i32
      %get3A_286 = arith.constant 12 : i32
      %get3A_287 = arith.index_cast %get3A_286 : i32 to index
      %get3A_288 = arith.index_cast %add3A_285 : i32 to index
      %get3A_289 = tpu.vector_load %arg15[%get3A_287, %get3A_288] {strides = array<i32>} : memref<16x640xf32, #tpu.memory_space<vmem>>, vector<16xf32>,
      %add3A_290 = arith.addf %add3A_281, %get3A_289 : vector<16xf32>
      %mul3A_291 = arith.constant 16 : i32
      %mul3A_292 = arith.muli %scan3A_175, %mul3A_291 : i32
      %add3A_293 = arith.constant 0 : i32
      %add3A_294 = arith.addi %add3A_293, %mul3A_292 : i32
      %get3A_295 = arith.constant 13 : i32
      %get3A_296 = arith.index_cast %get3A_295 : i32 to index
      %get3A_297 = arith.index_cast %add3A_294 : i32 to index
      %get3A_298 = tpu.vector_load %arg15[%get3A_296, %get3A_297] {strides = array<i32>} : memref<16x640xf32, #tpu.memory_space<vmem>>, vector<16xf32>,
      %add3A_299 = arith.addf %add3A_290, %get3A_298 : vector<16xf32>
      %mul3A_300 = arith.constant 16 : i32
      %mul3A_301 = arith.muli %scan3A_175, %mul3A_300 : i32
      %add3A_302 = arith.constant 0 : i32
      %add3A_303 = arith.addi %add3A_302, %mul3A_301 : i32
      %get3A_304 = arith.constant 14 : i32
      %get3A_305 = arith.index_cast %get3A_304 : i32 to index
      %get3A_306 = arith.index_cast %add3A_303 : i32 to index
      %get3A_307 = tpu.vector_load %arg15[%get3A_305, %get3A_306] {strides = array<i32>} : memref<16x640xf32, #tpu.memory_space<vmem>>, vector<16xf32>,
      %add3A_308 = arith.addf %add3A_299, %get3A_307 : vector<16xf32>
      %mul3A_309 = arith.constant 16 : i32
      %mul3A_310 = arith.muli %scan3A_175, %mul3A_309 : i32
      %add3A_311 = arith.constant 0 : i32
      %add3A_312 = arith.addi %add3A_311, %mul3A_310 : i32
      %get3A_313 = arith.constant 15 : i32
      %get3A_314 = arith.index_cast %get3A_313 : i32 to index
      %get3A_315 = arith.index_cast %add3A_312 : i32 to index
      %get3A_316 = tpu.vector_load %arg15[%get3A_314, %get3A_315] {strides = array<i32>} : memref<16x640xf32, #tpu.memory_space<vmem>>, vector<16xf32>,
      %add3A_317 = arith.addf %add3A_308, %get3A_316 : vector<16xf32>
      %mul3A_318 = arith.constant 16 : i32
      %mul3A_319 = arith.muli %scan3A_175, %mul3A_318 : i32
      %swap3A = arith.index_cast %mul3A_319 : i32 to index
      %swap3A_320 = tpu.vector_load %arg10[%swap3A] {strides = array<i32>} : memref<10240xf32, #tpu.memory_space<vmem>>, vector<16xf32>,
      tpu.vector_store %arg10[%swap3A], %add3A_317 {strides = array<i32>} : memref<10240xf32, #tpu.memory_space<vmem>>, vector<16xf32>,
    }
    %scan3A_24 = arith.constant 40 : i32
    "tpu.region"() ({
      %run_scoped3A = tpu.sem_alloc : memref<!tpu.dma_semaphore, #tpu.memory_space<semaphore_mem>>
      %dma_start3A = arith.constant 0 : i32
      %dma_start3A_175 = arith.constant 0 : i32
      %dma_start3A_176 = tpu.memref_slice %arg15[%dma_start3A, %dma_start3A_175] : memref<16x640xf32, #tpu.memory_space<vmem>> -> memref<16x640xf32, #tpu.memory_space<vmem>>
      %dma_start3A_177 = arith.constant 0 : i32
      %dma_start3A_178 = tpu.memref_slice %arg21[%dma_start3A_177, %mul3A_2] : memref<16x10240xf32, #tpu.memory_space<vmem_shared>> -> memref<16x640xf32, #tpu.memory_space<vmem_shared>>
      %dma_start3A_179 = arith.constant 0 : i32
      %dma_start3A_180 = arith.constant 0 : i32
      %dma_start3A_181 = tpu.memref_slice %arg15[%dma_start3A_179, %dma_start3A_180] : memref<16x640xf32, #tpu.memory_space<vmem>> -> memref<16x640xf32, #tpu.memory_space<vmem>>
      %dma_start3A_182 = arith.constant 0 : i32
      %dma_start3A_183 = tpu.memref_slice %arg21[%dma_start3A_182, %mul3A_2] : memref<16x10240xf32, #tpu.memory_space<vmem_shared>> -> memref<16x640xf32, #tpu.memory_space<vmem_shared>>
      tpu.enqueue_dma source(%dma_start3A_183 : memref<16x640xf32, #tpu.memory_space<vmem_shared>>) target(%dma_start3A_181 : memref<16x640xf32, #tpu.memory_space<vmem>>) target_semaphore(%run_scoped3A : memref<!tpu.dma_semaphore, #tpu.memory_space<semaphore_mem>>)
      %dma_wait3A = arith.constant 0 : i32
      %dma_wait3A_184 = arith.constant 0 : i32
      %dma_wait3A_185 = tpu.memref_slice %arg15[%dma_wait3A, %dma_wait3A_184] : memref<16x640xf32, #tpu.memory_space<vmem>> -> memref<16x640xf32, #tpu.memory_space<vmem>>
      %dma_wait3A_186 = arith.constant 0 : i32
      %dma_wait3A_187 = tpu.memref_slice %arg21[%dma_wait3A_186, %mul3A_2] : memref<16x10240xf32, #tpu.memory_space<vmem_shared>> -> memref<16x640xf32, #tpu.memory_space<vmem_shared>>
      %dma_wait3A_188 = arith.constant 0 : i32
      %dma_wait3A_189 = arith.constant 0 : i32
      %dma_wait3A_190 = tpu.memref_slice %arg15[%dma_wait3A_188, %dma_wait3A_189] : memref<16x640xf32, #tpu.memory_space<vmem>> -> memref<16x640xf32, #tpu.memory_space<vmem>>
      %dma_wait3A_191 = arith.constant 0 : i32
      %dma_wait3A_192 = tpu.memref_slice %arg21[%dma_wait3A_191, %mul3A_2] : memref<16x10240xf32, #tpu.memory_space<vmem_shared>> -> memref<16x640xf32, #tpu.memory_space<vmem_shared>>
      tpu.wait_dma2 semaphore(%run_scoped3A : memref<!tpu.dma_semaphore, #tpu.memory_space<semaphore_mem>>) src(%dma_wait3A_192 : memref<16x640xf32, #tpu.memory_space<vmem_shared>>) dst(%dma_wait3A_190 : memref<16x640xf32, #tpu.memory_space<vmem>>)
      tpu.yield
    }) : () -> ()
    %scan3A_25 = arith.constant 0 : i32
    %scan3A_26 = arith.constant 40 : i32
    %scan3A_27 = arith.addi %scan3A_25, %scan3A_26 : i32
    %scan3A_28 = arith.constant 1 : i32
    scf.for %scan3A_175 = %scan3A_25 to %scan3A_27 step %scan3A_28  : i32 {
      %mul3A_176 = arith.constant 16 : i32
      %mul3A_177 = arith.muli %scan3A_175, %mul3A_176 : i32
      %add3A_178 = arith.constant 0 : i32
      %add3A_179 = arith.addi %add3A_178, %mul3A_177 : i32
      %get3A = arith.constant 0 : i32
      %get3A_180 = arith.index_cast %get3A : i32 to index
      %get3A_181 = arith.index_cast %add3A_179 : i32 to index
      %get3A_182 = tpu.vector_load %arg15[%get3A_180, %get3A_181] {strides = array<i32>} : memref<16x640xf32, #tpu.memory_space<vmem>>, vector<16xf32>,
      %mul3A_183 = arith.constant 16 : i32
      %mul3A_184 = arith.muli %scan3A_175, %mul3A_183 : i32
      %add3A_185 = arith.constant 0 : i32
      %add3A_186 = arith.addi %add3A_185, %mul3A_184 : i32
      %get3A_187 = arith.constant 1 : i32
      %get3A_188 = arith.index_cast %get3A_187 : i32 to index
      %get3A_189 = arith.index_cast %add3A_186 : i32 to index
      %get3A_190 = tpu.vector_load %arg15[%get3A_188, %get3A_189] {strides = array<i32>} : memref<16x640xf32, #tpu.memory_space<vmem>>, vector<16xf32>,
      %add3A_191 = arith.addf %get3A_182, %get3A_190 : vector<16xf32>
      %mul3A_192 = arith.constant 16 : i32
      %mul3A_193 = arith.muli %scan3A_175, %mul3A_192 : i32
      %add3A_194 = arith.constant 0 : i32
      %add3A_195 = arith.addi %add3A_194, %mul3A_193 : i32
      %get3A_196 = arith.constant 2 : i32
      %get3A_197 = arith.index_cast %get3A_196 : i32 to index
      %get3A_198 = arith.index_cast %add3A_195 : i32 to index
      %get3A_199 = tpu.vector_load %arg15[%get3A_197, %get3A_198] {strides = array<i32>} : memref<16x640xf32, #tpu.memory_space<vmem>>, vector<16xf32>,
      %add3A_200 = arith.addf %add3A_191, %get3A_199 : vector<16xf32>
      %mul3A_201 = arith.constant 16 : i32
      %mul3A_202 = arith.muli %scan3A_175, %mul3A_201 : i32
      %add3A_203 = arith.constant 0 : i32
      %add3A_204 = arith.addi %add3A_203, %mul3A_202 : i32
      %get3A_205 = arith.constant 3 : i32
      %get3A_206 = arith.index_cast %get3A_205 : i32 to index
      %get3A_207 = arith.index_cast %add3A_204 : i32 to index
      %get3A_208 = tpu.vector_load %arg15[%get3A_206, %get3A_207] {strides = array<i32>} : memref<16x640xf32, #tpu.memory_space<vmem>>, vector<16xf32>,
      %add3A_209 = arith.addf %add3A_200, %get3A_208 : vector<16xf32>
      %mul3A_210 = arith.constant 16 : i32
      %mul3A_211 = arith.muli %scan3A_175, %mul3A_210 : i32
      %add3A_212 = arith.constant 0 : i32
      %add3A_213 = arith.addi %add3A_212, %mul3A_211 : i32
      %get3A_214 = arith.constant 4 : i32
      %get3A_215 = arith.index_cast %get3A_214 : i32 to index
      %get3A_216 = arith.index_cast %add3A_213 : i32 to index
      %get3A_217 = tpu.vector_load %arg15[%get3A_215, %get3A_216] {strides = array<i32>} : memref<16x640xf32, #tpu.memory_space<vmem>>, vector<16xf32>,
      %add3A_218 = arith.addf %add3A_209, %get3A_217 : vector<16xf32>
      %mul3A_219 = arith.constant 16 : i32
      %mul3A_220 = arith.muli %scan3A_175, %mul3A_219 : i32
      %add3A_221 = arith.constant 0 : i32
      %add3A_222 = arith.addi %add3A_221, %mul3A_220 : i32
      %get3A_223 = arith.constant 5 : i32
      %get3A_224 = arith.index_cast %get3A_223 : i32 to index
      %get3A_225 = arith.index_cast %add3A_222 : i32 to index
      %get3A_226 = tpu.vector_load %arg15[%get3A_224, %get3A_225] {strides = array<i32>} : memref<16x640xf32, #tpu.memory_space<vmem>>, vector<16xf32>,
      %add3A_227 = arith.addf %add3A_218, %get3A_226 : vector<16xf32>
      %mul3A_228 = arith.constant 16 : i32
      %mul3A_229 = arith.muli %scan3A_175, %mul3A_228 : i32
      %add3A_230 = arith.constant 0 : i32
      %add3A_231 = arith.addi %add3A_230, %mul3A_229 : i32
      %get3A_232 = arith.constant 6 : i32
      %get3A_233 = arith.index_cast %get3A_232 : i32 to index
      %get3A_234 = arith.index_cast %add3A_231 : i32 to index
      %get3A_235 = tpu.vector_load %arg15[%get3A_233, %get3A_234] {strides = array<i32>} : memref<16x640xf32, #tpu.memory_space<vmem>>, vector<16xf32>,
      %add3A_236 = arith.addf %add3A_227, %get3A_235 : vector<16xf32>
      %mul3A_237 = arith.constant 16 : i32
      %mul3A_238 = arith.muli %scan3A_175, %mul3A_237 : i32
      %add3A_239 = arith.constant 0 : i32
      %add3A_240 = arith.addi %add3A_239, %mul3A_238 : i32
      %get3A_241 = arith.constant 7 : i32
      %get3A_242 = arith.index_cast %get3A_241 : i32 to index
      %get3A_243 = arith.index_cast %add3A_240 : i32 to index
      %get3A_244 = tpu.vector_load %arg15[%get3A_242, %get3A_243] {strides = array<i32>} : memref<16x640xf32, #tpu.memory_space<vmem>>, vector<16xf32>,
      %add3A_245 = arith.addf %add3A_236, %get3A_244 : vector<16xf32>
      %mul3A_246 = arith.constant 16 : i32
      %mul3A_247 = arith.muli %scan3A_175, %mul3A_246 : i32
      %add3A_248 = arith.constant 0 : i32
      %add3A_249 = arith.addi %add3A_248, %mul3A_247 : i32
      %get3A_250 = arith.constant 8 : i32
      %get3A_251 = arith.index_cast %get3A_250 : i32 to index
      %get3A_252 = arith.index_cast %add3A_249 : i32 to index
      %get3A_253 = tpu.vector_load %arg15[%get3A_251, %get3A_252] {strides = array<i32>} : memref<16x640xf32, #tpu.memory_space<vmem>>, vector<16xf32>,
      %add3A_254 = arith.addf %add3A_245, %get3A_253 : vector<16xf32>
      %mul3A_255 = arith.constant 16 : i32
      %mul3A_256 = arith.muli %scan3A_175, %mul3A_255 : i32
      %add3A_257 = arith.constant 0 : i32
      %add3A_258 = arith.addi %add3A_257, %mul3A_256 : i32
      %get3A_259 = arith.constant 9 : i32
      %get3A_260 = arith.index_cast %get3A_259 : i32 to index
      %get3A_261 = arith.index_cast %add3A_258 : i32 to index
      %get3A_262 = tpu.vector_load %arg15[%get3A_260, %get3A_261] {strides = array<i32>} : memref<16x640xf32, #tpu.memory_space<vmem>>, vector<16xf32>,
      %add3A_263 = arith.addf %add3A_254, %get3A_262 : vector<16xf32>
      %mul3A_264 = arith.constant 16 : i32
      %mul3A_265 = arith.muli %scan3A_175, %mul3A_264 : i32
      %add3A_266 = arith.constant 0 : i32
      %add3A_267 = arith.addi %add3A_266, %mul3A_265 : i32
      %get3A_268 = arith.constant 10 : i32
      %get3A_269 = arith.index_cast %get3A_268 : i32 to index
      %get3A_270 = arith.index_cast %add3A_267 : i32 to index
      %get3A_271 = tpu.vector_load %arg15[%get3A_269, %get3A_270] {strides = array<i32>} : memref<16x640xf32, #tpu.memory_space<vmem>>, vector<16xf32>,
      %add3A_272 = arith.addf %add3A_263, %get3A_271 : vector<16xf32>
      %mul3A_273 = arith.constant 16 : i32
      %mul3A_274 = arith.muli %scan3A_175, %mul3A_273 : i32
      %add3A_275 = arith.constant 0 : i32
      %add3A_276 = arith.addi %add3A_275, %mul3A_274 : i32
      %get3A_277 = arith.constant 11 : i32
      %get3A_278 = arith.index_cast %get3A_277 : i32 to index
      %get3A_279 = arith.index_cast %add3A_276 : i32 to index
      %get3A_280 = tpu.vector_load %arg15[%get3A_278, %get3A_279] {strides = array<i32>} : memref<16x640xf32, #tpu.memory_space<vmem>>, vector<16xf32>,
      %add3A_281 = arith.addf %add3A_272, %get3A_280 : vector<16xf32>
      %mul3A_282 = arith.constant 16 : i32
      %mul3A_283 = arith.muli %scan3A_175, %mul3A_282 : i32
      %add3A_284 = arith.constant 0 : i32
      %add3A_285 = arith.addi %add3A_284, %mul3A_283 : i32
      %get3A_286 = arith.constant 12 : i32
      %get3A_287 = arith.index_cast %get3A_286 : i32 to index
      %get3A_288 = arith.index_cast %add3A_285 : i32 to index
      %get3A_289 = tpu.vector_load %arg15[%get3A_287, %get3A_288] {strides = array<i32>} : memref<16x640xf32, #tpu.memory_space<vmem>>, vector<16xf32>,
      %add3A_290 = arith.addf %add3A_281, %get3A_289 : vector<16xf32>
      %mul3A_291 = arith.constant 16 : i32
      %mul3A_292 = arith.muli %scan3A_175, %mul3A_291 : i32
      %add3A_293 = arith.constant 0 : i32
      %add3A_294 = arith.addi %add3A_293, %mul3A_292 : i32
      %get3A_295 = arith.constant 13 : i32
      %get3A_296 = arith.index_cast %get3A_295 : i32 to index
      %get3A_297 = arith.index_cast %add3A_294 : i32 to index
      %get3A_298 = tpu.vector_load %arg15[%get3A_296, %get3A_297] {strides = array<i32>} : memref<16x640xf32, #tpu.memory_space<vmem>>, vector<16xf32>,
      %add3A_299 = arith.addf %add3A_290, %get3A_298 : vector<16xf32>
      %mul3A_300 = arith.constant 16 : i32
      %mul3A_301 = arith.muli %scan3A_175, %mul3A_300 : i32
      %add3A_302 = arith.constant 0 : i32
      %add3A_303 = arith.addi %add3A_302, %mul3A_301 : i32
      %get3A_304 = arith.constant 14 : i32
      %get3A_305 = arith.index_cast %get3A_304 : i32 to index
      %get3A_306 = arith.index_cast %add3A_303 : i32 to index
      %get3A_307 = tpu.vector_load %arg15[%get3A_305, %get3A_306] {strides = array<i32>} : memref<16x640xf32, #tpu.memory_space<vmem>>, vector<16xf32>,
      %add3A_308 = arith.addf %add3A_299, %get3A_307 : vector<16xf32>
      %mul3A_309 = arith.constant 16 : i32
      %mul3A_310 = arith.muli %scan3A_175, %mul3A_309 : i32
      %add3A_311 = arith.constant 0 : i32
      %add3A_312 = arith.addi %add3A_311, %mul3A_310 : i32
      %get3A_313 = arith.constant 15 : i32
      %get3A_314 = arith.index_cast %get3A_313 : i32 to index
      %get3A_315 = arith.index_cast %add3A_312 : i32 to index
      %get3A_316 = tpu.vector_load %arg15[%get3A_314, %get3A_315] {strides = array<i32>} : memref<16x640xf32, #tpu.memory_space<vmem>>, vector<16xf32>,
      %add3A_317 = arith.addf %add3A_308, %get3A_316 : vector<16xf32>
      %mul3A_318 = arith.constant 16 : i32
      %mul3A_319 = arith.muli %scan3A_175, %mul3A_318 : i32
      %swap3A = arith.index_cast %mul3A_319 : i32 to index
      %swap3A_320 = tpu.vector_load %arg14[%swap3A] {strides = array<i32>} : memref<640xf32, #tpu.memory_space<vmem>>, vector<16xf32>,
      tpu.vector_store %arg14[%swap3A], %add3A_317 {strides = array<i32>} : memref<640xf32, #tpu.memory_space<vmem>>, vector<16xf32>,
    }
    %scan3A_29 = arith.constant 40 : i32
    %scan3A_30 = arith.constant 0 : i32
    %scan3A_31 = arith.constant 40 : i32
    %scan3A_32 = arith.addi %scan3A_30, %scan3A_31 : i32
    %scan3A_33 = arith.constant 1 : i32
    scf.for %scan3A_175 = %scan3A_30 to %scan3A_32 step %scan3A_33  : i32 {
      %mul3A_176 = arith.constant 16 : i32
      %mul3A_177 = arith.muli %scan3A_175, %mul3A_176 : i32
      %get3A = arith.index_cast %mul3A_177 : i32 to index
      %get3A_178 = tpu.vector_load %arg10[%get3A] {strides = array<i32>} : memref<10240xf32, #tpu.memory_space<vmem>>, vector<16xf32>,
      %mul3A_179 = arith.constant 16 : i32
      %mul3A_180 = arith.muli %scan3A_175, %mul3A_179 : i32
      %get3A_181 = arith.index_cast %mul3A_180 : i32 to index
      %get3A_182 = tpu.vector_load %arg14[%get3A_181] {strides = array<i32>} : memref<640xf32, #tpu.memory_space<vmem>>, vector<16xf32>,
      %add3A_183 = arith.constant 1.000000e+00 : f32
      %add3A_184 = vector.broadcast %add3A_183 : f32 to vector<16xf32>
      %add3A_185 = arith.addf %get3A_182, %add3A_184 : vector<16xf32>
      %bitcast3A = vector.bitcast %add3A_185 : vector<16xf32> to vector<16xi32>
      %shift_right_arithmetic3A = arith.constant 1 : i32
      %shift_right_arithmetic3A_186 = vector.broadcast %shift_right_arithmetic3A : i32 to vector<16xi32>
      %shift_right_arithmetic3A_187 = arith.shrsi %bitcast3A, %shift_right_arithmetic3A_186 : vector<16xi32>
      %sub3A = arith.constant 1597463007 : i32
      %sub3A_188 = vector.broadcast %sub3A : i32 to vector<16xi32>
      %sub3A_189 = arith.subi %sub3A_188, %shift_right_arithmetic3A_187 : vector<16xi32>
      %bitcast3A_190 = vector.bitcast %sub3A_189 : vector<16xi32> to vector<16xf32>
      %mul3A_191 = arith.constant 5.000000e-01 : f32
      %mul3A_192 = vector.broadcast %mul3A_191 : f32 to vector<16xf32>
      %mul3A_193 = arith.mulf %add3A_185, %mul3A_192 : vector<16xf32>
      %mul3A_194 = arith.mulf %mul3A_193, %bitcast3A_190 : vector<16xf32>
      %mul3A_195 = arith.mulf %mul3A_194, %bitcast3A_190 : vector<16xf32>
      %sub3A_196 = arith.constant 1.500000e+00 : f32
      %sub3A_197 = vector.broadcast %sub3A_196 : f32 to vector<16xf32>
      %sub3A_198 = arith.subf %sub3A_197, %mul3A_195 : vector<16xf32>
      %mul3A_199 = arith.mulf %bitcast3A_190, %sub3A_198 : vector<16xf32>
      %mul3A_200 = arith.mulf %mul3A_193, %mul3A_199 : vector<16xf32>
      %mul3A_201 = arith.mulf %mul3A_200, %mul3A_199 : vector<16xf32>
      %sub3A_202 = arith.constant 1.500000e+00 : f32
      %sub3A_203 = vector.broadcast %sub3A_202 : f32 to vector<16xf32>
      %sub3A_204 = arith.subf %sub3A_203, %mul3A_201 : vector<16xf32>
      %mul3A_205 = arith.mulf %mul3A_199, %sub3A_204 : vector<16xf32>
      %mul3A_206 = arith.mulf %mul3A_193, %mul3A_205 : vector<16xf32>
      %mul3A_207 = arith.mulf %mul3A_206, %mul3A_205 : vector<16xf32>
      %sub3A_208 = arith.constant 1.500000e+00 : f32
      %sub3A_209 = vector.broadcast %sub3A_208 : f32 to vector<16xf32>
      %sub3A_210 = arith.subf %sub3A_209, %mul3A_207 : vector<16xf32>
      %mul3A_211 = arith.mulf %mul3A_205, %sub3A_210 : vector<16xf32>
      %mul3A_212 = arith.constant 16 : i32
      %mul3A_213 = arith.muli %scan3A_175, %mul3A_212 : i32
      %swap3A = arith.index_cast %mul3A_213 : i32 to index
      %swap3A_214 = tpu.vector_load %arg13[%swap3A] {strides = array<i32>} : memref<640xf32, #tpu.memory_space<vmem>>, vector<16xf32>,
      tpu.vector_store %arg13[%swap3A], %mul3A_211 {strides = array<i32>} : memref<640xf32, #tpu.memory_space<vmem>>, vector<16xf32>,
      %mul3A_215 = arith.mulf %get3A_178, %mul3A_211 : vector<16xf32>
      %mul3A_216 = arith.constant 16 : i32
      %mul3A_217 = arith.muli %scan3A_175, %mul3A_216 : i32
      %swap3A_218 = arith.index_cast %mul3A_217 : i32 to index
      %swap3A_219 = tpu.vector_load %arg14[%swap3A_218] {strides = array<i32>} : memref<640xf32, #tpu.memory_space<vmem>>, vector<16xf32>,
      tpu.vector_store %arg14[%swap3A_218], %mul3A_215 {strides = array<i32>} : memref<640xf32, #tpu.memory_space<vmem>>, vector<16xf32>,
    }
    %scan3A_34 = arith.constant 40 : i32
    "tpu.region"() ({
      %run_scoped3A = tpu.sem_alloc : memref<!tpu.dma_semaphore, #tpu.memory_space<semaphore_mem>>
      %dma_start3A = arith.constant 0 : i32
      %dma_start3A_175 = tpu.memref_slice %arg14[%dma_start3A] : memref<640xf32, #tpu.memory_space<vmem>> -> memref<640xf32, #tpu.memory_space<vmem>>
      %dma_start3A_176 = tpu.memref_slice %arg22[%mul3A_2] : memref<10240xf32, #tpu.memory_space<vmem_shared>> -> memref<640xf32, #tpu.memory_space<vmem_shared>>
      %dma_start3A_177 = tpu.memref_slice %arg22[%mul3A_2] : memref<10240xf32, #tpu.memory_space<vmem_shared>> -> memref<640xf32, #tpu.memory_space<vmem_shared>>
      %dma_start3A_178 = arith.constant 0 : i32
      %dma_start3A_179 = tpu.memref_slice %arg14[%dma_start3A_178] : memref<640xf32, #tpu.memory_space<vmem>> -> memref<640xf32, #tpu.memory_space<vmem>>
      tpu.enqueue_dma source(%dma_start3A_179 : memref<640xf32, #tpu.memory_space<vmem>>) target(%dma_start3A_177 : memref<640xf32, #tpu.memory_space<vmem_shared>>) target_semaphore(%run_scoped3A : memref<!tpu.dma_semaphore, #tpu.memory_space<semaphore_mem>>)
      %dma_wait3A = arith.constant 0 : i32
      %dma_wait3A_180 = tpu.memref_slice %arg14[%dma_wait3A] : memref<640xf32, #tpu.memory_space<vmem>> -> memref<640xf32, #tpu.memory_space<vmem>>
      %dma_wait3A_181 = tpu.memref_slice %arg22[%mul3A_2] : memref<10240xf32, #tpu.memory_space<vmem_shared>> -> memref<640xf32, #tpu.memory_space<vmem_shared>>
      %dma_wait3A_182 = tpu.memref_slice %arg22[%mul3A_2] : memref<10240xf32, #tpu.memory_space<vmem_shared>> -> memref<640xf32, #tpu.memory_space<vmem_shared>>
      %dma_wait3A_183 = arith.constant 0 : i32
      %dma_wait3A_184 = tpu.memref_slice %arg14[%dma_wait3A_183] : memref<640xf32, #tpu.memory_space<vmem>> -> memref<640xf32, #tpu.memory_space<vmem>>
      tpu.wait_dma2 semaphore(%run_scoped3A : memref<!tpu.dma_semaphore, #tpu.memory_space<semaphore_mem>>) src(%dma_wait3A_184 : memref<640xf32, #tpu.memory_space<vmem>>) dst(%dma_wait3A_182 : memref<640xf32, #tpu.memory_space<vmem_shared>>)
      tpu.yield
    }) : () -> ()
    %barrier3A_35 = arith.constant 0 : index
    tpu.barrier barrier_id(%barrier3A_35)
    "tpu.region"() ({
      %run_scoped3A = tpu.sem_alloc : memref<!tpu.dma_semaphore, #tpu.memory_space<semaphore_mem>>
      %dma_start3A = arith.constant 0 : i32
      %dma_start3A_175 = tpu.memref_slice %arg10[%dma_start3A] : memref<10240xf32, #tpu.memory_space<vmem>> -> memref<10240xf32, #tpu.memory_space<vmem>>
      %dma_start3A_176 = arith.constant 0 : i32
      %dma_start3A_177 = tpu.memref_slice %arg22[%dma_start3A_176] : memref<10240xf32, #tpu.memory_space<vmem_shared>> -> memref<10240xf32, #tpu.memory_space<vmem_shared>>
      %dma_start3A_178 = arith.constant 0 : i32
      %dma_start3A_179 = tpu.memref_slice %arg10[%dma_start3A_178] : memref<10240xf32, #tpu.memory_space<vmem>> -> memref<10240xf32, #tpu.memory_space<vmem>>
      %dma_start3A_180 = arith.constant 0 : i32
      %dma_start3A_181 = tpu.memref_slice %arg22[%dma_start3A_180] : memref<10240xf32, #tpu.memory_space<vmem_shared>> -> memref<10240xf32, #tpu.memory_space<vmem_shared>>
      tpu.enqueue_dma source(%dma_start3A_181 : memref<10240xf32, #tpu.memory_space<vmem_shared>>) target(%dma_start3A_179 : memref<10240xf32, #tpu.memory_space<vmem>>) target_semaphore(%run_scoped3A : memref<!tpu.dma_semaphore, #tpu.memory_space<semaphore_mem>>)
      %dma_wait3A = arith.constant 0 : i32
      %dma_wait3A_182 = tpu.memref_slice %arg10[%dma_wait3A] : memref<10240xf32, #tpu.memory_space<vmem>> -> memref<10240xf32, #tpu.memory_space<vmem>>
      %dma_wait3A_183 = arith.constant 0 : i32
      %dma_wait3A_184 = tpu.memref_slice %arg22[%dma_wait3A_183] : memref<10240xf32, #tpu.memory_space<vmem_shared>> -> memref<10240xf32, #tpu.memory_space<vmem_shared>>
      %dma_wait3A_185 = arith.constant 0 : i32
      %dma_wait3A_186 = tpu.memref_slice %arg10[%dma_wait3A_185] : memref<10240xf32, #tpu.memory_space<vmem>> -> memref<10240xf32, #tpu.memory_space<vmem>>
      %dma_wait3A_187 = arith.constant 0 : i32
      %dma_wait3A_188 = tpu.memref_slice %arg22[%dma_wait3A_187] : memref<10240xf32, #tpu.memory_space<vmem_shared>> -> memref<10240xf32, #tpu.memory_space<vmem_shared>>
      tpu.wait_dma2 semaphore(%run_scoped3A : memref<!tpu.dma_semaphore, #tpu.memory_space<semaphore_mem>>) src(%dma_wait3A_188 : memref<10240xf32, #tpu.memory_space<vmem_shared>>) dst(%dma_wait3A_186 : memref<10240xf32, #tpu.memory_space<vmem>>)
      tpu.yield
    }) : () -> ()
    %broadcast_in_dim3A_36 = arith.constant 0.000000e+00 : f32
    %broadcast_in_dim3A_37 = vector.broadcast %broadcast_in_dim3A_36 : f32 to vector<16xf32>
    %scan3A_38 = arith.constant 0 : i32
    %scan3A_39 = arith.constant 640 : i32
    %scan3A_40 = arith.addi %scan3A_38, %scan3A_39 : i32
    %scan3A_41 = arith.constant 1 : i32
    scf.for %scan3A_175 = %scan3A_38 to %scan3A_40 step %scan3A_41  : i32 {
      %mul3A_176 = arith.constant 16 : i32
      %mul3A_177 = arith.muli %scan3A_175, %mul3A_176 : i32
      %swap3A = arith.index_cast %mul3A_177 : i32 to index
      %swap3A_178 = tpu.vector_load %arg11[%swap3A] {strides = array<i32>} : memref<10240xf32, #tpu.memory_space<vmem>>, vector<16xf32>,
      tpu.vector_store %arg11[%swap3A], %broadcast_in_dim3A_37 {strides = array<i32>} : memref<10240xf32, #tpu.memory_space<vmem>>, vector<16xf32>,
    }
    %scan3A_42 = arith.constant 640 : i32
    %parallel_loop3A_43 = arith.constant 0 : i32
    %parallel_loop3A_44 = arith.constant 20000 : i32
    %parallel_loop3A_45 = arith.constant 16 : i32
    scf.for %parallel_loop3A_175 = %parallel_loop3A_43 to %parallel_loop3A_44 step %parallel_loop3A_45  : i32 {
      %parallel_loop3A_176 = arith.index_cast %parallel_loop3A_175 : i32 to index
      %parallel_loop3A_177 = tpu.vector_load %arg8[%parallel_loop3A_176] {strides = array<i32>} : memref<20000xi32, #tpu.memory_space<vmem>>, vector<16xi32>,
      %parallel_loop3A_178 = arith.index_cast %parallel_loop3A_175 : i32 to index
      %parallel_loop3A_179 = tpu.vector_load %arg9[%parallel_loop3A_178] {strides = array<i32>} : memref<20000xi32, #tpu.memory_space<vmem>>, vector<16xi32>,
      %parallel_loop3A_180 = tpu.vector_load_idx %arg10[%parallel_loop3A_177] : memref<10240xf32, #tpu.memory_space<vmem>>[vector<16xi32>], vector<16xf32>,
      tpu.vector_store_idx %arg11[%parallel_loop3A_179], %parallel_loop3A_180 {add = true} : memref<10240xf32, #tpu.memory_space<vmem>>[vector<16xi32>], vector<16xf32>,
    } {sc.loop_unroll_factor = 4 : i64, sc.parallel_access}
    "tpu.region"() ({
      %run_scoped3A = tpu.sem_alloc : memref<!tpu.dma_semaphore, #tpu.memory_space<semaphore_mem>>
      %dma_start3A = arith.constant 0 : i32
      %dma_start3A_175 = tpu.memref_slice %arg11[%dma_start3A] : memref<10240xf32, #tpu.memory_space<vmem>> -> memref<10240xf32, #tpu.memory_space<vmem>>
      %dma_start3A_176 = arith.constant 0 : i32
      %dma_start3A_177 = tpu.memref_slice %arg20[%arg1, %dma_start3A_176] : memref<16x10240xf32, #tpu.memory_space<vmem_shared>> -> memref<1x10240xf32, #tpu.memory_space<vmem_shared>>
      %dma_start3A_178 = tpu.memref_squeeze %dma_start3A_177 : memref<1x10240xf32, #tpu.memory_space<vmem_shared>> -> memref<10240xf32, #tpu.memory_space<vmem_shared>>
      %dma_start3A_179 = arith.constant 0 : i32
      %dma_start3A_180 = tpu.memref_slice %arg20[%arg1, %dma_start3A_179] : memref<16x10240xf32, #tpu.memory_space<vmem_shared>> -> memref<1x10240xf32, #tpu.memory_space<vmem_shared>>
      %dma_start3A_181 = tpu.memref_squeeze %dma_start3A_180 : memref<1x10240xf32, #tpu.memory_space<vmem_shared>> -> memref<10240xf32, #tpu.memory_space<vmem_shared>>
      %dma_start3A_182 = arith.constant 0 : i32
      %dma_start3A_183 = tpu.memref_slice %arg11[%dma_start3A_182] : memref<10240xf32, #tpu.memory_space<vmem>> -> memref<10240xf32, #tpu.memory_space<vmem>>
      tpu.enqueue_dma source(%dma_start3A_183 : memref<10240xf32, #tpu.memory_space<vmem>>) target(%dma_start3A_181 : memref<10240xf32, #tpu.memory_space<vmem_shared>>) target_semaphore(%run_scoped3A : memref<!tpu.dma_semaphore, #tpu.memory_space<semaphore_mem>>)
      %dma_wait3A = arith.constant 0 : i32
      %dma_wait3A_184 = tpu.memref_slice %arg11[%dma_wait3A] : memref<10240xf32, #tpu.memory_space<vmem>> -> memref<10240xf32, #tpu.memory_space<vmem>>
      %dma_wait3A_185 = arith.constant 0 : i32
      %dma_wait3A_186 = tpu.memref_slice %arg20[%arg1, %dma_wait3A_185] : memref<16x10240xf32, #tpu.memory_space<vmem_shared>> -> memref<1x10240xf32, #tpu.memory_space<vmem_shared>>
      %dma_wait3A_187 = tpu.memref_squeeze %dma_wait3A_186 : memref<1x10240xf32, #tpu.memory_space<vmem_shared>> -> memref<10240xf32, #tpu.memory_space<vmem_shared>>
      %dma_wait3A_188 = arith.constant 0 : i32
      %dma_wait3A_189 = tpu.memref_slice %arg20[%arg1, %dma_wait3A_188] : memref<16x10240xf32, #tpu.memory_space<vmem_shared>> -> memref<1x10240xf32, #tpu.memory_space<vmem_shared>>
      %dma_wait3A_190 = tpu.memref_squeeze %dma_wait3A_189 : memref<1x10240xf32, #tpu.memory_space<vmem_shared>> -> memref<10240xf32, #tpu.memory_space<vmem_shared>>
      %dma_wait3A_191 = arith.constant 0 : i32
      %dma_wait3A_192 = tpu.memref_slice %arg11[%dma_wait3A_191] : memref<10240xf32, #tpu.memory_space<vmem>> -> memref<10240xf32, #tpu.memory_space<vmem>>
      tpu.wait_dma2 semaphore(%run_scoped3A : memref<!tpu.dma_semaphore, #tpu.memory_space<semaphore_mem>>) src(%dma_wait3A_192 : memref<10240xf32, #tpu.memory_space<vmem>>) dst(%dma_wait3A_190 : memref<10240xf32, #tpu.memory_space<vmem_shared>>)
      tpu.yield
    }) : () -> ()
    %barrier3A_46 = arith.constant 0 : index
    tpu.barrier barrier_id(%barrier3A_46)
    "tpu.region"() ({
      %run_scoped3A = tpu.sem_alloc : memref<!tpu.dma_semaphore, #tpu.memory_space<semaphore_mem>>
      %dma_start3A = arith.constant 0 : i32
      %dma_start3A_175 = arith.constant 0 : i32
      %dma_start3A_176 = tpu.memref_slice %arg15[%dma_start3A, %dma_start3A_175] : memref<16x640xf32, #tpu.memory_space<vmem>> -> memref<16x640xf32, #tpu.memory_space<vmem>>
      %dma_start3A_177 = arith.constant 0 : i32
      %dma_start3A_178 = tpu.memref_slice %arg20[%dma_start3A_177, %mul3A_2] : memref<16x10240xf32, #tpu.memory_space<vmem_shared>> -> memref<16x640xf32, #tpu.memory_space<vmem_shared>>
      %dma_start3A_179 = arith.constant 0 : i32
      %dma_start3A_180 = arith.constant 0 : i32
      %dma_start3A_181 = tpu.memref_slice %arg15[%dma_start3A_179, %dma_start3A_180] : memref<16x640xf32, #tpu.memory_space<vmem>> -> memref<16x640xf32, #tpu.memory_space<vmem>>
      %dma_start3A_182 = arith.constant 0 : i32
      %dma_start3A_183 = tpu.memref_slice %arg20[%dma_start3A_182, %mul3A_2] : memref<16x10240xf32, #tpu.memory_space<vmem_shared>> -> memref<16x640xf32, #tpu.memory_space<vmem_shared>>
      tpu.enqueue_dma source(%dma_start3A_183 : memref<16x640xf32, #tpu.memory_space<vmem_shared>>) target(%dma_start3A_181 : memref<16x640xf32, #tpu.memory_space<vmem>>) target_semaphore(%run_scoped3A : memref<!tpu.dma_semaphore, #tpu.memory_space<semaphore_mem>>)
      %dma_wait3A = arith.constant 0 : i32
      %dma_wait3A_184 = arith.constant 0 : i32
      %dma_wait3A_185 = tpu.memref_slice %arg15[%dma_wait3A, %dma_wait3A_184] : memref<16x640xf32, #tpu.memory_space<vmem>> -> memref<16x640xf32, #tpu.memory_space<vmem>>
      %dma_wait3A_186 = arith.constant 0 : i32
      %dma_wait3A_187 = tpu.memref_slice %arg20[%dma_wait3A_186, %mul3A_2] : memref<16x10240xf32, #tpu.memory_space<vmem_shared>> -> memref<16x640xf32, #tpu.memory_space<vmem_shared>>
      %dma_wait3A_188 = arith.constant 0 : i32
      %dma_wait3A_189 = arith.constant 0 : i32
      %dma_wait3A_190 = tpu.memref_slice %arg15[%dma_wait3A_188, %dma_wait3A_189] : memref<16x640xf32, #tpu.memory_space<vmem>> -> memref<16x640xf32, #tpu.memory_space<vmem>>
      %dma_wait3A_191 = arith.constant 0 : i32
      %dma_wait3A_192 = tpu.memref_slice %arg20[%dma_wait3A_191, %mul3A_2] : memref<16x10240xf32, #tpu.memory_space<vmem_shared>> -> memref<16x640xf32, #tpu.memory_space<vmem_shared>>
      tpu.wait_dma2 semaphore(%run_scoped3A : memref<!tpu.dma_semaphore, #tpu.memory_space<semaphore_mem>>) src(%dma_wait3A_192 : memref<16x640xf32, #tpu.memory_space<vmem_shared>>) dst(%dma_wait3A_190 : memref<16x640xf32, #tpu.memory_space<vmem>>)
      tpu.yield
    }) : () -> ()
    %scan3A_47 = arith.constant 0 : i32
    %scan3A_48 = arith.constant 40 : i32
    %scan3A_49 = arith.addi %scan3A_47, %scan3A_48 : i32
    %scan3A_50 = arith.constant 1 : i32
    scf.for %scan3A_175 = %scan3A_47 to %scan3A_49 step %scan3A_50  : i32 {
      %mul3A_176 = arith.constant 16 : i32
      %mul3A_177 = arith.muli %scan3A_175, %mul3A_176 : i32
      %add3A_178 = arith.constant 0 : i32
      %add3A_179 = arith.addi %add3A_178, %mul3A_177 : i32
      %get3A = arith.constant 0 : i32
      %get3A_180 = arith.index_cast %get3A : i32 to index
      %get3A_181 = arith.index_cast %add3A_179 : i32 to index
      %get3A_182 = tpu.vector_load %arg15[%get3A_180, %get3A_181] {strides = array<i32>} : memref<16x640xf32, #tpu.memory_space<vmem>>, vector<16xf32>,
      %mul3A_183 = arith.constant 16 : i32
      %mul3A_184 = arith.muli %scan3A_175, %mul3A_183 : i32
      %add3A_185 = arith.constant 0 : i32
      %add3A_186 = arith.addi %add3A_185, %mul3A_184 : i32
      %get3A_187 = arith.constant 1 : i32
      %get3A_188 = arith.index_cast %get3A_187 : i32 to index
      %get3A_189 = arith.index_cast %add3A_186 : i32 to index
      %get3A_190 = tpu.vector_load %arg15[%get3A_188, %get3A_189] {strides = array<i32>} : memref<16x640xf32, #tpu.memory_space<vmem>>, vector<16xf32>,
      %add3A_191 = arith.addf %get3A_182, %get3A_190 : vector<16xf32>
      %mul3A_192 = arith.constant 16 : i32
      %mul3A_193 = arith.muli %scan3A_175, %mul3A_192 : i32
      %add3A_194 = arith.constant 0 : i32
      %add3A_195 = arith.addi %add3A_194, %mul3A_193 : i32
      %get3A_196 = arith.constant 2 : i32
      %get3A_197 = arith.index_cast %get3A_196 : i32 to index
      %get3A_198 = arith.index_cast %add3A_195 : i32 to index
      %get3A_199 = tpu.vector_load %arg15[%get3A_197, %get3A_198] {strides = array<i32>} : memref<16x640xf32, #tpu.memory_space<vmem>>, vector<16xf32>,
      %add3A_200 = arith.addf %add3A_191, %get3A_199 : vector<16xf32>
      %mul3A_201 = arith.constant 16 : i32
      %mul3A_202 = arith.muli %scan3A_175, %mul3A_201 : i32
      %add3A_203 = arith.constant 0 : i32
      %add3A_204 = arith.addi %add3A_203, %mul3A_202 : i32
      %get3A_205 = arith.constant 3 : i32
      %get3A_206 = arith.index_cast %get3A_205 : i32 to index
      %get3A_207 = arith.index_cast %add3A_204 : i32 to index
      %get3A_208 = tpu.vector_load %arg15[%get3A_206, %get3A_207] {strides = array<i32>} : memref<16x640xf32, #tpu.memory_space<vmem>>, vector<16xf32>,
      %add3A_209 = arith.addf %add3A_200, %get3A_208 : vector<16xf32>
      %mul3A_210 = arith.constant 16 : i32
      %mul3A_211 = arith.muli %scan3A_175, %mul3A_210 : i32
      %add3A_212 = arith.constant 0 : i32
      %add3A_213 = arith.addi %add3A_212, %mul3A_211 : i32
      %get3A_214 = arith.constant 4 : i32
      %get3A_215 = arith.index_cast %get3A_214 : i32 to index
      %get3A_216 = arith.index_cast %add3A_213 : i32 to index
      %get3A_217 = tpu.vector_load %arg15[%get3A_215, %get3A_216] {strides = array<i32>} : memref<16x640xf32, #tpu.memory_space<vmem>>, vector<16xf32>,
      %add3A_218 = arith.addf %add3A_209, %get3A_217 : vector<16xf32>
      %mul3A_219 = arith.constant 16 : i32
      %mul3A_220 = arith.muli %scan3A_175, %mul3A_219 : i32
      %add3A_221 = arith.constant 0 : i32
      %add3A_222 = arith.addi %add3A_221, %mul3A_220 : i32
      %get3A_223 = arith.constant 5 : i32
      %get3A_224 = arith.index_cast %get3A_223 : i32 to index
      %get3A_225 = arith.index_cast %add3A_222 : i32 to index
      %get3A_226 = tpu.vector_load %arg15[%get3A_224, %get3A_225] {strides = array<i32>} : memref<16x640xf32, #tpu.memory_space<vmem>>, vector<16xf32>,
      %add3A_227 = arith.addf %add3A_218, %get3A_226 : vector<16xf32>
      %mul3A_228 = arith.constant 16 : i32
      %mul3A_229 = arith.muli %scan3A_175, %mul3A_228 : i32
      %add3A_230 = arith.constant 0 : i32
      %add3A_231 = arith.addi %add3A_230, %mul3A_229 : i32
      %get3A_232 = arith.constant 6 : i32
      %get3A_233 = arith.index_cast %get3A_232 : i32 to index
      %get3A_234 = arith.index_cast %add3A_231 : i32 to index
      %get3A_235 = tpu.vector_load %arg15[%get3A_233, %get3A_234] {strides = array<i32>} : memref<16x640xf32, #tpu.memory_space<vmem>>, vector<16xf32>,
      %add3A_236 = arith.addf %add3A_227, %get3A_235 : vector<16xf32>
      %mul3A_237 = arith.constant 16 : i32
      %mul3A_238 = arith.muli %scan3A_175, %mul3A_237 : i32
      %add3A_239 = arith.constant 0 : i32
      %add3A_240 = arith.addi %add3A_239, %mul3A_238 : i32
      %get3A_241 = arith.constant 7 : i32
      %get3A_242 = arith.index_cast %get3A_241 : i32 to index
      %get3A_243 = arith.index_cast %add3A_240 : i32 to index
      %get3A_244 = tpu.vector_load %arg15[%get3A_242, %get3A_243] {strides = array<i32>} : memref<16x640xf32, #tpu.memory_space<vmem>>, vector<16xf32>,
      %add3A_245 = arith.addf %add3A_236, %get3A_244 : vector<16xf32>
      %mul3A_246 = arith.constant 16 : i32
      %mul3A_247 = arith.muli %scan3A_175, %mul3A_246 : i32
      %add3A_248 = arith.constant 0 : i32
      %add3A_249 = arith.addi %add3A_248, %mul3A_247 : i32
      %get3A_250 = arith.constant 8 : i32
      %get3A_251 = arith.index_cast %get3A_250 : i32 to index
      %get3A_252 = arith.index_cast %add3A_249 : i32 to index
      %get3A_253 = tpu.vector_load %arg15[%get3A_251, %get3A_252] {strides = array<i32>} : memref<16x640xf32, #tpu.memory_space<vmem>>, vector<16xf32>,
      %add3A_254 = arith.addf %add3A_245, %get3A_253 : vector<16xf32>
      %mul3A_255 = arith.constant 16 : i32
      %mul3A_256 = arith.muli %scan3A_175, %mul3A_255 : i32
      %add3A_257 = arith.constant 0 : i32
      %add3A_258 = arith.addi %add3A_257, %mul3A_256 : i32
      %get3A_259 = arith.constant 9 : i32
      %get3A_260 = arith.index_cast %get3A_259 : i32 to index
      %get3A_261 = arith.index_cast %add3A_258 : i32 to index
      %get3A_262 = tpu.vector_load %arg15[%get3A_260, %get3A_261] {strides = array<i32>} : memref<16x640xf32, #tpu.memory_space<vmem>>, vector<16xf32>,
      %add3A_263 = arith.addf %add3A_254, %get3A_262 : vector<16xf32>
      %mul3A_264 = arith.constant 16 : i32
      %mul3A_265 = arith.muli %scan3A_175, %mul3A_264 : i32
      %add3A_266 = arith.constant 0 : i32
      %add3A_267 = arith.addi %add3A_266, %mul3A_265 : i32
      %get3A_268 = arith.constant 10 : i32
      %get3A_269 = arith.index_cast %get3A_268 : i32 to index
      %get3A_270 = arith.index_cast %add3A_267 : i32 to index
      %get3A_271 = tpu.vector_load %arg15[%get3A_269, %get3A_270] {strides = array<i32>} : memref<16x640xf32, #tpu.memory_space<vmem>>, vector<16xf32>,
      %add3A_272 = arith.addf %add3A_263, %get3A_271 : vector<16xf32>
      %mul3A_273 = arith.constant 16 : i32
      %mul3A_274 = arith.muli %scan3A_175, %mul3A_273 : i32
      %add3A_275 = arith.constant 0 : i32
      %add3A_276 = arith.addi %add3A_275, %mul3A_274 : i32
      %get3A_277 = arith.constant 11 : i32
      %get3A_278 = arith.index_cast %get3A_277 : i32 to index
      %get3A_279 = arith.index_cast %add3A_276 : i32 to index
      %get3A_280 = tpu.vector_load %arg15[%get3A_278, %get3A_279] {strides = array<i32>} : memref<16x640xf32, #tpu.memory_space<vmem>>, vector<16xf32>,
      %add3A_281 = arith.addf %add3A_272, %get3A_280 : vector<16xf32>
      %mul3A_282 = arith.constant 16 : i32
      %mul3A_283 = arith.muli %scan3A_175, %mul3A_282 : i32
      %add3A_284 = arith.constant 0 : i32
      %add3A_285 = arith.addi %add3A_284, %mul3A_283 : i32
      %get3A_286 = arith.constant 12 : i32
      %get3A_287 = arith.index_cast %get3A_286 : i32 to index
      %get3A_288 = arith.index_cast %add3A_285 : i32 to index
      %get3A_289 = tpu.vector_load %arg15[%get3A_287, %get3A_288] {strides = array<i32>} : memref<16x640xf32, #tpu.memory_space<vmem>>, vector<16xf32>,
      %add3A_290 = arith.addf %add3A_281, %get3A_289 : vector<16xf32>
      %mul3A_291 = arith.constant 16 : i32
      %mul3A_292 = arith.muli %scan3A_175, %mul3A_291 : i32
      %add3A_293 = arith.constant 0 : i32
      %add3A_294 = arith.addi %add3A_293, %mul3A_292 : i32
      %get3A_295 = arith.constant 13 : i32
      %get3A_296 = arith.index_cast %get3A_295 : i32 to index
      %get3A_297 = arith.index_cast %add3A_294 : i32 to index
      %get3A_298 = tpu.vector_load %arg15[%get3A_296, %get3A_297] {strides = array<i32>} : memref<16x640xf32, #tpu.memory_space<vmem>>, vector<16xf32>,
      %add3A_299 = arith.addf %add3A_290, %get3A_298 : vector<16xf32>
      %mul3A_300 = arith.constant 16 : i32
      %mul3A_301 = arith.muli %scan3A_175, %mul3A_300 : i32
      %add3A_302 = arith.constant 0 : i32
      %add3A_303 = arith.addi %add3A_302, %mul3A_301 : i32
      %get3A_304 = arith.constant 14 : i32
      %get3A_305 = arith.index_cast %get3A_304 : i32 to index
      %get3A_306 = arith.index_cast %add3A_303 : i32 to index
      %get3A_307 = tpu.vector_load %arg15[%get3A_305, %get3A_306] {strides = array<i32>} : memref<16x640xf32, #tpu.memory_space<vmem>>, vector<16xf32>,
      %add3A_308 = arith.addf %add3A_299, %get3A_307 : vector<16xf32>
      %mul3A_309 = arith.constant 16 : i32
      %mul3A_310 = arith.muli %scan3A_175, %mul3A_309 : i32
      %add3A_311 = arith.constant 0 : i32
      %add3A_312 = arith.addi %add3A_311, %mul3A_310 : i32
      %get3A_313 = arith.constant 15 : i32
      %get3A_314 = arith.index_cast %get3A_313 : i32 to index
      %get3A_315 = arith.index_cast %add3A_312 : i32 to index
      %get3A_316 = tpu.vector_load %arg15[%get3A_314, %get3A_315] {strides = array<i32>} : memref<16x640xf32, #tpu.memory_space<vmem>>, vector<16xf32>,
      %add3A_317 = arith.addf %add3A_308, %get3A_316 : vector<16xf32>
      %mul3A_318 = arith.constant 16 : i32
      %mul3A_319 = arith.muli %scan3A_175, %mul3A_318 : i32
      %swap3A = arith.index_cast %mul3A_319 : i32 to index
      %swap3A_320 = tpu.vector_load %arg12[%swap3A] {strides = array<i32>} : memref<10240xf32, #tpu.memory_space<vmem>>, vector<16xf32>,
      tpu.vector_store %arg12[%swap3A], %add3A_317 {strides = array<i32>} : memref<10240xf32, #tpu.memory_space<vmem>>, vector<16xf32>,
    }
    %scan3A_51 = arith.constant 40 : i32
    %scan3A_52 = arith.constant 0 : i32
    %scan3A_53 = arith.constant 40 : i32
    %scan3A_54 = arith.addi %scan3A_52, %scan3A_53 : i32
    %scan3A_55 = arith.constant 1 : i32
    scf.for %scan3A_175 = %scan3A_52 to %scan3A_54 step %scan3A_55  : i32 {
      %mul3A_176 = arith.constant 16 : i32
      %mul3A_177 = arith.muli %scan3A_175, %mul3A_176 : i32
      %get3A = arith.index_cast %mul3A_177 : i32 to index
      %get3A_178 = tpu.vector_load %arg12[%get3A] {strides = array<i32>} : memref<10240xf32, #tpu.memory_space<vmem>>, vector<16xf32>,
      %mul3A_179 = arith.constant 16 : i32
      %mul3A_180 = arith.muli %scan3A_175, %mul3A_179 : i32
      %get3A_181 = arith.index_cast %mul3A_180 : i32 to index
      %get3A_182 = tpu.vector_load %arg13[%get3A_181] {strides = array<i32>} : memref<640xf32, #tpu.memory_space<vmem>>, vector<16xf32>,
      %mul3A_183 = arith.constant 16 : i32
      %mul3A_184 = arith.muli %scan3A_175, %mul3A_183 : i32
      %get3A_185 = arith.index_cast %mul3A_184 : i32 to index
      %get3A_186 = tpu.vector_load %arg14[%get3A_185] {strides = array<i32>} : memref<640xf32, #tpu.memory_space<vmem>>, vector<16xf32>,
      %add3A_187 = arith.addf %get3A_178, %get3A_186 : vector<16xf32>
      %mul3A_188 = arith.mulf %get3A_182, %add3A_187 : vector<16xf32>
      %mul3A_189 = arith.mulf %mul3A_188, %get3A_182 : vector<16xf32>
      %mul3A_190 = arith.constant 16 : i32
      %mul3A_191 = arith.muli %scan3A_175, %mul3A_190 : i32
      %swap3A = arith.index_cast %mul3A_191 : i32 to index
      %swap3A_192 = tpu.vector_load %arg14[%swap3A] {strides = array<i32>} : memref<640xf32, #tpu.memory_space<vmem>>, vector<16xf32>,
      tpu.vector_store %arg14[%swap3A], %mul3A_189 {strides = array<i32>} : memref<640xf32, #tpu.memory_space<vmem>>, vector<16xf32>,
    }
    %scan3A_56 = arith.constant 40 : i32
    "tpu.region"() ({
      %run_scoped3A = tpu.sem_alloc : memref<!tpu.dma_semaphore, #tpu.memory_space<semaphore_mem>>
      %dma_start3A = arith.constant 0 : i32
      %dma_start3A_175 = tpu.memref_slice %arg14[%dma_start3A] : memref<640xf32, #tpu.memory_space<vmem>> -> memref<640xf32, #tpu.memory_space<vmem>>
      %dma_start3A_176 = tpu.memref_slice %arg22[%mul3A_2] : memref<10240xf32, #tpu.memory_space<vmem_shared>> -> memref<640xf32, #tpu.memory_space<vmem_shared>>
      %dma_start3A_177 = tpu.memref_slice %arg22[%mul3A_2] : memref<10240xf32, #tpu.memory_space<vmem_shared>> -> memref<640xf32, #tpu.memory_space<vmem_shared>>
      %dma_start3A_178 = arith.constant 0 : i32
      %dma_start3A_179 = tpu.memref_slice %arg14[%dma_start3A_178] : memref<640xf32, #tpu.memory_space<vmem>> -> memref<640xf32, #tpu.memory_space<vmem>>
      tpu.enqueue_dma source(%dma_start3A_179 : memref<640xf32, #tpu.memory_space<vmem>>) target(%dma_start3A_177 : memref<640xf32, #tpu.memory_space<vmem_shared>>) target_semaphore(%run_scoped3A : memref<!tpu.dma_semaphore, #tpu.memory_space<semaphore_mem>>)
      %dma_wait3A = arith.constant 0 : i32
      %dma_wait3A_180 = tpu.memref_slice %arg14[%dma_wait3A] : memref<640xf32, #tpu.memory_space<vmem>> -> memref<640xf32, #tpu.memory_space<vmem>>
      %dma_wait3A_181 = tpu.memref_slice %arg22[%mul3A_2] : memref<10240xf32, #tpu.memory_space<vmem_shared>> -> memref<640xf32, #tpu.memory_space<vmem_shared>>
      %dma_wait3A_182 = tpu.memref_slice %arg22[%mul3A_2] : memref<10240xf32, #tpu.memory_space<vmem_shared>> -> memref<640xf32, #tpu.memory_space<vmem_shared>>
      %dma_wait3A_183 = arith.constant 0 : i32
      %dma_wait3A_184 = tpu.memref_slice %arg14[%dma_wait3A_183] : memref<640xf32, #tpu.memory_space<vmem>> -> memref<640xf32, #tpu.memory_space<vmem>>
      tpu.wait_dma2 semaphore(%run_scoped3A : memref<!tpu.dma_semaphore, #tpu.memory_space<semaphore_mem>>) src(%dma_wait3A_184 : memref<640xf32, #tpu.memory_space<vmem>>) dst(%dma_wait3A_182 : memref<640xf32, #tpu.memory_space<vmem_shared>>)
      tpu.yield
    }) : () -> ()
    %barrier3A_57 = arith.constant 0 : index
    tpu.barrier barrier_id(%barrier3A_57)
    "tpu.region"() ({
      %run_scoped3A = tpu.sem_alloc : memref<!tpu.dma_semaphore, #tpu.memory_space<semaphore_mem>>
      %dma_start3A = arith.constant 0 : i32
      %dma_start3A_175 = tpu.memref_slice %arg10[%dma_start3A] : memref<10240xf32, #tpu.memory_space<vmem>> -> memref<10240xf32, #tpu.memory_space<vmem>>
      %dma_start3A_176 = arith.constant 0 : i32
      %dma_start3A_177 = tpu.memref_slice %arg22[%dma_start3A_176] : memref<10240xf32, #tpu.memory_space<vmem_shared>> -> memref<10240xf32, #tpu.memory_space<vmem_shared>>
      %dma_start3A_178 = arith.constant 0 : i32
      %dma_start3A_179 = tpu.memref_slice %arg10[%dma_start3A_178] : memref<10240xf32, #tpu.memory_space<vmem>> -> memref<10240xf32, #tpu.memory_space<vmem>>
      %dma_start3A_180 = arith.constant 0 : i32
      %dma_start3A_181 = tpu.memref_slice %arg22[%dma_start3A_180] : memref<10240xf32, #tpu.memory_space<vmem_shared>> -> memref<10240xf32, #tpu.memory_space<vmem_shared>>
      tpu.enqueue_dma source(%dma_start3A_181 : memref<10240xf32, #tpu.memory_space<vmem_shared>>) target(%dma_start3A_179 : memref<10240xf32, #tpu.memory_space<vmem>>) target_semaphore(%run_scoped3A : memref<!tpu.dma_semaphore, #tpu.memory_space<semaphore_mem>>)
      %dma_wait3A = arith.constant 0 : i32
      %dma_wait3A_182 = tpu.memref_slice %arg10[%dma_wait3A] : memref<10240xf32, #tpu.memory_space<vmem>> -> memref<10240xf32, #tpu.memory_space<vmem>>
      %dma_wait3A_183 = arith.constant 0 : i32
      %dma_wait3A_184 = tpu.memref_slice %arg22[%dma_wait3A_183] : memref<10240xf32, #tpu.memory_space<vmem_shared>> -> memref<10240xf32, #tpu.memory_space<vmem_shared>>
      %dma_wait3A_185 = arith.constant 0 : i32
      %dma_wait3A_186 = tpu.memref_slice %arg10[%dma_wait3A_185] : memref<10240xf32, #tpu.memory_space<vmem>> -> memref<10240xf32, #tpu.memory_space<vmem>>
      %dma_wait3A_187 = arith.constant 0 : i32
      %dma_wait3A_188 = tpu.memref_slice %arg22[%dma_wait3A_187] : memref<10240xf32, #tpu.memory_space<vmem_shared>> -> memref<10240xf32, #tpu.memory_space<vmem_shared>>
      tpu.wait_dma2 semaphore(%run_scoped3A : memref<!tpu.dma_semaphore, #tpu.memory_space<semaphore_mem>>) src(%dma_wait3A_188 : memref<10240xf32, #tpu.memory_space<vmem_shared>>) dst(%dma_wait3A_186 : memref<10240xf32, #tpu.memory_space<vmem>>)
      tpu.yield
    }) : () -> ()
    %broadcast_in_dim3A_58 = arith.constant 0.000000e+00 : f32
    %broadcast_in_dim3A_59 = vector.broadcast %broadcast_in_dim3A_58 : f32 to vector<16xf32>
    %scan3A_60 = arith.constant 0 : i32
    %scan3A_61 = arith.constant 640 : i32
    %scan3A_62 = arith.addi %scan3A_60, %scan3A_61 : i32
    %scan3A_63 = arith.constant 1 : i32
    scf.for %scan3A_175 = %scan3A_60 to %scan3A_62 step %scan3A_63  : i32 {
      %mul3A_176 = arith.constant 16 : i32
      %mul3A_177 = arith.muli %scan3A_175, %mul3A_176 : i32
      %swap3A = arith.index_cast %mul3A_177 : i32 to index
      %swap3A_178 = tpu.vector_load %arg11[%swap3A] {strides = array<i32>} : memref<10240xf32, #tpu.memory_space<vmem>>, vector<16xf32>,
      tpu.vector_store %arg11[%swap3A], %broadcast_in_dim3A_59 {strides = array<i32>} : memref<10240xf32, #tpu.memory_space<vmem>>, vector<16xf32>,
    }
    %scan3A_64 = arith.constant 640 : i32
    %parallel_loop3A_65 = arith.constant 0 : i32
    %parallel_loop3A_66 = arith.constant 20000 : i32
    %parallel_loop3A_67 = arith.constant 16 : i32
    scf.for %parallel_loop3A_175 = %parallel_loop3A_65 to %parallel_loop3A_66 step %parallel_loop3A_67  : i32 {
      %parallel_loop3A_176 = arith.index_cast %parallel_loop3A_175 : i32 to index
      %parallel_loop3A_177 = tpu.vector_load %arg8[%parallel_loop3A_176] {strides = array<i32>} : memref<20000xi32, #tpu.memory_space<vmem>>, vector<16xi32>,
      %parallel_loop3A_178 = arith.index_cast %parallel_loop3A_175 : i32 to index
      %parallel_loop3A_179 = tpu.vector_load %arg9[%parallel_loop3A_178] {strides = array<i32>} : memref<20000xi32, #tpu.memory_space<vmem>>, vector<16xi32>,
      %parallel_loop3A_180 = tpu.vector_load_idx %arg10[%parallel_loop3A_177] : memref<10240xf32, #tpu.memory_space<vmem>>[vector<16xi32>], vector<16xf32>,
      tpu.vector_store_idx %arg11[%parallel_loop3A_179], %parallel_loop3A_180 {add = true} : memref<10240xf32, #tpu.memory_space<vmem>>[vector<16xi32>], vector<16xf32>,
    } {sc.loop_unroll_factor = 4 : i64, sc.parallel_access}
    "tpu.region"() ({
      %run_scoped3A = tpu.sem_alloc : memref<!tpu.dma_semaphore, #tpu.memory_space<semaphore_mem>>
      %dma_start3A = arith.constant 0 : i32
      %dma_start3A_175 = tpu.memref_slice %arg11[%dma_start3A] : memref<10240xf32, #tpu.memory_space<vmem>> -> memref<10240xf32, #tpu.memory_space<vmem>>
      %dma_start3A_176 = arith.constant 0 : i32
      %dma_start3A_177 = tpu.memref_slice %arg20[%arg1, %dma_start3A_176] : memref<16x10240xf32, #tpu.memory_space<vmem_shared>> -> memref<1x10240xf32, #tpu.memory_space<vmem_shared>>
      %dma_start3A_178 = tpu.memref_squeeze %dma_start3A_177 : memref<1x10240xf32, #tpu.memory_space<vmem_shared>> -> memref<10240xf32, #tpu.memory_space<vmem_shared>>
      %dma_start3A_179 = arith.constant 0 : i32
      %dma_start3A_180 = tpu.memref_slice %arg20[%arg1, %dma_start3A_179] : memref<16x10240xf32, #tpu.memory_space<vmem_shared>> -> memref<1x10240xf32, #tpu.memory_space<vmem_shared>>
      %dma_start3A_181 = tpu.memref_squeeze %dma_start3A_180 : memref<1x10240xf32, #tpu.memory_space<vmem_shared>> -> memref<10240xf32, #tpu.memory_space<vmem_shared>>
      %dma_start3A_182 = arith.constant 0 : i32
      %dma_start3A_183 = tpu.memref_slice %arg11[%dma_start3A_182] : memref<10240xf32, #tpu.memory_space<vmem>> -> memref<10240xf32, #tpu.memory_space<vmem>>
      tpu.enqueue_dma source(%dma_start3A_183 : memref<10240xf32, #tpu.memory_space<vmem>>) target(%dma_start3A_181 : memref<10240xf32, #tpu.memory_space<vmem_shared>>) target_semaphore(%run_scoped3A : memref<!tpu.dma_semaphore, #tpu.memory_space<semaphore_mem>>)
      %dma_wait3A = arith.constant 0 : i32
      %dma_wait3A_184 = tpu.memref_slice %arg11[%dma_wait3A] : memref<10240xf32, #tpu.memory_space<vmem>> -> memref<10240xf32, #tpu.memory_space<vmem>>
      %dma_wait3A_185 = arith.constant 0 : i32
      %dma_wait3A_186 = tpu.memref_slice %arg20[%arg1, %dma_wait3A_185] : memref<16x10240xf32, #tpu.memory_space<vmem_shared>> -> memref<1x10240xf32, #tpu.memory_space<vmem_shared>>
      %dma_wait3A_187 = tpu.memref_squeeze %dma_wait3A_186 : memref<1x10240xf32, #tpu.memory_space<vmem_shared>> -> memref<10240xf32, #tpu.memory_space<vmem_shared>>
      %dma_wait3A_188 = arith.constant 0 : i32
      %dma_wait3A_189 = tpu.memref_slice %arg20[%arg1, %dma_wait3A_188] : memref<16x10240xf32, #tpu.memory_space<vmem_shared>> -> memref<1x10240xf32, #tpu.memory_space<vmem_shared>>
      %dma_wait3A_190 = tpu.memref_squeeze %dma_wait3A_189 : memref<1x10240xf32, #tpu.memory_space<vmem_shared>> -> memref<10240xf32, #tpu.memory_space<vmem_shared>>
      %dma_wait3A_191 = arith.constant 0 : i32
      %dma_wait3A_192 = tpu.memref_slice %arg11[%dma_wait3A_191] : memref<10240xf32, #tpu.memory_space<vmem>> -> memref<10240xf32, #tpu.memory_space<vmem>>
      tpu.wait_dma2 semaphore(%run_scoped3A : memref<!tpu.dma_semaphore, #tpu.memory_space<semaphore_mem>>) src(%dma_wait3A_192 : memref<10240xf32, #tpu.memory_space<vmem>>) dst(%dma_wait3A_190 : memref<10240xf32, #tpu.memory_space<vmem_shared>>)
      tpu.yield
    }) : () -> ()
    %barrier3A_68 = arith.constant 0 : index
    tpu.barrier barrier_id(%barrier3A_68)
    "tpu.region"() ({
      %run_scoped3A = tpu.sem_alloc : memref<!tpu.dma_semaphore, #tpu.memory_space<semaphore_mem>>
      %dma_start3A = arith.constant 0 : i32
      %dma_start3A_175 = arith.constant 0 : i32
      %dma_start3A_176 = tpu.memref_slice %arg15[%dma_start3A, %dma_start3A_175] : memref<16x640xf32, #tpu.memory_space<vmem>> -> memref<16x640xf32, #tpu.memory_space<vmem>>
      %dma_start3A_177 = arith.constant 0 : i32
      %dma_start3A_178 = tpu.memref_slice %arg20[%dma_start3A_177, %mul3A_2] : memref<16x10240xf32, #tpu.memory_space<vmem_shared>> -> memref<16x640xf32, #tpu.memory_space<vmem_shared>>
      %dma_start3A_179 = arith.constant 0 : i32
      %dma_start3A_180 = arith.constant 0 : i32
      %dma_start3A_181 = tpu.memref_slice %arg15[%dma_start3A_179, %dma_start3A_180] : memref<16x640xf32, #tpu.memory_space<vmem>> -> memref<16x640xf32, #tpu.memory_space<vmem>>
      %dma_start3A_182 = arith.constant 0 : i32
      %dma_start3A_183 = tpu.memref_slice %arg20[%dma_start3A_182, %mul3A_2] : memref<16x10240xf32, #tpu.memory_space<vmem_shared>> -> memref<16x640xf32, #tpu.memory_space<vmem_shared>>
      tpu.enqueue_dma source(%dma_start3A_183 : memref<16x640xf32, #tpu.memory_space<vmem_shared>>) target(%dma_start3A_181 : memref<16x640xf32, #tpu.memory_space<vmem>>) target_semaphore(%run_scoped3A : memref<!tpu.dma_semaphore, #tpu.memory_space<semaphore_mem>>)
      %dma_wait3A = arith.constant 0 : i32
      %dma_wait3A_184 = arith.constant 0 : i32
      %dma_wait3A_185 = tpu.memref_slice %arg15[%dma_wait3A, %dma_wait3A_184] : memref<16x640xf32, #tpu.memory_space<vmem>> -> memref<16x640xf32, #tpu.memory_space<vmem>>
      %dma_wait3A_186 = arith.constant 0 : i32
      %dma_wait3A_187 = tpu.memref_slice %arg20[%dma_wait3A_186, %mul3A_2] : memref<16x10240xf32, #tpu.memory_space<vmem_shared>> -> memref<16x640xf32, #tpu.memory_space<vmem_shared>>
      %dma_wait3A_188 = arith.constant 0 : i32
      %dma_wait3A_189 = arith.constant 0 : i32
      %dma_wait3A_190 = tpu.memref_slice %arg15[%dma_wait3A_188, %dma_wait3A_189] : memref<16x640xf32, #tpu.memory_space<vmem>> -> memref<16x640xf32, #tpu.memory_space<vmem>>
      %dma_wait3A_191 = arith.constant 0 : i32
      %dma_wait3A_192 = tpu.memref_slice %arg20[%dma_wait3A_191, %mul3A_2] : memref<16x10240xf32, #tpu.memory_space<vmem_shared>> -> memref<16x640xf32, #tpu.memory_space<vmem_shared>>
      tpu.wait_dma2 semaphore(%run_scoped3A : memref<!tpu.dma_semaphore, #tpu.memory_space<semaphore_mem>>) src(%dma_wait3A_192 : memref<16x640xf32, #tpu.memory_space<vmem_shared>>) dst(%dma_wait3A_190 : memref<16x640xf32, #tpu.memory_space<vmem>>)
      tpu.yield
    }) : () -> ()
    %scan3A_69 = arith.constant 0 : i32
    %scan3A_70 = arith.constant 40 : i32
    %scan3A_71 = arith.addi %scan3A_69, %scan3A_70 : i32
    %scan3A_72 = arith.constant 1 : i32
    scf.for %scan3A_175 = %scan3A_69 to %scan3A_71 step %scan3A_72  : i32 {
      %mul3A_176 = arith.constant 16 : i32
      %mul3A_177 = arith.muli %scan3A_175, %mul3A_176 : i32
      %add3A_178 = arith.constant 0 : i32
      %add3A_179 = arith.addi %add3A_178, %mul3A_177 : i32
      %get3A = arith.constant 0 : i32
      %get3A_180 = arith.index_cast %get3A : i32 to index
      %get3A_181 = arith.index_cast %add3A_179 : i32 to index
      %get3A_182 = tpu.vector_load %arg15[%get3A_180, %get3A_181] {strides = array<i32>} : memref<16x640xf32, #tpu.memory_space<vmem>>, vector<16xf32>,
      %mul3A_183 = arith.constant 16 : i32
      %mul3A_184 = arith.muli %scan3A_175, %mul3A_183 : i32
      %add3A_185 = arith.constant 0 : i32
      %add3A_186 = arith.addi %add3A_185, %mul3A_184 : i32
      %get3A_187 = arith.constant 1 : i32
      %get3A_188 = arith.index_cast %get3A_187 : i32 to index
      %get3A_189 = arith.index_cast %add3A_186 : i32 to index
      %get3A_190 = tpu.vector_load %arg15[%get3A_188, %get3A_189] {strides = array<i32>} : memref<16x640xf32, #tpu.memory_space<vmem>>, vector<16xf32>,
      %add3A_191 = arith.addf %get3A_182, %get3A_190 : vector<16xf32>
      %mul3A_192 = arith.constant 16 : i32
      %mul3A_193 = arith.muli %scan3A_175, %mul3A_192 : i32
      %add3A_194 = arith.constant 0 : i32
      %add3A_195 = arith.addi %add3A_194, %mul3A_193 : i32
      %get3A_196 = arith.constant 2 : i32
      %get3A_197 = arith.index_cast %get3A_196 : i32 to index
      %get3A_198 = arith.index_cast %add3A_195 : i32 to index
      %get3A_199 = tpu.vector_load %arg15[%get3A_197, %get3A_198] {strides = array<i32>} : memref<16x640xf32, #tpu.memory_space<vmem>>, vector<16xf32>,
      %add3A_200 = arith.addf %add3A_191, %get3A_199 : vector<16xf32>
      %mul3A_201 = arith.constant 16 : i32
      %mul3A_202 = arith.muli %scan3A_175, %mul3A_201 : i32
      %add3A_203 = arith.constant 0 : i32
      %add3A_204 = arith.addi %add3A_203, %mul3A_202 : i32
      %get3A_205 = arith.constant 3 : i32
      %get3A_206 = arith.index_cast %get3A_205 : i32 to index
      %get3A_207 = arith.index_cast %add3A_204 : i32 to index
      %get3A_208 = tpu.vector_load %arg15[%get3A_206, %get3A_207] {strides = array<i32>} : memref<16x640xf32, #tpu.memory_space<vmem>>, vector<16xf32>,
      %add3A_209 = arith.addf %add3A_200, %get3A_208 : vector<16xf32>
      %mul3A_210 = arith.constant 16 : i32
      %mul3A_211 = arith.muli %scan3A_175, %mul3A_210 : i32
      %add3A_212 = arith.constant 0 : i32
      %add3A_213 = arith.addi %add3A_212, %mul3A_211 : i32
      %get3A_214 = arith.constant 4 : i32
      %get3A_215 = arith.index_cast %get3A_214 : i32 to index
      %get3A_216 = arith.index_cast %add3A_213 : i32 to index
      %get3A_217 = tpu.vector_load %arg15[%get3A_215, %get3A_216] {strides = array<i32>} : memref<16x640xf32, #tpu.memory_space<vmem>>, vector<16xf32>,
      %add3A_218 = arith.addf %add3A_209, %get3A_217 : vector<16xf32>
      %mul3A_219 = arith.constant 16 : i32
      %mul3A_220 = arith.muli %scan3A_175, %mul3A_219 : i32
      %add3A_221 = arith.constant 0 : i32
      %add3A_222 = arith.addi %add3A_221, %mul3A_220 : i32
      %get3A_223 = arith.constant 5 : i32
      %get3A_224 = arith.index_cast %get3A_223 : i32 to index
      %get3A_225 = arith.index_cast %add3A_222 : i32 to index
      %get3A_226 = tpu.vector_load %arg15[%get3A_224, %get3A_225] {strides = array<i32>} : memref<16x640xf32, #tpu.memory_space<vmem>>, vector<16xf32>,
      %add3A_227 = arith.addf %add3A_218, %get3A_226 : vector<16xf32>
      %mul3A_228 = arith.constant 16 : i32
      %mul3A_229 = arith.muli %scan3A_175, %mul3A_228 : i32
      %add3A_230 = arith.constant 0 : i32
      %add3A_231 = arith.addi %add3A_230, %mul3A_229 : i32
      %get3A_232 = arith.constant 6 : i32
      %get3A_233 = arith.index_cast %get3A_232 : i32 to index
      %get3A_234 = arith.index_cast %add3A_231 : i32 to index
      %get3A_235 = tpu.vector_load %arg15[%get3A_233, %get3A_234] {strides = array<i32>} : memref<16x640xf32, #tpu.memory_space<vmem>>, vector<16xf32>,
      %add3A_236 = arith.addf %add3A_227, %get3A_235 : vector<16xf32>
      %mul3A_237 = arith.constant 16 : i32
      %mul3A_238 = arith.muli %scan3A_175, %mul3A_237 : i32
      %add3A_239 = arith.constant 0 : i32
      %add3A_240 = arith.addi %add3A_239, %mul3A_238 : i32
      %get3A_241 = arith.constant 7 : i32
      %get3A_242 = arith.index_cast %get3A_241 : i32 to index
      %get3A_243 = arith.index_cast %add3A_240 : i32 to index
      %get3A_244 = tpu.vector_load %arg15[%get3A_242, %get3A_243] {strides = array<i32>} : memref<16x640xf32, #tpu.memory_space<vmem>>, vector<16xf32>,
      %add3A_245 = arith.addf %add3A_236, %get3A_244 : vector<16xf32>
      %mul3A_246 = arith.constant 16 : i32
      %mul3A_247 = arith.muli %scan3A_175, %mul3A_246 : i32
      %add3A_248 = arith.constant 0 : i32
      %add3A_249 = arith.addi %add3A_248, %mul3A_247 : i32
      %get3A_250 = arith.constant 8 : i32
      %get3A_251 = arith.index_cast %get3A_250 : i32 to index
      %get3A_252 = arith.index_cast %add3A_249 : i32 to index
      %get3A_253 = tpu.vector_load %arg15[%get3A_251, %get3A_252] {strides = array<i32>} : memref<16x640xf32, #tpu.memory_space<vmem>>, vector<16xf32>,
      %add3A_254 = arith.addf %add3A_245, %get3A_253 : vector<16xf32>
      %mul3A_255 = arith.constant 16 : i32
      %mul3A_256 = arith.muli %scan3A_175, %mul3A_255 : i32
      %add3A_257 = arith.constant 0 : i32
      %add3A_258 = arith.addi %add3A_257, %mul3A_256 : i32
      %get3A_259 = arith.constant 9 : i32
      %get3A_260 = arith.index_cast %get3A_259 : i32 to index
      %get3A_261 = arith.index_cast %add3A_258 : i32 to index
      %get3A_262 = tpu.vector_load %arg15[%get3A_260, %get3A_261] {strides = array<i32>} : memref<16x640xf32, #tpu.memory_space<vmem>>, vector<16xf32>,
      %add3A_263 = arith.addf %add3A_254, %get3A_262 : vector<16xf32>
      %mul3A_264 = arith.constant 16 : i32
      %mul3A_265 = arith.muli %scan3A_175, %mul3A_264 : i32
      %add3A_266 = arith.constant 0 : i32
      %add3A_267 = arith.addi %add3A_266, %mul3A_265 : i32
      %get3A_268 = arith.constant 10 : i32
      %get3A_269 = arith.index_cast %get3A_268 : i32 to index
      %get3A_270 = arith.index_cast %add3A_267 : i32 to index
      %get3A_271 = tpu.vector_load %arg15[%get3A_269, %get3A_270] {strides = array<i32>} : memref<16x640xf32, #tpu.memory_space<vmem>>, vector<16xf32>,
      %add3A_272 = arith.addf %add3A_263, %get3A_271 : vector<16xf32>
      %mul3A_273 = arith.constant 16 : i32
      %mul3A_274 = arith.muli %scan3A_175, %mul3A_273 : i32
      %add3A_275 = arith.constant 0 : i32
      %add3A_276 = arith.addi %add3A_275, %mul3A_274 : i32
      %get3A_277 = arith.constant 11 : i32
      %get3A_278 = arith.index_cast %get3A_277 : i32 to index
      %get3A_279 = arith.index_cast %add3A_276 : i32 to index
      %get3A_280 = tpu.vector_load %arg15[%get3A_278, %get3A_279] {strides = array<i32>} : memref<16x640xf32, #tpu.memory_space<vmem>>, vector<16xf32>,
      %add3A_281 = arith.addf %add3A_272, %get3A_280 : vector<16xf32>
      %mul3A_282 = arith.constant 16 : i32
      %mul3A_283 = arith.muli %scan3A_175, %mul3A_282 : i32
      %add3A_284 = arith.constant 0 : i32
      %add3A_285 = arith.addi %add3A_284, %mul3A_283 : i32
      %get3A_286 = arith.constant 12 : i32
      %get3A_287 = arith.index_cast %get3A_286 : i32 to index
      %get3A_288 = arith.index_cast %add3A_285 : i32 to index
      %get3A_289 = tpu.vector_load %arg15[%get3A_287, %get3A_288] {strides = array<i32>} : memref<16x640xf32, #tpu.memory_space<vmem>>, vector<16xf32>,
      %add3A_290 = arith.addf %add3A_281, %get3A_289 : vector<16xf32>
      %mul3A_291 = arith.constant 16 : i32
      %mul3A_292 = arith.muli %scan3A_175, %mul3A_291 : i32
      %add3A_293 = arith.constant 0 : i32
      %add3A_294 = arith.addi %add3A_293, %mul3A_292 : i32
      %get3A_295 = arith.constant 13 : i32
      %get3A_296 = arith.index_cast %get3A_295 : i32 to index
      %get3A_297 = arith.index_cast %add3A_294 : i32 to index
      %get3A_298 = tpu.vector_load %arg15[%get3A_296, %get3A_297] {strides = array<i32>} : memref<16x640xf32, #tpu.memory_space<vmem>>, vector<16xf32>,
      %add3A_299 = arith.addf %add3A_290, %get3A_298 : vector<16xf32>
      %mul3A_300 = arith.constant 16 : i32
      %mul3A_301 = arith.muli %scan3A_175, %mul3A_300 : i32
      %add3A_302 = arith.constant 0 : i32
      %add3A_303 = arith.addi %add3A_302, %mul3A_301 : i32
      %get3A_304 = arith.constant 14 : i32
      %get3A_305 = arith.index_cast %get3A_304 : i32 to index
      %get3A_306 = arith.index_cast %add3A_303 : i32 to index
      %get3A_307 = tpu.vector_load %arg15[%get3A_305, %get3A_306] {strides = array<i32>} : memref<16x640xf32, #tpu.memory_space<vmem>>, vector<16xf32>,
      %add3A_308 = arith.addf %add3A_299, %get3A_307 : vector<16xf32>
      %mul3A_309 = arith.constant 16 : i32
      %mul3A_310 = arith.muli %scan3A_175, %mul3A_309 : i32
      %add3A_311 = arith.constant 0 : i32
      %add3A_312 = arith.addi %add3A_311, %mul3A_310 : i32
      %get3A_313 = arith.constant 15 : i32
      %get3A_314 = arith.index_cast %get3A_313 : i32 to index
      %get3A_315 = arith.index_cast %add3A_312 : i32 to index
      %get3A_316 = tpu.vector_load %arg15[%get3A_314, %get3A_315] {strides = array<i32>} : memref<16x640xf32, #tpu.memory_space<vmem>>, vector<16xf32>,
      %add3A_317 = arith.addf %add3A_308, %get3A_316 : vector<16xf32>
      %mul3A_318 = arith.constant 16 : i32
      %mul3A_319 = arith.muli %scan3A_175, %mul3A_318 : i32
      %swap3A = arith.index_cast %mul3A_319 : i32 to index
      %swap3A_320 = tpu.vector_load %arg12[%swap3A] {strides = array<i32>} : memref<10240xf32, #tpu.memory_space<vmem>>, vector<16xf32>,
      tpu.vector_store %arg12[%swap3A], %add3A_317 {strides = array<i32>} : memref<10240xf32, #tpu.memory_space<vmem>>, vector<16xf32>,
    }
    %scan3A_73 = arith.constant 40 : i32
    %scan3A_74 = arith.constant 0 : i32
    %scan3A_75 = arith.constant 40 : i32
    %scan3A_76 = arith.addi %scan3A_74, %scan3A_75 : i32
    %scan3A_77 = arith.constant 1 : i32
    scf.for %scan3A_175 = %scan3A_74 to %scan3A_76 step %scan3A_77  : i32 {
      %mul3A_176 = arith.constant 16 : i32
      %mul3A_177 = arith.muli %scan3A_175, %mul3A_176 : i32
      %get3A = arith.index_cast %mul3A_177 : i32 to index
      %get3A_178 = tpu.vector_load %arg12[%get3A] {strides = array<i32>} : memref<10240xf32, #tpu.memory_space<vmem>>, vector<16xf32>,
      %mul3A_179 = arith.constant 16 : i32
      %mul3A_180 = arith.muli %scan3A_175, %mul3A_179 : i32
      %get3A_181 = arith.index_cast %mul3A_180 : i32 to index
      %get3A_182 = tpu.vector_load %arg13[%get3A_181] {strides = array<i32>} : memref<640xf32, #tpu.memory_space<vmem>>, vector<16xf32>,
      %mul3A_183 = arith.constant 16 : i32
      %mul3A_184 = arith.muli %scan3A_175, %mul3A_183 : i32
      %get3A_185 = arith.index_cast %mul3A_184 : i32 to index
      %get3A_186 = tpu.vector_load %arg14[%get3A_185] {strides = array<i32>} : memref<640xf32, #tpu.memory_space<vmem>>, vector<16xf32>,
      %add3A_187 = arith.addf %get3A_178, %get3A_186 : vector<16xf32>
      %mul3A_188 = arith.mulf %get3A_182, %add3A_187 : vector<16xf32>
      %mul3A_189 = arith.constant 16 : i32
      %mul3A_190 = arith.muli %scan3A_175, %mul3A_189 : i32
      %swap3A = arith.index_cast %mul3A_190 : i32 to index
      %swap3A_191 = tpu.vector_load %arg14[%swap3A] {strides = array<i32>} : memref<640xf32, #tpu.memory_space<vmem>>, vector<16xf32>,
      tpu.vector_store %arg14[%swap3A], %mul3A_188 {strides = array<i32>} : memref<640xf32, #tpu.memory_space<vmem>>, vector<16xf32>,
    }
    %scan3A_78 = arith.constant 40 : i32
    "tpu.region"() ({
      %run_scoped3A = tpu.sem_alloc : memref<!tpu.dma_semaphore, #tpu.memory_space<semaphore_mem>>
      %dma_start3A = arith.constant 0 : i32
      %dma_start3A_175 = tpu.memref_slice %arg14[%dma_start3A] : memref<640xf32, #tpu.memory_space<vmem>> -> memref<640xf32, #tpu.memory_space<vmem>>
      %dma_start3A_176 = tpu.memref_slice %arg23[%mul3A_2] : memref<10240xf32, #tpu.memory_space<vmem_shared>> -> memref<640xf32, #tpu.memory_space<vmem_shared>>
      %dma_start3A_177 = tpu.memref_slice %arg23[%mul3A_2] : memref<10240xf32, #tpu.memory_space<vmem_shared>> -> memref<640xf32, #tpu.memory_space<vmem_shared>>
      %dma_start3A_178 = arith.constant 0 : i32
      %dma_start3A_179 = tpu.memref_slice %arg14[%dma_start3A_178] : memref<640xf32, #tpu.memory_space<vmem>> -> memref<640xf32, #tpu.memory_space<vmem>>
      tpu.enqueue_dma source(%dma_start3A_179 : memref<640xf32, #tpu.memory_space<vmem>>) target(%dma_start3A_177 : memref<640xf32, #tpu.memory_space<vmem_shared>>) target_semaphore(%run_scoped3A : memref<!tpu.dma_semaphore, #tpu.memory_space<semaphore_mem>>)
      %dma_wait3A = arith.constant 0 : i32
      %dma_wait3A_180 = tpu.memref_slice %arg14[%dma_wait3A] : memref<640xf32, #tpu.memory_space<vmem>> -> memref<640xf32, #tpu.memory_space<vmem>>
      %dma_wait3A_181 = tpu.memref_slice %arg23[%mul3A_2] : memref<10240xf32, #tpu.memory_space<vmem_shared>> -> memref<640xf32, #tpu.memory_space<vmem_shared>>
      %dma_wait3A_182 = tpu.memref_slice %arg23[%mul3A_2] : memref<10240xf32, #tpu.memory_space<vmem_shared>> -> memref<640xf32, #tpu.memory_space<vmem_shared>>
      %dma_wait3A_183 = arith.constant 0 : i32
      %dma_wait3A_184 = tpu.memref_slice %arg14[%dma_wait3A_183] : memref<640xf32, #tpu.memory_space<vmem>> -> memref<640xf32, #tpu.memory_space<vmem>>
      tpu.wait_dma2 semaphore(%run_scoped3A : memref<!tpu.dma_semaphore, #tpu.memory_space<semaphore_mem>>) src(%dma_wait3A_184 : memref<640xf32, #tpu.memory_space<vmem>>) dst(%dma_wait3A_182 : memref<640xf32, #tpu.memory_space<vmem_shared>>)
      tpu.yield
    }) : () -> ()
    %barrier3A_79 = arith.constant 0 : index
    tpu.barrier barrier_id(%barrier3A_79)
    %mul3A_80 = arith.constant 400 : i32
    %mul3A_81 = arith.muli %arg1, %mul3A_80 : i32
    %mul3A_82 = arith.constant 32 : i32
    %mul3A_83 = arith.muli %arg1, %mul3A_82 : i32
    "tpu.region"() ({
      %run_scoped3A = tpu.sem_alloc : memref<!tpu.dma_semaphore, #tpu.memory_space<semaphore_mem>>
      %dma_start3A = arith.constant 0 : i32
      %dma_start3A_175 = tpu.memref_slice %arg8[%dma_start3A] : memref<20000xi32, #tpu.memory_space<vmem>> -> memref<400xi32, #tpu.memory_space<vmem>>
      %dma_start3A_176 = tpu.memref_slice %arg3[%mul3A_81] : memref<12800xi32, #tpu.memory_space<hbm>> -> memref<400xi32, #tpu.memory_space<hbm>>
      %dma_start3A_177 = arith.constant 0 : i32
      %dma_start3A_178 = tpu.memref_slice %arg8[%dma_start3A_177] : memref<20000xi32, #tpu.memory_space<vmem>> -> memref<400xi32, #tpu.memory_space<vmem>>
      %dma_start3A_179 = tpu.memref_slice %arg3[%mul3A_81] : memref<12800xi32, #tpu.memory_space<hbm>> -> memref<400xi32, #tpu.memory_space<hbm>>
      tpu.enqueue_dma source(%dma_start3A_179 : memref<400xi32, #tpu.memory_space<hbm>>) target(%dma_start3A_178 : memref<400xi32, #tpu.memory_space<vmem>>) target_semaphore(%run_scoped3A : memref<!tpu.dma_semaphore, #tpu.memory_space<semaphore_mem>>)
      %dma_wait3A = arith.constant 0 : i32
      %dma_wait3A_180 = tpu.memref_slice %arg8[%dma_wait3A] : memref<20000xi32, #tpu.memory_space<vmem>> -> memref<400xi32, #tpu.memory_space<vmem>>
      %dma_wait3A_181 = tpu.memref_slice %arg3[%mul3A_81] : memref<12800xi32, #tpu.memory_space<hbm>> -> memref<400xi32, #tpu.memory_space<hbm>>
      %dma_wait3A_182 = arith.constant 0 : i32
      %dma_wait3A_183 = tpu.memref_slice %arg8[%dma_wait3A_182] : memref<20000xi32, #tpu.memory_space<vmem>> -> memref<400xi32, #tpu.memory_space<vmem>>
      %dma_wait3A_184 = tpu.memref_slice %arg3[%mul3A_81] : memref<12800xi32, #tpu.memory_space<hbm>> -> memref<400xi32, #tpu.memory_space<hbm>>
      tpu.wait_dma2 semaphore(%run_scoped3A : memref<!tpu.dma_semaphore, #tpu.memory_space<semaphore_mem>>) src(%dma_wait3A_184 : memref<400xi32, #tpu.memory_space<hbm>>) dst(%dma_wait3A_183 : memref<400xi32, #tpu.memory_space<vmem>>)
      tpu.yield
    }) : () -> ()
    %add3A_84 = arith.constant 6400 : i32
    %add3A_85 = arith.addi %add3A_84, %mul3A_81 : i32
    "tpu.region"() ({
      %run_scoped3A = tpu.sem_alloc : memref<!tpu.dma_semaphore, #tpu.memory_space<semaphore_mem>>
      %dma_start3A = arith.constant 0 : i32
      %dma_start3A_175 = tpu.memref_slice %arg9[%dma_start3A] : memref<20000xi32, #tpu.memory_space<vmem>> -> memref<400xi32, #tpu.memory_space<vmem>>
      %dma_start3A_176 = tpu.memref_slice %arg3[%add3A_85] : memref<12800xi32, #tpu.memory_space<hbm>> -> memref<400xi32, #tpu.memory_space<hbm>>
      %dma_start3A_177 = arith.constant 0 : i32
      %dma_start3A_178 = tpu.memref_slice %arg9[%dma_start3A_177] : memref<20000xi32, #tpu.memory_space<vmem>> -> memref<400xi32, #tpu.memory_space<vmem>>
      %dma_start3A_179 = tpu.memref_slice %arg3[%add3A_85] : memref<12800xi32, #tpu.memory_space<hbm>> -> memref<400xi32, #tpu.memory_space<hbm>>
      tpu.enqueue_dma source(%dma_start3A_179 : memref<400xi32, #tpu.memory_space<hbm>>) target(%dma_start3A_178 : memref<400xi32, #tpu.memory_space<vmem>>) target_semaphore(%run_scoped3A : memref<!tpu.dma_semaphore, #tpu.memory_space<semaphore_mem>>)
      %dma_wait3A = arith.constant 0 : i32
      %dma_wait3A_180 = tpu.memref_slice %arg9[%dma_wait3A] : memref<20000xi32, #tpu.memory_space<vmem>> -> memref<400xi32, #tpu.memory_space<vmem>>
      %dma_wait3A_181 = tpu.memref_slice %arg3[%add3A_85] : memref<12800xi32, #tpu.memory_space<hbm>> -> memref<400xi32, #tpu.memory_space<hbm>>
      %dma_wait3A_182 = arith.constant 0 : i32
      %dma_wait3A_183 = tpu.memref_slice %arg9[%dma_wait3A_182] : memref<20000xi32, #tpu.memory_space<vmem>> -> memref<400xi32, #tpu.memory_space<vmem>>
      %dma_wait3A_184 = tpu.memref_slice %arg3[%add3A_85] : memref<12800xi32, #tpu.memory_space<hbm>> -> memref<400xi32, #tpu.memory_space<hbm>>
      tpu.wait_dma2 semaphore(%run_scoped3A : memref<!tpu.dma_semaphore, #tpu.memory_space<semaphore_mem>>) src(%dma_wait3A_184 : memref<400xi32, #tpu.memory_space<hbm>>) dst(%dma_wait3A_183 : memref<400xi32, #tpu.memory_space<vmem>>)
      tpu.yield
    }) : () -> ()
    %broadcast_in_dim3A_86 = arith.constant 0.000000e+00 : f32
    %broadcast_in_dim3A_87 = vector.broadcast %broadcast_in_dim3A_86 : f32 to vector<16xf32>
    %scan3A_88 = arith.constant 0 : i32
    %scan3A_89 = arith.constant 32 : i32
    %scan3A_90 = arith.addi %scan3A_88, %scan3A_89 : i32
    %scan3A_91 = arith.constant 1 : i32
    scf.for %scan3A_175 = %scan3A_88 to %scan3A_90 step %scan3A_91  : i32 {
      %mul3A_176 = arith.constant 16 : i32
      %mul3A_177 = arith.muli %scan3A_175, %mul3A_176 : i32
      %swap3A = arith.index_cast %mul3A_177 : i32 to index
      %swap3A_178 = tpu.vector_load %arg11[%swap3A] {strides = array<i32>} : memref<10240xf32, #tpu.memory_space<vmem>>, vector<16xf32>,
      tpu.vector_store %arg11[%swap3A], %broadcast_in_dim3A_87 {strides = array<i32>} : memref<10240xf32, #tpu.memory_space<vmem>>, vector<16xf32>,
    }
    %scan3A_92 = arith.constant 32 : i32
    %broadcast_in_dim3A_93 = arith.constant 0.000000e+00 : f32
    %broadcast_in_dim3A_94 = vector.broadcast %broadcast_in_dim3A_93 : f32 to vector<16xf32>
    %scan3A_95 = arith.constant 0 : i32
    %scan3A_96 = arith.constant 32 : i32
    %scan3A_97 = arith.addi %scan3A_95, %scan3A_96 : i32
    %scan3A_98 = arith.constant 1 : i32
    scf.for %scan3A_175 = %scan3A_95 to %scan3A_97 step %scan3A_98  : i32 {
      %mul3A_176 = arith.constant 16 : i32
      %mul3A_177 = arith.muli %scan3A_175, %mul3A_176 : i32
      %swap3A = arith.index_cast %mul3A_177 : i32 to index
      %swap3A_178 = tpu.vector_load %arg12[%swap3A] {strides = array<i32>} : memref<10240xf32, #tpu.memory_space<vmem>>, vector<16xf32>,
      tpu.vector_store %arg12[%swap3A], %broadcast_in_dim3A_94 {strides = array<i32>} : memref<10240xf32, #tpu.memory_space<vmem>>, vector<16xf32>,
    }
    %scan3A_99 = arith.constant 32 : i32
    %broadcast_in_dim3A_100 = arith.constant 1.000000e+00 : f32
    %broadcast_in_dim3A_101 = vector.broadcast %broadcast_in_dim3A_100 : f32 to vector<16xf32>
    %parallel_loop3A_102 = arith.constant 0 : i32
    %parallel_loop3A_103 = arith.constant 400 : i32
    %parallel_loop3A_104 = arith.constant 16 : i32
    scf.for %parallel_loop3A_175 = %parallel_loop3A_102 to %parallel_loop3A_103 step %parallel_loop3A_104  : i32 {
      %parallel_loop3A_176 = arith.index_cast %parallel_loop3A_175 : i32 to index
      %parallel_loop3A_177 = tpu.vector_load %arg8[%parallel_loop3A_176] {strides = array<i32>} : memref<20000xi32, #tpu.memory_space<vmem>>, vector<16xi32>,
      %parallel_loop3A_178 = arith.index_cast %parallel_loop3A_175 : i32 to index
      %parallel_loop3A_179 = tpu.vector_load %arg9[%parallel_loop3A_178] {strides = array<i32>} : memref<20000xi32, #tpu.memory_space<vmem>>, vector<16xi32>,
      tpu.vector_store_idx %arg11[%parallel_loop3A_177], %broadcast_in_dim3A_101 {add = true} : memref<10240xf32, #tpu.memory_space<vmem>>[vector<16xi32>], vector<16xf32>,
      tpu.vector_store_idx %arg12[%parallel_loop3A_179], %broadcast_in_dim3A_101 {add = true} : memref<10240xf32, #tpu.memory_space<vmem>>[vector<16xi32>], vector<16xf32>,
    } {sc.loop_unroll_factor = 4 : i64, sc.parallel_access}
    "tpu.region"() ({
      %run_scoped3A = tpu.sem_alloc : memref<!tpu.dma_semaphore, #tpu.memory_space<semaphore_mem>>
      %dma_start3A = arith.constant 0 : i32
      %dma_start3A_175 = tpu.memref_slice %arg11[%dma_start3A] : memref<10240xf32, #tpu.memory_space<vmem>> -> memref<512xf32, #tpu.memory_space<vmem>>
      %dma_start3A_176 = arith.constant 0 : i32
      %dma_start3A_177 = tpu.memref_slice %arg20[%arg1, %dma_start3A_176] : memref<16x10240xf32, #tpu.memory_space<vmem_shared>> -> memref<1x512xf32, #tpu.memory_space<vmem_shared>>
      %dma_start3A_178 = tpu.memref_squeeze %dma_start3A_177 : memref<1x512xf32, #tpu.memory_space<vmem_shared>> -> memref<512xf32, #tpu.memory_space<vmem_shared>>
      %dma_start3A_179 = arith.constant 0 : i32
      %dma_start3A_180 = tpu.memref_slice %arg20[%arg1, %dma_start3A_179] : memref<16x10240xf32, #tpu.memory_space<vmem_shared>> -> memref<1x512xf32, #tpu.memory_space<vmem_shared>>
      %dma_start3A_181 = tpu.memref_squeeze %dma_start3A_180 : memref<1x512xf32, #tpu.memory_space<vmem_shared>> -> memref<512xf32, #tpu.memory_space<vmem_shared>>
      %dma_start3A_182 = arith.constant 0 : i32
      %dma_start3A_183 = tpu.memref_slice %arg11[%dma_start3A_182] : memref<10240xf32, #tpu.memory_space<vmem>> -> memref<512xf32, #tpu.memory_space<vmem>>
      tpu.enqueue_dma source(%dma_start3A_183 : memref<512xf32, #tpu.memory_space<vmem>>) target(%dma_start3A_181 : memref<512xf32, #tpu.memory_space<vmem_shared>>) target_semaphore(%run_scoped3A : memref<!tpu.dma_semaphore, #tpu.memory_space<semaphore_mem>>)
      %dma_wait3A = arith.constant 0 : i32
      %dma_wait3A_184 = tpu.memref_slice %arg11[%dma_wait3A] : memref<10240xf32, #tpu.memory_space<vmem>> -> memref<512xf32, #tpu.memory_space<vmem>>
      %dma_wait3A_185 = arith.constant 0 : i32
      %dma_wait3A_186 = tpu.memref_slice %arg20[%arg1, %dma_wait3A_185] : memref<16x10240xf32, #tpu.memory_space<vmem_shared>> -> memref<1x512xf32, #tpu.memory_space<vmem_shared>>
      %dma_wait3A_187 = tpu.memref_squeeze %dma_wait3A_186 : memref<1x512xf32, #tpu.memory_space<vmem_shared>> -> memref<512xf32, #tpu.memory_space<vmem_shared>>
      %dma_wait3A_188 = arith.constant 0 : i32
      %dma_wait3A_189 = tpu.memref_slice %arg20[%arg1, %dma_wait3A_188] : memref<16x10240xf32, #tpu.memory_space<vmem_shared>> -> memref<1x512xf32, #tpu.memory_space<vmem_shared>>
      %dma_wait3A_190 = tpu.memref_squeeze %dma_wait3A_189 : memref<1x512xf32, #tpu.memory_space<vmem_shared>> -> memref<512xf32, #tpu.memory_space<vmem_shared>>
      %dma_wait3A_191 = arith.constant 0 : i32
      %dma_wait3A_192 = tpu.memref_slice %arg11[%dma_wait3A_191] : memref<10240xf32, #tpu.memory_space<vmem>> -> memref<512xf32, #tpu.memory_space<vmem>>
      tpu.wait_dma2 semaphore(%run_scoped3A : memref<!tpu.dma_semaphore, #tpu.memory_space<semaphore_mem>>) src(%dma_wait3A_192 : memref<512xf32, #tpu.memory_space<vmem>>) dst(%dma_wait3A_190 : memref<512xf32, #tpu.memory_space<vmem_shared>>)
      tpu.yield
    }) : () -> ()
    "tpu.region"() ({
      %run_scoped3A = tpu.sem_alloc : memref<!tpu.dma_semaphore, #tpu.memory_space<semaphore_mem>>
      %dma_start3A = arith.constant 0 : i32
      %dma_start3A_175 = tpu.memref_slice %arg12[%dma_start3A] : memref<10240xf32, #tpu.memory_space<vmem>> -> memref<512xf32, #tpu.memory_space<vmem>>
      %dma_start3A_176 = arith.constant 0 : i32
      %dma_start3A_177 = tpu.memref_slice %arg21[%arg1, %dma_start3A_176] : memref<16x10240xf32, #tpu.memory_space<vmem_shared>> -> memref<1x512xf32, #tpu.memory_space<vmem_shared>>
      %dma_start3A_178 = tpu.memref_squeeze %dma_start3A_177 : memref<1x512xf32, #tpu.memory_space<vmem_shared>> -> memref<512xf32, #tpu.memory_space<vmem_shared>>
      %dma_start3A_179 = arith.constant 0 : i32
      %dma_start3A_180 = tpu.memref_slice %arg21[%arg1, %dma_start3A_179] : memref<16x10240xf32, #tpu.memory_space<vmem_shared>> -> memref<1x512xf32, #tpu.memory_space<vmem_shared>>
      %dma_start3A_181 = tpu.memref_squeeze %dma_start3A_180 : memref<1x512xf32, #tpu.memory_space<vmem_shared>> -> memref<512xf32, #tpu.memory_space<vmem_shared>>
      %dma_start3A_182 = arith.constant 0 : i32
      %dma_start3A_183 = tpu.memref_slice %arg12[%dma_start3A_182] : memref<10240xf32, #tpu.memory_space<vmem>> -> memref<512xf32, #tpu.memory_space<vmem>>
      tpu.enqueue_dma source(%dma_start3A_183 : memref<512xf32, #tpu.memory_space<vmem>>) target(%dma_start3A_181 : memref<512xf32, #tpu.memory_space<vmem_shared>>) target_semaphore(%run_scoped3A : memref<!tpu.dma_semaphore, #tpu.memory_space<semaphore_mem>>)
      %dma_wait3A = arith.constant 0 : i32
      %dma_wait3A_184 = tpu.memref_slice %arg12[%dma_wait3A] : memref<10240xf32, #tpu.memory_space<vmem>> -> memref<512xf32, #tpu.memory_space<vmem>>
      %dma_wait3A_185 = arith.constant 0 : i32
      %dma_wait3A_186 = tpu.memref_slice %arg21[%arg1, %dma_wait3A_185] : memref<16x10240xf32, #tpu.memory_space<vmem_shared>> -> memref<1x512xf32, #tpu.memory_space<vmem_shared>>
      %dma_wait3A_187 = tpu.memref_squeeze %dma_wait3A_186 : memref<1x512xf32, #tpu.memory_space<vmem_shared>> -> memref<512xf32, #tpu.memory_space<vmem_shared>>
      %dma_wait3A_188 = arith.constant 0 : i32
      %dma_wait3A_189 = tpu.memref_slice %arg21[%arg1, %dma_wait3A_188] : memref<16x10240xf32, #tpu.memory_space<vmem_shared>> -> memref<1x512xf32, #tpu.memory_space<vmem_shared>>
      %dma_wait3A_190 = tpu.memref_squeeze %dma_wait3A_189 : memref<1x512xf32, #tpu.memory_space<vmem_shared>> -> memref<512xf32, #tpu.memory_space<vmem_shared>>
      %dma_wait3A_191 = arith.constant 0 : i32
      %dma_wait3A_192 = tpu.memref_slice %arg12[%dma_wait3A_191] : memref<10240xf32, #tpu.memory_space<vmem>> -> memref<512xf32, #tpu.memory_space<vmem>>
      tpu.wait_dma2 semaphore(%run_scoped3A : memref<!tpu.dma_semaphore, #tpu.memory_space<semaphore_mem>>) src(%dma_wait3A_192 : memref<512xf32, #tpu.memory_space<vmem>>) dst(%dma_wait3A_190 : memref<512xf32, #tpu.memory_space<vmem_shared>>)
      tpu.yield
    }) : () -> ()
    %barrier3A_105 = arith.constant 0 : index
    tpu.barrier barrier_id(%barrier3A_105)
    "tpu.region"() ({
      %run_scoped3A = tpu.sem_alloc : memref<!tpu.dma_semaphore, #tpu.memory_space<semaphore_mem>>
      %dma_start3A = arith.constant 0 : i32
      %dma_start3A_175 = arith.constant 0 : i32
      %dma_start3A_176 = tpu.memref_slice %arg15[%dma_start3A, %dma_start3A_175] : memref<16x640xf32, #tpu.memory_space<vmem>> -> memref<16x512xf32, #tpu.memory_space<vmem>>
      %dma_start3A_177 = arith.constant 0 : i32
      %dma_start3A_178 = arith.constant 0 : i32
      %dma_start3A_179 = tpu.memref_slice %arg20[%dma_start3A_177, %dma_start3A_178] : memref<16x10240xf32, #tpu.memory_space<vmem_shared>> -> memref<16x512xf32, #tpu.memory_space<vmem_shared>>
      %dma_start3A_180 = arith.constant 0 : i32
      %dma_start3A_181 = arith.constant 0 : i32
      %dma_start3A_182 = tpu.memref_slice %arg15[%dma_start3A_180, %dma_start3A_181] : memref<16x640xf32, #tpu.memory_space<vmem>> -> memref<16x512xf32, #tpu.memory_space<vmem>>
      %dma_start3A_183 = arith.constant 0 : i32
      %dma_start3A_184 = arith.constant 0 : i32
      %dma_start3A_185 = tpu.memref_slice %arg20[%dma_start3A_183, %dma_start3A_184] : memref<16x10240xf32, #tpu.memory_space<vmem_shared>> -> memref<16x512xf32, #tpu.memory_space<vmem_shared>>
      tpu.enqueue_dma source(%dma_start3A_185 : memref<16x512xf32, #tpu.memory_space<vmem_shared>>) target(%dma_start3A_182 : memref<16x512xf32, #tpu.memory_space<vmem>>) target_semaphore(%run_scoped3A : memref<!tpu.dma_semaphore, #tpu.memory_space<semaphore_mem>>)
      %dma_wait3A = arith.constant 0 : i32
      %dma_wait3A_186 = arith.constant 0 : i32
      %dma_wait3A_187 = tpu.memref_slice %arg15[%dma_wait3A, %dma_wait3A_186] : memref<16x640xf32, #tpu.memory_space<vmem>> -> memref<16x512xf32, #tpu.memory_space<vmem>>
      %dma_wait3A_188 = arith.constant 0 : i32
      %dma_wait3A_189 = arith.constant 0 : i32
      %dma_wait3A_190 = tpu.memref_slice %arg20[%dma_wait3A_188, %dma_wait3A_189] : memref<16x10240xf32, #tpu.memory_space<vmem_shared>> -> memref<16x512xf32, #tpu.memory_space<vmem_shared>>
      %dma_wait3A_191 = arith.constant 0 : i32
      %dma_wait3A_192 = arith.constant 0 : i32
      %dma_wait3A_193 = tpu.memref_slice %arg15[%dma_wait3A_191, %dma_wait3A_192] : memref<16x640xf32, #tpu.memory_space<vmem>> -> memref<16x512xf32, #tpu.memory_space<vmem>>
      %dma_wait3A_194 = arith.constant 0 : i32
      %dma_wait3A_195 = arith.constant 0 : i32
      %dma_wait3A_196 = tpu.memref_slice %arg20[%dma_wait3A_194, %dma_wait3A_195] : memref<16x10240xf32, #tpu.memory_space<vmem_shared>> -> memref<16x512xf32, #tpu.memory_space<vmem_shared>>
      tpu.wait_dma2 semaphore(%run_scoped3A : memref<!tpu.dma_semaphore, #tpu.memory_space<semaphore_mem>>) src(%dma_wait3A_196 : memref<16x512xf32, #tpu.memory_space<vmem_shared>>) dst(%dma_wait3A_193 : memref<16x512xf32, #tpu.memory_space<vmem>>)
      tpu.yield
    }) : () -> ()
    %scan3A_106 = arith.constant 0 : i32
    %scan3A_107 = arith.constant 2 : i32
    %scan3A_108 = arith.addi %scan3A_106, %scan3A_107 : i32
    %scan3A_109 = arith.constant 1 : i32
    scf.for %scan3A_175 = %scan3A_106 to %scan3A_108 step %scan3A_109  : i32 {
      %mul3A_176 = arith.constant 16 : i32
      %mul3A_177 = arith.muli %scan3A_175, %mul3A_176 : i32
      %add3A_178 = arith.addi %mul3A_83, %mul3A_177 : i32
      %get3A = arith.constant 0 : i32
      %get3A_179 = arith.index_cast %get3A : i32 to index
      %get3A_180 = arith.index_cast %add3A_178 : i32 to index
      %get3A_181 = tpu.vector_load %arg15[%get3A_179, %get3A_180] {strides = array<i32>} : memref<16x640xf32, #tpu.memory_space<vmem>>, vector<16xf32>,
      %mul3A_182 = arith.constant 16 : i32
      %mul3A_183 = arith.muli %scan3A_175, %mul3A_182 : i32
      %add3A_184 = arith.addi %mul3A_83, %mul3A_183 : i32
      %get3A_185 = arith.constant 1 : i32
      %get3A_186 = arith.index_cast %get3A_185 : i32 to index
      %get3A_187 = arith.index_cast %add3A_184 : i32 to index
      %get3A_188 = tpu.vector_load %arg15[%get3A_186, %get3A_187] {strides = array<i32>} : memref<16x640xf32, #tpu.memory_space<vmem>>, vector<16xf32>,
      %add3A_189 = arith.addf %get3A_181, %get3A_188 : vector<16xf32>
      %mul3A_190 = arith.constant 16 : i32
      %mul3A_191 = arith.muli %scan3A_175, %mul3A_190 : i32
      %add3A_192 = arith.addi %mul3A_83, %mul3A_191 : i32
      %get3A_193 = arith.constant 2 : i32
      %get3A_194 = arith.index_cast %get3A_193 : i32 to index
      %get3A_195 = arith.index_cast %add3A_192 : i32 to index
      %get3A_196 = tpu.vector_load %arg15[%get3A_194, %get3A_195] {strides = array<i32>} : memref<16x640xf32, #tpu.memory_space<vmem>>, vector<16xf32>,
      %add3A_197 = arith.addf %add3A_189, %get3A_196 : vector<16xf32>
      %mul3A_198 = arith.constant 16 : i32
      %mul3A_199 = arith.muli %scan3A_175, %mul3A_198 : i32
      %add3A_200 = arith.addi %mul3A_83, %mul3A_199 : i32
      %get3A_201 = arith.constant 3 : i32
      %get3A_202 = arith.index_cast %get3A_201 : i32 to index
      %get3A_203 = arith.index_cast %add3A_200 : i32 to index
      %get3A_204 = tpu.vector_load %arg15[%get3A_202, %get3A_203] {strides = array<i32>} : memref<16x640xf32, #tpu.memory_space<vmem>>, vector<16xf32>,
      %add3A_205 = arith.addf %add3A_197, %get3A_204 : vector<16xf32>
      %mul3A_206 = arith.constant 16 : i32
      %mul3A_207 = arith.muli %scan3A_175, %mul3A_206 : i32
      %add3A_208 = arith.addi %mul3A_83, %mul3A_207 : i32
      %get3A_209 = arith.constant 4 : i32
      %get3A_210 = arith.index_cast %get3A_209 : i32 to index
      %get3A_211 = arith.index_cast %add3A_208 : i32 to index
      %get3A_212 = tpu.vector_load %arg15[%get3A_210, %get3A_211] {strides = array<i32>} : memref<16x640xf32, #tpu.memory_space<vmem>>, vector<16xf32>,
      %add3A_213 = arith.addf %add3A_205, %get3A_212 : vector<16xf32>
      %mul3A_214 = arith.constant 16 : i32
      %mul3A_215 = arith.muli %scan3A_175, %mul3A_214 : i32
      %add3A_216 = arith.addi %mul3A_83, %mul3A_215 : i32
      %get3A_217 = arith.constant 5 : i32
      %get3A_218 = arith.index_cast %get3A_217 : i32 to index
      %get3A_219 = arith.index_cast %add3A_216 : i32 to index
      %get3A_220 = tpu.vector_load %arg15[%get3A_218, %get3A_219] {strides = array<i32>} : memref<16x640xf32, #tpu.memory_space<vmem>>, vector<16xf32>,
      %add3A_221 = arith.addf %add3A_213, %get3A_220 : vector<16xf32>
      %mul3A_222 = arith.constant 16 : i32
      %mul3A_223 = arith.muli %scan3A_175, %mul3A_222 : i32
      %add3A_224 = arith.addi %mul3A_83, %mul3A_223 : i32
      %get3A_225 = arith.constant 6 : i32
      %get3A_226 = arith.index_cast %get3A_225 : i32 to index
      %get3A_227 = arith.index_cast %add3A_224 : i32 to index
      %get3A_228 = tpu.vector_load %arg15[%get3A_226, %get3A_227] {strides = array<i32>} : memref<16x640xf32, #tpu.memory_space<vmem>>, vector<16xf32>,
      %add3A_229 = arith.addf %add3A_221, %get3A_228 : vector<16xf32>
      %mul3A_230 = arith.constant 16 : i32
      %mul3A_231 = arith.muli %scan3A_175, %mul3A_230 : i32
      %add3A_232 = arith.addi %mul3A_83, %mul3A_231 : i32
      %get3A_233 = arith.constant 7 : i32
      %get3A_234 = arith.index_cast %get3A_233 : i32 to index
      %get3A_235 = arith.index_cast %add3A_232 : i32 to index
      %get3A_236 = tpu.vector_load %arg15[%get3A_234, %get3A_235] {strides = array<i32>} : memref<16x640xf32, #tpu.memory_space<vmem>>, vector<16xf32>,
      %add3A_237 = arith.addf %add3A_229, %get3A_236 : vector<16xf32>
      %mul3A_238 = arith.constant 16 : i32
      %mul3A_239 = arith.muli %scan3A_175, %mul3A_238 : i32
      %add3A_240 = arith.addi %mul3A_83, %mul3A_239 : i32
      %get3A_241 = arith.constant 8 : i32
      %get3A_242 = arith.index_cast %get3A_241 : i32 to index
      %get3A_243 = arith.index_cast %add3A_240 : i32 to index
      %get3A_244 = tpu.vector_load %arg15[%get3A_242, %get3A_243] {strides = array<i32>} : memref<16x640xf32, #tpu.memory_space<vmem>>, vector<16xf32>,
      %add3A_245 = arith.addf %add3A_237, %get3A_244 : vector<16xf32>
      %mul3A_246 = arith.constant 16 : i32
      %mul3A_247 = arith.muli %scan3A_175, %mul3A_246 : i32
      %add3A_248 = arith.addi %mul3A_83, %mul3A_247 : i32
      %get3A_249 = arith.constant 9 : i32
      %get3A_250 = arith.index_cast %get3A_249 : i32 to index
      %get3A_251 = arith.index_cast %add3A_248 : i32 to index
      %get3A_252 = tpu.vector_load %arg15[%get3A_250, %get3A_251] {strides = array<i32>} : memref<16x640xf32, #tpu.memory_space<vmem>>, vector<16xf32>,
      %add3A_253 = arith.addf %add3A_245, %get3A_252 : vector<16xf32>
      %mul3A_254 = arith.constant 16 : i32
      %mul3A_255 = arith.muli %scan3A_175, %mul3A_254 : i32
      %add3A_256 = arith.addi %mul3A_83, %mul3A_255 : i32
      %get3A_257 = arith.constant 10 : i32
      %get3A_258 = arith.index_cast %get3A_257 : i32 to index
      %get3A_259 = arith.index_cast %add3A_256 : i32 to index
      %get3A_260 = tpu.vector_load %arg15[%get3A_258, %get3A_259] {strides = array<i32>} : memref<16x640xf32, #tpu.memory_space<vmem>>, vector<16xf32>,
      %add3A_261 = arith.addf %add3A_253, %get3A_260 : vector<16xf32>
      %mul3A_262 = arith.constant 16 : i32
      %mul3A_263 = arith.muli %scan3A_175, %mul3A_262 : i32
      %add3A_264 = arith.addi %mul3A_83, %mul3A_263 : i32
      %get3A_265 = arith.constant 11 : i32
      %get3A_266 = arith.index_cast %get3A_265 : i32 to index
      %get3A_267 = arith.index_cast %add3A_264 : i32 to index
      %get3A_268 = tpu.vector_load %arg15[%get3A_266, %get3A_267] {strides = array<i32>} : memref<16x640xf32, #tpu.memory_space<vmem>>, vector<16xf32>,
      %add3A_269 = arith.addf %add3A_261, %get3A_268 : vector<16xf32>
      %mul3A_270 = arith.constant 16 : i32
      %mul3A_271 = arith.muli %scan3A_175, %mul3A_270 : i32
      %add3A_272 = arith.addi %mul3A_83, %mul3A_271 : i32
      %get3A_273 = arith.constant 12 : i32
      %get3A_274 = arith.index_cast %get3A_273 : i32 to index
      %get3A_275 = arith.index_cast %add3A_272 : i32 to index
      %get3A_276 = tpu.vector_load %arg15[%get3A_274, %get3A_275] {strides = array<i32>} : memref<16x640xf32, #tpu.memory_space<vmem>>, vector<16xf32>,
      %add3A_277 = arith.addf %add3A_269, %get3A_276 : vector<16xf32>
      %mul3A_278 = arith.constant 16 : i32
      %mul3A_279 = arith.muli %scan3A_175, %mul3A_278 : i32
      %add3A_280 = arith.addi %mul3A_83, %mul3A_279 : i32
      %get3A_281 = arith.constant 13 : i32
      %get3A_282 = arith.index_cast %get3A_281 : i32 to index
      %get3A_283 = arith.index_cast %add3A_280 : i32 to index
      %get3A_284 = tpu.vector_load %arg15[%get3A_282, %get3A_283] {strides = array<i32>} : memref<16x640xf32, #tpu.memory_space<vmem>>, vector<16xf32>,
      %add3A_285 = arith.addf %add3A_277, %get3A_284 : vector<16xf32>
      %mul3A_286 = arith.constant 16 : i32
      %mul3A_287 = arith.muli %scan3A_175, %mul3A_286 : i32
      %add3A_288 = arith.addi %mul3A_83, %mul3A_287 : i32
      %get3A_289 = arith.constant 14 : i32
      %get3A_290 = arith.index_cast %get3A_289 : i32 to index
      %get3A_291 = arith.index_cast %add3A_288 : i32 to index
      %get3A_292 = tpu.vector_load %arg15[%get3A_290, %get3A_291] {strides = array<i32>} : memref<16x640xf32, #tpu.memory_space<vmem>>, vector<16xf32>,
      %add3A_293 = arith.addf %add3A_285, %get3A_292 : vector<16xf32>
      %mul3A_294 = arith.constant 16 : i32
      %mul3A_295 = arith.muli %scan3A_175, %mul3A_294 : i32
      %add3A_296 = arith.addi %mul3A_83, %mul3A_295 : i32
      %get3A_297 = arith.constant 15 : i32
      %get3A_298 = arith.index_cast %get3A_297 : i32 to index
      %get3A_299 = arith.index_cast %add3A_296 : i32 to index
      %get3A_300 = tpu.vector_load %arg15[%get3A_298, %get3A_299] {strides = array<i32>} : memref<16x640xf32, #tpu.memory_space<vmem>>, vector<16xf32>,
      %add3A_301 = arith.addf %add3A_293, %get3A_300 : vector<16xf32>
      %mul3A_302 = arith.constant 16 : i32
      %mul3A_303 = arith.muli %scan3A_175, %mul3A_302 : i32
      %swap3A = arith.index_cast %mul3A_303 : i32 to index
      %swap3A_304 = tpu.vector_load %arg10[%swap3A] {strides = array<i32>} : memref<10240xf32, #tpu.memory_space<vmem>>, vector<16xf32>,
      tpu.vector_store %arg10[%swap3A], %add3A_301 {strides = array<i32>} : memref<10240xf32, #tpu.memory_space<vmem>>, vector<16xf32>,
    }
    %scan3A_110 = arith.constant 2 : i32
    "tpu.region"() ({
      %run_scoped3A = tpu.sem_alloc : memref<!tpu.dma_semaphore, #tpu.memory_space<semaphore_mem>>
      %dma_start3A = arith.constant 0 : i32
      %dma_start3A_175 = arith.constant 0 : i32
      %dma_start3A_176 = tpu.memref_slice %arg15[%dma_start3A, %dma_start3A_175] : memref<16x640xf32, #tpu.memory_space<vmem>> -> memref<16x512xf32, #tpu.memory_space<vmem>>
      %dma_start3A_177 = arith.constant 0 : i32
      %dma_start3A_178 = arith.constant 0 : i32
      %dma_start3A_179 = tpu.memref_slice %arg21[%dma_start3A_177, %dma_start3A_178] : memref<16x10240xf32, #tpu.memory_space<vmem_shared>> -> memref<16x512xf32, #tpu.memory_space<vmem_shared>>
      %dma_start3A_180 = arith.constant 0 : i32
      %dma_start3A_181 = arith.constant 0 : i32
      %dma_start3A_182 = tpu.memref_slice %arg15[%dma_start3A_180, %dma_start3A_181] : memref<16x640xf32, #tpu.memory_space<vmem>> -> memref<16x512xf32, #tpu.memory_space<vmem>>
      %dma_start3A_183 = arith.constant 0 : i32
      %dma_start3A_184 = arith.constant 0 : i32
      %dma_start3A_185 = tpu.memref_slice %arg21[%dma_start3A_183, %dma_start3A_184] : memref<16x10240xf32, #tpu.memory_space<vmem_shared>> -> memref<16x512xf32, #tpu.memory_space<vmem_shared>>
      tpu.enqueue_dma source(%dma_start3A_185 : memref<16x512xf32, #tpu.memory_space<vmem_shared>>) target(%dma_start3A_182 : memref<16x512xf32, #tpu.memory_space<vmem>>) target_semaphore(%run_scoped3A : memref<!tpu.dma_semaphore, #tpu.memory_space<semaphore_mem>>)
      %dma_wait3A = arith.constant 0 : i32
      %dma_wait3A_186 = arith.constant 0 : i32
      %dma_wait3A_187 = tpu.memref_slice %arg15[%dma_wait3A, %dma_wait3A_186] : memref<16x640xf32, #tpu.memory_space<vmem>> -> memref<16x512xf32, #tpu.memory_space<vmem>>
      %dma_wait3A_188 = arith.constant 0 : i32
      %dma_wait3A_189 = arith.constant 0 : i32
      %dma_wait3A_190 = tpu.memref_slice %arg21[%dma_wait3A_188, %dma_wait3A_189] : memref<16x10240xf32, #tpu.memory_space<vmem_shared>> -> memref<16x512xf32, #tpu.memory_space<vmem_shared>>
      %dma_wait3A_191 = arith.constant 0 : i32
      %dma_wait3A_192 = arith.constant 0 : i32
      %dma_wait3A_193 = tpu.memref_slice %arg15[%dma_wait3A_191, %dma_wait3A_192] : memref<16x640xf32, #tpu.memory_space<vmem>> -> memref<16x512xf32, #tpu.memory_space<vmem>>
      %dma_wait3A_194 = arith.constant 0 : i32
      %dma_wait3A_195 = arith.constant 0 : i32
      %dma_wait3A_196 = tpu.memref_slice %arg21[%dma_wait3A_194, %dma_wait3A_195] : memref<16x10240xf32, #tpu.memory_space<vmem_shared>> -> memref<16x512xf32, #tpu.memory_space<vmem_shared>>
      tpu.wait_dma2 semaphore(%run_scoped3A : memref<!tpu.dma_semaphore, #tpu.memory_space<semaphore_mem>>) src(%dma_wait3A_196 : memref<16x512xf32, #tpu.memory_space<vmem_shared>>) dst(%dma_wait3A_193 : memref<16x512xf32, #tpu.memory_space<vmem>>)
      tpu.yield
    }) : () -> ()
    %scan3A_111 = arith.constant 0 : i32
    %scan3A_112 = arith.constant 2 : i32
    %scan3A_113 = arith.addi %scan3A_111, %scan3A_112 : i32
    %scan3A_114 = arith.constant 1 : i32
    scf.for %scan3A_175 = %scan3A_111 to %scan3A_113 step %scan3A_114  : i32 {
      %mul3A_176 = arith.constant 16 : i32
      %mul3A_177 = arith.muli %scan3A_175, %mul3A_176 : i32
      %add3A_178 = arith.addi %mul3A_83, %mul3A_177 : i32
      %get3A = arith.constant 0 : i32
      %get3A_179 = arith.index_cast %get3A : i32 to index
      %get3A_180 = arith.index_cast %add3A_178 : i32 to index
      %get3A_181 = tpu.vector_load %arg15[%get3A_179, %get3A_180] {strides = array<i32>} : memref<16x640xf32, #tpu.memory_space<vmem>>, vector<16xf32>,
      %mul3A_182 = arith.constant 16 : i32
      %mul3A_183 = arith.muli %scan3A_175, %mul3A_182 : i32
      %add3A_184 = arith.addi %mul3A_83, %mul3A_183 : i32
      %get3A_185 = arith.constant 1 : i32
      %get3A_186 = arith.index_cast %get3A_185 : i32 to index
      %get3A_187 = arith.index_cast %add3A_184 : i32 to index
      %get3A_188 = tpu.vector_load %arg15[%get3A_186, %get3A_187] {strides = array<i32>} : memref<16x640xf32, #tpu.memory_space<vmem>>, vector<16xf32>,
      %add3A_189 = arith.addf %get3A_181, %get3A_188 : vector<16xf32>
      %mul3A_190 = arith.constant 16 : i32
      %mul3A_191 = arith.muli %scan3A_175, %mul3A_190 : i32
      %add3A_192 = arith.addi %mul3A_83, %mul3A_191 : i32
      %get3A_193 = arith.constant 2 : i32
      %get3A_194 = arith.index_cast %get3A_193 : i32 to index
      %get3A_195 = arith.index_cast %add3A_192 : i32 to index
      %get3A_196 = tpu.vector_load %arg15[%get3A_194, %get3A_195] {strides = array<i32>} : memref<16x640xf32, #tpu.memory_space<vmem>>, vector<16xf32>,
      %add3A_197 = arith.addf %add3A_189, %get3A_196 : vector<16xf32>
      %mul3A_198 = arith.constant 16 : i32
      %mul3A_199 = arith.muli %scan3A_175, %mul3A_198 : i32
      %add3A_200 = arith.addi %mul3A_83, %mul3A_199 : i32
      %get3A_201 = arith.constant 3 : i32
      %get3A_202 = arith.index_cast %get3A_201 : i32 to index
      %get3A_203 = arith.index_cast %add3A_200 : i32 to index
      %get3A_204 = tpu.vector_load %arg15[%get3A_202, %get3A_203] {strides = array<i32>} : memref<16x640xf32, #tpu.memory_space<vmem>>, vector<16xf32>,
      %add3A_205 = arith.addf %add3A_197, %get3A_204 : vector<16xf32>
      %mul3A_206 = arith.constant 16 : i32
      %mul3A_207 = arith.muli %scan3A_175, %mul3A_206 : i32
      %add3A_208 = arith.addi %mul3A_83, %mul3A_207 : i32
      %get3A_209 = arith.constant 4 : i32
      %get3A_210 = arith.index_cast %get3A_209 : i32 to index
      %get3A_211 = arith.index_cast %add3A_208 : i32 to index
      %get3A_212 = tpu.vector_load %arg15[%get3A_210, %get3A_211] {strides = array<i32>} : memref<16x640xf32, #tpu.memory_space<vmem>>, vector<16xf32>,
      %add3A_213 = arith.addf %add3A_205, %get3A_212 : vector<16xf32>
      %mul3A_214 = arith.constant 16 : i32
      %mul3A_215 = arith.muli %scan3A_175, %mul3A_214 : i32
      %add3A_216 = arith.addi %mul3A_83, %mul3A_215 : i32
      %get3A_217 = arith.constant 5 : i32
      %get3A_218 = arith.index_cast %get3A_217 : i32 to index
      %get3A_219 = arith.index_cast %add3A_216 : i32 to index
      %get3A_220 = tpu.vector_load %arg15[%get3A_218, %get3A_219] {strides = array<i32>} : memref<16x640xf32, #tpu.memory_space<vmem>>, vector<16xf32>,
      %add3A_221 = arith.addf %add3A_213, %get3A_220 : vector<16xf32>
      %mul3A_222 = arith.constant 16 : i32
      %mul3A_223 = arith.muli %scan3A_175, %mul3A_222 : i32
      %add3A_224 = arith.addi %mul3A_83, %mul3A_223 : i32
      %get3A_225 = arith.constant 6 : i32
      %get3A_226 = arith.index_cast %get3A_225 : i32 to index
      %get3A_227 = arith.index_cast %add3A_224 : i32 to index
      %get3A_228 = tpu.vector_load %arg15[%get3A_226, %get3A_227] {strides = array<i32>} : memref<16x640xf32, #tpu.memory_space<vmem>>, vector<16xf32>,
      %add3A_229 = arith.addf %add3A_221, %get3A_228 : vector<16xf32>
      %mul3A_230 = arith.constant 16 : i32
      %mul3A_231 = arith.muli %scan3A_175, %mul3A_230 : i32
      %add3A_232 = arith.addi %mul3A_83, %mul3A_231 : i32
      %get3A_233 = arith.constant 7 : i32
      %get3A_234 = arith.index_cast %get3A_233 : i32 to index
      %get3A_235 = arith.index_cast %add3A_232 : i32 to index
      %get3A_236 = tpu.vector_load %arg15[%get3A_234, %get3A_235] {strides = array<i32>} : memref<16x640xf32, #tpu.memory_space<vmem>>, vector<16xf32>,
      %add3A_237 = arith.addf %add3A_229, %get3A_236 : vector<16xf32>
      %mul3A_238 = arith.constant 16 : i32
      %mul3A_239 = arith.muli %scan3A_175, %mul3A_238 : i32
      %add3A_240 = arith.addi %mul3A_83, %mul3A_239 : i32
      %get3A_241 = arith.constant 8 : i32
      %get3A_242 = arith.index_cast %get3A_241 : i32 to index
      %get3A_243 = arith.index_cast %add3A_240 : i32 to index
      %get3A_244 = tpu.vector_load %arg15[%get3A_242, %get3A_243] {strides = array<i32>} : memref<16x640xf32, #tpu.memory_space<vmem>>, vector<16xf32>,
      %add3A_245 = arith.addf %add3A_237, %get3A_244 : vector<16xf32>
      %mul3A_246 = arith.constant 16 : i32
      %mul3A_247 = arith.muli %scan3A_175, %mul3A_246 : i32
      %add3A_248 = arith.addi %mul3A_83, %mul3A_247 : i32
      %get3A_249 = arith.constant 9 : i32
      %get3A_250 = arith.index_cast %get3A_249 : i32 to index
      %get3A_251 = arith.index_cast %add3A_248 : i32 to index
      %get3A_252 = tpu.vector_load %arg15[%get3A_250, %get3A_251] {strides = array<i32>} : memref<16x640xf32, #tpu.memory_space<vmem>>, vector<16xf32>,
      %add3A_253 = arith.addf %add3A_245, %get3A_252 : vector<16xf32>
      %mul3A_254 = arith.constant 16 : i32
      %mul3A_255 = arith.muli %scan3A_175, %mul3A_254 : i32
      %add3A_256 = arith.addi %mul3A_83, %mul3A_255 : i32
      %get3A_257 = arith.constant 10 : i32
      %get3A_258 = arith.index_cast %get3A_257 : i32 to index
      %get3A_259 = arith.index_cast %add3A_256 : i32 to index
      %get3A_260 = tpu.vector_load %arg15[%get3A_258, %get3A_259] {strides = array<i32>} : memref<16x640xf32, #tpu.memory_space<vmem>>, vector<16xf32>,
      %add3A_261 = arith.addf %add3A_253, %get3A_260 : vector<16xf32>
      %mul3A_262 = arith.constant 16 : i32
      %mul3A_263 = arith.muli %scan3A_175, %mul3A_262 : i32
      %add3A_264 = arith.addi %mul3A_83, %mul3A_263 : i32
      %get3A_265 = arith.constant 11 : i32
      %get3A_266 = arith.index_cast %get3A_265 : i32 to index
      %get3A_267 = arith.index_cast %add3A_264 : i32 to index
      %get3A_268 = tpu.vector_load %arg15[%get3A_266, %get3A_267] {strides = array<i32>} : memref<16x640xf32, #tpu.memory_space<vmem>>, vector<16xf32>,
      %add3A_269 = arith.addf %add3A_261, %get3A_268 : vector<16xf32>
      %mul3A_270 = arith.constant 16 : i32
      %mul3A_271 = arith.muli %scan3A_175, %mul3A_270 : i32
      %add3A_272 = arith.addi %mul3A_83, %mul3A_271 : i32
      %get3A_273 = arith.constant 12 : i32
      %get3A_274 = arith.index_cast %get3A_273 : i32 to index
      %get3A_275 = arith.index_cast %add3A_272 : i32 to index
      %get3A_276 = tpu.vector_load %arg15[%get3A_274, %get3A_275] {strides = array<i32>} : memref<16x640xf32, #tpu.memory_space<vmem>>, vector<16xf32>,
      %add3A_277 = arith.addf %add3A_269, %get3A_276 : vector<16xf32>
      %mul3A_278 = arith.constant 16 : i32
      %mul3A_279 = arith.muli %scan3A_175, %mul3A_278 : i32
      %add3A_280 = arith.addi %mul3A_83, %mul3A_279 : i32
      %get3A_281 = arith.constant 13 : i32
      %get3A_282 = arith.index_cast %get3A_281 : i32 to index
      %get3A_283 = arith.index_cast %add3A_280 : i32 to index
      %get3A_284 = tpu.vector_load %arg15[%get3A_282, %get3A_283] {strides = array<i32>} : memref<16x640xf32, #tpu.memory_space<vmem>>, vector<16xf32>,
      %add3A_285 = arith.addf %add3A_277, %get3A_284 : vector<16xf32>
      %mul3A_286 = arith.constant 16 : i32
      %mul3A_287 = arith.muli %scan3A_175, %mul3A_286 : i32
      %add3A_288 = arith.addi %mul3A_83, %mul3A_287 : i32
      %get3A_289 = arith.constant 14 : i32
      %get3A_290 = arith.index_cast %get3A_289 : i32 to index
      %get3A_291 = arith.index_cast %add3A_288 : i32 to index
      %get3A_292 = tpu.vector_load %arg15[%get3A_290, %get3A_291] {strides = array<i32>} : memref<16x640xf32, #tpu.memory_space<vmem>>, vector<16xf32>,
      %add3A_293 = arith.addf %add3A_285, %get3A_292 : vector<16xf32>
      %mul3A_294 = arith.constant 16 : i32
      %mul3A_295 = arith.muli %scan3A_175, %mul3A_294 : i32
      %add3A_296 = arith.addi %mul3A_83, %mul3A_295 : i32
      %get3A_297 = arith.constant 15 : i32
      %get3A_298 = arith.index_cast %get3A_297 : i32 to index
      %get3A_299 = arith.index_cast %add3A_296 : i32 to index
      %get3A_300 = tpu.vector_load %arg15[%get3A_298, %get3A_299] {strides = array<i32>} : memref<16x640xf32, #tpu.memory_space<vmem>>, vector<16xf32>,
      %add3A_301 = arith.addf %add3A_293, %get3A_300 : vector<16xf32>
      %mul3A_302 = arith.constant 16 : i32
      %mul3A_303 = arith.muli %scan3A_175, %mul3A_302 : i32
      %swap3A = arith.index_cast %mul3A_303 : i32 to index
      %swap3A_304 = tpu.vector_load %arg14[%swap3A] {strides = array<i32>} : memref<640xf32, #tpu.memory_space<vmem>>, vector<16xf32>,
      tpu.vector_store %arg14[%swap3A], %add3A_301 {strides = array<i32>} : memref<640xf32, #tpu.memory_space<vmem>>, vector<16xf32>,
    }
    %scan3A_115 = arith.constant 2 : i32
    %scan3A_116 = arith.constant 0 : i32
    %scan3A_117 = arith.constant 2 : i32
    %scan3A_118 = arith.addi %scan3A_116, %scan3A_117 : i32
    %scan3A_119 = arith.constant 1 : i32
    scf.for %scan3A_175 = %scan3A_116 to %scan3A_118 step %scan3A_119  : i32 {
      %mul3A_176 = arith.constant 16 : i32
      %mul3A_177 = arith.muli %scan3A_175, %mul3A_176 : i32
      %get3A = arith.index_cast %mul3A_177 : i32 to index
      %get3A_178 = tpu.vector_load %arg10[%get3A] {strides = array<i32>} : memref<10240xf32, #tpu.memory_space<vmem>>, vector<16xf32>,
      %mul3A_179 = arith.constant 16 : i32
      %mul3A_180 = arith.muli %scan3A_175, %mul3A_179 : i32
      %get3A_181 = arith.index_cast %mul3A_180 : i32 to index
      %get3A_182 = tpu.vector_load %arg14[%get3A_181] {strides = array<i32>} : memref<640xf32, #tpu.memory_space<vmem>>, vector<16xf32>,
      %add3A_183 = arith.constant 1.000000e+00 : f32
      %add3A_184 = vector.broadcast %add3A_183 : f32 to vector<16xf32>
      %add3A_185 = arith.addf %get3A_182, %add3A_184 : vector<16xf32>
      %bitcast3A = vector.bitcast %add3A_185 : vector<16xf32> to vector<16xi32>
      %shift_right_arithmetic3A = arith.constant 1 : i32
      %shift_right_arithmetic3A_186 = vector.broadcast %shift_right_arithmetic3A : i32 to vector<16xi32>
      %shift_right_arithmetic3A_187 = arith.shrsi %bitcast3A, %shift_right_arithmetic3A_186 : vector<16xi32>
      %sub3A = arith.constant 1597463007 : i32
      %sub3A_188 = vector.broadcast %sub3A : i32 to vector<16xi32>
      %sub3A_189 = arith.subi %sub3A_188, %shift_right_arithmetic3A_187 : vector<16xi32>
      %bitcast3A_190 = vector.bitcast %sub3A_189 : vector<16xi32> to vector<16xf32>
      %mul3A_191 = arith.constant 5.000000e-01 : f32
      %mul3A_192 = vector.broadcast %mul3A_191 : f32 to vector<16xf32>
      %mul3A_193 = arith.mulf %add3A_185, %mul3A_192 : vector<16xf32>
      %mul3A_194 = arith.mulf %mul3A_193, %bitcast3A_190 : vector<16xf32>
      %mul3A_195 = arith.mulf %mul3A_194, %bitcast3A_190 : vector<16xf32>
      %sub3A_196 = arith.constant 1.500000e+00 : f32
      %sub3A_197 = vector.broadcast %sub3A_196 : f32 to vector<16xf32>
      %sub3A_198 = arith.subf %sub3A_197, %mul3A_195 : vector<16xf32>
      %mul3A_199 = arith.mulf %bitcast3A_190, %sub3A_198 : vector<16xf32>
      %mul3A_200 = arith.mulf %mul3A_193, %mul3A_199 : vector<16xf32>
      %mul3A_201 = arith.mulf %mul3A_200, %mul3A_199 : vector<16xf32>
      %sub3A_202 = arith.constant 1.500000e+00 : f32
      %sub3A_203 = vector.broadcast %sub3A_202 : f32 to vector<16xf32>
      %sub3A_204 = arith.subf %sub3A_203, %mul3A_201 : vector<16xf32>
      %mul3A_205 = arith.mulf %mul3A_199, %sub3A_204 : vector<16xf32>
      %mul3A_206 = arith.mulf %mul3A_193, %mul3A_205 : vector<16xf32>
      %mul3A_207 = arith.mulf %mul3A_206, %mul3A_205 : vector<16xf32>
      %sub3A_208 = arith.constant 1.500000e+00 : f32
      %sub3A_209 = vector.broadcast %sub3A_208 : f32 to vector<16xf32>
      %sub3A_210 = arith.subf %sub3A_209, %mul3A_207 : vector<16xf32>
      %mul3A_211 = arith.mulf %mul3A_205, %sub3A_210 : vector<16xf32>
      %mul3A_212 = arith.constant 16 : i32
      %mul3A_213 = arith.muli %scan3A_175, %mul3A_212 : i32
      %swap3A = arith.index_cast %mul3A_213 : i32 to index
      %swap3A_214 = tpu.vector_load %arg13[%swap3A] {strides = array<i32>} : memref<640xf32, #tpu.memory_space<vmem>>, vector<16xf32>,
      tpu.vector_store %arg13[%swap3A], %mul3A_211 {strides = array<i32>} : memref<640xf32, #tpu.memory_space<vmem>>, vector<16xf32>,
      %mul3A_215 = arith.mulf %get3A_178, %mul3A_211 : vector<16xf32>
      %mul3A_216 = arith.constant 16 : i32
      %mul3A_217 = arith.muli %scan3A_175, %mul3A_216 : i32
      %swap3A_218 = arith.index_cast %mul3A_217 : i32 to index
      %swap3A_219 = tpu.vector_load %arg14[%swap3A_218] {strides = array<i32>} : memref<640xf32, #tpu.memory_space<vmem>>, vector<16xf32>,
      tpu.vector_store %arg14[%swap3A_218], %mul3A_215 {strides = array<i32>} : memref<640xf32, #tpu.memory_space<vmem>>, vector<16xf32>,
    }
    %scan3A_120 = arith.constant 2 : i32
    "tpu.region"() ({
      %run_scoped3A = tpu.sem_alloc : memref<!tpu.dma_semaphore, #tpu.memory_space<semaphore_mem>>
      %dma_start3A = arith.constant 0 : i32
      %dma_start3A_175 = tpu.memref_slice %arg14[%dma_start3A] : memref<640xf32, #tpu.memory_space<vmem>> -> memref<32xf32, #tpu.memory_space<vmem>>
      %dma_start3A_176 = tpu.memref_slice %arg22[%mul3A_83] : memref<10240xf32, #tpu.memory_space<vmem_shared>> -> memref<32xf32, #tpu.memory_space<vmem_shared>>
      %dma_start3A_177 = tpu.memref_slice %arg22[%mul3A_83] : memref<10240xf32, #tpu.memory_space<vmem_shared>> -> memref<32xf32, #tpu.memory_space<vmem_shared>>
      %dma_start3A_178 = arith.constant 0 : i32
      %dma_start3A_179 = tpu.memref_slice %arg14[%dma_start3A_178] : memref<640xf32, #tpu.memory_space<vmem>> -> memref<32xf32, #tpu.memory_space<vmem>>
      tpu.enqueue_dma source(%dma_start3A_179 : memref<32xf32, #tpu.memory_space<vmem>>) target(%dma_start3A_177 : memref<32xf32, #tpu.memory_space<vmem_shared>>) target_semaphore(%run_scoped3A : memref<!tpu.dma_semaphore, #tpu.memory_space<semaphore_mem>>)
      %dma_wait3A = arith.constant 0 : i32
      %dma_wait3A_180 = tpu.memref_slice %arg14[%dma_wait3A] : memref<640xf32, #tpu.memory_space<vmem>> -> memref<32xf32, #tpu.memory_space<vmem>>
      %dma_wait3A_181 = tpu.memref_slice %arg22[%mul3A_83] : memref<10240xf32, #tpu.memory_space<vmem_shared>> -> memref<32xf32, #tpu.memory_space<vmem_shared>>
      %dma_wait3A_182 = tpu.memref_slice %arg22[%mul3A_83] : memref<10240xf32, #tpu.memory_space<vmem_shared>> -> memref<32xf32, #tpu.memory_space<vmem_shared>>
      %dma_wait3A_183 = arith.constant 0 : i32
      %dma_wait3A_184 = tpu.memref_slice %arg14[%dma_wait3A_183] : memref<640xf32, #tpu.memory_space<vmem>> -> memref<32xf32, #tpu.memory_space<vmem>>
      tpu.wait_dma2 semaphore(%run_scoped3A : memref<!tpu.dma_semaphore, #tpu.memory_space<semaphore_mem>>) src(%dma_wait3A_184 : memref<32xf32, #tpu.memory_space<vmem>>) dst(%dma_wait3A_182 : memref<32xf32, #tpu.memory_space<vmem_shared>>)
      tpu.yield
    }) : () -> ()
    %barrier3A_121 = arith.constant 0 : index
    tpu.barrier barrier_id(%barrier3A_121)
    "tpu.region"() ({
      %run_scoped3A = tpu.sem_alloc : memref<!tpu.dma_semaphore, #tpu.memory_space<semaphore_mem>>
      %dma_start3A = arith.constant 0 : i32
      %dma_start3A_175 = tpu.memref_slice %arg10[%dma_start3A] : memref<10240xf32, #tpu.memory_space<vmem>> -> memref<512xf32, #tpu.memory_space<vmem>>
      %dma_start3A_176 = arith.constant 0 : i32
      %dma_start3A_177 = tpu.memref_slice %arg22[%dma_start3A_176] : memref<10240xf32, #tpu.memory_space<vmem_shared>> -> memref<512xf32, #tpu.memory_space<vmem_shared>>
      %dma_start3A_178 = arith.constant 0 : i32
      %dma_start3A_179 = tpu.memref_slice %arg10[%dma_start3A_178] : memref<10240xf32, #tpu.memory_space<vmem>> -> memref<512xf32, #tpu.memory_space<vmem>>
      %dma_start3A_180 = arith.constant 0 : i32
      %dma_start3A_181 = tpu.memref_slice %arg22[%dma_start3A_180] : memref<10240xf32, #tpu.memory_space<vmem_shared>> -> memref<512xf32, #tpu.memory_space<vmem_shared>>
      tpu.enqueue_dma source(%dma_start3A_181 : memref<512xf32, #tpu.memory_space<vmem_shared>>) target(%dma_start3A_179 : memref<512xf32, #tpu.memory_space<vmem>>) target_semaphore(%run_scoped3A : memref<!tpu.dma_semaphore, #tpu.memory_space<semaphore_mem>>)
      %dma_wait3A = arith.constant 0 : i32
      %dma_wait3A_182 = tpu.memref_slice %arg10[%dma_wait3A] : memref<10240xf32, #tpu.memory_space<vmem>> -> memref<512xf32, #tpu.memory_space<vmem>>
      %dma_wait3A_183 = arith.constant 0 : i32
      %dma_wait3A_184 = tpu.memref_slice %arg22[%dma_wait3A_183] : memref<10240xf32, #tpu.memory_space<vmem_shared>> -> memref<512xf32, #tpu.memory_space<vmem_shared>>
      %dma_wait3A_185 = arith.constant 0 : i32
      %dma_wait3A_186 = tpu.memref_slice %arg10[%dma_wait3A_185] : memref<10240xf32, #tpu.memory_space<vmem>> -> memref<512xf32, #tpu.memory_space<vmem>>
      %dma_wait3A_187 = arith.constant 0 : i32
      %dma_wait3A_188 = tpu.memref_slice %arg22[%dma_wait3A_187] : memref<10240xf32, #tpu.memory_space<vmem_shared>> -> memref<512xf32, #tpu.memory_space<vmem_shared>>
      tpu.wait_dma2 semaphore(%run_scoped3A : memref<!tpu.dma_semaphore, #tpu.memory_space<semaphore_mem>>) src(%dma_wait3A_188 : memref<512xf32, #tpu.memory_space<vmem_shared>>) dst(%dma_wait3A_186 : memref<512xf32, #tpu.memory_space<vmem>>)
      tpu.yield
    }) : () -> ()
    %broadcast_in_dim3A_122 = arith.constant 0.000000e+00 : f32
    %broadcast_in_dim3A_123 = vector.broadcast %broadcast_in_dim3A_122 : f32 to vector<16xf32>
    %scan3A_124 = arith.constant 0 : i32
    %scan3A_125 = arith.constant 32 : i32
    %scan3A_126 = arith.addi %scan3A_124, %scan3A_125 : i32
    %scan3A_127 = arith.constant 1 : i32
    scf.for %scan3A_175 = %scan3A_124 to %scan3A_126 step %scan3A_127  : i32 {
      %mul3A_176 = arith.constant 16 : i32
      %mul3A_177 = arith.muli %scan3A_175, %mul3A_176 : i32
      %swap3A = arith.index_cast %mul3A_177 : i32 to index
      %swap3A_178 = tpu.vector_load %arg11[%swap3A] {strides = array<i32>} : memref<10240xf32, #tpu.memory_space<vmem>>, vector<16xf32>,
      tpu.vector_store %arg11[%swap3A], %broadcast_in_dim3A_123 {strides = array<i32>} : memref<10240xf32, #tpu.memory_space<vmem>>, vector<16xf32>,
    }
    %scan3A_128 = arith.constant 32 : i32
    %parallel_loop3A_129 = arith.constant 0 : i32
    %parallel_loop3A_130 = arith.constant 400 : i32
    %parallel_loop3A_131 = arith.constant 16 : i32
    scf.for %parallel_loop3A_175 = %parallel_loop3A_129 to %parallel_loop3A_130 step %parallel_loop3A_131  : i32 {
      %parallel_loop3A_176 = arith.index_cast %parallel_loop3A_175 : i32 to index
      %parallel_loop3A_177 = tpu.vector_load %arg8[%parallel_loop3A_176] {strides = array<i32>} : memref<20000xi32, #tpu.memory_space<vmem>>, vector<16xi32>,
      %parallel_loop3A_178 = arith.index_cast %parallel_loop3A_175 : i32 to index
      %parallel_loop3A_179 = tpu.vector_load %arg9[%parallel_loop3A_178] {strides = array<i32>} : memref<20000xi32, #tpu.memory_space<vmem>>, vector<16xi32>,
      %parallel_loop3A_180 = tpu.vector_load_idx %arg10[%parallel_loop3A_177] : memref<10240xf32, #tpu.memory_space<vmem>>[vector<16xi32>], vector<16xf32>,
      tpu.vector_store_idx %arg11[%parallel_loop3A_179], %parallel_loop3A_180 {add = true} : memref<10240xf32, #tpu.memory_space<vmem>>[vector<16xi32>], vector<16xf32>,
    } {sc.loop_unroll_factor = 4 : i64, sc.parallel_access}
    "tpu.region"() ({
      %run_scoped3A = tpu.sem_alloc : memref<!tpu.dma_semaphore, #tpu.memory_space<semaphore_mem>>
      %dma_start3A = arith.constant 0 : i32
      %dma_start3A_175 = tpu.memref_slice %arg11[%dma_start3A] : memref<10240xf32, #tpu.memory_space<vmem>> -> memref<512xf32, #tpu.memory_space<vmem>>
      %dma_start3A_176 = arith.constant 0 : i32
      %dma_start3A_177 = tpu.memref_slice %arg20[%arg1, %dma_start3A_176] : memref<16x10240xf32, #tpu.memory_space<vmem_shared>> -> memref<1x512xf32, #tpu.memory_space<vmem_shared>>
      %dma_start3A_178 = tpu.memref_squeeze %dma_start3A_177 : memref<1x512xf32, #tpu.memory_space<vmem_shared>> -> memref<512xf32, #tpu.memory_space<vmem_shared>>
      %dma_start3A_179 = arith.constant 0 : i32
      %dma_start3A_180 = tpu.memref_slice %arg20[%arg1, %dma_start3A_179] : memref<16x10240xf32, #tpu.memory_space<vmem_shared>> -> memref<1x512xf32, #tpu.memory_space<vmem_shared>>
      %dma_start3A_181 = tpu.memref_squeeze %dma_start3A_180 : memref<1x512xf32, #tpu.memory_space<vmem_shared>> -> memref<512xf32, #tpu.memory_space<vmem_shared>>
      %dma_start3A_182 = arith.constant 0 : i32
      %dma_start3A_183 = tpu.memref_slice %arg11[%dma_start3A_182] : memref<10240xf32, #tpu.memory_space<vmem>> -> memref<512xf32, #tpu.memory_space<vmem>>
      tpu.enqueue_dma source(%dma_start3A_183 : memref<512xf32, #tpu.memory_space<vmem>>) target(%dma_start3A_181 : memref<512xf32, #tpu.memory_space<vmem_shared>>) target_semaphore(%run_scoped3A : memref<!tpu.dma_semaphore, #tpu.memory_space<semaphore_mem>>)
      %dma_wait3A = arith.constant 0 : i32
      %dma_wait3A_184 = tpu.memref_slice %arg11[%dma_wait3A] : memref<10240xf32, #tpu.memory_space<vmem>> -> memref<512xf32, #tpu.memory_space<vmem>>
      %dma_wait3A_185 = arith.constant 0 : i32
      %dma_wait3A_186 = tpu.memref_slice %arg20[%arg1, %dma_wait3A_185] : memref<16x10240xf32, #tpu.memory_space<vmem_shared>> -> memref<1x512xf32, #tpu.memory_space<vmem_shared>>
      %dma_wait3A_187 = tpu.memref_squeeze %dma_wait3A_186 : memref<1x512xf32, #tpu.memory_space<vmem_shared>> -> memref<512xf32, #tpu.memory_space<vmem_shared>>
      %dma_wait3A_188 = arith.constant 0 : i32
      %dma_wait3A_189 = tpu.memref_slice %arg20[%arg1, %dma_wait3A_188] : memref<16x10240xf32, #tpu.memory_space<vmem_shared>> -> memref<1x512xf32, #tpu.memory_space<vmem_shared>>
      %dma_wait3A_190 = tpu.memref_squeeze %dma_wait3A_189 : memref<1x512xf32, #tpu.memory_space<vmem_shared>> -> memref<512xf32, #tpu.memory_space<vmem_shared>>
      %dma_wait3A_191 = arith.constant 0 : i32
      %dma_wait3A_192 = tpu.memref_slice %arg11[%dma_wait3A_191] : memref<10240xf32, #tpu.memory_space<vmem>> -> memref<512xf32, #tpu.memory_space<vmem>>
      tpu.wait_dma2 semaphore(%run_scoped3A : memref<!tpu.dma_semaphore, #tpu.memory_space<semaphore_mem>>) src(%dma_wait3A_192 : memref<512xf32, #tpu.memory_space<vmem>>) dst(%dma_wait3A_190 : memref<512xf32, #tpu.memory_space<vmem_shared>>)
      tpu.yield
    }) : () -> ()
    %barrier3A_132 = arith.constant 0 : index
    tpu.barrier barrier_id(%barrier3A_132)
    "tpu.region"() ({
      %run_scoped3A = tpu.sem_alloc : memref<!tpu.dma_semaphore, #tpu.memory_space<semaphore_mem>>
      %dma_start3A = arith.constant 0 : i32
      %dma_start3A_175 = arith.constant 0 : i32
      %dma_start3A_176 = tpu.memref_slice %arg15[%dma_start3A, %dma_start3A_175] : memref<16x640xf32, #tpu.memory_space<vmem>> -> memref<16x512xf32, #tpu.memory_space<vmem>>
      %dma_start3A_177 = arith.constant 0 : i32
      %dma_start3A_178 = arith.constant 0 : i32
      %dma_start3A_179 = tpu.memref_slice %arg20[%dma_start3A_177, %dma_start3A_178] : memref<16x10240xf32, #tpu.memory_space<vmem_shared>> -> memref<16x512xf32, #tpu.memory_space<vmem_shared>>
      %dma_start3A_180 = arith.constant 0 : i32
      %dma_start3A_181 = arith.constant 0 : i32
      %dma_start3A_182 = tpu.memref_slice %arg15[%dma_start3A_180, %dma_start3A_181] : memref<16x640xf32, #tpu.memory_space<vmem>> -> memref<16x512xf32, #tpu.memory_space<vmem>>
      %dma_start3A_183 = arith.constant 0 : i32
      %dma_start3A_184 = arith.constant 0 : i32
      %dma_start3A_185 = tpu.memref_slice %arg20[%dma_start3A_183, %dma_start3A_184] : memref<16x10240xf32, #tpu.memory_space<vmem_shared>> -> memref<16x512xf32, #tpu.memory_space<vmem_shared>>
      tpu.enqueue_dma source(%dma_start3A_185 : memref<16x512xf32, #tpu.memory_space<vmem_shared>>) target(%dma_start3A_182 : memref<16x512xf32, #tpu.memory_space<vmem>>) target_semaphore(%run_scoped3A : memref<!tpu.dma_semaphore, #tpu.memory_space<semaphore_mem>>)
      %dma_wait3A = arith.constant 0 : i32
      %dma_wait3A_186 = arith.constant 0 : i32
      %dma_wait3A_187 = tpu.memref_slice %arg15[%dma_wait3A, %dma_wait3A_186] : memref<16x640xf32, #tpu.memory_space<vmem>> -> memref<16x512xf32, #tpu.memory_space<vmem>>
      %dma_wait3A_188 = arith.constant 0 : i32
      %dma_wait3A_189 = arith.constant 0 : i32
      %dma_wait3A_190 = tpu.memref_slice %arg20[%dma_wait3A_188, %dma_wait3A_189] : memref<16x10240xf32, #tpu.memory_space<vmem_shared>> -> memref<16x512xf32, #tpu.memory_space<vmem_shared>>
      %dma_wait3A_191 = arith.constant 0 : i32
      %dma_wait3A_192 = arith.constant 0 : i32
      %dma_wait3A_193 = tpu.memref_slice %arg15[%dma_wait3A_191, %dma_wait3A_192] : memref<16x640xf32, #tpu.memory_space<vmem>> -> memref<16x512xf32, #tpu.memory_space<vmem>>
      %dma_wait3A_194 = arith.constant 0 : i32
      %dma_wait3A_195 = arith.constant 0 : i32
      %dma_wait3A_196 = tpu.memref_slice %arg20[%dma_wait3A_194, %dma_wait3A_195] : memref<16x10240xf32, #tpu.memory_space<vmem_shared>> -> memref<16x512xf32, #tpu.memory_space<vmem_shared>>
      tpu.wait_dma2 semaphore(%run_scoped3A : memref<!tpu.dma_semaphore, #tpu.memory_space<semaphore_mem>>) src(%dma_wait3A_196 : memref<16x512xf32, #tpu.memory_space<vmem_shared>>) dst(%dma_wait3A_193 : memref<16x512xf32, #tpu.memory_space<vmem>>)
      tpu.yield
    }) : () -> ()
    %scan3A_133 = arith.constant 0 : i32
    %scan3A_134 = arith.constant 2 : i32
    %scan3A_135 = arith.addi %scan3A_133, %scan3A_134 : i32
    %scan3A_136 = arith.constant 1 : i32
    scf.for %scan3A_175 = %scan3A_133 to %scan3A_135 step %scan3A_136  : i32 {
      %mul3A_176 = arith.constant 16 : i32
      %mul3A_177 = arith.muli %scan3A_175, %mul3A_176 : i32
      %add3A_178 = arith.addi %mul3A_83, %mul3A_177 : i32
      %get3A = arith.constant 0 : i32
      %get3A_179 = arith.index_cast %get3A : i32 to index
      %get3A_180 = arith.index_cast %add3A_178 : i32 to index
      %get3A_181 = tpu.vector_load %arg15[%get3A_179, %get3A_180] {strides = array<i32>} : memref<16x640xf32, #tpu.memory_space<vmem>>, vector<16xf32>,
      %mul3A_182 = arith.constant 16 : i32
      %mul3A_183 = arith.muli %scan3A_175, %mul3A_182 : i32
      %add3A_184 = arith.addi %mul3A_83, %mul3A_183 : i32
      %get3A_185 = arith.constant 1 : i32
      %get3A_186 = arith.index_cast %get3A_185 : i32 to index
      %get3A_187 = arith.index_cast %add3A_184 : i32 to index
      %get3A_188 = tpu.vector_load %arg15[%get3A_186, %get3A_187] {strides = array<i32>} : memref<16x640xf32, #tpu.memory_space<vmem>>, vector<16xf32>,
      %add3A_189 = arith.addf %get3A_181, %get3A_188 : vector<16xf32>
      %mul3A_190 = arith.constant 16 : i32
      %mul3A_191 = arith.muli %scan3A_175, %mul3A_190 : i32
      %add3A_192 = arith.addi %mul3A_83, %mul3A_191 : i32
      %get3A_193 = arith.constant 2 : i32
      %get3A_194 = arith.index_cast %get3A_193 : i32 to index
      %get3A_195 = arith.index_cast %add3A_192 : i32 to index
      %get3A_196 = tpu.vector_load %arg15[%get3A_194, %get3A_195] {strides = array<i32>} : memref<16x640xf32, #tpu.memory_space<vmem>>, vector<16xf32>,
      %add3A_197 = arith.addf %add3A_189, %get3A_196 : vector<16xf32>
      %mul3A_198 = arith.constant 16 : i32
      %mul3A_199 = arith.muli %scan3A_175, %mul3A_198 : i32
      %add3A_200 = arith.addi %mul3A_83, %mul3A_199 : i32
      %get3A_201 = arith.constant 3 : i32
      %get3A_202 = arith.index_cast %get3A_201 : i32 to index
      %get3A_203 = arith.index_cast %add3A_200 : i32 to index
      %get3A_204 = tpu.vector_load %arg15[%get3A_202, %get3A_203] {strides = array<i32>} : memref<16x640xf32, #tpu.memory_space<vmem>>, vector<16xf32>,
      %add3A_205 = arith.addf %add3A_197, %get3A_204 : vector<16xf32>
      %mul3A_206 = arith.constant 16 : i32
      %mul3A_207 = arith.muli %scan3A_175, %mul3A_206 : i32
      %add3A_208 = arith.addi %mul3A_83, %mul3A_207 : i32
      %get3A_209 = arith.constant 4 : i32
      %get3A_210 = arith.index_cast %get3A_209 : i32 to index
      %get3A_211 = arith.index_cast %add3A_208 : i32 to index
      %get3A_212 = tpu.vector_load %arg15[%get3A_210, %get3A_211] {strides = array<i32>} : memref<16x640xf32, #tpu.memory_space<vmem>>, vector<16xf32>,
      %add3A_213 = arith.addf %add3A_205, %get3A_212 : vector<16xf32>
      %mul3A_214 = arith.constant 16 : i32
      %mul3A_215 = arith.muli %scan3A_175, %mul3A_214 : i32
      %add3A_216 = arith.addi %mul3A_83, %mul3A_215 : i32
      %get3A_217 = arith.constant 5 : i32
      %get3A_218 = arith.index_cast %get3A_217 : i32 to index
      %get3A_219 = arith.index_cast %add3A_216 : i32 to index
      %get3A_220 = tpu.vector_load %arg15[%get3A_218, %get3A_219] {strides = array<i32>} : memref<16x640xf32, #tpu.memory_space<vmem>>, vector<16xf32>,
      %add3A_221 = arith.addf %add3A_213, %get3A_220 : vector<16xf32>
      %mul3A_222 = arith.constant 16 : i32
      %mul3A_223 = arith.muli %scan3A_175, %mul3A_222 : i32
      %add3A_224 = arith.addi %mul3A_83, %mul3A_223 : i32
      %get3A_225 = arith.constant 6 : i32
      %get3A_226 = arith.index_cast %get3A_225 : i32 to index
      %get3A_227 = arith.index_cast %add3A_224 : i32 to index
      %get3A_228 = tpu.vector_load %arg15[%get3A_226, %get3A_227] {strides = array<i32>} : memref<16x640xf32, #tpu.memory_space<vmem>>, vector<16xf32>,
      %add3A_229 = arith.addf %add3A_221, %get3A_228 : vector<16xf32>
      %mul3A_230 = arith.constant 16 : i32
      %mul3A_231 = arith.muli %scan3A_175, %mul3A_230 : i32
      %add3A_232 = arith.addi %mul3A_83, %mul3A_231 : i32
      %get3A_233 = arith.constant 7 : i32
      %get3A_234 = arith.index_cast %get3A_233 : i32 to index
      %get3A_235 = arith.index_cast %add3A_232 : i32 to index
      %get3A_236 = tpu.vector_load %arg15[%get3A_234, %get3A_235] {strides = array<i32>} : memref<16x640xf32, #tpu.memory_space<vmem>>, vector<16xf32>,
      %add3A_237 = arith.addf %add3A_229, %get3A_236 : vector<16xf32>
      %mul3A_238 = arith.constant 16 : i32
      %mul3A_239 = arith.muli %scan3A_175, %mul3A_238 : i32
      %add3A_240 = arith.addi %mul3A_83, %mul3A_239 : i32
      %get3A_241 = arith.constant 8 : i32
      %get3A_242 = arith.index_cast %get3A_241 : i32 to index
      %get3A_243 = arith.index_cast %add3A_240 : i32 to index
      %get3A_244 = tpu.vector_load %arg15[%get3A_242, %get3A_243] {strides = array<i32>} : memref<16x640xf32, #tpu.memory_space<vmem>>, vector<16xf32>,
      %add3A_245 = arith.addf %add3A_237, %get3A_244 : vector<16xf32>
      %mul3A_246 = arith.constant 16 : i32
      %mul3A_247 = arith.muli %scan3A_175, %mul3A_246 : i32
      %add3A_248 = arith.addi %mul3A_83, %mul3A_247 : i32
      %get3A_249 = arith.constant 9 : i32
      %get3A_250 = arith.index_cast %get3A_249 : i32 to index
      %get3A_251 = arith.index_cast %add3A_248 : i32 to index
      %get3A_252 = tpu.vector_load %arg15[%get3A_250, %get3A_251] {strides = array<i32>} : memref<16x640xf32, #tpu.memory_space<vmem>>, vector<16xf32>,
      %add3A_253 = arith.addf %add3A_245, %get3A_252 : vector<16xf32>
      %mul3A_254 = arith.constant 16 : i32
      %mul3A_255 = arith.muli %scan3A_175, %mul3A_254 : i32
      %add3A_256 = arith.addi %mul3A_83, %mul3A_255 : i32
      %get3A_257 = arith.constant 10 : i32
      %get3A_258 = arith.index_cast %get3A_257 : i32 to index
      %get3A_259 = arith.index_cast %add3A_256 : i32 to index
      %get3A_260 = tpu.vector_load %arg15[%get3A_258, %get3A_259] {strides = array<i32>} : memref<16x640xf32, #tpu.memory_space<vmem>>, vector<16xf32>,
      %add3A_261 = arith.addf %add3A_253, %get3A_260 : vector<16xf32>
      %mul3A_262 = arith.constant 16 : i32
      %mul3A_263 = arith.muli %scan3A_175, %mul3A_262 : i32
      %add3A_264 = arith.addi %mul3A_83, %mul3A_263 : i32
      %get3A_265 = arith.constant 11 : i32
      %get3A_266 = arith.index_cast %get3A_265 : i32 to index
      %get3A_267 = arith.index_cast %add3A_264 : i32 to index
      %get3A_268 = tpu.vector_load %arg15[%get3A_266, %get3A_267] {strides = array<i32>} : memref<16x640xf32, #tpu.memory_space<vmem>>, vector<16xf32>,
      %add3A_269 = arith.addf %add3A_261, %get3A_268 : vector<16xf32>
      %mul3A_270 = arith.constant 16 : i32
      %mul3A_271 = arith.muli %scan3A_175, %mul3A_270 : i32
      %add3A_272 = arith.addi %mul3A_83, %mul3A_271 : i32
      %get3A_273 = arith.constant 12 : i32
      %get3A_274 = arith.index_cast %get3A_273 : i32 to index
      %get3A_275 = arith.index_cast %add3A_272 : i32 to index
      %get3A_276 = tpu.vector_load %arg15[%get3A_274, %get3A_275] {strides = array<i32>} : memref<16x640xf32, #tpu.memory_space<vmem>>, vector<16xf32>,
      %add3A_277 = arith.addf %add3A_269, %get3A_276 : vector<16xf32>
      %mul3A_278 = arith.constant 16 : i32
      %mul3A_279 = arith.muli %scan3A_175, %mul3A_278 : i32
      %add3A_280 = arith.addi %mul3A_83, %mul3A_279 : i32
      %get3A_281 = arith.constant 13 : i32
      %get3A_282 = arith.index_cast %get3A_281 : i32 to index
      %get3A_283 = arith.index_cast %add3A_280 : i32 to index
      %get3A_284 = tpu.vector_load %arg15[%get3A_282, %get3A_283] {strides = array<i32>} : memref<16x640xf32, #tpu.memory_space<vmem>>, vector<16xf32>,
      %add3A_285 = arith.addf %add3A_277, %get3A_284 : vector<16xf32>
      %mul3A_286 = arith.constant 16 : i32
      %mul3A_287 = arith.muli %scan3A_175, %mul3A_286 : i32
      %add3A_288 = arith.addi %mul3A_83, %mul3A_287 : i32
      %get3A_289 = arith.constant 14 : i32
      %get3A_290 = arith.index_cast %get3A_289 : i32 to index
      %get3A_291 = arith.index_cast %add3A_288 : i32 to index
      %get3A_292 = tpu.vector_load %arg15[%get3A_290, %get3A_291] {strides = array<i32>} : memref<16x640xf32, #tpu.memory_space<vmem>>, vector<16xf32>,
      %add3A_293 = arith.addf %add3A_285, %get3A_292 : vector<16xf32>
      %mul3A_294 = arith.constant 16 : i32
      %mul3A_295 = arith.muli %scan3A_175, %mul3A_294 : i32
      %add3A_296 = arith.addi %mul3A_83, %mul3A_295 : i32
      %get3A_297 = arith.constant 15 : i32
      %get3A_298 = arith.index_cast %get3A_297 : i32 to index
      %get3A_299 = arith.index_cast %add3A_296 : i32 to index
      %get3A_300 = tpu.vector_load %arg15[%get3A_298, %get3A_299] {strides = array<i32>} : memref<16x640xf32, #tpu.memory_space<vmem>>, vector<16xf32>,
      %add3A_301 = arith.addf %add3A_293, %get3A_300 : vector<16xf32>
      %mul3A_302 = arith.constant 16 : i32
      %mul3A_303 = arith.muli %scan3A_175, %mul3A_302 : i32
      %swap3A = arith.index_cast %mul3A_303 : i32 to index
      %swap3A_304 = tpu.vector_load %arg12[%swap3A] {strides = array<i32>} : memref<10240xf32, #tpu.memory_space<vmem>>, vector<16xf32>,
      tpu.vector_store %arg12[%swap3A], %add3A_301 {strides = array<i32>} : memref<10240xf32, #tpu.memory_space<vmem>>, vector<16xf32>,
    }
    %scan3A_137 = arith.constant 2 : i32
    %scan3A_138 = arith.constant 0 : i32
    %scan3A_139 = arith.constant 2 : i32
    %scan3A_140 = arith.addi %scan3A_138, %scan3A_139 : i32
    %scan3A_141 = arith.constant 1 : i32
    scf.for %scan3A_175 = %scan3A_138 to %scan3A_140 step %scan3A_141  : i32 {
      %mul3A_176 = arith.constant 16 : i32
      %mul3A_177 = arith.muli %scan3A_175, %mul3A_176 : i32
      %get3A = arith.index_cast %mul3A_177 : i32 to index
      %get3A_178 = tpu.vector_load %arg12[%get3A] {strides = array<i32>} : memref<10240xf32, #tpu.memory_space<vmem>>, vector<16xf32>,
      %mul3A_179 = arith.constant 16 : i32
      %mul3A_180 = arith.muli %scan3A_175, %mul3A_179 : i32
      %get3A_181 = arith.index_cast %mul3A_180 : i32 to index
      %get3A_182 = tpu.vector_load %arg13[%get3A_181] {strides = array<i32>} : memref<640xf32, #tpu.memory_space<vmem>>, vector<16xf32>,
      %mul3A_183 = arith.constant 16 : i32
      %mul3A_184 = arith.muli %scan3A_175, %mul3A_183 : i32
      %get3A_185 = arith.index_cast %mul3A_184 : i32 to index
      %get3A_186 = tpu.vector_load %arg14[%get3A_185] {strides = array<i32>} : memref<640xf32, #tpu.memory_space<vmem>>, vector<16xf32>,
      %add3A_187 = arith.addf %get3A_178, %get3A_186 : vector<16xf32>
      %mul3A_188 = arith.mulf %get3A_182, %add3A_187 : vector<16xf32>
      %mul3A_189 = arith.mulf %mul3A_188, %get3A_182 : vector<16xf32>
      %mul3A_190 = arith.constant 16 : i32
      %mul3A_191 = arith.muli %scan3A_175, %mul3A_190 : i32
      %swap3A = arith.index_cast %mul3A_191 : i32 to index
      %swap3A_192 = tpu.vector_load %arg14[%swap3A] {strides = array<i32>} : memref<640xf32, #tpu.memory_space<vmem>>, vector<16xf32>,
      tpu.vector_store %arg14[%swap3A], %mul3A_189 {strides = array<i32>} : memref<640xf32, #tpu.memory_space<vmem>>, vector<16xf32>,
    }
    %scan3A_142 = arith.constant 2 : i32
    "tpu.region"() ({
      %run_scoped3A = tpu.sem_alloc : memref<!tpu.dma_semaphore, #tpu.memory_space<semaphore_mem>>
      %dma_start3A = arith.constant 0 : i32
      %dma_start3A_175 = tpu.memref_slice %arg14[%dma_start3A] : memref<640xf32, #tpu.memory_space<vmem>> -> memref<32xf32, #tpu.memory_space<vmem>>
      %dma_start3A_176 = tpu.memref_slice %arg22[%mul3A_83] : memref<10240xf32, #tpu.memory_space<vmem_shared>> -> memref<32xf32, #tpu.memory_space<vmem_shared>>
      %dma_start3A_177 = tpu.memref_slice %arg22[%mul3A_83] : memref<10240xf32, #tpu.memory_space<vmem_shared>> -> memref<32xf32, #tpu.memory_space<vmem_shared>>
      %dma_start3A_178 = arith.constant 0 : i32
      %dma_start3A_179 = tpu.memref_slice %arg14[%dma_start3A_178] : memref<640xf32, #tpu.memory_space<vmem>> -> memref<32xf32, #tpu.memory_space<vmem>>
      tpu.enqueue_dma source(%dma_start3A_179 : memref<32xf32, #tpu.memory_space<vmem>>) target(%dma_start3A_177 : memref<32xf32, #tpu.memory_space<vmem_shared>>) target_semaphore(%run_scoped3A : memref<!tpu.dma_semaphore, #tpu.memory_space<semaphore_mem>>)
      %dma_wait3A = arith.constant 0 : i32
      %dma_wait3A_180 = tpu.memref_slice %arg14[%dma_wait3A] : memref<640xf32, #tpu.memory_space<vmem>> -> memref<32xf32, #tpu.memory_space<vmem>>
      %dma_wait3A_181 = tpu.memref_slice %arg22[%mul3A_83] : memref<10240xf32, #tpu.memory_space<vmem_shared>> -> memref<32xf32, #tpu.memory_space<vmem_shared>>
      %dma_wait3A_182 = tpu.memref_slice %arg22[%mul3A_83] : memref<10240xf32, #tpu.memory_space<vmem_shared>> -> memref<32xf32, #tpu.memory_space<vmem_shared>>
      %dma_wait3A_183 = arith.constant 0 : i32
      %dma_wait3A_184 = tpu.memref_slice %arg14[%dma_wait3A_183] : memref<640xf32, #tpu.memory_space<vmem>> -> memref<32xf32, #tpu.memory_space<vmem>>
      tpu.wait_dma2 semaphore(%run_scoped3A : memref<!tpu.dma_semaphore, #tpu.memory_space<semaphore_mem>>) src(%dma_wait3A_184 : memref<32xf32, #tpu.memory_space<vmem>>) dst(%dma_wait3A_182 : memref<32xf32, #tpu.memory_space<vmem_shared>>)
      tpu.yield
    }) : () -> ()
    %barrier3A_143 = arith.constant 0 : index
    tpu.barrier barrier_id(%barrier3A_143)
    "tpu.region"() ({
      %run_scoped3A = tpu.sem_alloc : memref<!tpu.dma_semaphore, #tpu.memory_space<semaphore_mem>>
      %dma_start3A = arith.constant 0 : i32
      %dma_start3A_175 = tpu.memref_slice %arg10[%dma_start3A] : memref<10240xf32, #tpu.memory_space<vmem>> -> memref<512xf32, #tpu.memory_space<vmem>>
      %dma_start3A_176 = arith.constant 0 : i32
      %dma_start3A_177 = tpu.memref_slice %arg22[%dma_start3A_176] : memref<10240xf32, #tpu.memory_space<vmem_shared>> -> memref<512xf32, #tpu.memory_space<vmem_shared>>
      %dma_start3A_178 = arith.constant 0 : i32
      %dma_start3A_179 = tpu.memref_slice %arg10[%dma_start3A_178] : memref<10240xf32, #tpu.memory_space<vmem>> -> memref<512xf32, #tpu.memory_space<vmem>>
      %dma_start3A_180 = arith.constant 0 : i32
      %dma_start3A_181 = tpu.memref_slice %arg22[%dma_start3A_180] : memref<10240xf32, #tpu.memory_space<vmem_shared>> -> memref<512xf32, #tpu.memory_space<vmem_shared>>
      tpu.enqueue_dma source(%dma_start3A_181 : memref<512xf32, #tpu.memory_space<vmem_shared>>) target(%dma_start3A_179 : memref<512xf32, #tpu.memory_space<vmem>>) target_semaphore(%run_scoped3A : memref<!tpu.dma_semaphore, #tpu.memory_space<semaphore_mem>>)
      %dma_wait3A = arith.constant 0 : i32
      %dma_wait3A_182 = tpu.memref_slice %arg10[%dma_wait3A] : memref<10240xf32, #tpu.memory_space<vmem>> -> memref<512xf32, #tpu.memory_space<vmem>>
      %dma_wait3A_183 = arith.constant 0 : i32
      %dma_wait3A_184 = tpu.memref_slice %arg22[%dma_wait3A_183] : memref<10240xf32, #tpu.memory_space<vmem_shared>> -> memref<512xf32, #tpu.memory_space<vmem_shared>>
      %dma_wait3A_185 = arith.constant 0 : i32
      %dma_wait3A_186 = tpu.memref_slice %arg10[%dma_wait3A_185] : memref<10240xf32, #tpu.memory_space<vmem>> -> memref<512xf32, #tpu.memory_space<vmem>>
      %dma_wait3A_187 = arith.constant 0 : i32
      %dma_wait3A_188 = tpu.memref_slice %arg22[%dma_wait3A_187] : memref<10240xf32, #tpu.memory_space<vmem_shared>> -> memref<512xf32, #tpu.memory_space<vmem_shared>>
      tpu.wait_dma2 semaphore(%run_scoped3A : memref<!tpu.dma_semaphore, #tpu.memory_space<semaphore_mem>>) src(%dma_wait3A_188 : memref<512xf32, #tpu.memory_space<vmem_shared>>) dst(%dma_wait3A_186 : memref<512xf32, #tpu.memory_space<vmem>>)
      tpu.yield
    }) : () -> ()
    %broadcast_in_dim3A_144 = arith.constant 0.000000e+00 : f32
    %broadcast_in_dim3A_145 = vector.broadcast %broadcast_in_dim3A_144 : f32 to vector<16xf32>
    %scan3A_146 = arith.constant 0 : i32
    %scan3A_147 = arith.constant 32 : i32
    %scan3A_148 = arith.addi %scan3A_146, %scan3A_147 : i32
    %scan3A_149 = arith.constant 1 : i32
    scf.for %scan3A_175 = %scan3A_146 to %scan3A_148 step %scan3A_149  : i32 {
      %mul3A_176 = arith.constant 16 : i32
      %mul3A_177 = arith.muli %scan3A_175, %mul3A_176 : i32
      %swap3A = arith.index_cast %mul3A_177 : i32 to index
      %swap3A_178 = tpu.vector_load %arg11[%swap3A] {strides = array<i32>} : memref<10240xf32, #tpu.memory_space<vmem>>, vector<16xf32>,
      tpu.vector_store %arg11[%swap3A], %broadcast_in_dim3A_145 {strides = array<i32>} : memref<10240xf32, #tpu.memory_space<vmem>>, vector<16xf32>,
    }
    %scan3A_150 = arith.constant 32 : i32
    %parallel_loop3A_151 = arith.constant 0 : i32
    %parallel_loop3A_152 = arith.constant 400 : i32
    %parallel_loop3A_153 = arith.constant 16 : i32
    scf.for %parallel_loop3A_175 = %parallel_loop3A_151 to %parallel_loop3A_152 step %parallel_loop3A_153  : i32 {
      %parallel_loop3A_176 = arith.index_cast %parallel_loop3A_175 : i32 to index
      %parallel_loop3A_177 = tpu.vector_load %arg8[%parallel_loop3A_176] {strides = array<i32>} : memref<20000xi32, #tpu.memory_space<vmem>>, vector<16xi32>,
      %parallel_loop3A_178 = arith.index_cast %parallel_loop3A_175 : i32 to index
      %parallel_loop3A_179 = tpu.vector_load %arg9[%parallel_loop3A_178] {strides = array<i32>} : memref<20000xi32, #tpu.memory_space<vmem>>, vector<16xi32>,
      %parallel_loop3A_180 = tpu.vector_load_idx %arg10[%parallel_loop3A_177] : memref<10240xf32, #tpu.memory_space<vmem>>[vector<16xi32>], vector<16xf32>,
      tpu.vector_store_idx %arg11[%parallel_loop3A_179], %parallel_loop3A_180 {add = true} : memref<10240xf32, #tpu.memory_space<vmem>>[vector<16xi32>], vector<16xf32>,
    } {sc.loop_unroll_factor = 4 : i64, sc.parallel_access}
    "tpu.region"() ({
      %run_scoped3A = tpu.sem_alloc : memref<!tpu.dma_semaphore, #tpu.memory_space<semaphore_mem>>
      %dma_start3A = arith.constant 0 : i32
      %dma_start3A_175 = tpu.memref_slice %arg11[%dma_start3A] : memref<10240xf32, #tpu.memory_space<vmem>> -> memref<512xf32, #tpu.memory_space<vmem>>
      %dma_start3A_176 = arith.constant 0 : i32
      %dma_start3A_177 = tpu.memref_slice %arg20[%arg1, %dma_start3A_176] : memref<16x10240xf32, #tpu.memory_space<vmem_shared>> -> memref<1x512xf32, #tpu.memory_space<vmem_shared>>
      %dma_start3A_178 = tpu.memref_squeeze %dma_start3A_177 : memref<1x512xf32, #tpu.memory_space<vmem_shared>> -> memref<512xf32, #tpu.memory_space<vmem_shared>>
      %dma_start3A_179 = arith.constant 0 : i32
      %dma_start3A_180 = tpu.memref_slice %arg20[%arg1, %dma_start3A_179] : memref<16x10240xf32, #tpu.memory_space<vmem_shared>> -> memref<1x512xf32, #tpu.memory_space<vmem_shared>>
      %dma_start3A_181 = tpu.memref_squeeze %dma_start3A_180 : memref<1x512xf32, #tpu.memory_space<vmem_shared>> -> memref<512xf32, #tpu.memory_space<vmem_shared>>
      %dma_start3A_182 = arith.constant 0 : i32
      %dma_start3A_183 = tpu.memref_slice %arg11[%dma_start3A_182] : memref<10240xf32, #tpu.memory_space<vmem>> -> memref<512xf32, #tpu.memory_space<vmem>>
      tpu.enqueue_dma source(%dma_start3A_183 : memref<512xf32, #tpu.memory_space<vmem>>) target(%dma_start3A_181 : memref<512xf32, #tpu.memory_space<vmem_shared>>) target_semaphore(%run_scoped3A : memref<!tpu.dma_semaphore, #tpu.memory_space<semaphore_mem>>)
      %dma_wait3A = arith.constant 0 : i32
      %dma_wait3A_184 = tpu.memref_slice %arg11[%dma_wait3A] : memref<10240xf32, #tpu.memory_space<vmem>> -> memref<512xf32, #tpu.memory_space<vmem>>
      %dma_wait3A_185 = arith.constant 0 : i32
      %dma_wait3A_186 = tpu.memref_slice %arg20[%arg1, %dma_wait3A_185] : memref<16x10240xf32, #tpu.memory_space<vmem_shared>> -> memref<1x512xf32, #tpu.memory_space<vmem_shared>>
      %dma_wait3A_187 = tpu.memref_squeeze %dma_wait3A_186 : memref<1x512xf32, #tpu.memory_space<vmem_shared>> -> memref<512xf32, #tpu.memory_space<vmem_shared>>
      %dma_wait3A_188 = arith.constant 0 : i32
      %dma_wait3A_189 = tpu.memref_slice %arg20[%arg1, %dma_wait3A_188] : memref<16x10240xf32, #tpu.memory_space<vmem_shared>> -> memref<1x512xf32, #tpu.memory_space<vmem_shared>>
      %dma_wait3A_190 = tpu.memref_squeeze %dma_wait3A_189 : memref<1x512xf32, #tpu.memory_space<vmem_shared>> -> memref<512xf32, #tpu.memory_space<vmem_shared>>
      %dma_wait3A_191 = arith.constant 0 : i32
      %dma_wait3A_192 = tpu.memref_slice %arg11[%dma_wait3A_191] : memref<10240xf32, #tpu.memory_space<vmem>> -> memref<512xf32, #tpu.memory_space<vmem>>
      tpu.wait_dma2 semaphore(%run_scoped3A : memref<!tpu.dma_semaphore, #tpu.memory_space<semaphore_mem>>) src(%dma_wait3A_192 : memref<512xf32, #tpu.memory_space<vmem>>) dst(%dma_wait3A_190 : memref<512xf32, #tpu.memory_space<vmem_shared>>)
      tpu.yield
    }) : () -> ()
    %barrier3A_154 = arith.constant 0 : index
    tpu.barrier barrier_id(%barrier3A_154)
    "tpu.region"() ({
      %run_scoped3A = tpu.sem_alloc : memref<!tpu.dma_semaphore, #tpu.memory_space<semaphore_mem>>
      %dma_start3A = arith.constant 0 : i32
      %dma_start3A_175 = arith.constant 0 : i32
      %dma_start3A_176 = tpu.memref_slice %arg15[%dma_start3A, %dma_start3A_175] : memref<16x640xf32, #tpu.memory_space<vmem>> -> memref<16x512xf32, #tpu.memory_space<vmem>>
      %dma_start3A_177 = arith.constant 0 : i32
      %dma_start3A_178 = arith.constant 0 : i32
      %dma_start3A_179 = tpu.memref_slice %arg20[%dma_start3A_177, %dma_start3A_178] : memref<16x10240xf32, #tpu.memory_space<vmem_shared>> -> memref<16x512xf32, #tpu.memory_space<vmem_shared>>
      %dma_start3A_180 = arith.constant 0 : i32
      %dma_start3A_181 = arith.constant 0 : i32
      %dma_start3A_182 = tpu.memref_slice %arg15[%dma_start3A_180, %dma_start3A_181] : memref<16x640xf32, #tpu.memory_space<vmem>> -> memref<16x512xf32, #tpu.memory_space<vmem>>
      %dma_start3A_183 = arith.constant 0 : i32
      %dma_start3A_184 = arith.constant 0 : i32
      %dma_start3A_185 = tpu.memref_slice %arg20[%dma_start3A_183, %dma_start3A_184] : memref<16x10240xf32, #tpu.memory_space<vmem_shared>> -> memref<16x512xf32, #tpu.memory_space<vmem_shared>>
      tpu.enqueue_dma source(%dma_start3A_185 : memref<16x512xf32, #tpu.memory_space<vmem_shared>>) target(%dma_start3A_182 : memref<16x512xf32, #tpu.memory_space<vmem>>) target_semaphore(%run_scoped3A : memref<!tpu.dma_semaphore, #tpu.memory_space<semaphore_mem>>)
      %dma_wait3A = arith.constant 0 : i32
      %dma_wait3A_186 = arith.constant 0 : i32
      %dma_wait3A_187 = tpu.memref_slice %arg15[%dma_wait3A, %dma_wait3A_186] : memref<16x640xf32, #tpu.memory_space<vmem>> -> memref<16x512xf32, #tpu.memory_space<vmem>>
      %dma_wait3A_188 = arith.constant 0 : i32
      %dma_wait3A_189 = arith.constant 0 : i32
      %dma_wait3A_190 = tpu.memref_slice %arg20[%dma_wait3A_188, %dma_wait3A_189] : memref<16x10240xf32, #tpu.memory_space<vmem_shared>> -> memref<16x512xf32, #tpu.memory_space<vmem_shared>>
      %dma_wait3A_191 = arith.constant 0 : i32
      %dma_wait3A_192 = arith.constant 0 : i32
      %dma_wait3A_193 = tpu.memref_slice %arg15[%dma_wait3A_191, %dma_wait3A_192] : memref<16x640xf32, #tpu.memory_space<vmem>> -> memref<16x512xf32, #tpu.memory_space<vmem>>
      %dma_wait3A_194 = arith.constant 0 : i32
      %dma_wait3A_195 = arith.constant 0 : i32
      %dma_wait3A_196 = tpu.memref_slice %arg20[%dma_wait3A_194, %dma_wait3A_195] : memref<16x10240xf32, #tpu.memory_space<vmem_shared>> -> memref<16x512xf32, #tpu.memory_space<vmem_shared>>
      tpu.wait_dma2 semaphore(%run_scoped3A : memref<!tpu.dma_semaphore, #tpu.memory_space<semaphore_mem>>) src(%dma_wait3A_196 : memref<16x512xf32, #tpu.memory_space<vmem_shared>>) dst(%dma_wait3A_193 : memref<16x512xf32, #tpu.memory_space<vmem>>)
      tpu.yield
    }) : () -> ()
    %scan3A_155 = arith.constant 0 : i32
    %scan3A_156 = arith.constant 2 : i32
    %scan3A_157 = arith.addi %scan3A_155, %scan3A_156 : i32
    %scan3A_158 = arith.constant 1 : i32
    scf.for %scan3A_175 = %scan3A_155 to %scan3A_157 step %scan3A_158  : i32 {
      %mul3A_176 = arith.constant 16 : i32
      %mul3A_177 = arith.muli %scan3A_175, %mul3A_176 : i32
      %add3A_178 = arith.addi %mul3A_83, %mul3A_177 : i32
      %get3A = arith.constant 0 : i32
      %get3A_179 = arith.index_cast %get3A : i32 to index
      %get3A_180 = arith.index_cast %add3A_178 : i32 to index
      %get3A_181 = tpu.vector_load %arg15[%get3A_179, %get3A_180] {strides = array<i32>} : memref<16x640xf32, #tpu.memory_space<vmem>>, vector<16xf32>,
      %mul3A_182 = arith.constant 16 : i32
      %mul3A_183 = arith.muli %scan3A_175, %mul3A_182 : i32
      %add3A_184 = arith.addi %mul3A_83, %mul3A_183 : i32
      %get3A_185 = arith.constant 1 : i32
      %get3A_186 = arith.index_cast %get3A_185 : i32 to index
      %get3A_187 = arith.index_cast %add3A_184 : i32 to index
      %get3A_188 = tpu.vector_load %arg15[%get3A_186, %get3A_187] {strides = array<i32>} : memref<16x640xf32, #tpu.memory_space<vmem>>, vector<16xf32>,
      %add3A_189 = arith.addf %get3A_181, %get3A_188 : vector<16xf32>
      %mul3A_190 = arith.constant 16 : i32
      %mul3A_191 = arith.muli %scan3A_175, %mul3A_190 : i32
      %add3A_192 = arith.addi %mul3A_83, %mul3A_191 : i32
      %get3A_193 = arith.constant 2 : i32
      %get3A_194 = arith.index_cast %get3A_193 : i32 to index
      %get3A_195 = arith.index_cast %add3A_192 : i32 to index
      %get3A_196 = tpu.vector_load %arg15[%get3A_194, %get3A_195] {strides = array<i32>} : memref<16x640xf32, #tpu.memory_space<vmem>>, vector<16xf32>,
      %add3A_197 = arith.addf %add3A_189, %get3A_196 : vector<16xf32>
      %mul3A_198 = arith.constant 16 : i32
      %mul3A_199 = arith.muli %scan3A_175, %mul3A_198 : i32
      %add3A_200 = arith.addi %mul3A_83, %mul3A_199 : i32
      %get3A_201 = arith.constant 3 : i32
      %get3A_202 = arith.index_cast %get3A_201 : i32 to index
      %get3A_203 = arith.index_cast %add3A_200 : i32 to index
      %get3A_204 = tpu.vector_load %arg15[%get3A_202, %get3A_203] {strides = array<i32>} : memref<16x640xf32, #tpu.memory_space<vmem>>, vector<16xf32>,
      %add3A_205 = arith.addf %add3A_197, %get3A_204 : vector<16xf32>
      %mul3A_206 = arith.constant 16 : i32
      %mul3A_207 = arith.muli %scan3A_175, %mul3A_206 : i32
      %add3A_208 = arith.addi %mul3A_83, %mul3A_207 : i32
      %get3A_209 = arith.constant 4 : i32
      %get3A_210 = arith.index_cast %get3A_209 : i32 to index
      %get3A_211 = arith.index_cast %add3A_208 : i32 to index
      %get3A_212 = tpu.vector_load %arg15[%get3A_210, %get3A_211] {strides = array<i32>} : memref<16x640xf32, #tpu.memory_space<vmem>>, vector<16xf32>,
      %add3A_213 = arith.addf %add3A_205, %get3A_212 : vector<16xf32>
      %mul3A_214 = arith.constant 16 : i32
      %mul3A_215 = arith.muli %scan3A_175, %mul3A_214 : i32
      %add3A_216 = arith.addi %mul3A_83, %mul3A_215 : i32
      %get3A_217 = arith.constant 5 : i32
      %get3A_218 = arith.index_cast %get3A_217 : i32 to index
      %get3A_219 = arith.index_cast %add3A_216 : i32 to index
      %get3A_220 = tpu.vector_load %arg15[%get3A_218, %get3A_219] {strides = array<i32>} : memref<16x640xf32, #tpu.memory_space<vmem>>, vector<16xf32>,
      %add3A_221 = arith.addf %add3A_213, %get3A_220 : vector<16xf32>
      %mul3A_222 = arith.constant 16 : i32
      %mul3A_223 = arith.muli %scan3A_175, %mul3A_222 : i32
      %add3A_224 = arith.addi %mul3A_83, %mul3A_223 : i32
      %get3A_225 = arith.constant 6 : i32
      %get3A_226 = arith.index_cast %get3A_225 : i32 to index
      %get3A_227 = arith.index_cast %add3A_224 : i32 to index
      %get3A_228 = tpu.vector_load %arg15[%get3A_226, %get3A_227] {strides = array<i32>} : memref<16x640xf32, #tpu.memory_space<vmem>>, vector<16xf32>,
      %add3A_229 = arith.addf %add3A_221, %get3A_228 : vector<16xf32>
      %mul3A_230 = arith.constant 16 : i32
      %mul3A_231 = arith.muli %scan3A_175, %mul3A_230 : i32
      %add3A_232 = arith.addi %mul3A_83, %mul3A_231 : i32
      %get3A_233 = arith.constant 7 : i32
      %get3A_234 = arith.index_cast %get3A_233 : i32 to index
      %get3A_235 = arith.index_cast %add3A_232 : i32 to index
      %get3A_236 = tpu.vector_load %arg15[%get3A_234, %get3A_235] {strides = array<i32>} : memref<16x640xf32, #tpu.memory_space<vmem>>, vector<16xf32>,
      %add3A_237 = arith.addf %add3A_229, %get3A_236 : vector<16xf32>
      %mul3A_238 = arith.constant 16 : i32
      %mul3A_239 = arith.muli %scan3A_175, %mul3A_238 : i32
      %add3A_240 = arith.addi %mul3A_83, %mul3A_239 : i32
      %get3A_241 = arith.constant 8 : i32
      %get3A_242 = arith.index_cast %get3A_241 : i32 to index
      %get3A_243 = arith.index_cast %add3A_240 : i32 to index
      %get3A_244 = tpu.vector_load %arg15[%get3A_242, %get3A_243] {strides = array<i32>} : memref<16x640xf32, #tpu.memory_space<vmem>>, vector<16xf32>,
      %add3A_245 = arith.addf %add3A_237, %get3A_244 : vector<16xf32>
      %mul3A_246 = arith.constant 16 : i32
      %mul3A_247 = arith.muli %scan3A_175, %mul3A_246 : i32
      %add3A_248 = arith.addi %mul3A_83, %mul3A_247 : i32
      %get3A_249 = arith.constant 9 : i32
      %get3A_250 = arith.index_cast %get3A_249 : i32 to index
      %get3A_251 = arith.index_cast %add3A_248 : i32 to index
      %get3A_252 = tpu.vector_load %arg15[%get3A_250, %get3A_251] {strides = array<i32>} : memref<16x640xf32, #tpu.memory_space<vmem>>, vector<16xf32>,
      %add3A_253 = arith.addf %add3A_245, %get3A_252 : vector<16xf32>
      %mul3A_254 = arith.constant 16 : i32
      %mul3A_255 = arith.muli %scan3A_175, %mul3A_254 : i32
      %add3A_256 = arith.addi %mul3A_83, %mul3A_255 : i32
      %get3A_257 = arith.constant 10 : i32
      %get3A_258 = arith.index_cast %get3A_257 : i32 to index
      %get3A_259 = arith.index_cast %add3A_256 : i32 to index
      %get3A_260 = tpu.vector_load %arg15[%get3A_258, %get3A_259] {strides = array<i32>} : memref<16x640xf32, #tpu.memory_space<vmem>>, vector<16xf32>,
      %add3A_261 = arith.addf %add3A_253, %get3A_260 : vector<16xf32>
      %mul3A_262 = arith.constant 16 : i32
      %mul3A_263 = arith.muli %scan3A_175, %mul3A_262 : i32
      %add3A_264 = arith.addi %mul3A_83, %mul3A_263 : i32
      %get3A_265 = arith.constant 11 : i32
      %get3A_266 = arith.index_cast %get3A_265 : i32 to index
      %get3A_267 = arith.index_cast %add3A_264 : i32 to index
      %get3A_268 = tpu.vector_load %arg15[%get3A_266, %get3A_267] {strides = array<i32>} : memref<16x640xf32, #tpu.memory_space<vmem>>, vector<16xf32>,
      %add3A_269 = arith.addf %add3A_261, %get3A_268 : vector<16xf32>
      %mul3A_270 = arith.constant 16 : i32
      %mul3A_271 = arith.muli %scan3A_175, %mul3A_270 : i32
      %add3A_272 = arith.addi %mul3A_83, %mul3A_271 : i32
      %get3A_273 = arith.constant 12 : i32
      %get3A_274 = arith.index_cast %get3A_273 : i32 to index
      %get3A_275 = arith.index_cast %add3A_272 : i32 to index
      %get3A_276 = tpu.vector_load %arg15[%get3A_274, %get3A_275] {strides = array<i32>} : memref<16x640xf32, #tpu.memory_space<vmem>>, vector<16xf32>,
      %add3A_277 = arith.addf %add3A_269, %get3A_276 : vector<16xf32>
      %mul3A_278 = arith.constant 16 : i32
      %mul3A_279 = arith.muli %scan3A_175, %mul3A_278 : i32
      %add3A_280 = arith.addi %mul3A_83, %mul3A_279 : i32
      %get3A_281 = arith.constant 13 : i32
      %get3A_282 = arith.index_cast %get3A_281 : i32 to index
      %get3A_283 = arith.index_cast %add3A_280 : i32 to index
      %get3A_284 = tpu.vector_load %arg15[%get3A_282, %get3A_283] {strides = array<i32>} : memref<16x640xf32, #tpu.memory_space<vmem>>, vector<16xf32>,
      %add3A_285 = arith.addf %add3A_277, %get3A_284 : vector<16xf32>
      %mul3A_286 = arith.constant 16 : i32
      %mul3A_287 = arith.muli %scan3A_175, %mul3A_286 : i32
      %add3A_288 = arith.addi %mul3A_83, %mul3A_287 : i32
      %get3A_289 = arith.constant 14 : i32
      %get3A_290 = arith.index_cast %get3A_289 : i32 to index
      %get3A_291 = arith.index_cast %add3A_288 : i32 to index
      %get3A_292 = tpu.vector_load %arg15[%get3A_290, %get3A_291] {strides = array<i32>} : memref<16x640xf32, #tpu.memory_space<vmem>>, vector<16xf32>,
      %add3A_293 = arith.addf %add3A_285, %get3A_292 : vector<16xf32>
      %mul3A_294 = arith.constant 16 : i32
      %mul3A_295 = arith.muli %scan3A_175, %mul3A_294 : i32
      %add3A_296 = arith.addi %mul3A_83, %mul3A_295 : i32
      %get3A_297 = arith.constant 15 : i32
      %get3A_298 = arith.index_cast %get3A_297 : i32 to index
      %get3A_299 = arith.index_cast %add3A_296 : i32 to index
      %get3A_300 = tpu.vector_load %arg15[%get3A_298, %get3A_299] {strides = array<i32>} : memref<16x640xf32, #tpu.memory_space<vmem>>, vector<16xf32>,
      %add3A_301 = arith.addf %add3A_293, %get3A_300 : vector<16xf32>
      %mul3A_302 = arith.constant 16 : i32
      %mul3A_303 = arith.muli %scan3A_175, %mul3A_302 : i32
      %swap3A = arith.index_cast %mul3A_303 : i32 to index
      %swap3A_304 = tpu.vector_load %arg12[%swap3A] {strides = array<i32>} : memref<10240xf32, #tpu.memory_space<vmem>>, vector<16xf32>,
      tpu.vector_store %arg12[%swap3A], %add3A_301 {strides = array<i32>} : memref<10240xf32, #tpu.memory_space<vmem>>, vector<16xf32>,
    }
    %scan3A_159 = arith.constant 2 : i32
    %scan3A_160 = arith.constant 0 : i32
    %scan3A_161 = arith.constant 2 : i32
    %scan3A_162 = arith.addi %scan3A_160, %scan3A_161 : i32
    %scan3A_163 = arith.constant 1 : i32
    scf.for %scan3A_175 = %scan3A_160 to %scan3A_162 step %scan3A_163  : i32 {
      %mul3A_176 = arith.constant 16 : i32
      %mul3A_177 = arith.muli %scan3A_175, %mul3A_176 : i32
      %get3A = arith.index_cast %mul3A_177 : i32 to index
      %get3A_178 = tpu.vector_load %arg12[%get3A] {strides = array<i32>} : memref<10240xf32, #tpu.memory_space<vmem>>, vector<16xf32>,
      %mul3A_179 = arith.constant 16 : i32
      %mul3A_180 = arith.muli %scan3A_175, %mul3A_179 : i32
      %get3A_181 = arith.index_cast %mul3A_180 : i32 to index
      %get3A_182 = tpu.vector_load %arg13[%get3A_181] {strides = array<i32>} : memref<640xf32, #tpu.memory_space<vmem>>, vector<16xf32>,
      %mul3A_183 = arith.constant 16 : i32
      %mul3A_184 = arith.muli %scan3A_175, %mul3A_183 : i32
      %get3A_185 = arith.index_cast %mul3A_184 : i32 to index
      %get3A_186 = tpu.vector_load %arg14[%get3A_185] {strides = array<i32>} : memref<640xf32, #tpu.memory_space<vmem>>, vector<16xf32>,
      %add3A_187 = arith.addf %get3A_178, %get3A_186 : vector<16xf32>
      %mul3A_188 = arith.mulf %get3A_182, %add3A_187 : vector<16xf32>
      %mul3A_189 = arith.constant 16 : i32
      %mul3A_190 = arith.muli %scan3A_175, %mul3A_189 : i32
      %swap3A = arith.index_cast %mul3A_190 : i32 to index
      %swap3A_191 = tpu.vector_load %arg14[%swap3A] {strides = array<i32>} : memref<640xf32, #tpu.memory_space<vmem>>, vector<16xf32>,
      tpu.vector_store %arg14[%swap3A], %mul3A_188 {strides = array<i32>} : memref<640xf32, #tpu.memory_space<vmem>>, vector<16xf32>,
    }
    %scan3A_164 = arith.constant 2 : i32
    "tpu.region"() ({
      %run_scoped3A = tpu.sem_alloc : memref<!tpu.dma_semaphore, #tpu.memory_space<semaphore_mem>>
      %dma_start3A = arith.constant 0 : i32
      %dma_start3A_175 = tpu.memref_slice %arg14[%dma_start3A] : memref<640xf32, #tpu.memory_space<vmem>> -> memref<32xf32, #tpu.memory_space<vmem>>
      %dma_start3A_176 = tpu.memref_slice %arg24[%mul3A_83] : memref<512xf32, #tpu.memory_space<vmem_shared>> -> memref<32xf32, #tpu.memory_space<vmem_shared>>
      %dma_start3A_177 = tpu.memref_slice %arg24[%mul3A_83] : memref<512xf32, #tpu.memory_space<vmem_shared>> -> memref<32xf32, #tpu.memory_space<vmem_shared>>
      %dma_start3A_178 = arith.constant 0 : i32
      %dma_start3A_179 = tpu.memref_slice %arg14[%dma_start3A_178] : memref<640xf32, #tpu.memory_space<vmem>> -> memref<32xf32, #tpu.memory_space<vmem>>
      tpu.enqueue_dma source(%dma_start3A_179 : memref<32xf32, #tpu.memory_space<vmem>>) target(%dma_start3A_177 : memref<32xf32, #tpu.memory_space<vmem_shared>>) target_semaphore(%run_scoped3A : memref<!tpu.dma_semaphore, #tpu.memory_space<semaphore_mem>>)
      %dma_wait3A = arith.constant 0 : i32
      %dma_wait3A_180 = tpu.memref_slice %arg14[%dma_wait3A] : memref<640xf32, #tpu.memory_space<vmem>> -> memref<32xf32, #tpu.memory_space<vmem>>
      %dma_wait3A_181 = tpu.memref_slice %arg24[%mul3A_83] : memref<512xf32, #tpu.memory_space<vmem_shared>> -> memref<32xf32, #tpu.memory_space<vmem_shared>>
      %dma_wait3A_182 = tpu.memref_slice %arg24[%mul3A_83] : memref<512xf32, #tpu.memory_space<vmem_shared>> -> memref<32xf32, #tpu.memory_space<vmem_shared>>
      %dma_wait3A_183 = arith.constant 0 : i32
      %dma_wait3A_184 = tpu.memref_slice %arg14[%dma_wait3A_183] : memref<640xf32, #tpu.memory_space<vmem>> -> memref<32xf32, #tpu.memory_space<vmem>>
      tpu.wait_dma2 semaphore(%run_scoped3A : memref<!tpu.dma_semaphore, #tpu.memory_space<semaphore_mem>>) src(%dma_wait3A_184 : memref<32xf32, #tpu.memory_space<vmem>>) dst(%dma_wait3A_182 : memref<32xf32, #tpu.memory_space<vmem_shared>>)
      tpu.yield
    }) : () -> ()
    %barrier3A_165 = arith.constant 0 : index
    tpu.barrier barrier_id(%barrier3A_165)
    %eq3A = arith.constant 0 : i32
    %eq3A_166 = arith.cmpi eq, %arg0, %eq3A : i32
    %convert_element_type3A = arith.extui %eq3A_166 : i1 to i32
    %cond3A = arith.constant 0 : i32
    %cond3A_167 = arith.cmpi ne, %convert_element_type3A, %cond3A : i32
    scf.if %cond3A_167 {
      %mul3A_175 = arith.constant 32 : i32
      %mul3A_176 = arith.muli %arg1, %mul3A_175 : i32
      "tpu.region"() ({
        %run_scoped3A = tpu.sem_alloc : memref<!tpu.dma_semaphore, #tpu.memory_space<semaphore_mem>>
        %dma_start3A = arith.constant 0 : i32
        %dma_start3A_177 = tpu.memref_slice %arg14[%dma_start3A] : memref<640xf32, #tpu.memory_space<vmem>> -> memref<32xf32, #tpu.memory_space<vmem>>
        %dma_start3A_178 = tpu.memref_slice %arg7[%mul3A_176] : memref<512xf32, #tpu.memory_space<hbm>> -> memref<32xf32, #tpu.memory_space<hbm>>
        %dma_start3A_179 = tpu.memref_slice %arg7[%mul3A_176] : memref<512xf32, #tpu.memory_space<hbm>> -> memref<32xf32, #tpu.memory_space<hbm>>
        %dma_start3A_180 = arith.constant 0 : i32
        %dma_start3A_181 = tpu.memref_slice %arg14[%dma_start3A_180] : memref<640xf32, #tpu.memory_space<vmem>> -> memref<32xf32, #tpu.memory_space<vmem>>
        tpu.enqueue_dma source(%dma_start3A_181 : memref<32xf32, #tpu.memory_space<vmem>>) target(%dma_start3A_179 : memref<32xf32, #tpu.memory_space<hbm>>) target_semaphore(%run_scoped3A : memref<!tpu.dma_semaphore, #tpu.memory_space<semaphore_mem>>)
        %dma_wait3A = arith.constant 0 : i32
        %dma_wait3A_182 = tpu.memref_slice %arg14[%dma_wait3A] : memref<640xf32, #tpu.memory_space<vmem>> -> memref<32xf32, #tpu.memory_space<vmem>>
        %dma_wait3A_183 = tpu.memref_slice %arg7[%mul3A_176] : memref<512xf32, #tpu.memory_space<hbm>> -> memref<32xf32, #tpu.memory_space<hbm>>
        %dma_wait3A_184 = tpu.memref_slice %arg7[%mul3A_176] : memref<512xf32, #tpu.memory_space<hbm>> -> memref<32xf32, #tpu.memory_space<hbm>>
        %dma_wait3A_185 = arith.constant 0 : i32
        %dma_wait3A_186 = tpu.memref_slice %arg14[%dma_wait3A_185] : memref<640xf32, #tpu.memory_space<vmem>> -> memref<32xf32, #tpu.memory_space<vmem>>
        tpu.wait_dma2 semaphore(%run_scoped3A : memref<!tpu.dma_semaphore, #tpu.memory_space<semaphore_mem>>) src(%dma_wait3A_186 : memref<32xf32, #tpu.memory_space<vmem>>) dst(%dma_wait3A_184 : memref<32xf32, #tpu.memory_space<hbm>>)
        tpu.yield
      }) : () -> ()
    } else {
    }
    %mul3A_168 = arith.constant 16 : i32
    %mul3A_169 = arith.muli %arg0, %mul3A_168 : i32
    %add3A_170 = arith.addi %mul3A_169, %arg1 : i32
    %lt3A = arith.constant 20 : i32
    %lt3A_171 = arith.cmpi slt, %add3A_170, %lt3A : i32
    %convert_element_type3A_172 = arith.extui %lt3A_171 : i1 to i32
    %cond3A_173 = arith.constant 0 : i32
    %cond3A_174 = arith.cmpi ne, %convert_element_type3A_172, %cond3A_173 : i32
    scf.if %cond3A_174 {
      "tpu.region"() ({
        %run_scoped3A = tpu.sem_alloc : memref<!tpu.dma_semaphore, #tpu.memory_space<semaphore_mem>>
        %dma_start3A = arith.constant 0 : i32
        %dma_start3A_252 = tpu.memref_slice %arg16[%dma_start3A] : memref<10000xi32, #tpu.memory_space<vmem>> -> memref<10000xi32, #tpu.memory_space<vmem>>
        %dma_start3A_253 = arith.constant 0 : i32
        %dma_start3A_254 = tpu.memref_slice %arg16[%dma_start3A_253] : memref<10000xi32, #tpu.memory_space<vmem>> -> memref<10000xi32, #tpu.memory_space<vmem>>
        tpu.enqueue_dma source(%arg4 : memref<10000xi32, #tpu.memory_space<hbm>>) target(%dma_start3A_254 : memref<10000xi32, #tpu.memory_space<vmem>>) target_semaphore(%run_scoped3A : memref<!tpu.dma_semaphore, #tpu.memory_space<semaphore_mem>>)
        %dma_wait3A = arith.constant 0 : i32
        %dma_wait3A_255 = tpu.memref_slice %arg16[%dma_wait3A] : memref<10000xi32, #tpu.memory_space<vmem>> -> memref<10000xi32, #tpu.memory_space<vmem>>
        %dma_wait3A_256 = arith.constant 0 : i32
        %dma_wait3A_257 = tpu.memref_slice %arg16[%dma_wait3A_256] : memref<10000xi32, #tpu.memory_space<vmem>> -> memref<10000xi32, #tpu.memory_space<vmem>>
        tpu.wait_dma2 semaphore(%run_scoped3A : memref<!tpu.dma_semaphore, #tpu.memory_space<semaphore_mem>>) src(%arg4 : memref<10000xi32, #tpu.memory_space<hbm>>) dst(%dma_wait3A_257 : memref<10000xi32, #tpu.memory_space<vmem>>)
        tpu.yield
      }) : () -> ()
      "tpu.region"() ({
        %run_scoped3A = tpu.sem_alloc : memref<!tpu.dma_semaphore, #tpu.memory_space<semaphore_mem>>
        %dma_start3A = arith.constant 0 : i32
        %dma_start3A_252 = tpu.memref_slice %arg10[%dma_start3A] : memref<10240xf32, #tpu.memory_space<vmem>> -> memref<10240xf32, #tpu.memory_space<vmem>>
        %dma_start3A_253 = arith.constant 0 : i32
        %dma_start3A_254 = tpu.memref_slice %arg23[%dma_start3A_253] : memref<10240xf32, #tpu.memory_space<vmem_shared>> -> memref<10240xf32, #tpu.memory_space<vmem_shared>>
        %dma_start3A_255 = arith.constant 0 : i32
        %dma_start3A_256 = tpu.memref_slice %arg10[%dma_start3A_255] : memref<10240xf32, #tpu.memory_space<vmem>> -> memref<10240xf32, #tpu.memory_space<vmem>>
        %dma_start3A_257 = arith.constant 0 : i32
        %dma_start3A_258 = tpu.memref_slice %arg23[%dma_start3A_257] : memref<10240xf32, #tpu.memory_space<vmem_shared>> -> memref<10240xf32, #tpu.memory_space<vmem_shared>>
        tpu.enqueue_dma source(%dma_start3A_258 : memref<10240xf32, #tpu.memory_space<vmem_shared>>) target(%dma_start3A_256 : memref<10240xf32, #tpu.memory_space<vmem>>) target_semaphore(%run_scoped3A : memref<!tpu.dma_semaphore, #tpu.memory_space<semaphore_mem>>)
        %dma_wait3A = arith.constant 0 : i32
        %dma_wait3A_259 = tpu.memref_slice %arg10[%dma_wait3A] : memref<10240xf32, #tpu.memory_space<vmem>> -> memref<10240xf32, #tpu.memory_space<vmem>>
        %dma_wait3A_260 = arith.constant 0 : i32
        %dma_wait3A_261 = tpu.memref_slice %arg23[%dma_wait3A_260] : memref<10240xf32, #tpu.memory_space<vmem_shared>> -> memref<10240xf32, #tpu.memory_space<vmem_shared>>
        %dma_wait3A_262 = arith.constant 0 : i32
        %dma_wait3A_263 = tpu.memref_slice %arg10[%dma_wait3A_262] : memref<10240xf32, #tpu.memory_space<vmem>> -> memref<10240xf32, #tpu.memory_space<vmem>>
        %dma_wait3A_264 = arith.constant 0 : i32
        %dma_wait3A_265 = tpu.memref_slice %arg23[%dma_wait3A_264] : memref<10240xf32, #tpu.memory_space<vmem_shared>> -> memref<10240xf32, #tpu.memory_space<vmem_shared>>
        tpu.wait_dma2 semaphore(%run_scoped3A : memref<!tpu.dma_semaphore, #tpu.memory_space<semaphore_mem>>) src(%dma_wait3A_265 : memref<10240xf32, #tpu.memory_space<vmem_shared>>) dst(%dma_wait3A_263 : memref<10240xf32, #tpu.memory_space<vmem>>)
        tpu.yield
      }) : () -> ()
      "tpu.region"() ({
        %run_scoped3A = tpu.sem_alloc : memref<!tpu.dma_semaphore, #tpu.memory_space<semaphore_mem>>
        %dma_start3A = arith.constant 384 : i32
        %dma_start3A_252 = tpu.memref_slice %arg24[%dma_start3A] : memref<512xf32, #tpu.memory_space<vmem_shared>> -> memref<16xf32, #tpu.memory_space<vmem_shared>>
        %dma_start3A_253 = arith.constant 384 : i32
        %dma_start3A_254 = tpu.memref_slice %arg24[%dma_start3A_253] : memref<512xf32, #tpu.memory_space<vmem_shared>> -> memref<16xf32, #tpu.memory_space<vmem_shared>>
        tpu.enqueue_dma source(%dma_start3A_254 : memref<16xf32, #tpu.memory_space<vmem_shared>>) target(%arg19 : memref<16xf32, #tpu.memory_space<vmem>>) target_semaphore(%run_scoped3A : memref<!tpu.dma_semaphore, #tpu.memory_space<semaphore_mem>>)
        %dma_wait3A = arith.constant 384 : i32
        %dma_wait3A_255 = tpu.memref_slice %arg24[%dma_wait3A] : memref<512xf32, #tpu.memory_space<vmem_shared>> -> memref<16xf32, #tpu.memory_space<vmem_shared>>
        %dma_wait3A_256 = arith.constant 384 : i32
        %dma_wait3A_257 = tpu.memref_slice %arg24[%dma_wait3A_256] : memref<512xf32, #tpu.memory_space<vmem_shared>> -> memref<16xf32, #tpu.memory_space<vmem_shared>>
        tpu.wait_dma2 semaphore(%run_scoped3A : memref<!tpu.dma_semaphore, #tpu.memory_space<semaphore_mem>>) src(%dma_wait3A_257 : memref<16xf32, #tpu.memory_space<vmem_shared>>) dst(%arg19 : memref<16xf32, #tpu.memory_space<vmem>>)
        tpu.yield
      }) : () -> ()
      %iota3A = tpu.iota {dimensions = array<i32: 0>} : vector<16xi32>
      %eq3A_175 = arith.constant 15 : i32
      %eq3A_176 = vector.broadcast %eq3A_175 : i32 to vector<16xi32>
      %eq3A_177 = arith.cmpi eq, %iota3A, %eq3A_176 : vector<16xi32>
      %get3A = arith.constant 0 : index
      %get3A_178 = tpu.vector_load %arg19[%get3A] {strides = array<i32>} : memref<16xf32, #tpu.memory_space<vmem>>, vector<16xf32>,
      %jit3A = arith.constant 0.000000e+00 : f32
      %broadcast_in_dim3A_179 = vector.broadcast %jit3A : f32 to vector<16xf32>
      %select_n3A = arith.select %eq3A_177, %get3A_178, %broadcast_in_dim3A_179 : vector<16xi1>, vector<16xf32>
      %reduce_sum3A = arith.constant true
      %reduce_sum3A_180 = vector.broadcast %reduce_sum3A : i1 to vector<16xi1>
      %reduce_sum3A_181 = tpu.scan <sum>, %select_n3A masked %reduce_sum3A_180 : vector<16xf32>, vector<16xi1> -> vector<16xf32>
      %reduce_sum3A_182 = vector.extract %reduce_sum3A_181[15] : f32 from vector<16xf32>
      %broadcast_in_dim3A_183 = arith.constant 0 : i32
      %broadcast_in_dim3A_184 = vector.broadcast %broadcast_in_dim3A_183 : i32 to vector<16xi32>
      %scan3A_185 = arith.constant 0 : i32
      %scan3A_186 = arith.constant 624 : i32
      %scan3A_187 = arith.addi %scan3A_185, %scan3A_186 : i32
      %scan3A_188 = arith.constant 4 : i32
      %scan3A_189:2 = scf.for %scan3A_252 = %scan3A_185 to %scan3A_187 step %scan3A_188 iter_args(%scan3A_253 = %broadcast_in_dim3A_184, %scan3A_254 = %broadcast_in_dim3A_184) -> (vector<16xi32>, vector<16xi32>)  : i32 {
        %mul3A_255 = arith.constant 16 : i32
        %mul3A_256 = arith.muli %scan3A_252, %mul3A_255 : i32
        %get3A_257 = arith.index_cast %mul3A_256 : i32 to index
        %get3A_258 = tpu.vector_load %arg16[%get3A_257] {strides = array<i32>} : memref<10000xi32, #tpu.memory_space<vmem>>, vector<16xi32>,
        %lt3A_259 = vector.broadcast %add3A_170 : i32 to vector<16xi32>
        %lt3A_260 = arith.cmpi slt, %get3A_258, %lt3A_259 : vector<16xi32>
        %jit3A_261 = arith.constant 1 : i32
        %jit3A_262 = arith.constant 0 : i32
        %broadcast_in_dim3A_263 = vector.broadcast %jit3A_261 : i32 to vector<16xi32>
        %broadcast_in_dim3A_264 = vector.broadcast %jit3A_262 : i32 to vector<16xi32>
        %select_n3A_265 = arith.select %lt3A_260, %broadcast_in_dim3A_263, %broadcast_in_dim3A_264 : vector<16xi1>, vector<16xi32>
        %add3A_266 = arith.addi %scan3A_253, %select_n3A_265 : vector<16xi32>
        %le3A_267 = vector.broadcast %add3A_170 : i32 to vector<16xi32>
        %le3A_268 = arith.cmpi sle, %get3A_258, %le3A_267 : vector<16xi32>
        %jit3A_269 = arith.constant 1 : i32
        %jit3A_270 = arith.constant 0 : i32
        %broadcast_in_dim3A_271 = vector.broadcast %jit3A_269 : i32 to vector<16xi32>
        %broadcast_in_dim3A_272 = vector.broadcast %jit3A_270 : i32 to vector<16xi32>
        %select_n3A_273 = arith.select %le3A_268, %broadcast_in_dim3A_271, %broadcast_in_dim3A_272 : vector<16xi1>, vector<16xi32>
        %add3A_274 = arith.addi %scan3A_254, %select_n3A_273 : vector<16xi32>
        %scan3A_275 = arith.constant 1 : i32
        %scan3A_276 = arith.addi %scan3A_252, %scan3A_275 : i32
        %mul3A_277 = arith.constant 16 : i32
        %mul3A_278 = arith.muli %scan3A_276, %mul3A_277 : i32
        %get3A_279 = arith.index_cast %mul3A_278 : i32 to index
        %get3A_280 = tpu.vector_load %arg16[%get3A_279] {strides = array<i32>} : memref<10000xi32, #tpu.memory_space<vmem>>, vector<16xi32>,
        %lt3A_281 = vector.broadcast %add3A_170 : i32 to vector<16xi32>
        %lt3A_282 = arith.cmpi slt, %get3A_280, %lt3A_281 : vector<16xi32>
        %jit3A_283 = arith.constant 1 : i32
        %jit3A_284 = arith.constant 0 : i32
        %broadcast_in_dim3A_285 = vector.broadcast %jit3A_283 : i32 to vector<16xi32>
        %broadcast_in_dim3A_286 = vector.broadcast %jit3A_284 : i32 to vector<16xi32>
        %select_n3A_287 = arith.select %lt3A_282, %broadcast_in_dim3A_285, %broadcast_in_dim3A_286 : vector<16xi1>, vector<16xi32>
        %add3A_288 = arith.addi %add3A_266, %select_n3A_287 : vector<16xi32>
        %le3A_289 = vector.broadcast %add3A_170 : i32 to vector<16xi32>
        %le3A_290 = arith.cmpi sle, %get3A_280, %le3A_289 : vector<16xi32>
        %jit3A_291 = arith.constant 1 : i32
        %jit3A_292 = arith.constant 0 : i32
        %broadcast_in_dim3A_293 = vector.broadcast %jit3A_291 : i32 to vector<16xi32>
        %broadcast_in_dim3A_294 = vector.broadcast %jit3A_292 : i32 to vector<16xi32>
        %select_n3A_295 = arith.select %le3A_290, %broadcast_in_dim3A_293, %broadcast_in_dim3A_294 : vector<16xi1>, vector<16xi32>
        %add3A_296 = arith.addi %add3A_274, %select_n3A_295 : vector<16xi32>
        %scan3A_297 = arith.constant 2 : i32
        %scan3A_298 = arith.addi %scan3A_252, %scan3A_297 : i32
        %mul3A_299 = arith.constant 16 : i32
        %mul3A_300 = arith.muli %scan3A_298, %mul3A_299 : i32
        %get3A_301 = arith.index_cast %mul3A_300 : i32 to index
        %get3A_302 = tpu.vector_load %arg16[%get3A_301] {strides = array<i32>} : memref<10000xi32, #tpu.memory_space<vmem>>, vector<16xi32>,
        %lt3A_303 = vector.broadcast %add3A_170 : i32 to vector<16xi32>
        %lt3A_304 = arith.cmpi slt, %get3A_302, %lt3A_303 : vector<16xi32>
        %jit3A_305 = arith.constant 1 : i32
        %jit3A_306 = arith.constant 0 : i32
        %broadcast_in_dim3A_307 = vector.broadcast %jit3A_305 : i32 to vector<16xi32>
        %broadcast_in_dim3A_308 = vector.broadcast %jit3A_306 : i32 to vector<16xi32>
        %select_n3A_309 = arith.select %lt3A_304, %broadcast_in_dim3A_307, %broadcast_in_dim3A_308 : vector<16xi1>, vector<16xi32>
        %add3A_310 = arith.addi %add3A_288, %select_n3A_309 : vector<16xi32>
        %le3A_311 = vector.broadcast %add3A_170 : i32 to vector<16xi32>
        %le3A_312 = arith.cmpi sle, %get3A_302, %le3A_311 : vector<16xi32>
        %jit3A_313 = arith.constant 1 : i32
        %jit3A_314 = arith.constant 0 : i32
        %broadcast_in_dim3A_315 = vector.broadcast %jit3A_313 : i32 to vector<16xi32>
        %broadcast_in_dim3A_316 = vector.broadcast %jit3A_314 : i32 to vector<16xi32>
        %select_n3A_317 = arith.select %le3A_312, %broadcast_in_dim3A_315, %broadcast_in_dim3A_316 : vector<16xi1>, vector<16xi32>
        %add3A_318 = arith.addi %add3A_296, %select_n3A_317 : vector<16xi32>
        %scan3A_319 = arith.constant 3 : i32
        %scan3A_320 = arith.addi %scan3A_252, %scan3A_319 : i32
        %mul3A_321 = arith.constant 16 : i32
        %mul3A_322 = arith.muli %scan3A_320, %mul3A_321 : i32
        %get3A_323 = arith.index_cast %mul3A_322 : i32 to index
        %get3A_324 = tpu.vector_load %arg16[%get3A_323] {strides = array<i32>} : memref<10000xi32, #tpu.memory_space<vmem>>, vector<16xi32>,
        %lt3A_325 = vector.broadcast %add3A_170 : i32 to vector<16xi32>
        %lt3A_326 = arith.cmpi slt, %get3A_324, %lt3A_325 : vector<16xi32>
        %jit3A_327 = arith.constant 1 : i32
        %jit3A_328 = arith.constant 0 : i32
        %broadcast_in_dim3A_329 = vector.broadcast %jit3A_327 : i32 to vector<16xi32>
        %broadcast_in_dim3A_330 = vector.broadcast %jit3A_328 : i32 to vector<16xi32>
        %select_n3A_331 = arith.select %lt3A_326, %broadcast_in_dim3A_329, %broadcast_in_dim3A_330 : vector<16xi1>, vector<16xi32>
        %add3A_332 = arith.addi %add3A_310, %select_n3A_331 : vector<16xi32>
        %le3A_333 = vector.broadcast %add3A_170 : i32 to vector<16xi32>
        %le3A_334 = arith.cmpi sle, %get3A_324, %le3A_333 : vector<16xi32>
        %jit3A_335 = arith.constant 1 : i32
        %jit3A_336 = arith.constant 0 : i32
        %broadcast_in_dim3A_337 = vector.broadcast %jit3A_335 : i32 to vector<16xi32>
        %broadcast_in_dim3A_338 = vector.broadcast %jit3A_336 : i32 to vector<16xi32>
        %select_n3A_339 = arith.select %le3A_334, %broadcast_in_dim3A_337, %broadcast_in_dim3A_338 : vector<16xi1>, vector<16xi32>
        %add3A_340 = arith.addi %add3A_318, %select_n3A_339 : vector<16xi32>
        scf.yield %add3A_332, %add3A_340 : vector<16xi32>, vector<16xi32>
      }
      %scan3A_190 = arith.constant 624 : i32
      %scan3A_191 = arith.addi %scan3A_185, %scan3A_190 : i32
      %mul3A_192 = arith.constant 16 : i32
      %mul3A_193 = arith.muli %scan3A_191, %mul3A_192 : i32
      %get3A_194 = arith.index_cast %mul3A_193 : i32 to index
      %get3A_195 = tpu.vector_load %arg16[%get3A_194] {strides = array<i32>} : memref<10000xi32, #tpu.memory_space<vmem>>, vector<16xi32>,
      %lt3A_196 = vector.broadcast %add3A_170 : i32 to vector<16xi32>
      %lt3A_197 = arith.cmpi slt, %get3A_195, %lt3A_196 : vector<16xi32>
      %jit3A_198 = arith.constant 1 : i32
      %jit3A_199 = arith.constant 0 : i32
      %broadcast_in_dim3A_200 = vector.broadcast %jit3A_198 : i32 to vector<16xi32>
      %broadcast_in_dim3A_201 = vector.broadcast %jit3A_199 : i32 to vector<16xi32>
      %select_n3A_202 = arith.select %lt3A_197, %broadcast_in_dim3A_200, %broadcast_in_dim3A_201 : vector<16xi1>, vector<16xi32>
      %add3A_203 = arith.addi %scan3A_189#0, %select_n3A_202 : vector<16xi32>
      %le3A = vector.broadcast %add3A_170 : i32 to vector<16xi32>
      %le3A_204 = arith.cmpi sle, %get3A_195, %le3A : vector<16xi32>
      %jit3A_205 = arith.constant 1 : i32
      %jit3A_206 = arith.constant 0 : i32
      %broadcast_in_dim3A_207 = vector.broadcast %jit3A_205 : i32 to vector<16xi32>
      %broadcast_in_dim3A_208 = vector.broadcast %jit3A_206 : i32 to vector<16xi32>
      %select_n3A_209 = arith.select %le3A_204, %broadcast_in_dim3A_207, %broadcast_in_dim3A_208 : vector<16xi1>, vector<16xi32>
      %add3A_210 = arith.addi %scan3A_189#1, %select_n3A_209 : vector<16xi32>
      %scan3A_211 = arith.constant 625 : i32
      %reduce_sum3A_212 = arith.constant true
      %reduce_sum3A_213 = vector.broadcast %reduce_sum3A_212 : i1 to vector<16xi1>
      %reduce_sum3A_214 = tpu.scan <sum>, %add3A_203 masked %reduce_sum3A_213 : vector<16xi32>, vector<16xi1> -> vector<16xi32>
      %reduce_sum3A_215 = vector.extract %reduce_sum3A_214[15] : i32 from vector<16xi32>
      %reduce_sum3A_216 = arith.constant true
      %reduce_sum3A_217 = vector.broadcast %reduce_sum3A_216 : i1 to vector<16xi1>
      %reduce_sum3A_218 = tpu.scan <sum>, %add3A_210 masked %reduce_sum3A_217 : vector<16xi32>, vector<16xi1> -> vector<16xi32>
      %reduce_sum3A_219 = vector.extract %reduce_sum3A_218[15] : i32 from vector<16xi32>
      %shift_right_arithmetic3A = arith.constant 4 : i32
      %shift_right_arithmetic3A_220 = arith.shrsi %reduce_sum3A_215, %shift_right_arithmetic3A : i32
      %add3A_221 = arith.constant 15 : i32
      %add3A_222 = arith.addi %reduce_sum3A_219, %add3A_221 : i32
      %shift_right_arithmetic3A_223 = arith.constant 4 : i32
      %shift_right_arithmetic3A_224 = arith.shrsi %add3A_222, %shift_right_arithmetic3A_223 : i32
      %while3A = arith.subi %shift_right_arithmetic3A_224, %shift_right_arithmetic3A_220 : i32
      %while3A_225 = arith.addi %shift_right_arithmetic3A_220, %while3A : i32
      %while3A_226 = arith.constant 1 : i32
      %while3A_227 = arith.divsi %while3A, %while3A_226 : i32
      %while3A_228 = arith.muli %while3A_227, %while3A_226 : i32
      %while3A_229 = arith.addi %shift_right_arithmetic3A_220, %while3A_228 : i32
      %while3A_230 = arith.constant 1 : i32
      scf.for %while3A_252 = %shift_right_arithmetic3A_220 to %while3A_229 step %while3A_230  : i32 {
        %mul3A_253 = arith.constant 16 : i32
        %mul3A_254 = arith.muli %while3A_252, %mul3A_253 : i32
        %add3A_255 = vector.broadcast %mul3A_254 : i32 to vector<16xi32>
        %add3A_256 = arith.addi %add3A_255, %iota3A : vector<16xi32>
        %mul3A_257 = arith.constant 16 : i32
        %mul3A_258 = arith.muli %while3A_252, %mul3A_257 : i32
        %get3A_259 = arith.index_cast %mul3A_258 : i32 to index
        %get3A_260 = tpu.vector_load %arg10[%get3A_259] {strides = array<i32>} : memref<10240xf32, #tpu.memory_space<vmem>>, vector<16xf32>,
        %sub3A = vector.broadcast %reduce_sum3A_182 : f32 to vector<16xf32>
        %sub3A_261 = arith.subf %get3A_260, %sub3A : vector<16xf32>
        %mul3A_262 = arith.mulf %sub3A_261, %sub3A_261 : vector<16xf32>
        %ge3A = vector.broadcast %reduce_sum3A_215 : i32 to vector<16xi32>
        %ge3A_263 = arith.cmpi sge, %add3A_256, %ge3A : vector<16xi32>
        %lt3A_264 = vector.broadcast %reduce_sum3A_219 : i32 to vector<16xi32>
        %lt3A_265 = arith.cmpi slt, %add3A_256, %lt3A_264 : vector<16xi32>
        %and3A = arith.andi %ge3A_263, %lt3A_265 : vector<16xi1>
        %jit3A_266 = arith.constant -1.000000e+00 : f32
        %broadcast_in_dim3A_267 = vector.broadcast %jit3A_266 : f32 to vector<16xf32>
        %select_n3A_268 = arith.select %and3A, %mul3A_262, %broadcast_in_dim3A_267 : vector<16xi1>, vector<16xf32>
        %mul3A_269 = arith.constant 16 : i32
        %mul3A_270 = arith.muli %while3A_252, %mul3A_269 : i32
        %swap3A = arith.index_cast %mul3A_270 : i32 to index
        %swap3A_271 = tpu.vector_load %arg11[%swap3A] {strides = array<i32>} : memref<10240xf32, #tpu.memory_space<vmem>>, vector<16xf32>,
        tpu.vector_store %arg11[%swap3A], %select_n3A_268 {strides = array<i32>} : memref<10240xf32, #tpu.memory_space<vmem>>, vector<16xf32>,
      }
      %while3A_231 = arith.constant 1 : i32
      scf.for %while3A_252 = %while3A_229 to %while3A_225 step %while3A_231  : i32 {
        %mul3A_253 = arith.constant 16 : i32
        %mul3A_254 = arith.muli %while3A_252, %mul3A_253 : i32
        %add3A_255 = vector.broadcast %mul3A_254 : i32 to vector<16xi32>
        %add3A_256 = arith.addi %add3A_255, %iota3A : vector<16xi32>
        %mul3A_257 = arith.constant 16 : i32
        %mul3A_258 = arith.muli %while3A_252, %mul3A_257 : i32
        %get3A_259 = arith.index_cast %mul3A_258 : i32 to index
        %get3A_260 = tpu.vector_load %arg10[%get3A_259] {strides = array<i32>} : memref<10240xf32, #tpu.memory_space<vmem>>, vector<16xf32>,
        %sub3A = vector.broadcast %reduce_sum3A_182 : f32 to vector<16xf32>
        %sub3A_261 = arith.subf %get3A_260, %sub3A : vector<16xf32>
        %mul3A_262 = arith.mulf %sub3A_261, %sub3A_261 : vector<16xf32>
        %ge3A = vector.broadcast %reduce_sum3A_215 : i32 to vector<16xi32>
        %ge3A_263 = arith.cmpi sge, %add3A_256, %ge3A : vector<16xi32>
        %lt3A_264 = vector.broadcast %reduce_sum3A_219 : i32 to vector<16xi32>
        %lt3A_265 = arith.cmpi slt, %add3A_256, %lt3A_264 : vector<16xi32>
        %and3A = arith.andi %ge3A_263, %lt3A_265 : vector<16xi1>
        %jit3A_266 = arith.constant -1.000000e+00 : f32
        %broadcast_in_dim3A_267 = vector.broadcast %jit3A_266 : f32 to vector<16xf32>
        %select_n3A_268 = arith.select %and3A, %mul3A_262, %broadcast_in_dim3A_267 : vector<16xi1>, vector<16xf32>
        %mul3A_269 = arith.constant 16 : i32
        %mul3A_270 = arith.muli %while3A_252, %mul3A_269 : i32
        %swap3A = arith.index_cast %mul3A_270 : i32 to index
        %swap3A_271 = tpu.vector_load %arg11[%swap3A] {strides = array<i32>} : memref<10240xf32, #tpu.memory_space<vmem>>, vector<16xf32>,
        tpu.vector_store %arg11[%swap3A], %select_n3A_268 {strides = array<i32>} : memref<10240xf32, #tpu.memory_space<vmem>>, vector<16xf32>,
      }
      %broadcast_in_dim3A_232 = arith.constant 0.000000e+00 : f32
      %broadcast_in_dim3A_233 = vector.broadcast %broadcast_in_dim3A_232 : f32 to vector<16xf32>
      %scan3A_234 = arith.constant 0 : i32
      %scan3A_235 = arith.constant 4 : i32
      %scan3A_236 = arith.addi %scan3A_234, %scan3A_235 : i32
      %scan3A_237 = arith.constant 1 : i32
      scf.for %scan3A_252 = %scan3A_234 to %scan3A_236 step %scan3A_237  : i32 {
        %mul3A_253 = arith.constant 16 : i32
        %mul3A_254 = arith.muli %scan3A_252, %mul3A_253 : i32
        %swap3A = arith.index_cast %mul3A_254 : i32 to index
        %swap3A_255 = tpu.vector_load %arg17[%swap3A] {strides = array<i32>} : memref<64xf32, #tpu.memory_space<vmem>>, vector<16xf32>,
        tpu.vector_store %arg17[%swap3A], %broadcast_in_dim3A_233 {strides = array<i32>} : memref<64xf32, #tpu.memory_space<vmem>>, vector<16xf32>,
      }
      %scan3A_238 = arith.constant 4 : i32
      %broadcast_in_dim3A_239 = arith.constant 0.000000e+00 : f32
      %broadcast_in_dim3A_240 = vector.broadcast %broadcast_in_dim3A_239 : f32 to vector<16xf32>
      %scan3A_241 = arith.constant 0 : i32
      %scan3A_242 = arith.constant 4 : i32
      %scan3A_243 = arith.addi %scan3A_241, %scan3A_242 : i32
      %scan3A_244 = arith.constant 1 : i32
      scf.for %scan3A_252 = %scan3A_241 to %scan3A_243 step %scan3A_244  : i32 {
        %mul3A_253 = arith.constant 16 : i32
        %mul3A_254 = arith.muli %scan3A_252, %mul3A_253 : i32
        %swap3A = arith.index_cast %mul3A_254 : i32 to index
        %swap3A_255 = tpu.vector_load %arg18[%swap3A] {strides = array<i32>} : memref<64xf32, #tpu.memory_space<vmem>>, vector<16xf32>,
        tpu.vector_store %arg18[%swap3A], %broadcast_in_dim3A_240 {strides = array<i32>} : memref<64xf32, #tpu.memory_space<vmem>>, vector<16xf32>,
      }
      %scan3A_245 = arith.constant 4 : i32
      %scan3A_246 = arith.constant 1073741824 : i32
      %scan3A_247 = arith.constant 0 : i32
      %scan3A_248 = arith.constant 50 : i32
      %scan3A_249 = arith.addi %scan3A_247, %scan3A_248 : i32
      %scan3A_250 = arith.constant 1 : i32
      scf.for %scan3A_252 = %scan3A_247 to %scan3A_249 step %scan3A_250  : i32 {
        %broadcast_in_dim3A_253 = arith.constant -2.000000e+00 : f32
        %broadcast_in_dim3A_254 = vector.broadcast %broadcast_in_dim3A_253 : f32 to vector<16xf32>
        %broadcast_in_dim3A_255 = vector.broadcast %scan3A_246 : i32 to vector<16xi32>
        %while3A_256 = arith.subi %shift_right_arithmetic3A_224, %shift_right_arithmetic3A_220 : i32
        %while3A_257 = arith.addi %shift_right_arithmetic3A_220, %while3A_256 : i32
        %while3A_258 = arith.constant 1 : i32
        %while3A_259 = arith.divsi %while3A_256, %while3A_258 : i32
        %while3A_260 = arith.muli %while3A_259, %while3A_258 : i32
        %while3A_261 = arith.addi %shift_right_arithmetic3A_220, %while3A_260 : i32
        %while3A_262 = arith.constant 1 : i32
        %while3A_263:2 = scf.for %while3A_328 = %shift_right_arithmetic3A_220 to %while3A_261 step %while3A_262 iter_args(%while3A_329 = %broadcast_in_dim3A_254, %while3A_330 = %broadcast_in_dim3A_255) -> (vector<16xf32>, vector<16xi32>)  : i32 {
          %mul3A_331 = arith.constant 16 : i32
          %mul3A_332 = arith.muli %while3A_328, %mul3A_331 : i32
          %get3A_333 = arith.index_cast %mul3A_332 : i32 to index
          %get3A_334 = tpu.vector_load %arg11[%get3A_333] {strides = array<i32>} : memref<10240xf32, #tpu.memory_space<vmem>>, vector<16xf32>,
          %mul3A_335 = arith.constant 16 : i32
          %mul3A_336 = arith.muli %while3A_328, %mul3A_335 : i32
          %add3A_337 = vector.broadcast %mul3A_336 : i32 to vector<16xi32>
          %add3A_338 = arith.addi %add3A_337, %iota3A : vector<16xi32>
          %gt3A = arith.cmpf ogt, %get3A_334, %while3A_329 : vector<16xf32>
          %select_n3A_339 = arith.select %gt3A, %get3A_334, %while3A_329 : vector<16xi1>, vector<16xf32>
          %select_n3A_340 = arith.select %gt3A, %add3A_338, %while3A_330 : vector<16xi1>, vector<16xi32>
          scf.yield %select_n3A_339, %select_n3A_340 : vector<16xf32>, vector<16xi32>
        }
        %while3A_264 = arith.constant 1 : i32
        %while3A_265:2 = scf.for %while3A_328 = %while3A_261 to %while3A_257 step %while3A_264 iter_args(%while3A_329 = %while3A_263#0, %while3A_330 = %while3A_263#1) -> (vector<16xf32>, vector<16xi32>)  : i32 {
          %mul3A_331 = arith.constant 16 : i32
          %mul3A_332 = arith.muli %while3A_328, %mul3A_331 : i32
          %get3A_333 = arith.index_cast %mul3A_332 : i32 to index
          %get3A_334 = tpu.vector_load %arg11[%get3A_333] {strides = array<i32>} : memref<10240xf32, #tpu.memory_space<vmem>>, vector<16xf32>,
          %mul3A_335 = arith.constant 16 : i32
          %mul3A_336 = arith.muli %while3A_328, %mul3A_335 : i32
          %add3A_337 = vector.broadcast %mul3A_336 : i32 to vector<16xi32>
          %add3A_338 = arith.addi %add3A_337, %iota3A : vector<16xi32>
          %gt3A = arith.cmpf ogt, %get3A_334, %while3A_329 : vector<16xf32>
          %select_n3A_339 = arith.select %gt3A, %get3A_334, %while3A_329 : vector<16xi1>, vector<16xf32>
          %select_n3A_340 = arith.select %gt3A, %add3A_338, %while3A_330 : vector<16xi1>, vector<16xi32>
          scf.yield %select_n3A_339, %select_n3A_340 : vector<16xf32>, vector<16xi32>
        }
        %reduce_max3A = arith.constant true
        %reduce_max3A_266 = vector.broadcast %reduce_max3A : i1 to vector<16xi1>
        %reduce_max3A_267 = tpu.scan <max>, %while3A_265#0 masked %reduce_max3A_266 : vector<16xf32>, vector<16xi1> -> vector<16xf32>
        %reduce_max3A_268 = vector.extract %reduce_max3A_267[15] : f32 from vector<16xf32>
        %eq3A_269 = vector.broadcast %reduce_max3A_268 : f32 to vector<16xf32>
        %eq3A_270 = arith.cmpf oeq, %while3A_265#0, %eq3A_269 : vector<16xf32>
        %broadcast_in_dim3A_271 = vector.broadcast %scan3A_246 : i32 to vector<16xi32>
        %select_n3A_272 = arith.select %eq3A_270, %while3A_265#1, %broadcast_in_dim3A_271 : vector<16xi1>, vector<16xi32>
        %reduce_min3A = arith.constant true
        %reduce_min3A_273 = vector.broadcast %reduce_min3A : i1 to vector<16xi1>
        %reduce_min3A_274 = arith.constant -2147483648 : i32
        %reduce_min3A_275 = vector.broadcast %reduce_min3A_274 : i32 to vector<16xi32>
        %reduce_min3A_276 = arith.xori %select_n3A_272, %reduce_min3A_275 : vector<16xi32>
        %reduce_min3A_277 = tpu.scan <min>, %reduce_min3A_276 masked %reduce_min3A_273 : vector<16xi32>, vector<16xi1> -> vector<16xi32>
        %reduce_min3A_278 = arith.xori %reduce_min3A_277, %reduce_min3A_275 : vector<16xi32>
        %reduce_min3A_279 = vector.extract %reduce_min3A_278[15] : i32 from vector<16xi32>
        %ge3A = arith.constant 0.000000e+00 : f32
        %ge3A_280 = arith.cmpf oge, %reduce_max3A_268, %ge3A : f32
        %jit3A_281 = arith.constant 1.000000e+00 : f32
        %jit3A_282 = arith.constant 0.000000e+00 : f32
        %select_n3A_283 = arith.select %ge3A_280, %jit3A_281, %jit3A_282 : f32
        %min3A = arith.constant 10239 : i32
        %min3A_284 = arith.minsi %reduce_min3A_279, %min3A : i32
        %and3A = arith.constant -16 : i32
        %and3A_285 = arith.andi %min3A_284, %and3A : i32
        %and3A_286 = arith.constant 15 : i32
        %and3A_287 = arith.andi %min3A_284, %and3A_286 : i32
        %get3A_288 = arith.index_cast %and3A_285 : i32 to index
        %get3A_289 = tpu.vector_load %arg10[%get3A_288] {strides = array<i32>} : memref<10240xf32, #tpu.memory_space<vmem>>, vector<16xf32>,
        %eq3A_290 = vector.broadcast %and3A_287 : i32 to vector<16xi32>
        %eq3A_291 = arith.cmpi eq, %iota3A, %eq3A_290 : vector<16xi32>
        %jit3A_292 = arith.constant 0.000000e+00 : f32
        %broadcast_in_dim3A_293 = vector.broadcast %jit3A_292 : f32 to vector<16xf32>
        %select_n3A_294 = arith.select %eq3A_291, %get3A_289, %broadcast_in_dim3A_293 : vector<16xi1>, vector<16xf32>
        %reduce_sum3A_295 = arith.constant true
        %reduce_sum3A_296 = vector.broadcast %reduce_sum3A_295 : i1 to vector<16xi1>
        %reduce_sum3A_297 = tpu.scan <sum>, %select_n3A_294 masked %reduce_sum3A_296 : vector<16xf32>, vector<16xi1> -> vector<16xf32>
        %reduce_sum3A_298 = vector.extract %reduce_sum3A_297[15] : f32 from vector<16xf32>
        %get3A_299 = arith.index_cast %and3A_285 : i32 to index
        %get3A_300 = tpu.vector_load %arg11[%get3A_299] {strides = array<i32>} : memref<10240xf32, #tpu.memory_space<vmem>>, vector<16xf32>,
        %eq3A_301 = vector.broadcast %and3A_287 : i32 to vector<16xi32>
        %eq3A_302 = arith.cmpi eq, %iota3A, %eq3A_301 : vector<16xi32>
        %jit3A_303 = arith.constant -1.000000e+00 : f32
        %broadcast_in_dim3A_304 = vector.broadcast %jit3A_303 : f32 to vector<16xf32>
        %select_n3A_305 = arith.select %eq3A_302, %broadcast_in_dim3A_304, %get3A_300 : vector<16xi1>, vector<16xf32>
        %swap3A = arith.index_cast %and3A_285 : i32 to index
        %swap3A_306 = tpu.vector_load %arg11[%swap3A] {strides = array<i32>} : memref<10240xf32, #tpu.memory_space<vmem>>, vector<16xf32>,
        tpu.vector_store %arg11[%swap3A], %select_n3A_305 {strides = array<i32>} : memref<10240xf32, #tpu.memory_space<vmem>>, vector<16xf32>,
        %and3A_307 = arith.constant -16 : i32
        %and3A_308 = arith.andi %scan3A_252, %and3A_307 : i32
        %and3A_309 = arith.constant 15 : i32
        %and3A_310 = arith.andi %scan3A_252, %and3A_309 : i32
        %get3A_311 = arith.index_cast %and3A_308 : i32 to index
        %get3A_312 = tpu.vector_load %arg17[%get3A_311] {strides = array<i32>} : memref<64xf32, #tpu.memory_space<vmem>>, vector<16xf32>,
        %eq3A_313 = vector.broadcast %and3A_310 : i32 to vector<16xi32>
        %eq3A_314 = arith.cmpi eq, %iota3A, %eq3A_313 : vector<16xi32>
        %mul3A_315 = arith.mulf %reduce_sum3A_298, %select_n3A_283 : f32
        %broadcast_in_dim3A_316 = vector.broadcast %mul3A_315 : f32 to vector<16xf32>
        %select_n3A_317 = arith.select %eq3A_314, %broadcast_in_dim3A_316, %get3A_312 : vector<16xi1>, vector<16xf32>
        %swap3A_318 = arith.index_cast %and3A_308 : i32 to index
        %swap3A_319 = tpu.vector_load %arg17[%swap3A_318] {strides = array<i32>} : memref<64xf32, #tpu.memory_space<vmem>>, vector<16xf32>,
        tpu.vector_store %arg17[%swap3A_318], %select_n3A_317 {strides = array<i32>} : memref<64xf32, #tpu.memory_space<vmem>>, vector<16xf32>,
        %get3A_320 = arith.index_cast %and3A_308 : i32 to index
        %get3A_321 = tpu.vector_load %arg18[%get3A_320] {strides = array<i32>} : memref<64xf32, #tpu.memory_space<vmem>>, vector<16xf32>,
        %eq3A_322 = vector.broadcast %and3A_310 : i32 to vector<16xi32>
        %eq3A_323 = arith.cmpi eq, %iota3A, %eq3A_322 : vector<16xi32>
        %broadcast_in_dim3A_324 = vector.broadcast %select_n3A_283 : f32 to vector<16xf32>
        %select_n3A_325 = arith.select %eq3A_323, %broadcast_in_dim3A_324, %get3A_321 : vector<16xi1>, vector<16xf32>
        %swap3A_326 = arith.index_cast %and3A_308 : i32 to index
        %swap3A_327 = tpu.vector_load %arg18[%swap3A_326] {strides = array<i32>} : memref<64xf32, #tpu.memory_space<vmem>>, vector<16xf32>,
        tpu.vector_store %arg18[%swap3A_326], %select_n3A_325 {strides = array<i32>} : memref<64xf32, #tpu.memory_space<vmem>>, vector<16xf32>,
      }
      %scan3A_251 = arith.constant 50 : i32
      "tpu.region"() ({
        %run_scoped3A = tpu.sem_alloc : memref<!tpu.dma_semaphore, #tpu.memory_space<semaphore_mem>>
        %dma_start3A = arith.constant 0 : i32
        %dma_start3A_252 = tpu.memref_slice %arg5[%add3A_170, %dma_start3A] : memref<20x64xf32, #tpu.memory_space<hbm>> -> memref<1x64xf32, #tpu.memory_space<hbm>>
        %dma_start3A_253 = tpu.memref_squeeze %dma_start3A_252 : memref<1x64xf32, #tpu.memory_space<hbm>> -> memref<64xf32, #tpu.memory_space<hbm>>
        %dma_start3A_254 = arith.constant 0 : i32
        %dma_start3A_255 = tpu.memref_slice %arg5[%add3A_170, %dma_start3A_254] : memref<20x64xf32, #tpu.memory_space<hbm>> -> memref<1x64xf32, #tpu.memory_space<hbm>>
        %dma_start3A_256 = tpu.memref_squeeze %dma_start3A_255 : memref<1x64xf32, #tpu.memory_space<hbm>> -> memref<64xf32, #tpu.memory_space<hbm>>
        tpu.enqueue_dma source(%arg17 : memref<64xf32, #tpu.memory_space<vmem>>) target(%dma_start3A_256 : memref<64xf32, #tpu.memory_space<hbm>>) target_semaphore(%run_scoped3A : memref<!tpu.dma_semaphore, #tpu.memory_space<semaphore_mem>>)
        %dma_wait3A = arith.constant 0 : i32
        %dma_wait3A_257 = tpu.memref_slice %arg5[%add3A_170, %dma_wait3A] : memref<20x64xf32, #tpu.memory_space<hbm>> -> memref<1x64xf32, #tpu.memory_space<hbm>>
        %dma_wait3A_258 = tpu.memref_squeeze %dma_wait3A_257 : memref<1x64xf32, #tpu.memory_space<hbm>> -> memref<64xf32, #tpu.memory_space<hbm>>
        %dma_wait3A_259 = arith.constant 0 : i32
        %dma_wait3A_260 = tpu.memref_slice %arg5[%add3A_170, %dma_wait3A_259] : memref<20x64xf32, #tpu.memory_space<hbm>> -> memref<1x64xf32, #tpu.memory_space<hbm>>
        %dma_wait3A_261 = tpu.memref_squeeze %dma_wait3A_260 : memref<1x64xf32, #tpu.memory_space<hbm>> -> memref<64xf32, #tpu.memory_space<hbm>>
        tpu.wait_dma2 semaphore(%run_scoped3A : memref<!tpu.dma_semaphore, #tpu.memory_space<semaphore_mem>>) src(%arg17 : memref<64xf32, #tpu.memory_space<vmem>>) dst(%dma_wait3A_261 : memref<64xf32, #tpu.memory_space<hbm>>)
        tpu.yield
      }) : () -> ()
      "tpu.region"() ({
        %run_scoped3A = tpu.sem_alloc : memref<!tpu.dma_semaphore, #tpu.memory_space<semaphore_mem>>
        %dma_start3A = arith.constant 0 : i32
        %dma_start3A_252 = tpu.memref_slice %arg6[%add3A_170, %dma_start3A] : memref<20x64xf32, #tpu.memory_space<hbm>> -> memref<1x64xf32, #tpu.memory_space<hbm>>
        %dma_start3A_253 = tpu.memref_squeeze %dma_start3A_252 : memref<1x64xf32, #tpu.memory_space<hbm>> -> memref<64xf32, #tpu.memory_space<hbm>>
        %dma_start3A_254 = arith.constant 0 : i32
        %dma_start3A_255 = tpu.memref_slice %arg6[%add3A_170, %dma_start3A_254] : memref<20x64xf32, #tpu.memory_space<hbm>> -> memref<1x64xf32, #tpu.memory_space<hbm>>
        %dma_start3A_256 = tpu.memref_squeeze %dma_start3A_255 : memref<1x64xf32, #tpu.memory_space<hbm>> -> memref<64xf32, #tpu.memory_space<hbm>>
        tpu.enqueue_dma source(%arg18 : memref<64xf32, #tpu.memory_space<vmem>>) target(%dma_start3A_256 : memref<64xf32, #tpu.memory_space<hbm>>) target_semaphore(%run_scoped3A : memref<!tpu.dma_semaphore, #tpu.memory_space<semaphore_mem>>)
        %dma_wait3A = arith.constant 0 : i32
        %dma_wait3A_257 = tpu.memref_slice %arg6[%add3A_170, %dma_wait3A] : memref<20x64xf32, #tpu.memory_space<hbm>> -> memref<1x64xf32, #tpu.memory_space<hbm>>
        %dma_wait3A_258 = tpu.memref_squeeze %dma_wait3A_257 : memref<1x64xf32, #tpu.memory_space<hbm>> -> memref<64xf32, #tpu.memory_space<hbm>>
        %dma_wait3A_259 = arith.constant 0 : i32
        %dma_wait3A_260 = tpu.memref_slice %arg6[%add3A_170, %dma_wait3A_259] : memref<20x64xf32, #tpu.memory_space<hbm>> -> memref<1x64xf32, #tpu.memory_space<hbm>>
        %dma_wait3A_261 = tpu.memref_squeeze %dma_wait3A_260 : memref<1x64xf32, #tpu.memory_space<hbm>> -> memref<64xf32, #tpu.memory_space<hbm>>
        tpu.wait_dma2 semaphore(%run_scoped3A : memref<!tpu.dma_semaphore, #tpu.memory_space<semaphore_mem>>) src(%arg18 : memref<64xf32, #tpu.memory_space<vmem>>) dst(%dma_wait3A_261 : memref<64xf32, #tpu.memory_space<hbm>>)
        tpu.yield
      }) : () -> ()
    } else {
    }
    return
  }
}

module attributes {stable_mosaic.version = 14 : i64} {
  func.func @_k3_body(%arg0: memref<20x64xf32, #tpu.memory_space<vmem>>, %arg1: memref<20x64xf32, #tpu.memory_space<vmem>>, %arg2: memref<1x512xf32, #tpu.memory_space<vmem>>, %arg3: memref<1x128xf32, #tpu.memory_space<vmem>>, %arg4: memref<128x64xf32, #tpu.memory_space<vmem>>, %arg5: memref<20000x128xf32, #tpu.memory_space<vmem>>, %arg6: memref<1x128xf32, #tpu.memory_space<vmem>>, %arg7: memref<1x128xf32, #tpu.memory_space<vmem>>, %arg8: memref<1x128xf32, #tpu.memory_space<vmem>>, %arg9: memref<128x64xf32, #tpu.memory_space<vmem>>, %arg10: memref<1x64xf32, #tpu.memory_space<vmem>>, %arg11: memref<1x64xf32, #tpu.memory_space<vmem>>, %arg12: memref<1x64xf32, #tpu.memory_space<vmem>>, %arg13: memref<64x1xf32, #tpu.memory_space<vmem>>, %arg14: memref<1x1xf32, #tpu.memory_space<vmem>>, %arg15: memref<20x1xf32, #tpu.memory_space<vmem>>) attributes {dimension_semantics = [], scalar_prefetch = 0 : i64, scratch_operands = 0 : i64, tpu.core_type = #tpu.core_type<tc>} {
    %get3A = arith.constant 0 : index
    %get3A_0 = arith.constant 0 : index
    %get3A_1 = vector.load %arg3[%get3A, %get3A_0] : memref<1x128xf32, #tpu.memory_space<vmem>>, vector<1x128xf32>
    %max3A = arith.constant 0.000000e+00 : f32
    %max3A_2 = vector.broadcast %max3A : f32 to vector<1x128xf32>
    %max3A_3 = arith.maximumf %get3A_1, %max3A_2 : vector<1x128xf32>
    %get3A_4 = arith.constant 0 : index
    %get3A_5 = arith.constant 0 : index
    %get3A_6 = vector.load %arg4[%get3A_4, %get3A_5] : memref<128x64xf32, #tpu.memory_space<vmem>>, vector<128x64xf32>
    %dot_general3A = arith.constant dense<0.000000e+00> : vector<1x64xf32>
    %dot_general3A_7 = tpu.matmul %max3A_3, %get3A_6, %dot_general3A {dimension_numbers = #tpu.dot_dimension_numbers<[1], [0], [0], [1], [0, 0, 1, 1], [], []>, transpose_lhs_hint = false} : vector<1x128xf32>, vector<128x64xf32>, vector<1x64xf32> -> vector<1x64xf32>
    %max3A_8 = arith.constant 0.000000e+00 : f32
    %max3A_9 = vector.broadcast %max3A_8 : f32 to vector<1x64xf32>
    %max3A_10 = arith.maximumf %dot_general3A_7, %max3A_9 : vector<1x64xf32>
    %mul3A = arith.mulf %max3A_10, %max3A_10 : vector<1x64xf32>
    %reduce_sum3A = vector.shape_cast %mul3A : vector<1x64xf32> to vector<1x1x64xf32>
    %reduce_sum3A_11 = arith.constant dense<0.000000e+00> : vector<1xf32>
    %reduce_sum3A_12 = vector.multi_reduction <add>, %reduce_sum3A, %reduce_sum3A_11 [1, 2] : vector<1x1x64xf32> to vector<1xf32>
    %reduce_sum3A_13 = vector.shape_cast %reduce_sum3A_12 : vector<1xf32> to vector<1x1x1xf32>
    %reduce_sum3A_14 = vector.extract %reduce_sum3A_13[0, 0, 0] : f32 from vector<1x1x1xf32>
    %get3A_15 = arith.constant 0 : index
    %get3A_16 = arith.constant 0 : index
    %get3A_17 = vector.load %arg2[%get3A_15, %get3A_16] : memref<1x512xf32, #tpu.memory_space<vmem>>, vector<1x512xf32>
    %slice3A = vector.extract_strided_slice %get3A_17 {offsets = [0, 0], sizes = [1, 400], strides = [1, 1]} : vector<1x512xf32> to vector<1x400xf32>
    %get3A_18 = arith.constant 0 : index
    %get3A_19 = arith.constant 0 : index
    %get3A_20 = vector.load %arg0[%get3A_18, %get3A_19] : memref<20x64xf32, #tpu.memory_space<vmem>>, vector<20x64xf32>
    %get3A_21 = arith.constant 0 : index
    %get3A_22 = arith.constant 0 : index
    %get3A_23 = vector.load %arg1[%get3A_21, %get3A_22] : memref<20x64xf32, #tpu.memory_space<vmem>>, vector<20x64xf32>
    %broadcast_in_dim3A = arith.constant 0.000000e+00 : f32
    %broadcast_in_dim3A_24 = vector.broadcast %broadcast_in_dim3A : f32 to vector<20x128xf32>
    %slice3A_25 = vector.extract_strided_slice %get3A_20 {offsets = [0, 0], sizes = [20, 1], strides = [1, 1]} : vector<20x64xf32> to vector<20x1xf32>
    %slice3A_26 = vector.extract_strided_slice %get3A_23 {offsets = [0, 0], sizes = [20, 1], strides = [1, 1]} : vector<20x64xf32> to vector<20x1xf32>
    %sub3A = vector.broadcast %slice3A_25 : vector<20x1xf32> to vector<20x400xf32>
    %sub3A_27 = vector.broadcast %slice3A : vector<1x400xf32> to vector<20x400xf32>
    %sub3A_28 = arith.subf %sub3A, %sub3A_27 : vector<20x400xf32>
    %integer_pow3A = arith.mulf %sub3A_28, %sub3A_28 : vector<20x400xf32>
    %mul3A_29 = vector.broadcast %reduce_sum3A_14 : f32 to vector<20x400xf32>
    %mul3A_30 = arith.mulf %integer_pow3A, %mul3A_29 : vector<20x400xf32>
    %max3A_31 = arith.constant 9.99999996E-13 : f32
    %max3A_32 = vector.broadcast %max3A_31 : f32 to vector<20x400xf32>
    %max3A_33 = arith.maximumf %mul3A_30, %max3A_32 : vector<20x400xf32>
    %sqrt3A = math.sqrt %max3A_33 : vector<20x400xf32>
    %mul3A_34 = vector.broadcast %slice3A_26 : vector<20x1xf32> to vector<20x400xf32>
    %mul3A_35 = arith.mulf %mul3A_34, %sqrt3A : vector<20x400xf32>
    %get3A_36 = arith.constant 0 : index
    %get3A_37 = arith.constant 0 : index
    %get3A_38 = vector.load %arg5[%get3A_36, %get3A_37] : memref<20000x128xf32, #tpu.memory_space<vmem>>, vector<400x128xf32>
    %dot_general3A_39 = arith.constant dense<0.000000e+00> : vector<20x128xf32>
    %dot_general3A_40 = tpu.matmul %mul3A_35, %get3A_38, %dot_general3A_39 {dimension_numbers = #tpu.dot_dimension_numbers<[1], [0], [0], [1], [0, 0, 1, 1], [], []>, transpose_lhs_hint = false} : vector<20x400xf32>, vector<400x128xf32>, vector<20x128xf32> -> vector<20x128xf32>
    %add3A = arith.addf %broadcast_in_dim3A_24, %dot_general3A_40 : vector<20x128xf32>
    %slice3A_41 = vector.extract_strided_slice %get3A_20 {offsets = [0, 1], sizes = [20, 1], strides = [1, 1]} : vector<20x64xf32> to vector<20x1xf32>
    %slice3A_42 = vector.extract_strided_slice %get3A_23 {offsets = [0, 1], sizes = [20, 1], strides = [1, 1]} : vector<20x64xf32> to vector<20x1xf32>
    %sub3A_43 = vector.broadcast %slice3A_41 : vector<20x1xf32> to vector<20x400xf32>
    %sub3A_44 = vector.broadcast %slice3A : vector<1x400xf32> to vector<20x400xf32>
    %sub3A_45 = arith.subf %sub3A_43, %sub3A_44 : vector<20x400xf32>
    %integer_pow3A_46 = arith.mulf %sub3A_45, %sub3A_45 : vector<20x400xf32>
    %mul3A_47 = vector.broadcast %reduce_sum3A_14 : f32 to vector<20x400xf32>
    %mul3A_48 = arith.mulf %integer_pow3A_46, %mul3A_47 : vector<20x400xf32>
    %max3A_49 = arith.constant 9.99999996E-13 : f32
    %max3A_50 = vector.broadcast %max3A_49 : f32 to vector<20x400xf32>
    %max3A_51 = arith.maximumf %mul3A_48, %max3A_50 : vector<20x400xf32>
    %sqrt3A_52 = math.sqrt %max3A_51 : vector<20x400xf32>
    %mul3A_53 = vector.broadcast %slice3A_42 : vector<20x1xf32> to vector<20x400xf32>
    %mul3A_54 = arith.mulf %mul3A_53, %sqrt3A_52 : vector<20x400xf32>
    %get3A_55 = arith.constant 400 : index
    %get3A_56 = arith.constant 0 : index
    %get3A_57 = vector.load %arg5[%get3A_55, %get3A_56] : memref<20000x128xf32, #tpu.memory_space<vmem>>, vector<400x128xf32>
    %dot_general3A_58 = arith.constant dense<0.000000e+00> : vector<20x128xf32>
    %dot_general3A_59 = tpu.matmul %mul3A_54, %get3A_57, %dot_general3A_58 {dimension_numbers = #tpu.dot_dimension_numbers<[1], [0], [0], [1], [0, 0, 1, 1], [], []>, transpose_lhs_hint = false} : vector<20x400xf32>, vector<400x128xf32>, vector<20x128xf32> -> vector<20x128xf32>
    %add3A_60 = arith.addf %add3A, %dot_general3A_59 : vector<20x128xf32>
    %slice3A_61 = vector.extract_strided_slice %get3A_20 {offsets = [0, 2], sizes = [20, 1], strides = [1, 1]} : vector<20x64xf32> to vector<20x1xf32>
    %slice3A_62 = vector.extract_strided_slice %get3A_23 {offsets = [0, 2], sizes = [20, 1], strides = [1, 1]} : vector<20x64xf32> to vector<20x1xf32>
    %sub3A_63 = vector.broadcast %slice3A_61 : vector<20x1xf32> to vector<20x400xf32>
    %sub3A_64 = vector.broadcast %slice3A : vector<1x400xf32> to vector<20x400xf32>
    %sub3A_65 = arith.subf %sub3A_63, %sub3A_64 : vector<20x400xf32>
    %integer_pow3A_66 = arith.mulf %sub3A_65, %sub3A_65 : vector<20x400xf32>
    %mul3A_67 = vector.broadcast %reduce_sum3A_14 : f32 to vector<20x400xf32>
    %mul3A_68 = arith.mulf %integer_pow3A_66, %mul3A_67 : vector<20x400xf32>
    %max3A_69 = arith.constant 9.99999996E-13 : f32
    %max3A_70 = vector.broadcast %max3A_69 : f32 to vector<20x400xf32>
    %max3A_71 = arith.maximumf %mul3A_68, %max3A_70 : vector<20x400xf32>
    %sqrt3A_72 = math.sqrt %max3A_71 : vector<20x400xf32>
    %mul3A_73 = vector.broadcast %slice3A_62 : vector<20x1xf32> to vector<20x400xf32>
    %mul3A_74 = arith.mulf %mul3A_73, %sqrt3A_72 : vector<20x400xf32>
    %get3A_75 = arith.constant 800 : index
    %get3A_76 = arith.constant 0 : index
    %get3A_77 = vector.load %arg5[%get3A_75, %get3A_76] : memref<20000x128xf32, #tpu.memory_space<vmem>>, vector<400x128xf32>
    %dot_general3A_78 = arith.constant dense<0.000000e+00> : vector<20x128xf32>
    %dot_general3A_79 = tpu.matmul %mul3A_74, %get3A_77, %dot_general3A_78 {dimension_numbers = #tpu.dot_dimension_numbers<[1], [0], [0], [1], [0, 0, 1, 1], [], []>, transpose_lhs_hint = false} : vector<20x400xf32>, vector<400x128xf32>, vector<20x128xf32> -> vector<20x128xf32>
    %add3A_80 = arith.addf %add3A_60, %dot_general3A_79 : vector<20x128xf32>
    %slice3A_81 = vector.extract_strided_slice %get3A_20 {offsets = [0, 3], sizes = [20, 1], strides = [1, 1]} : vector<20x64xf32> to vector<20x1xf32>
    %slice3A_82 = vector.extract_strided_slice %get3A_23 {offsets = [0, 3], sizes = [20, 1], strides = [1, 1]} : vector<20x64xf32> to vector<20x1xf32>
    %sub3A_83 = vector.broadcast %slice3A_81 : vector<20x1xf32> to vector<20x400xf32>
    %sub3A_84 = vector.broadcast %slice3A : vector<1x400xf32> to vector<20x400xf32>
    %sub3A_85 = arith.subf %sub3A_83, %sub3A_84 : vector<20x400xf32>
    %integer_pow3A_86 = arith.mulf %sub3A_85, %sub3A_85 : vector<20x400xf32>
    %mul3A_87 = vector.broadcast %reduce_sum3A_14 : f32 to vector<20x400xf32>
    %mul3A_88 = arith.mulf %integer_pow3A_86, %mul3A_87 : vector<20x400xf32>
    %max3A_89 = arith.constant 9.99999996E-13 : f32
    %max3A_90 = vector.broadcast %max3A_89 : f32 to vector<20x400xf32>
    %max3A_91 = arith.maximumf %mul3A_88, %max3A_90 : vector<20x400xf32>
    %sqrt3A_92 = math.sqrt %max3A_91 : vector<20x400xf32>
    %mul3A_93 = vector.broadcast %slice3A_82 : vector<20x1xf32> to vector<20x400xf32>
    %mul3A_94 = arith.mulf %mul3A_93, %sqrt3A_92 : vector<20x400xf32>
    %get3A_95 = arith.constant 1200 : index
    %get3A_96 = arith.constant 0 : index
    %get3A_97 = vector.load %arg5[%get3A_95, %get3A_96] : memref<20000x128xf32, #tpu.memory_space<vmem>>, vector<400x128xf32>
    %dot_general3A_98 = arith.constant dense<0.000000e+00> : vector<20x128xf32>
    %dot_general3A_99 = tpu.matmul %mul3A_94, %get3A_97, %dot_general3A_98 {dimension_numbers = #tpu.dot_dimension_numbers<[1], [0], [0], [1], [0, 0, 1, 1], [], []>, transpose_lhs_hint = false} : vector<20x400xf32>, vector<400x128xf32>, vector<20x128xf32> -> vector<20x128xf32>
    %add3A_100 = arith.addf %add3A_80, %dot_general3A_99 : vector<20x128xf32>
    %slice3A_101 = vector.extract_strided_slice %get3A_20 {offsets = [0, 4], sizes = [20, 1], strides = [1, 1]} : vector<20x64xf32> to vector<20x1xf32>
    %slice3A_102 = vector.extract_strided_slice %get3A_23 {offsets = [0, 4], sizes = [20, 1], strides = [1, 1]} : vector<20x64xf32> to vector<20x1xf32>
    %sub3A_103 = vector.broadcast %slice3A_101 : vector<20x1xf32> to vector<20x400xf32>
    %sub3A_104 = vector.broadcast %slice3A : vector<1x400xf32> to vector<20x400xf32>
    %sub3A_105 = arith.subf %sub3A_103, %sub3A_104 : vector<20x400xf32>
    %integer_pow3A_106 = arith.mulf %sub3A_105, %sub3A_105 : vector<20x400xf32>
    %mul3A_107 = vector.broadcast %reduce_sum3A_14 : f32 to vector<20x400xf32>
    %mul3A_108 = arith.mulf %integer_pow3A_106, %mul3A_107 : vector<20x400xf32>
    %max3A_109 = arith.constant 9.99999996E-13 : f32
    %max3A_110 = vector.broadcast %max3A_109 : f32 to vector<20x400xf32>
    %max3A_111 = arith.maximumf %mul3A_108, %max3A_110 : vector<20x400xf32>
    %sqrt3A_112 = math.sqrt %max3A_111 : vector<20x400xf32>
    %mul3A_113 = vector.broadcast %slice3A_102 : vector<20x1xf32> to vector<20x400xf32>
    %mul3A_114 = arith.mulf %mul3A_113, %sqrt3A_112 : vector<20x400xf32>
    %get3A_115 = arith.constant 1600 : index
    %get3A_116 = arith.constant 0 : index
    %get3A_117 = vector.load %arg5[%get3A_115, %get3A_116] : memref<20000x128xf32, #tpu.memory_space<vmem>>, vector<400x128xf32>
    %dot_general3A_118 = arith.constant dense<0.000000e+00> : vector<20x128xf32>
    %dot_general3A_119 = tpu.matmul %mul3A_114, %get3A_117, %dot_general3A_118 {dimension_numbers = #tpu.dot_dimension_numbers<[1], [0], [0], [1], [0, 0, 1, 1], [], []>, transpose_lhs_hint = false} : vector<20x400xf32>, vector<400x128xf32>, vector<20x128xf32> -> vector<20x128xf32>
    %add3A_120 = arith.addf %add3A_100, %dot_general3A_119 : vector<20x128xf32>
    %slice3A_121 = vector.extract_strided_slice %get3A_20 {offsets = [0, 5], sizes = [20, 1], strides = [1, 1]} : vector<20x64xf32> to vector<20x1xf32>
    %slice3A_122 = vector.extract_strided_slice %get3A_23 {offsets = [0, 5], sizes = [20, 1], strides = [1, 1]} : vector<20x64xf32> to vector<20x1xf32>
    %sub3A_123 = vector.broadcast %slice3A_121 : vector<20x1xf32> to vector<20x400xf32>
    %sub3A_124 = vector.broadcast %slice3A : vector<1x400xf32> to vector<20x400xf32>
    %sub3A_125 = arith.subf %sub3A_123, %sub3A_124 : vector<20x400xf32>
    %integer_pow3A_126 = arith.mulf %sub3A_125, %sub3A_125 : vector<20x400xf32>
    %mul3A_127 = vector.broadcast %reduce_sum3A_14 : f32 to vector<20x400xf32>
    %mul3A_128 = arith.mulf %integer_pow3A_126, %mul3A_127 : vector<20x400xf32>
    %max3A_129 = arith.constant 9.99999996E-13 : f32
    %max3A_130 = vector.broadcast %max3A_129 : f32 to vector<20x400xf32>
    %max3A_131 = arith.maximumf %mul3A_128, %max3A_130 : vector<20x400xf32>
    %sqrt3A_132 = math.sqrt %max3A_131 : vector<20x400xf32>
    %mul3A_133 = vector.broadcast %slice3A_122 : vector<20x1xf32> to vector<20x400xf32>
    %mul3A_134 = arith.mulf %mul3A_133, %sqrt3A_132 : vector<20x400xf32>
    %get3A_135 = arith.constant 2000 : index
    %get3A_136 = arith.constant 0 : index
    %get3A_137 = vector.load %arg5[%get3A_135, %get3A_136] : memref<20000x128xf32, #tpu.memory_space<vmem>>, vector<400x128xf32>
    %dot_general3A_138 = arith.constant dense<0.000000e+00> : vector<20x128xf32>
    %dot_general3A_139 = tpu.matmul %mul3A_134, %get3A_137, %dot_general3A_138 {dimension_numbers = #tpu.dot_dimension_numbers<[1], [0], [0], [1], [0, 0, 1, 1], [], []>, transpose_lhs_hint = false} : vector<20x400xf32>, vector<400x128xf32>, vector<20x128xf32> -> vector<20x128xf32>
    %add3A_140 = arith.addf %add3A_120, %dot_general3A_139 : vector<20x128xf32>
    %slice3A_141 = vector.extract_strided_slice %get3A_20 {offsets = [0, 6], sizes = [20, 1], strides = [1, 1]} : vector<20x64xf32> to vector<20x1xf32>
    %slice3A_142 = vector.extract_strided_slice %get3A_23 {offsets = [0, 6], sizes = [20, 1], strides = [1, 1]} : vector<20x64xf32> to vector<20x1xf32>
    %sub3A_143 = vector.broadcast %slice3A_141 : vector<20x1xf32> to vector<20x400xf32>
    %sub3A_144 = vector.broadcast %slice3A : vector<1x400xf32> to vector<20x400xf32>
    %sub3A_145 = arith.subf %sub3A_143, %sub3A_144 : vector<20x400xf32>
    %integer_pow3A_146 = arith.mulf %sub3A_145, %sub3A_145 : vector<20x400xf32>
    %mul3A_147 = vector.broadcast %reduce_sum3A_14 : f32 to vector<20x400xf32>
    %mul3A_148 = arith.mulf %integer_pow3A_146, %mul3A_147 : vector<20x400xf32>
    %max3A_149 = arith.constant 9.99999996E-13 : f32
    %max3A_150 = vector.broadcast %max3A_149 : f32 to vector<20x400xf32>
    %max3A_151 = arith.maximumf %mul3A_148, %max3A_150 : vector<20x400xf32>
    %sqrt3A_152 = math.sqrt %max3A_151 : vector<20x400xf32>
    %mul3A_153 = vector.broadcast %slice3A_142 : vector<20x1xf32> to vector<20x400xf32>
    %mul3A_154 = arith.mulf %mul3A_153, %sqrt3A_152 : vector<20x400xf32>
    %get3A_155 = arith.constant 2400 : index
    %get3A_156 = arith.constant 0 : index
    %get3A_157 = vector.load %arg5[%get3A_155, %get3A_156] : memref<20000x128xf32, #tpu.memory_space<vmem>>, vector<400x128xf32>
    %dot_general3A_158 = arith.constant dense<0.000000e+00> : vector<20x128xf32>
    %dot_general3A_159 = tpu.matmul %mul3A_154, %get3A_157, %dot_general3A_158 {dimension_numbers = #tpu.dot_dimension_numbers<[1], [0], [0], [1], [0, 0, 1, 1], [], []>, transpose_lhs_hint = false} : vector<20x400xf32>, vector<400x128xf32>, vector<20x128xf32> -> vector<20x128xf32>
    %add3A_160 = arith.addf %add3A_140, %dot_general3A_159 : vector<20x128xf32>
    %slice3A_161 = vector.extract_strided_slice %get3A_20 {offsets = [0, 7], sizes = [20, 1], strides = [1, 1]} : vector<20x64xf32> to vector<20x1xf32>
    %slice3A_162 = vector.extract_strided_slice %get3A_23 {offsets = [0, 7], sizes = [20, 1], strides = [1, 1]} : vector<20x64xf32> to vector<20x1xf32>
    %sub3A_163 = vector.broadcast %slice3A_161 : vector<20x1xf32> to vector<20x400xf32>
    %sub3A_164 = vector.broadcast %slice3A : vector<1x400xf32> to vector<20x400xf32>
    %sub3A_165 = arith.subf %sub3A_163, %sub3A_164 : vector<20x400xf32>
    %integer_pow3A_166 = arith.mulf %sub3A_165, %sub3A_165 : vector<20x400xf32>
    %mul3A_167 = vector.broadcast %reduce_sum3A_14 : f32 to vector<20x400xf32>
    %mul3A_168 = arith.mulf %integer_pow3A_166, %mul3A_167 : vector<20x400xf32>
    %max3A_169 = arith.constant 9.99999996E-13 : f32
    %max3A_170 = vector.broadcast %max3A_169 : f32 to vector<20x400xf32>
    %max3A_171 = arith.maximumf %mul3A_168, %max3A_170 : vector<20x400xf32>
    %sqrt3A_172 = math.sqrt %max3A_171 : vector<20x400xf32>
    %mul3A_173 = vector.broadcast %slice3A_162 : vector<20x1xf32> to vector<20x400xf32>
    %mul3A_174 = arith.mulf %mul3A_173, %sqrt3A_172 : vector<20x400xf32>
    %get3A_175 = arith.constant 2800 : index
    %get3A_176 = arith.constant 0 : index
    %get3A_177 = vector.load %arg5[%get3A_175, %get3A_176] : memref<20000x128xf32, #tpu.memory_space<vmem>>, vector<400x128xf32>
    %dot_general3A_178 = arith.constant dense<0.000000e+00> : vector<20x128xf32>
    %dot_general3A_179 = tpu.matmul %mul3A_174, %get3A_177, %dot_general3A_178 {dimension_numbers = #tpu.dot_dimension_numbers<[1], [0], [0], [1], [0, 0, 1, 1], [], []>, transpose_lhs_hint = false} : vector<20x400xf32>, vector<400x128xf32>, vector<20x128xf32> -> vector<20x128xf32>
    %add3A_180 = arith.addf %add3A_160, %dot_general3A_179 : vector<20x128xf32>
    %slice3A_181 = vector.extract_strided_slice %get3A_20 {offsets = [0, 8], sizes = [20, 1], strides = [1, 1]} : vector<20x64xf32> to vector<20x1xf32>
    %slice3A_182 = vector.extract_strided_slice %get3A_23 {offsets = [0, 8], sizes = [20, 1], strides = [1, 1]} : vector<20x64xf32> to vector<20x1xf32>
    %sub3A_183 = vector.broadcast %slice3A_181 : vector<20x1xf32> to vector<20x400xf32>
    %sub3A_184 = vector.broadcast %slice3A : vector<1x400xf32> to vector<20x400xf32>
    %sub3A_185 = arith.subf %sub3A_183, %sub3A_184 : vector<20x400xf32>
    %integer_pow3A_186 = arith.mulf %sub3A_185, %sub3A_185 : vector<20x400xf32>
    %mul3A_187 = vector.broadcast %reduce_sum3A_14 : f32 to vector<20x400xf32>
    %mul3A_188 = arith.mulf %integer_pow3A_186, %mul3A_187 : vector<20x400xf32>
    %max3A_189 = arith.constant 9.99999996E-13 : f32
    %max3A_190 = vector.broadcast %max3A_189 : f32 to vector<20x400xf32>
    %max3A_191 = arith.maximumf %mul3A_188, %max3A_190 : vector<20x400xf32>
    %sqrt3A_192 = math.sqrt %max3A_191 : vector<20x400xf32>
    %mul3A_193 = vector.broadcast %slice3A_182 : vector<20x1xf32> to vector<20x400xf32>
    %mul3A_194 = arith.mulf %mul3A_193, %sqrt3A_192 : vector<20x400xf32>
    %get3A_195 = arith.constant 3200 : index
    %get3A_196 = arith.constant 0 : index
    %get3A_197 = vector.load %arg5[%get3A_195, %get3A_196] : memref<20000x128xf32, #tpu.memory_space<vmem>>, vector<400x128xf32>
    %dot_general3A_198 = arith.constant dense<0.000000e+00> : vector<20x128xf32>
    %dot_general3A_199 = tpu.matmul %mul3A_194, %get3A_197, %dot_general3A_198 {dimension_numbers = #tpu.dot_dimension_numbers<[1], [0], [0], [1], [0, 0, 1, 1], [], []>, transpose_lhs_hint = false} : vector<20x400xf32>, vector<400x128xf32>, vector<20x128xf32> -> vector<20x128xf32>
    %add3A_200 = arith.addf %add3A_180, %dot_general3A_199 : vector<20x128xf32>
    %slice3A_201 = vector.extract_strided_slice %get3A_20 {offsets = [0, 9], sizes = [20, 1], strides = [1, 1]} : vector<20x64xf32> to vector<20x1xf32>
    %slice3A_202 = vector.extract_strided_slice %get3A_23 {offsets = [0, 9], sizes = [20, 1], strides = [1, 1]} : vector<20x64xf32> to vector<20x1xf32>
    %sub3A_203 = vector.broadcast %slice3A_201 : vector<20x1xf32> to vector<20x400xf32>
    %sub3A_204 = vector.broadcast %slice3A : vector<1x400xf32> to vector<20x400xf32>
    %sub3A_205 = arith.subf %sub3A_203, %sub3A_204 : vector<20x400xf32>
    %integer_pow3A_206 = arith.mulf %sub3A_205, %sub3A_205 : vector<20x400xf32>
    %mul3A_207 = vector.broadcast %reduce_sum3A_14 : f32 to vector<20x400xf32>
    %mul3A_208 = arith.mulf %integer_pow3A_206, %mul3A_207 : vector<20x400xf32>
    %max3A_209 = arith.constant 9.99999996E-13 : f32
    %max3A_210 = vector.broadcast %max3A_209 : f32 to vector<20x400xf32>
    %max3A_211 = arith.maximumf %mul3A_208, %max3A_210 : vector<20x400xf32>
    %sqrt3A_212 = math.sqrt %max3A_211 : vector<20x400xf32>
    %mul3A_213 = vector.broadcast %slice3A_202 : vector<20x1xf32> to vector<20x400xf32>
    %mul3A_214 = arith.mulf %mul3A_213, %sqrt3A_212 : vector<20x400xf32>
    %get3A_215 = arith.constant 3600 : index
    %get3A_216 = arith.constant 0 : index
    %get3A_217 = vector.load %arg5[%get3A_215, %get3A_216] : memref<20000x128xf32, #tpu.memory_space<vmem>>, vector<400x128xf32>
    %dot_general3A_218 = arith.constant dense<0.000000e+00> : vector<20x128xf32>
    %dot_general3A_219 = tpu.matmul %mul3A_214, %get3A_217, %dot_general3A_218 {dimension_numbers = #tpu.dot_dimension_numbers<[1], [0], [0], [1], [0, 0, 1, 1], [], []>, transpose_lhs_hint = false} : vector<20x400xf32>, vector<400x128xf32>, vector<20x128xf32> -> vector<20x128xf32>
    %add3A_220 = arith.addf %add3A_200, %dot_general3A_219 : vector<20x128xf32>
    %slice3A_221 = vector.extract_strided_slice %get3A_20 {offsets = [0, 10], sizes = [20, 1], strides = [1, 1]} : vector<20x64xf32> to vector<20x1xf32>
    %slice3A_222 = vector.extract_strided_slice %get3A_23 {offsets = [0, 10], sizes = [20, 1], strides = [1, 1]} : vector<20x64xf32> to vector<20x1xf32>
    %sub3A_223 = vector.broadcast %slice3A_221 : vector<20x1xf32> to vector<20x400xf32>
    %sub3A_224 = vector.broadcast %slice3A : vector<1x400xf32> to vector<20x400xf32>
    %sub3A_225 = arith.subf %sub3A_223, %sub3A_224 : vector<20x400xf32>
    %integer_pow3A_226 = arith.mulf %sub3A_225, %sub3A_225 : vector<20x400xf32>
    %mul3A_227 = vector.broadcast %reduce_sum3A_14 : f32 to vector<20x400xf32>
    %mul3A_228 = arith.mulf %integer_pow3A_226, %mul3A_227 : vector<20x400xf32>
    %max3A_229 = arith.constant 9.99999996E-13 : f32
    %max3A_230 = vector.broadcast %max3A_229 : f32 to vector<20x400xf32>
    %max3A_231 = arith.maximumf %mul3A_228, %max3A_230 : vector<20x400xf32>
    %sqrt3A_232 = math.sqrt %max3A_231 : vector<20x400xf32>
    %mul3A_233 = vector.broadcast %slice3A_222 : vector<20x1xf32> to vector<20x400xf32>
    %mul3A_234 = arith.mulf %mul3A_233, %sqrt3A_232 : vector<20x400xf32>
    %get3A_235 = arith.constant 4000 : index
    %get3A_236 = arith.constant 0 : index
    %get3A_237 = vector.load %arg5[%get3A_235, %get3A_236] : memref<20000x128xf32, #tpu.memory_space<vmem>>, vector<400x128xf32>
    %dot_general3A_238 = arith.constant dense<0.000000e+00> : vector<20x128xf32>
    %dot_general3A_239 = tpu.matmul %mul3A_234, %get3A_237, %dot_general3A_238 {dimension_numbers = #tpu.dot_dimension_numbers<[1], [0], [0], [1], [0, 0, 1, 1], [], []>, transpose_lhs_hint = false} : vector<20x400xf32>, vector<400x128xf32>, vector<20x128xf32> -> vector<20x128xf32>
    %add3A_240 = arith.addf %add3A_220, %dot_general3A_239 : vector<20x128xf32>
    %slice3A_241 = vector.extract_strided_slice %get3A_20 {offsets = [0, 11], sizes = [20, 1], strides = [1, 1]} : vector<20x64xf32> to vector<20x1xf32>
    %slice3A_242 = vector.extract_strided_slice %get3A_23 {offsets = [0, 11], sizes = [20, 1], strides = [1, 1]} : vector<20x64xf32> to vector<20x1xf32>
    %sub3A_243 = vector.broadcast %slice3A_241 : vector<20x1xf32> to vector<20x400xf32>
    %sub3A_244 = vector.broadcast %slice3A : vector<1x400xf32> to vector<20x400xf32>
    %sub3A_245 = arith.subf %sub3A_243, %sub3A_244 : vector<20x400xf32>
    %integer_pow3A_246 = arith.mulf %sub3A_245, %sub3A_245 : vector<20x400xf32>
    %mul3A_247 = vector.broadcast %reduce_sum3A_14 : f32 to vector<20x400xf32>
    %mul3A_248 = arith.mulf %integer_pow3A_246, %mul3A_247 : vector<20x400xf32>
    %max3A_249 = arith.constant 9.99999996E-13 : f32
    %max3A_250 = vector.broadcast %max3A_249 : f32 to vector<20x400xf32>
    %max3A_251 = arith.maximumf %mul3A_248, %max3A_250 : vector<20x400xf32>
    %sqrt3A_252 = math.sqrt %max3A_251 : vector<20x400xf32>
    %mul3A_253 = vector.broadcast %slice3A_242 : vector<20x1xf32> to vector<20x400xf32>
    %mul3A_254 = arith.mulf %mul3A_253, %sqrt3A_252 : vector<20x400xf32>
    %get3A_255 = arith.constant 4400 : index
    %get3A_256 = arith.constant 0 : index
    %get3A_257 = vector.load %arg5[%get3A_255, %get3A_256] : memref<20000x128xf32, #tpu.memory_space<vmem>>, vector<400x128xf32>
    %dot_general3A_258 = arith.constant dense<0.000000e+00> : vector<20x128xf32>
    %dot_general3A_259 = tpu.matmul %mul3A_254, %get3A_257, %dot_general3A_258 {dimension_numbers = #tpu.dot_dimension_numbers<[1], [0], [0], [1], [0, 0, 1, 1], [], []>, transpose_lhs_hint = false} : vector<20x400xf32>, vector<400x128xf32>, vector<20x128xf32> -> vector<20x128xf32>
    %add3A_260 = arith.addf %add3A_240, %dot_general3A_259 : vector<20x128xf32>
    %slice3A_261 = vector.extract_strided_slice %get3A_20 {offsets = [0, 12], sizes = [20, 1], strides = [1, 1]} : vector<20x64xf32> to vector<20x1xf32>
    %slice3A_262 = vector.extract_strided_slice %get3A_23 {offsets = [0, 12], sizes = [20, 1], strides = [1, 1]} : vector<20x64xf32> to vector<20x1xf32>
    %sub3A_263 = vector.broadcast %slice3A_261 : vector<20x1xf32> to vector<20x400xf32>
    %sub3A_264 = vector.broadcast %slice3A : vector<1x400xf32> to vector<20x400xf32>
    %sub3A_265 = arith.subf %sub3A_263, %sub3A_264 : vector<20x400xf32>
    %integer_pow3A_266 = arith.mulf %sub3A_265, %sub3A_265 : vector<20x400xf32>
    %mul3A_267 = vector.broadcast %reduce_sum3A_14 : f32 to vector<20x400xf32>
    %mul3A_268 = arith.mulf %integer_pow3A_266, %mul3A_267 : vector<20x400xf32>
    %max3A_269 = arith.constant 9.99999996E-13 : f32
    %max3A_270 = vector.broadcast %max3A_269 : f32 to vector<20x400xf32>
    %max3A_271 = arith.maximumf %mul3A_268, %max3A_270 : vector<20x400xf32>
    %sqrt3A_272 = math.sqrt %max3A_271 : vector<20x400xf32>
    %mul3A_273 = vector.broadcast %slice3A_262 : vector<20x1xf32> to vector<20x400xf32>
    %mul3A_274 = arith.mulf %mul3A_273, %sqrt3A_272 : vector<20x400xf32>
    %get3A_275 = arith.constant 4800 : index
    %get3A_276 = arith.constant 0 : index
    %get3A_277 = vector.load %arg5[%get3A_275, %get3A_276] : memref<20000x128xf32, #tpu.memory_space<vmem>>, vector<400x128xf32>
    %dot_general3A_278 = arith.constant dense<0.000000e+00> : vector<20x128xf32>
    %dot_general3A_279 = tpu.matmul %mul3A_274, %get3A_277, %dot_general3A_278 {dimension_numbers = #tpu.dot_dimension_numbers<[1], [0], [0], [1], [0, 0, 1, 1], [], []>, transpose_lhs_hint = false} : vector<20x400xf32>, vector<400x128xf32>, vector<20x128xf32> -> vector<20x128xf32>
    %add3A_280 = arith.addf %add3A_260, %dot_general3A_279 : vector<20x128xf32>
    %slice3A_281 = vector.extract_strided_slice %get3A_20 {offsets = [0, 13], sizes = [20, 1], strides = [1, 1]} : vector<20x64xf32> to vector<20x1xf32>
    %slice3A_282 = vector.extract_strided_slice %get3A_23 {offsets = [0, 13], sizes = [20, 1], strides = [1, 1]} : vector<20x64xf32> to vector<20x1xf32>
    %sub3A_283 = vector.broadcast %slice3A_281 : vector<20x1xf32> to vector<20x400xf32>
    %sub3A_284 = vector.broadcast %slice3A : vector<1x400xf32> to vector<20x400xf32>
    %sub3A_285 = arith.subf %sub3A_283, %sub3A_284 : vector<20x400xf32>
    %integer_pow3A_286 = arith.mulf %sub3A_285, %sub3A_285 : vector<20x400xf32>
    %mul3A_287 = vector.broadcast %reduce_sum3A_14 : f32 to vector<20x400xf32>
    %mul3A_288 = arith.mulf %integer_pow3A_286, %mul3A_287 : vector<20x400xf32>
    %max3A_289 = arith.constant 9.99999996E-13 : f32
    %max3A_290 = vector.broadcast %max3A_289 : f32 to vector<20x400xf32>
    %max3A_291 = arith.maximumf %mul3A_288, %max3A_290 : vector<20x400xf32>
    %sqrt3A_292 = math.sqrt %max3A_291 : vector<20x400xf32>
    %mul3A_293 = vector.broadcast %slice3A_282 : vector<20x1xf32> to vector<20x400xf32>
    %mul3A_294 = arith.mulf %mul3A_293, %sqrt3A_292 : vector<20x400xf32>
    %get3A_295 = arith.constant 5200 : index
    %get3A_296 = arith.constant 0 : index
    %get3A_297 = vector.load %arg5[%get3A_295, %get3A_296] : memref<20000x128xf32, #tpu.memory_space<vmem>>, vector<400x128xf32>
    %dot_general3A_298 = arith.constant dense<0.000000e+00> : vector<20x128xf32>
    %dot_general3A_299 = tpu.matmul %mul3A_294, %get3A_297, %dot_general3A_298 {dimension_numbers = #tpu.dot_dimension_numbers<[1], [0], [0], [1], [0, 0, 1, 1], [], []>, transpose_lhs_hint = false} : vector<20x400xf32>, vector<400x128xf32>, vector<20x128xf32> -> vector<20x128xf32>
    %add3A_300 = arith.addf %add3A_280, %dot_general3A_299 : vector<20x128xf32>
    %slice3A_301 = vector.extract_strided_slice %get3A_20 {offsets = [0, 14], sizes = [20, 1], strides = [1, 1]} : vector<20x64xf32> to vector<20x1xf32>
    %slice3A_302 = vector.extract_strided_slice %get3A_23 {offsets = [0, 14], sizes = [20, 1], strides = [1, 1]} : vector<20x64xf32> to vector<20x1xf32>
    %sub3A_303 = vector.broadcast %slice3A_301 : vector<20x1xf32> to vector<20x400xf32>
    %sub3A_304 = vector.broadcast %slice3A : vector<1x400xf32> to vector<20x400xf32>
    %sub3A_305 = arith.subf %sub3A_303, %sub3A_304 : vector<20x400xf32>
    %integer_pow3A_306 = arith.mulf %sub3A_305, %sub3A_305 : vector<20x400xf32>
    %mul3A_307 = vector.broadcast %reduce_sum3A_14 : f32 to vector<20x400xf32>
    %mul3A_308 = arith.mulf %integer_pow3A_306, %mul3A_307 : vector<20x400xf32>
    %max3A_309 = arith.constant 9.99999996E-13 : f32
    %max3A_310 = vector.broadcast %max3A_309 : f32 to vector<20x400xf32>
    %max3A_311 = arith.maximumf %mul3A_308, %max3A_310 : vector<20x400xf32>
    %sqrt3A_312 = math.sqrt %max3A_311 : vector<20x400xf32>
    %mul3A_313 = vector.broadcast %slice3A_302 : vector<20x1xf32> to vector<20x400xf32>
    %mul3A_314 = arith.mulf %mul3A_313, %sqrt3A_312 : vector<20x400xf32>
    %get3A_315 = arith.constant 5600 : index
    %get3A_316 = arith.constant 0 : index
    %get3A_317 = vector.load %arg5[%get3A_315, %get3A_316] : memref<20000x128xf32, #tpu.memory_space<vmem>>, vector<400x128xf32>
    %dot_general3A_318 = arith.constant dense<0.000000e+00> : vector<20x128xf32>
    %dot_general3A_319 = tpu.matmul %mul3A_314, %get3A_317, %dot_general3A_318 {dimension_numbers = #tpu.dot_dimension_numbers<[1], [0], [0], [1], [0, 0, 1, 1], [], []>, transpose_lhs_hint = false} : vector<20x400xf32>, vector<400x128xf32>, vector<20x128xf32> -> vector<20x128xf32>
    %add3A_320 = arith.addf %add3A_300, %dot_general3A_319 : vector<20x128xf32>
    %slice3A_321 = vector.extract_strided_slice %get3A_20 {offsets = [0, 15], sizes = [20, 1], strides = [1, 1]} : vector<20x64xf32> to vector<20x1xf32>
    %slice3A_322 = vector.extract_strided_slice %get3A_23 {offsets = [0, 15], sizes = [20, 1], strides = [1, 1]} : vector<20x64xf32> to vector<20x1xf32>
    %sub3A_323 = vector.broadcast %slice3A_321 : vector<20x1xf32> to vector<20x400xf32>
    %sub3A_324 = vector.broadcast %slice3A : vector<1x400xf32> to vector<20x400xf32>
    %sub3A_325 = arith.subf %sub3A_323, %sub3A_324 : vector<20x400xf32>
    %integer_pow3A_326 = arith.mulf %sub3A_325, %sub3A_325 : vector<20x400xf32>
    %mul3A_327 = vector.broadcast %reduce_sum3A_14 : f32 to vector<20x400xf32>
    %mul3A_328 = arith.mulf %integer_pow3A_326, %mul3A_327 : vector<20x400xf32>
    %max3A_329 = arith.constant 9.99999996E-13 : f32
    %max3A_330 = vector.broadcast %max3A_329 : f32 to vector<20x400xf32>
    %max3A_331 = arith.maximumf %mul3A_328, %max3A_330 : vector<20x400xf32>
    %sqrt3A_332 = math.sqrt %max3A_331 : vector<20x400xf32>
    %mul3A_333 = vector.broadcast %slice3A_322 : vector<20x1xf32> to vector<20x400xf32>
    %mul3A_334 = arith.mulf %mul3A_333, %sqrt3A_332 : vector<20x400xf32>
    %get3A_335 = arith.constant 6000 : index
    %get3A_336 = arith.constant 0 : index
    %get3A_337 = vector.load %arg5[%get3A_335, %get3A_336] : memref<20000x128xf32, #tpu.memory_space<vmem>>, vector<400x128xf32>
    %dot_general3A_338 = arith.constant dense<0.000000e+00> : vector<20x128xf32>
    %dot_general3A_339 = tpu.matmul %mul3A_334, %get3A_337, %dot_general3A_338 {dimension_numbers = #tpu.dot_dimension_numbers<[1], [0], [0], [1], [0, 0, 1, 1], [], []>, transpose_lhs_hint = false} : vector<20x400xf32>, vector<400x128xf32>, vector<20x128xf32> -> vector<20x128xf32>
    %add3A_340 = arith.addf %add3A_320, %dot_general3A_339 : vector<20x128xf32>
    %slice3A_341 = vector.extract_strided_slice %get3A_20 {offsets = [0, 16], sizes = [20, 1], strides = [1, 1]} : vector<20x64xf32> to vector<20x1xf32>
    %slice3A_342 = vector.extract_strided_slice %get3A_23 {offsets = [0, 16], sizes = [20, 1], strides = [1, 1]} : vector<20x64xf32> to vector<20x1xf32>
    %sub3A_343 = vector.broadcast %slice3A_341 : vector<20x1xf32> to vector<20x400xf32>
    %sub3A_344 = vector.broadcast %slice3A : vector<1x400xf32> to vector<20x400xf32>
    %sub3A_345 = arith.subf %sub3A_343, %sub3A_344 : vector<20x400xf32>
    %integer_pow3A_346 = arith.mulf %sub3A_345, %sub3A_345 : vector<20x400xf32>
    %mul3A_347 = vector.broadcast %reduce_sum3A_14 : f32 to vector<20x400xf32>
    %mul3A_348 = arith.mulf %integer_pow3A_346, %mul3A_347 : vector<20x400xf32>
    %max3A_349 = arith.constant 9.99999996E-13 : f32
    %max3A_350 = vector.broadcast %max3A_349 : f32 to vector<20x400xf32>
    %max3A_351 = arith.maximumf %mul3A_348, %max3A_350 : vector<20x400xf32>
    %sqrt3A_352 = math.sqrt %max3A_351 : vector<20x400xf32>
    %mul3A_353 = vector.broadcast %slice3A_342 : vector<20x1xf32> to vector<20x400xf32>
    %mul3A_354 = arith.mulf %mul3A_353, %sqrt3A_352 : vector<20x400xf32>
    %get3A_355 = arith.constant 6400 : index
    %get3A_356 = arith.constant 0 : index
    %get3A_357 = vector.load %arg5[%get3A_355, %get3A_356] : memref<20000x128xf32, #tpu.memory_space<vmem>>, vector<400x128xf32>
    %dot_general3A_358 = arith.constant dense<0.000000e+00> : vector<20x128xf32>
    %dot_general3A_359 = tpu.matmul %mul3A_354, %get3A_357, %dot_general3A_358 {dimension_numbers = #tpu.dot_dimension_numbers<[1], [0], [0], [1], [0, 0, 1, 1], [], []>, transpose_lhs_hint = false} : vector<20x400xf32>, vector<400x128xf32>, vector<20x128xf32> -> vector<20x128xf32>
    %add3A_360 = arith.addf %add3A_340, %dot_general3A_359 : vector<20x128xf32>
    %slice3A_361 = vector.extract_strided_slice %get3A_20 {offsets = [0, 17], sizes = [20, 1], strides = [1, 1]} : vector<20x64xf32> to vector<20x1xf32>
    %slice3A_362 = vector.extract_strided_slice %get3A_23 {offsets = [0, 17], sizes = [20, 1], strides = [1, 1]} : vector<20x64xf32> to vector<20x1xf32>
    %sub3A_363 = vector.broadcast %slice3A_361 : vector<20x1xf32> to vector<20x400xf32>
    %sub3A_364 = vector.broadcast %slice3A : vector<1x400xf32> to vector<20x400xf32>
    %sub3A_365 = arith.subf %sub3A_363, %sub3A_364 : vector<20x400xf32>
    %integer_pow3A_366 = arith.mulf %sub3A_365, %sub3A_365 : vector<20x400xf32>
    %mul3A_367 = vector.broadcast %reduce_sum3A_14 : f32 to vector<20x400xf32>
    %mul3A_368 = arith.mulf %integer_pow3A_366, %mul3A_367 : vector<20x400xf32>
    %max3A_369 = arith.constant 9.99999996E-13 : f32
    %max3A_370 = vector.broadcast %max3A_369 : f32 to vector<20x400xf32>
    %max3A_371 = arith.maximumf %mul3A_368, %max3A_370 : vector<20x400xf32>
    %sqrt3A_372 = math.sqrt %max3A_371 : vector<20x400xf32>
    %mul3A_373 = vector.broadcast %slice3A_362 : vector<20x1xf32> to vector<20x400xf32>
    %mul3A_374 = arith.mulf %mul3A_373, %sqrt3A_372 : vector<20x400xf32>
    %get3A_375 = arith.constant 6800 : index
    %get3A_376 = arith.constant 0 : index
    %get3A_377 = vector.load %arg5[%get3A_375, %get3A_376] : memref<20000x128xf32, #tpu.memory_space<vmem>>, vector<400x128xf32>
    %dot_general3A_378 = arith.constant dense<0.000000e+00> : vector<20x128xf32>
    %dot_general3A_379 = tpu.matmul %mul3A_374, %get3A_377, %dot_general3A_378 {dimension_numbers = #tpu.dot_dimension_numbers<[1], [0], [0], [1], [0, 0, 1, 1], [], []>, transpose_lhs_hint = false} : vector<20x400xf32>, vector<400x128xf32>, vector<20x128xf32> -> vector<20x128xf32>
    %add3A_380 = arith.addf %add3A_360, %dot_general3A_379 : vector<20x128xf32>
    %slice3A_381 = vector.extract_strided_slice %get3A_20 {offsets = [0, 18], sizes = [20, 1], strides = [1, 1]} : vector<20x64xf32> to vector<20x1xf32>
    %slice3A_382 = vector.extract_strided_slice %get3A_23 {offsets = [0, 18], sizes = [20, 1], strides = [1, 1]} : vector<20x64xf32> to vector<20x1xf32>
    %sub3A_383 = vector.broadcast %slice3A_381 : vector<20x1xf32> to vector<20x400xf32>
    %sub3A_384 = vector.broadcast %slice3A : vector<1x400xf32> to vector<20x400xf32>
    %sub3A_385 = arith.subf %sub3A_383, %sub3A_384 : vector<20x400xf32>
    %integer_pow3A_386 = arith.mulf %sub3A_385, %sub3A_385 : vector<20x400xf32>
    %mul3A_387 = vector.broadcast %reduce_sum3A_14 : f32 to vector<20x400xf32>
    %mul3A_388 = arith.mulf %integer_pow3A_386, %mul3A_387 : vector<20x400xf32>
    %max3A_389 = arith.constant 9.99999996E-13 : f32
    %max3A_390 = vector.broadcast %max3A_389 : f32 to vector<20x400xf32>
    %max3A_391 = arith.maximumf %mul3A_388, %max3A_390 : vector<20x400xf32>
    %sqrt3A_392 = math.sqrt %max3A_391 : vector<20x400xf32>
    %mul3A_393 = vector.broadcast %slice3A_382 : vector<20x1xf32> to vector<20x400xf32>
    %mul3A_394 = arith.mulf %mul3A_393, %sqrt3A_392 : vector<20x400xf32>
    %get3A_395 = arith.constant 7200 : index
    %get3A_396 = arith.constant 0 : index
    %get3A_397 = vector.load %arg5[%get3A_395, %get3A_396] : memref<20000x128xf32, #tpu.memory_space<vmem>>, vector<400x128xf32>
    %dot_general3A_398 = arith.constant dense<0.000000e+00> : vector<20x128xf32>
    %dot_general3A_399 = tpu.matmul %mul3A_394, %get3A_397, %dot_general3A_398 {dimension_numbers = #tpu.dot_dimension_numbers<[1], [0], [0], [1], [0, 0, 1, 1], [], []>, transpose_lhs_hint = false} : vector<20x400xf32>, vector<400x128xf32>, vector<20x128xf32> -> vector<20x128xf32>
    %add3A_400 = arith.addf %add3A_380, %dot_general3A_399 : vector<20x128xf32>
    %slice3A_401 = vector.extract_strided_slice %get3A_20 {offsets = [0, 19], sizes = [20, 1], strides = [1, 1]} : vector<20x64xf32> to vector<20x1xf32>
    %slice3A_402 = vector.extract_strided_slice %get3A_23 {offsets = [0, 19], sizes = [20, 1], strides = [1, 1]} : vector<20x64xf32> to vector<20x1xf32>
    %sub3A_403 = vector.broadcast %slice3A_401 : vector<20x1xf32> to vector<20x400xf32>
    %sub3A_404 = vector.broadcast %slice3A : vector<1x400xf32> to vector<20x400xf32>
    %sub3A_405 = arith.subf %sub3A_403, %sub3A_404 : vector<20x400xf32>
    %integer_pow3A_406 = arith.mulf %sub3A_405, %sub3A_405 : vector<20x400xf32>
    %mul3A_407 = vector.broadcast %reduce_sum3A_14 : f32 to vector<20x400xf32>
    %mul3A_408 = arith.mulf %integer_pow3A_406, %mul3A_407 : vector<20x400xf32>
    %max3A_409 = arith.constant 9.99999996E-13 : f32
    %max3A_410 = vector.broadcast %max3A_409 : f32 to vector<20x400xf32>
    %max3A_411 = arith.maximumf %mul3A_408, %max3A_410 : vector<20x400xf32>
    %sqrt3A_412 = math.sqrt %max3A_411 : vector<20x400xf32>
    %mul3A_413 = vector.broadcast %slice3A_402 : vector<20x1xf32> to vector<20x400xf32>
    %mul3A_414 = arith.mulf %mul3A_413, %sqrt3A_412 : vector<20x400xf32>
    %get3A_415 = arith.constant 7600 : index
    %get3A_416 = arith.constant 0 : index
    %get3A_417 = vector.load %arg5[%get3A_415, %get3A_416] : memref<20000x128xf32, #tpu.memory_space<vmem>>, vector<400x128xf32>
    %dot_general3A_418 = arith.constant dense<0.000000e+00> : vector<20x128xf32>
    %dot_general3A_419 = tpu.matmul %mul3A_414, %get3A_417, %dot_general3A_418 {dimension_numbers = #tpu.dot_dimension_numbers<[1], [0], [0], [1], [0, 0, 1, 1], [], []>, transpose_lhs_hint = false} : vector<20x400xf32>, vector<400x128xf32>, vector<20x128xf32> -> vector<20x128xf32>
    %add3A_420 = arith.addf %add3A_400, %dot_general3A_419 : vector<20x128xf32>
    %slice3A_421 = vector.extract_strided_slice %get3A_20 {offsets = [0, 20], sizes = [20, 1], strides = [1, 1]} : vector<20x64xf32> to vector<20x1xf32>
    %slice3A_422 = vector.extract_strided_slice %get3A_23 {offsets = [0, 20], sizes = [20, 1], strides = [1, 1]} : vector<20x64xf32> to vector<20x1xf32>
    %sub3A_423 = vector.broadcast %slice3A_421 : vector<20x1xf32> to vector<20x400xf32>
    %sub3A_424 = vector.broadcast %slice3A : vector<1x400xf32> to vector<20x400xf32>
    %sub3A_425 = arith.subf %sub3A_423, %sub3A_424 : vector<20x400xf32>
    %integer_pow3A_426 = arith.mulf %sub3A_425, %sub3A_425 : vector<20x400xf32>
    %mul3A_427 = vector.broadcast %reduce_sum3A_14 : f32 to vector<20x400xf32>
    %mul3A_428 = arith.mulf %integer_pow3A_426, %mul3A_427 : vector<20x400xf32>
    %max3A_429 = arith.constant 9.99999996E-13 : f32
    %max3A_430 = vector.broadcast %max3A_429 : f32 to vector<20x400xf32>
    %max3A_431 = arith.maximumf %mul3A_428, %max3A_430 : vector<20x400xf32>
    %sqrt3A_432 = math.sqrt %max3A_431 : vector<20x400xf32>
    %mul3A_433 = vector.broadcast %slice3A_422 : vector<20x1xf32> to vector<20x400xf32>
    %mul3A_434 = arith.mulf %mul3A_433, %sqrt3A_432 : vector<20x400xf32>
    %get3A_435 = arith.constant 8000 : index
    %get3A_436 = arith.constant 0 : index
    %get3A_437 = vector.load %arg5[%get3A_435, %get3A_436] : memref<20000x128xf32, #tpu.memory_space<vmem>>, vector<400x128xf32>
    %dot_general3A_438 = arith.constant dense<0.000000e+00> : vector<20x128xf32>
    %dot_general3A_439 = tpu.matmul %mul3A_434, %get3A_437, %dot_general3A_438 {dimension_numbers = #tpu.dot_dimension_numbers<[1], [0], [0], [1], [0, 0, 1, 1], [], []>, transpose_lhs_hint = false} : vector<20x400xf32>, vector<400x128xf32>, vector<20x128xf32> -> vector<20x128xf32>
    %add3A_440 = arith.addf %add3A_420, %dot_general3A_439 : vector<20x128xf32>
    %slice3A_441 = vector.extract_strided_slice %get3A_20 {offsets = [0, 21], sizes = [20, 1], strides = [1, 1]} : vector<20x64xf32> to vector<20x1xf32>
    %slice3A_442 = vector.extract_strided_slice %get3A_23 {offsets = [0, 21], sizes = [20, 1], strides = [1, 1]} : vector<20x64xf32> to vector<20x1xf32>
    %sub3A_443 = vector.broadcast %slice3A_441 : vector<20x1xf32> to vector<20x400xf32>
    %sub3A_444 = vector.broadcast %slice3A : vector<1x400xf32> to vector<20x400xf32>
    %sub3A_445 = arith.subf %sub3A_443, %sub3A_444 : vector<20x400xf32>
    %integer_pow3A_446 = arith.mulf %sub3A_445, %sub3A_445 : vector<20x400xf32>
    %mul3A_447 = vector.broadcast %reduce_sum3A_14 : f32 to vector<20x400xf32>
    %mul3A_448 = arith.mulf %integer_pow3A_446, %mul3A_447 : vector<20x400xf32>
    %max3A_449 = arith.constant 9.99999996E-13 : f32
    %max3A_450 = vector.broadcast %max3A_449 : f32 to vector<20x400xf32>
    %max3A_451 = arith.maximumf %mul3A_448, %max3A_450 : vector<20x400xf32>
    %sqrt3A_452 = math.sqrt %max3A_451 : vector<20x400xf32>
    %mul3A_453 = vector.broadcast %slice3A_442 : vector<20x1xf32> to vector<20x400xf32>
    %mul3A_454 = arith.mulf %mul3A_453, %sqrt3A_452 : vector<20x400xf32>
    %get3A_455 = arith.constant 8400 : index
    %get3A_456 = arith.constant 0 : index
    %get3A_457 = vector.load %arg5[%get3A_455, %get3A_456] : memref<20000x128xf32, #tpu.memory_space<vmem>>, vector<400x128xf32>
    %dot_general3A_458 = arith.constant dense<0.000000e+00> : vector<20x128xf32>
    %dot_general3A_459 = tpu.matmul %mul3A_454, %get3A_457, %dot_general3A_458 {dimension_numbers = #tpu.dot_dimension_numbers<[1], [0], [0], [1], [0, 0, 1, 1], [], []>, transpose_lhs_hint = false} : vector<20x400xf32>, vector<400x128xf32>, vector<20x128xf32> -> vector<20x128xf32>
    %add3A_460 = arith.addf %add3A_440, %dot_general3A_459 : vector<20x128xf32>
    %slice3A_461 = vector.extract_strided_slice %get3A_20 {offsets = [0, 22], sizes = [20, 1], strides = [1, 1]} : vector<20x64xf32> to vector<20x1xf32>
    %slice3A_462 = vector.extract_strided_slice %get3A_23 {offsets = [0, 22], sizes = [20, 1], strides = [1, 1]} : vector<20x64xf32> to vector<20x1xf32>
    %sub3A_463 = vector.broadcast %slice3A_461 : vector<20x1xf32> to vector<20x400xf32>
    %sub3A_464 = vector.broadcast %slice3A : vector<1x400xf32> to vector<20x400xf32>
    %sub3A_465 = arith.subf %sub3A_463, %sub3A_464 : vector<20x400xf32>
    %integer_pow3A_466 = arith.mulf %sub3A_465, %sub3A_465 : vector<20x400xf32>
    %mul3A_467 = vector.broadcast %reduce_sum3A_14 : f32 to vector<20x400xf32>
    %mul3A_468 = arith.mulf %integer_pow3A_466, %mul3A_467 : vector<20x400xf32>
    %max3A_469 = arith.constant 9.99999996E-13 : f32
    %max3A_470 = vector.broadcast %max3A_469 : f32 to vector<20x400xf32>
    %max3A_471 = arith.maximumf %mul3A_468, %max3A_470 : vector<20x400xf32>
    %sqrt3A_472 = math.sqrt %max3A_471 : vector<20x400xf32>
    %mul3A_473 = vector.broadcast %slice3A_462 : vector<20x1xf32> to vector<20x400xf32>
    %mul3A_474 = arith.mulf %mul3A_473, %sqrt3A_472 : vector<20x400xf32>
    %get3A_475 = arith.constant 8800 : index
    %get3A_476 = arith.constant 0 : index
    %get3A_477 = vector.load %arg5[%get3A_475, %get3A_476] : memref<20000x128xf32, #tpu.memory_space<vmem>>, vector<400x128xf32>
    %dot_general3A_478 = arith.constant dense<0.000000e+00> : vector<20x128xf32>
    %dot_general3A_479 = tpu.matmul %mul3A_474, %get3A_477, %dot_general3A_478 {dimension_numbers = #tpu.dot_dimension_numbers<[1], [0], [0], [1], [0, 0, 1, 1], [], []>, transpose_lhs_hint = false} : vector<20x400xf32>, vector<400x128xf32>, vector<20x128xf32> -> vector<20x128xf32>
    %add3A_480 = arith.addf %add3A_460, %dot_general3A_479 : vector<20x128xf32>
    %slice3A_481 = vector.extract_strided_slice %get3A_20 {offsets = [0, 23], sizes = [20, 1], strides = [1, 1]} : vector<20x64xf32> to vector<20x1xf32>
    %slice3A_482 = vector.extract_strided_slice %get3A_23 {offsets = [0, 23], sizes = [20, 1], strides = [1, 1]} : vector<20x64xf32> to vector<20x1xf32>
    %sub3A_483 = vector.broadcast %slice3A_481 : vector<20x1xf32> to vector<20x400xf32>
    %sub3A_484 = vector.broadcast %slice3A : vector<1x400xf32> to vector<20x400xf32>
    %sub3A_485 = arith.subf %sub3A_483, %sub3A_484 : vector<20x400xf32>
    %integer_pow3A_486 = arith.mulf %sub3A_485, %sub3A_485 : vector<20x400xf32>
    %mul3A_487 = vector.broadcast %reduce_sum3A_14 : f32 to vector<20x400xf32>
    %mul3A_488 = arith.mulf %integer_pow3A_486, %mul3A_487 : vector<20x400xf32>
    %max3A_489 = arith.constant 9.99999996E-13 : f32
    %max3A_490 = vector.broadcast %max3A_489 : f32 to vector<20x400xf32>
    %max3A_491 = arith.maximumf %mul3A_488, %max3A_490 : vector<20x400xf32>
    %sqrt3A_492 = math.sqrt %max3A_491 : vector<20x400xf32>
    %mul3A_493 = vector.broadcast %slice3A_482 : vector<20x1xf32> to vector<20x400xf32>
    %mul3A_494 = arith.mulf %mul3A_493, %sqrt3A_492 : vector<20x400xf32>
    %get3A_495 = arith.constant 9200 : index
    %get3A_496 = arith.constant 0 : index
    %get3A_497 = vector.load %arg5[%get3A_495, %get3A_496] : memref<20000x128xf32, #tpu.memory_space<vmem>>, vector<400x128xf32>
    %dot_general3A_498 = arith.constant dense<0.000000e+00> : vector<20x128xf32>
    %dot_general3A_499 = tpu.matmul %mul3A_494, %get3A_497, %dot_general3A_498 {dimension_numbers = #tpu.dot_dimension_numbers<[1], [0], [0], [1], [0, 0, 1, 1], [], []>, transpose_lhs_hint = false} : vector<20x400xf32>, vector<400x128xf32>, vector<20x128xf32> -> vector<20x128xf32>
    %add3A_500 = arith.addf %add3A_480, %dot_general3A_499 : vector<20x128xf32>
    %slice3A_501 = vector.extract_strided_slice %get3A_20 {offsets = [0, 24], sizes = [20, 1], strides = [1, 1]} : vector<20x64xf32> to vector<20x1xf32>
    %slice3A_502 = vector.extract_strided_slice %get3A_23 {offsets = [0, 24], sizes = [20, 1], strides = [1, 1]} : vector<20x64xf32> to vector<20x1xf32>
    %sub3A_503 = vector.broadcast %slice3A_501 : vector<20x1xf32> to vector<20x400xf32>
    %sub3A_504 = vector.broadcast %slice3A : vector<1x400xf32> to vector<20x400xf32>
    %sub3A_505 = arith.subf %sub3A_503, %sub3A_504 : vector<20x400xf32>
    %integer_pow3A_506 = arith.mulf %sub3A_505, %sub3A_505 : vector<20x400xf32>
    %mul3A_507 = vector.broadcast %reduce_sum3A_14 : f32 to vector<20x400xf32>
    %mul3A_508 = arith.mulf %integer_pow3A_506, %mul3A_507 : vector<20x400xf32>
    %max3A_509 = arith.constant 9.99999996E-13 : f32
    %max3A_510 = vector.broadcast %max3A_509 : f32 to vector<20x400xf32>
    %max3A_511 = arith.maximumf %mul3A_508, %max3A_510 : vector<20x400xf32>
    %sqrt3A_512 = math.sqrt %max3A_511 : vector<20x400xf32>
    %mul3A_513 = vector.broadcast %slice3A_502 : vector<20x1xf32> to vector<20x400xf32>
    %mul3A_514 = arith.mulf %mul3A_513, %sqrt3A_512 : vector<20x400xf32>
    %get3A_515 = arith.constant 9600 : index
    %get3A_516 = arith.constant 0 : index
    %get3A_517 = vector.load %arg5[%get3A_515, %get3A_516] : memref<20000x128xf32, #tpu.memory_space<vmem>>, vector<400x128xf32>
    %dot_general3A_518 = arith.constant dense<0.000000e+00> : vector<20x128xf32>
    %dot_general3A_519 = tpu.matmul %mul3A_514, %get3A_517, %dot_general3A_518 {dimension_numbers = #tpu.dot_dimension_numbers<[1], [0], [0], [1], [0, 0, 1, 1], [], []>, transpose_lhs_hint = false} : vector<20x400xf32>, vector<400x128xf32>, vector<20x128xf32> -> vector<20x128xf32>
    %add3A_520 = arith.addf %add3A_500, %dot_general3A_519 : vector<20x128xf32>
    %slice3A_521 = vector.extract_strided_slice %get3A_20 {offsets = [0, 25], sizes = [20, 1], strides = [1, 1]} : vector<20x64xf32> to vector<20x1xf32>
    %slice3A_522 = vector.extract_strided_slice %get3A_23 {offsets = [0, 25], sizes = [20, 1], strides = [1, 1]} : vector<20x64xf32> to vector<20x1xf32>
    %sub3A_523 = vector.broadcast %slice3A_521 : vector<20x1xf32> to vector<20x400xf32>
    %sub3A_524 = vector.broadcast %slice3A : vector<1x400xf32> to vector<20x400xf32>
    %sub3A_525 = arith.subf %sub3A_523, %sub3A_524 : vector<20x400xf32>
    %integer_pow3A_526 = arith.mulf %sub3A_525, %sub3A_525 : vector<20x400xf32>
    %mul3A_527 = vector.broadcast %reduce_sum3A_14 : f32 to vector<20x400xf32>
    %mul3A_528 = arith.mulf %integer_pow3A_526, %mul3A_527 : vector<20x400xf32>
    %max3A_529 = arith.constant 9.99999996E-13 : f32
    %max3A_530 = vector.broadcast %max3A_529 : f32 to vector<20x400xf32>
    %max3A_531 = arith.maximumf %mul3A_528, %max3A_530 : vector<20x400xf32>
    %sqrt3A_532 = math.sqrt %max3A_531 : vector<20x400xf32>
    %mul3A_533 = vector.broadcast %slice3A_522 : vector<20x1xf32> to vector<20x400xf32>
    %mul3A_534 = arith.mulf %mul3A_533, %sqrt3A_532 : vector<20x400xf32>
    %get3A_535 = arith.constant 10000 : index
    %get3A_536 = arith.constant 0 : index
    %get3A_537 = vector.load %arg5[%get3A_535, %get3A_536] : memref<20000x128xf32, #tpu.memory_space<vmem>>, vector<400x128xf32>
    %dot_general3A_538 = arith.constant dense<0.000000e+00> : vector<20x128xf32>
    %dot_general3A_539 = tpu.matmul %mul3A_534, %get3A_537, %dot_general3A_538 {dimension_numbers = #tpu.dot_dimension_numbers<[1], [0], [0], [1], [0, 0, 1, 1], [], []>, transpose_lhs_hint = false} : vector<20x400xf32>, vector<400x128xf32>, vector<20x128xf32> -> vector<20x128xf32>
    %add3A_540 = arith.addf %add3A_520, %dot_general3A_539 : vector<20x128xf32>
    %slice3A_541 = vector.extract_strided_slice %get3A_20 {offsets = [0, 26], sizes = [20, 1], strides = [1, 1]} : vector<20x64xf32> to vector<20x1xf32>
    %slice3A_542 = vector.extract_strided_slice %get3A_23 {offsets = [0, 26], sizes = [20, 1], strides = [1, 1]} : vector<20x64xf32> to vector<20x1xf32>
    %sub3A_543 = vector.broadcast %slice3A_541 : vector<20x1xf32> to vector<20x400xf32>
    %sub3A_544 = vector.broadcast %slice3A : vector<1x400xf32> to vector<20x400xf32>
    %sub3A_545 = arith.subf %sub3A_543, %sub3A_544 : vector<20x400xf32>
    %integer_pow3A_546 = arith.mulf %sub3A_545, %sub3A_545 : vector<20x400xf32>
    %mul3A_547 = vector.broadcast %reduce_sum3A_14 : f32 to vector<20x400xf32>
    %mul3A_548 = arith.mulf %integer_pow3A_546, %mul3A_547 : vector<20x400xf32>
    %max3A_549 = arith.constant 9.99999996E-13 : f32
    %max3A_550 = vector.broadcast %max3A_549 : f32 to vector<20x400xf32>
    %max3A_551 = arith.maximumf %mul3A_548, %max3A_550 : vector<20x400xf32>
    %sqrt3A_552 = math.sqrt %max3A_551 : vector<20x400xf32>
    %mul3A_553 = vector.broadcast %slice3A_542 : vector<20x1xf32> to vector<20x400xf32>
    %mul3A_554 = arith.mulf %mul3A_553, %sqrt3A_552 : vector<20x400xf32>
    %get3A_555 = arith.constant 10400 : index
    %get3A_556 = arith.constant 0 : index
    %get3A_557 = vector.load %arg5[%get3A_555, %get3A_556] : memref<20000x128xf32, #tpu.memory_space<vmem>>, vector<400x128xf32>
    %dot_general3A_558 = arith.constant dense<0.000000e+00> : vector<20x128xf32>
    %dot_general3A_559 = tpu.matmul %mul3A_554, %get3A_557, %dot_general3A_558 {dimension_numbers = #tpu.dot_dimension_numbers<[1], [0], [0], [1], [0, 0, 1, 1], [], []>, transpose_lhs_hint = false} : vector<20x400xf32>, vector<400x128xf32>, vector<20x128xf32> -> vector<20x128xf32>
    %add3A_560 = arith.addf %add3A_540, %dot_general3A_559 : vector<20x128xf32>
    %slice3A_561 = vector.extract_strided_slice %get3A_20 {offsets = [0, 27], sizes = [20, 1], strides = [1, 1]} : vector<20x64xf32> to vector<20x1xf32>
    %slice3A_562 = vector.extract_strided_slice %get3A_23 {offsets = [0, 27], sizes = [20, 1], strides = [1, 1]} : vector<20x64xf32> to vector<20x1xf32>
    %sub3A_563 = vector.broadcast %slice3A_561 : vector<20x1xf32> to vector<20x400xf32>
    %sub3A_564 = vector.broadcast %slice3A : vector<1x400xf32> to vector<20x400xf32>
    %sub3A_565 = arith.subf %sub3A_563, %sub3A_564 : vector<20x400xf32>
    %integer_pow3A_566 = arith.mulf %sub3A_565, %sub3A_565 : vector<20x400xf32>
    %mul3A_567 = vector.broadcast %reduce_sum3A_14 : f32 to vector<20x400xf32>
    %mul3A_568 = arith.mulf %integer_pow3A_566, %mul3A_567 : vector<20x400xf32>
    %max3A_569 = arith.constant 9.99999996E-13 : f32
    %max3A_570 = vector.broadcast %max3A_569 : f32 to vector<20x400xf32>
    %max3A_571 = arith.maximumf %mul3A_568, %max3A_570 : vector<20x400xf32>
    %sqrt3A_572 = math.sqrt %max3A_571 : vector<20x400xf32>
    %mul3A_573 = vector.broadcast %slice3A_562 : vector<20x1xf32> to vector<20x400xf32>
    %mul3A_574 = arith.mulf %mul3A_573, %sqrt3A_572 : vector<20x400xf32>
    %get3A_575 = arith.constant 10800 : index
    %get3A_576 = arith.constant 0 : index
    %get3A_577 = vector.load %arg5[%get3A_575, %get3A_576] : memref<20000x128xf32, #tpu.memory_space<vmem>>, vector<400x128xf32>
    %dot_general3A_578 = arith.constant dense<0.000000e+00> : vector<20x128xf32>
    %dot_general3A_579 = tpu.matmul %mul3A_574, %get3A_577, %dot_general3A_578 {dimension_numbers = #tpu.dot_dimension_numbers<[1], [0], [0], [1], [0, 0, 1, 1], [], []>, transpose_lhs_hint = false} : vector<20x400xf32>, vector<400x128xf32>, vector<20x128xf32> -> vector<20x128xf32>
    %add3A_580 = arith.addf %add3A_560, %dot_general3A_579 : vector<20x128xf32>
    %slice3A_581 = vector.extract_strided_slice %get3A_20 {offsets = [0, 28], sizes = [20, 1], strides = [1, 1]} : vector<20x64xf32> to vector<20x1xf32>
    %slice3A_582 = vector.extract_strided_slice %get3A_23 {offsets = [0, 28], sizes = [20, 1], strides = [1, 1]} : vector<20x64xf32> to vector<20x1xf32>
    %sub3A_583 = vector.broadcast %slice3A_581 : vector<20x1xf32> to vector<20x400xf32>
    %sub3A_584 = vector.broadcast %slice3A : vector<1x400xf32> to vector<20x400xf32>
    %sub3A_585 = arith.subf %sub3A_583, %sub3A_584 : vector<20x400xf32>
    %integer_pow3A_586 = arith.mulf %sub3A_585, %sub3A_585 : vector<20x400xf32>
    %mul3A_587 = vector.broadcast %reduce_sum3A_14 : f32 to vector<20x400xf32>
    %mul3A_588 = arith.mulf %integer_pow3A_586, %mul3A_587 : vector<20x400xf32>
    %max3A_589 = arith.constant 9.99999996E-13 : f32
    %max3A_590 = vector.broadcast %max3A_589 : f32 to vector<20x400xf32>
    %max3A_591 = arith.maximumf %mul3A_588, %max3A_590 : vector<20x400xf32>
    %sqrt3A_592 = math.sqrt %max3A_591 : vector<20x400xf32>
    %mul3A_593 = vector.broadcast %slice3A_582 : vector<20x1xf32> to vector<20x400xf32>
    %mul3A_594 = arith.mulf %mul3A_593, %sqrt3A_592 : vector<20x400xf32>
    %get3A_595 = arith.constant 11200 : index
    %get3A_596 = arith.constant 0 : index
    %get3A_597 = vector.load %arg5[%get3A_595, %get3A_596] : memref<20000x128xf32, #tpu.memory_space<vmem>>, vector<400x128xf32>
    %dot_general3A_598 = arith.constant dense<0.000000e+00> : vector<20x128xf32>
    %dot_general3A_599 = tpu.matmul %mul3A_594, %get3A_597, %dot_general3A_598 {dimension_numbers = #tpu.dot_dimension_numbers<[1], [0], [0], [1], [0, 0, 1, 1], [], []>, transpose_lhs_hint = false} : vector<20x400xf32>, vector<400x128xf32>, vector<20x128xf32> -> vector<20x128xf32>
    %add3A_600 = arith.addf %add3A_580, %dot_general3A_599 : vector<20x128xf32>
    %slice3A_601 = vector.extract_strided_slice %get3A_20 {offsets = [0, 29], sizes = [20, 1], strides = [1, 1]} : vector<20x64xf32> to vector<20x1xf32>
    %slice3A_602 = vector.extract_strided_slice %get3A_23 {offsets = [0, 29], sizes = [20, 1], strides = [1, 1]} : vector<20x64xf32> to vector<20x1xf32>
    %sub3A_603 = vector.broadcast %slice3A_601 : vector<20x1xf32> to vector<20x400xf32>
    %sub3A_604 = vector.broadcast %slice3A : vector<1x400xf32> to vector<20x400xf32>
    %sub3A_605 = arith.subf %sub3A_603, %sub3A_604 : vector<20x400xf32>
    %integer_pow3A_606 = arith.mulf %sub3A_605, %sub3A_605 : vector<20x400xf32>
    %mul3A_607 = vector.broadcast %reduce_sum3A_14 : f32 to vector<20x400xf32>
    %mul3A_608 = arith.mulf %integer_pow3A_606, %mul3A_607 : vector<20x400xf32>
    %max3A_609 = arith.constant 9.99999996E-13 : f32
    %max3A_610 = vector.broadcast %max3A_609 : f32 to vector<20x400xf32>
    %max3A_611 = arith.maximumf %mul3A_608, %max3A_610 : vector<20x400xf32>
    %sqrt3A_612 = math.sqrt %max3A_611 : vector<20x400xf32>
    %mul3A_613 = vector.broadcast %slice3A_602 : vector<20x1xf32> to vector<20x400xf32>
    %mul3A_614 = arith.mulf %mul3A_613, %sqrt3A_612 : vector<20x400xf32>
    %get3A_615 = arith.constant 11600 : index
    %get3A_616 = arith.constant 0 : index
    %get3A_617 = vector.load %arg5[%get3A_615, %get3A_616] : memref<20000x128xf32, #tpu.memory_space<vmem>>, vector<400x128xf32>
    %dot_general3A_618 = arith.constant dense<0.000000e+00> : vector<20x128xf32>
    %dot_general3A_619 = tpu.matmul %mul3A_614, %get3A_617, %dot_general3A_618 {dimension_numbers = #tpu.dot_dimension_numbers<[1], [0], [0], [1], [0, 0, 1, 1], [], []>, transpose_lhs_hint = false} : vector<20x400xf32>, vector<400x128xf32>, vector<20x128xf32> -> vector<20x128xf32>
    %add3A_620 = arith.addf %add3A_600, %dot_general3A_619 : vector<20x128xf32>
    %slice3A_621 = vector.extract_strided_slice %get3A_20 {offsets = [0, 30], sizes = [20, 1], strides = [1, 1]} : vector<20x64xf32> to vector<20x1xf32>
    %slice3A_622 = vector.extract_strided_slice %get3A_23 {offsets = [0, 30], sizes = [20, 1], strides = [1, 1]} : vector<20x64xf32> to vector<20x1xf32>
    %sub3A_623 = vector.broadcast %slice3A_621 : vector<20x1xf32> to vector<20x400xf32>
    %sub3A_624 = vector.broadcast %slice3A : vector<1x400xf32> to vector<20x400xf32>
    %sub3A_625 = arith.subf %sub3A_623, %sub3A_624 : vector<20x400xf32>
    %integer_pow3A_626 = arith.mulf %sub3A_625, %sub3A_625 : vector<20x400xf32>
    %mul3A_627 = vector.broadcast %reduce_sum3A_14 : f32 to vector<20x400xf32>
    %mul3A_628 = arith.mulf %integer_pow3A_626, %mul3A_627 : vector<20x400xf32>
    %max3A_629 = arith.constant 9.99999996E-13 : f32
    %max3A_630 = vector.broadcast %max3A_629 : f32 to vector<20x400xf32>
    %max3A_631 = arith.maximumf %mul3A_628, %max3A_630 : vector<20x400xf32>
    %sqrt3A_632 = math.sqrt %max3A_631 : vector<20x400xf32>
    %mul3A_633 = vector.broadcast %slice3A_622 : vector<20x1xf32> to vector<20x400xf32>
    %mul3A_634 = arith.mulf %mul3A_633, %sqrt3A_632 : vector<20x400xf32>
    %get3A_635 = arith.constant 12000 : index
    %get3A_636 = arith.constant 0 : index
    %get3A_637 = vector.load %arg5[%get3A_635, %get3A_636] : memref<20000x128xf32, #tpu.memory_space<vmem>>, vector<400x128xf32>
    %dot_general3A_638 = arith.constant dense<0.000000e+00> : vector<20x128xf32>
    %dot_general3A_639 = tpu.matmul %mul3A_634, %get3A_637, %dot_general3A_638 {dimension_numbers = #tpu.dot_dimension_numbers<[1], [0], [0], [1], [0, 0, 1, 1], [], []>, transpose_lhs_hint = false} : vector<20x400xf32>, vector<400x128xf32>, vector<20x128xf32> -> vector<20x128xf32>
    %add3A_640 = arith.addf %add3A_620, %dot_general3A_639 : vector<20x128xf32>
    %slice3A_641 = vector.extract_strided_slice %get3A_20 {offsets = [0, 31], sizes = [20, 1], strides = [1, 1]} : vector<20x64xf32> to vector<20x1xf32>
    %slice3A_642 = vector.extract_strided_slice %get3A_23 {offsets = [0, 31], sizes = [20, 1], strides = [1, 1]} : vector<20x64xf32> to vector<20x1xf32>
    %sub3A_643 = vector.broadcast %slice3A_641 : vector<20x1xf32> to vector<20x400xf32>
    %sub3A_644 = vector.broadcast %slice3A : vector<1x400xf32> to vector<20x400xf32>
    %sub3A_645 = arith.subf %sub3A_643, %sub3A_644 : vector<20x400xf32>
    %integer_pow3A_646 = arith.mulf %sub3A_645, %sub3A_645 : vector<20x400xf32>
    %mul3A_647 = vector.broadcast %reduce_sum3A_14 : f32 to vector<20x400xf32>
    %mul3A_648 = arith.mulf %integer_pow3A_646, %mul3A_647 : vector<20x400xf32>
    %max3A_649 = arith.constant 9.99999996E-13 : f32
    %max3A_650 = vector.broadcast %max3A_649 : f32 to vector<20x400xf32>
    %max3A_651 = arith.maximumf %mul3A_648, %max3A_650 : vector<20x400xf32>
    %sqrt3A_652 = math.sqrt %max3A_651 : vector<20x400xf32>
    %mul3A_653 = vector.broadcast %slice3A_642 : vector<20x1xf32> to vector<20x400xf32>
    %mul3A_654 = arith.mulf %mul3A_653, %sqrt3A_652 : vector<20x400xf32>
    %get3A_655 = arith.constant 12400 : index
    %get3A_656 = arith.constant 0 : index
    %get3A_657 = vector.load %arg5[%get3A_655, %get3A_656] : memref<20000x128xf32, #tpu.memory_space<vmem>>, vector<400x128xf32>
    %dot_general3A_658 = arith.constant dense<0.000000e+00> : vector<20x128xf32>
    %dot_general3A_659 = tpu.matmul %mul3A_654, %get3A_657, %dot_general3A_658 {dimension_numbers = #tpu.dot_dimension_numbers<[1], [0], [0], [1], [0, 0, 1, 1], [], []>, transpose_lhs_hint = false} : vector<20x400xf32>, vector<400x128xf32>, vector<20x128xf32> -> vector<20x128xf32>
    %add3A_660 = arith.addf %add3A_640, %dot_general3A_659 : vector<20x128xf32>
    %slice3A_661 = vector.extract_strided_slice %get3A_20 {offsets = [0, 32], sizes = [20, 1], strides = [1, 1]} : vector<20x64xf32> to vector<20x1xf32>
    %slice3A_662 = vector.extract_strided_slice %get3A_23 {offsets = [0, 32], sizes = [20, 1], strides = [1, 1]} : vector<20x64xf32> to vector<20x1xf32>
    %sub3A_663 = vector.broadcast %slice3A_661 : vector<20x1xf32> to vector<20x400xf32>
    %sub3A_664 = vector.broadcast %slice3A : vector<1x400xf32> to vector<20x400xf32>
    %sub3A_665 = arith.subf %sub3A_663, %sub3A_664 : vector<20x400xf32>
    %integer_pow3A_666 = arith.mulf %sub3A_665, %sub3A_665 : vector<20x400xf32>
    %mul3A_667 = vector.broadcast %reduce_sum3A_14 : f32 to vector<20x400xf32>
    %mul3A_668 = arith.mulf %integer_pow3A_666, %mul3A_667 : vector<20x400xf32>
    %max3A_669 = arith.constant 9.99999996E-13 : f32
    %max3A_670 = vector.broadcast %max3A_669 : f32 to vector<20x400xf32>
    %max3A_671 = arith.maximumf %mul3A_668, %max3A_670 : vector<20x400xf32>
    %sqrt3A_672 = math.sqrt %max3A_671 : vector<20x400xf32>
    %mul3A_673 = vector.broadcast %slice3A_662 : vector<20x1xf32> to vector<20x400xf32>
    %mul3A_674 = arith.mulf %mul3A_673, %sqrt3A_672 : vector<20x400xf32>
    %get3A_675 = arith.constant 12800 : index
    %get3A_676 = arith.constant 0 : index
    %get3A_677 = vector.load %arg5[%get3A_675, %get3A_676] : memref<20000x128xf32, #tpu.memory_space<vmem>>, vector<400x128xf32>
    %dot_general3A_678 = arith.constant dense<0.000000e+00> : vector<20x128xf32>
    %dot_general3A_679 = tpu.matmul %mul3A_674, %get3A_677, %dot_general3A_678 {dimension_numbers = #tpu.dot_dimension_numbers<[1], [0], [0], [1], [0, 0, 1, 1], [], []>, transpose_lhs_hint = false} : vector<20x400xf32>, vector<400x128xf32>, vector<20x128xf32> -> vector<20x128xf32>
    %add3A_680 = arith.addf %add3A_660, %dot_general3A_679 : vector<20x128xf32>
    %slice3A_681 = vector.extract_strided_slice %get3A_20 {offsets = [0, 33], sizes = [20, 1], strides = [1, 1]} : vector<20x64xf32> to vector<20x1xf32>
    %slice3A_682 = vector.extract_strided_slice %get3A_23 {offsets = [0, 33], sizes = [20, 1], strides = [1, 1]} : vector<20x64xf32> to vector<20x1xf32>
    %sub3A_683 = vector.broadcast %slice3A_681 : vector<20x1xf32> to vector<20x400xf32>
    %sub3A_684 = vector.broadcast %slice3A : vector<1x400xf32> to vector<20x400xf32>
    %sub3A_685 = arith.subf %sub3A_683, %sub3A_684 : vector<20x400xf32>
    %integer_pow3A_686 = arith.mulf %sub3A_685, %sub3A_685 : vector<20x400xf32>
    %mul3A_687 = vector.broadcast %reduce_sum3A_14 : f32 to vector<20x400xf32>
    %mul3A_688 = arith.mulf %integer_pow3A_686, %mul3A_687 : vector<20x400xf32>
    %max3A_689 = arith.constant 9.99999996E-13 : f32
    %max3A_690 = vector.broadcast %max3A_689 : f32 to vector<20x400xf32>
    %max3A_691 = arith.maximumf %mul3A_688, %max3A_690 : vector<20x400xf32>
    %sqrt3A_692 = math.sqrt %max3A_691 : vector<20x400xf32>
    %mul3A_693 = vector.broadcast %slice3A_682 : vector<20x1xf32> to vector<20x400xf32>
    %mul3A_694 = arith.mulf %mul3A_693, %sqrt3A_692 : vector<20x400xf32>
    %get3A_695 = arith.constant 13200 : index
    %get3A_696 = arith.constant 0 : index
    %get3A_697 = vector.load %arg5[%get3A_695, %get3A_696] : memref<20000x128xf32, #tpu.memory_space<vmem>>, vector<400x128xf32>
    %dot_general3A_698 = arith.constant dense<0.000000e+00> : vector<20x128xf32>
    %dot_general3A_699 = tpu.matmul %mul3A_694, %get3A_697, %dot_general3A_698 {dimension_numbers = #tpu.dot_dimension_numbers<[1], [0], [0], [1], [0, 0, 1, 1], [], []>, transpose_lhs_hint = false} : vector<20x400xf32>, vector<400x128xf32>, vector<20x128xf32> -> vector<20x128xf32>
    %add3A_700 = arith.addf %add3A_680, %dot_general3A_699 : vector<20x128xf32>
    %slice3A_701 = vector.extract_strided_slice %get3A_20 {offsets = [0, 34], sizes = [20, 1], strides = [1, 1]} : vector<20x64xf32> to vector<20x1xf32>
    %slice3A_702 = vector.extract_strided_slice %get3A_23 {offsets = [0, 34], sizes = [20, 1], strides = [1, 1]} : vector<20x64xf32> to vector<20x1xf32>
    %sub3A_703 = vector.broadcast %slice3A_701 : vector<20x1xf32> to vector<20x400xf32>
    %sub3A_704 = vector.broadcast %slice3A : vector<1x400xf32> to vector<20x400xf32>
    %sub3A_705 = arith.subf %sub3A_703, %sub3A_704 : vector<20x400xf32>
    %integer_pow3A_706 = arith.mulf %sub3A_705, %sub3A_705 : vector<20x400xf32>
    %mul3A_707 = vector.broadcast %reduce_sum3A_14 : f32 to vector<20x400xf32>
    %mul3A_708 = arith.mulf %integer_pow3A_706, %mul3A_707 : vector<20x400xf32>
    %max3A_709 = arith.constant 9.99999996E-13 : f32
    %max3A_710 = vector.broadcast %max3A_709 : f32 to vector<20x400xf32>
    %max3A_711 = arith.maximumf %mul3A_708, %max3A_710 : vector<20x400xf32>
    %sqrt3A_712 = math.sqrt %max3A_711 : vector<20x400xf32>
    %mul3A_713 = vector.broadcast %slice3A_702 : vector<20x1xf32> to vector<20x400xf32>
    %mul3A_714 = arith.mulf %mul3A_713, %sqrt3A_712 : vector<20x400xf32>
    %get3A_715 = arith.constant 13600 : index
    %get3A_716 = arith.constant 0 : index
    %get3A_717 = vector.load %arg5[%get3A_715, %get3A_716] : memref<20000x128xf32, #tpu.memory_space<vmem>>, vector<400x128xf32>
    %dot_general3A_718 = arith.constant dense<0.000000e+00> : vector<20x128xf32>
    %dot_general3A_719 = tpu.matmul %mul3A_714, %get3A_717, %dot_general3A_718 {dimension_numbers = #tpu.dot_dimension_numbers<[1], [0], [0], [1], [0, 0, 1, 1], [], []>, transpose_lhs_hint = false} : vector<20x400xf32>, vector<400x128xf32>, vector<20x128xf32> -> vector<20x128xf32>
    %add3A_720 = arith.addf %add3A_700, %dot_general3A_719 : vector<20x128xf32>
    %slice3A_721 = vector.extract_strided_slice %get3A_20 {offsets = [0, 35], sizes = [20, 1], strides = [1, 1]} : vector<20x64xf32> to vector<20x1xf32>
    %slice3A_722 = vector.extract_strided_slice %get3A_23 {offsets = [0, 35], sizes = [20, 1], strides = [1, 1]} : vector<20x64xf32> to vector<20x1xf32>
    %sub3A_723 = vector.broadcast %slice3A_721 : vector<20x1xf32> to vector<20x400xf32>
    %sub3A_724 = vector.broadcast %slice3A : vector<1x400xf32> to vector<20x400xf32>
    %sub3A_725 = arith.subf %sub3A_723, %sub3A_724 : vector<20x400xf32>
    %integer_pow3A_726 = arith.mulf %sub3A_725, %sub3A_725 : vector<20x400xf32>
    %mul3A_727 = vector.broadcast %reduce_sum3A_14 : f32 to vector<20x400xf32>
    %mul3A_728 = arith.mulf %integer_pow3A_726, %mul3A_727 : vector<20x400xf32>
    %max3A_729 = arith.constant 9.99999996E-13 : f32
    %max3A_730 = vector.broadcast %max3A_729 : f32 to vector<20x400xf32>
    %max3A_731 = arith.maximumf %mul3A_728, %max3A_730 : vector<20x400xf32>
    %sqrt3A_732 = math.sqrt %max3A_731 : vector<20x400xf32>
    %mul3A_733 = vector.broadcast %slice3A_722 : vector<20x1xf32> to vector<20x400xf32>
    %mul3A_734 = arith.mulf %mul3A_733, %sqrt3A_732 : vector<20x400xf32>
    %get3A_735 = arith.constant 14000 : index
    %get3A_736 = arith.constant 0 : index
    %get3A_737 = vector.load %arg5[%get3A_735, %get3A_736] : memref<20000x128xf32, #tpu.memory_space<vmem>>, vector<400x128xf32>
    %dot_general3A_738 = arith.constant dense<0.000000e+00> : vector<20x128xf32>
    %dot_general3A_739 = tpu.matmul %mul3A_734, %get3A_737, %dot_general3A_738 {dimension_numbers = #tpu.dot_dimension_numbers<[1], [0], [0], [1], [0, 0, 1, 1], [], []>, transpose_lhs_hint = false} : vector<20x400xf32>, vector<400x128xf32>, vector<20x128xf32> -> vector<20x128xf32>
    %add3A_740 = arith.addf %add3A_720, %dot_general3A_739 : vector<20x128xf32>
    %slice3A_741 = vector.extract_strided_slice %get3A_20 {offsets = [0, 36], sizes = [20, 1], strides = [1, 1]} : vector<20x64xf32> to vector<20x1xf32>
    %slice3A_742 = vector.extract_strided_slice %get3A_23 {offsets = [0, 36], sizes = [20, 1], strides = [1, 1]} : vector<20x64xf32> to vector<20x1xf32>
    %sub3A_743 = vector.broadcast %slice3A_741 : vector<20x1xf32> to vector<20x400xf32>
    %sub3A_744 = vector.broadcast %slice3A : vector<1x400xf32> to vector<20x400xf32>
    %sub3A_745 = arith.subf %sub3A_743, %sub3A_744 : vector<20x400xf32>
    %integer_pow3A_746 = arith.mulf %sub3A_745, %sub3A_745 : vector<20x400xf32>
    %mul3A_747 = vector.broadcast %reduce_sum3A_14 : f32 to vector<20x400xf32>
    %mul3A_748 = arith.mulf %integer_pow3A_746, %mul3A_747 : vector<20x400xf32>
    %max3A_749 = arith.constant 9.99999996E-13 : f32
    %max3A_750 = vector.broadcast %max3A_749 : f32 to vector<20x400xf32>
    %max3A_751 = arith.maximumf %mul3A_748, %max3A_750 : vector<20x400xf32>
    %sqrt3A_752 = math.sqrt %max3A_751 : vector<20x400xf32>
    %mul3A_753 = vector.broadcast %slice3A_742 : vector<20x1xf32> to vector<20x400xf32>
    %mul3A_754 = arith.mulf %mul3A_753, %sqrt3A_752 : vector<20x400xf32>
    %get3A_755 = arith.constant 14400 : index
    %get3A_756 = arith.constant 0 : index
    %get3A_757 = vector.load %arg5[%get3A_755, %get3A_756] : memref<20000x128xf32, #tpu.memory_space<vmem>>, vector<400x128xf32>
    %dot_general3A_758 = arith.constant dense<0.000000e+00> : vector<20x128xf32>
    %dot_general3A_759 = tpu.matmul %mul3A_754, %get3A_757, %dot_general3A_758 {dimension_numbers = #tpu.dot_dimension_numbers<[1], [0], [0], [1], [0, 0, 1, 1], [], []>, transpose_lhs_hint = false} : vector<20x400xf32>, vector<400x128xf32>, vector<20x128xf32> -> vector<20x128xf32>
    %add3A_760 = arith.addf %add3A_740, %dot_general3A_759 : vector<20x128xf32>
    %slice3A_761 = vector.extract_strided_slice %get3A_20 {offsets = [0, 37], sizes = [20, 1], strides = [1, 1]} : vector<20x64xf32> to vector<20x1xf32>
    %slice3A_762 = vector.extract_strided_slice %get3A_23 {offsets = [0, 37], sizes = [20, 1], strides = [1, 1]} : vector<20x64xf32> to vector<20x1xf32>
    %sub3A_763 = vector.broadcast %slice3A_761 : vector<20x1xf32> to vector<20x400xf32>
    %sub3A_764 = vector.broadcast %slice3A : vector<1x400xf32> to vector<20x400xf32>
    %sub3A_765 = arith.subf %sub3A_763, %sub3A_764 : vector<20x400xf32>
    %integer_pow3A_766 = arith.mulf %sub3A_765, %sub3A_765 : vector<20x400xf32>
    %mul3A_767 = vector.broadcast %reduce_sum3A_14 : f32 to vector<20x400xf32>
    %mul3A_768 = arith.mulf %integer_pow3A_766, %mul3A_767 : vector<20x400xf32>
    %max3A_769 = arith.constant 9.99999996E-13 : f32
    %max3A_770 = vector.broadcast %max3A_769 : f32 to vector<20x400xf32>
    %max3A_771 = arith.maximumf %mul3A_768, %max3A_770 : vector<20x400xf32>
    %sqrt3A_772 = math.sqrt %max3A_771 : vector<20x400xf32>
    %mul3A_773 = vector.broadcast %slice3A_762 : vector<20x1xf32> to vector<20x400xf32>
    %mul3A_774 = arith.mulf %mul3A_773, %sqrt3A_772 : vector<20x400xf32>
    %get3A_775 = arith.constant 14800 : index
    %get3A_776 = arith.constant 0 : index
    %get3A_777 = vector.load %arg5[%get3A_775, %get3A_776] : memref<20000x128xf32, #tpu.memory_space<vmem>>, vector<400x128xf32>
    %dot_general3A_778 = arith.constant dense<0.000000e+00> : vector<20x128xf32>
    %dot_general3A_779 = tpu.matmul %mul3A_774, %get3A_777, %dot_general3A_778 {dimension_numbers = #tpu.dot_dimension_numbers<[1], [0], [0], [1], [0, 0, 1, 1], [], []>, transpose_lhs_hint = false} : vector<20x400xf32>, vector<400x128xf32>, vector<20x128xf32> -> vector<20x128xf32>
    %add3A_780 = arith.addf %add3A_760, %dot_general3A_779 : vector<20x128xf32>
    %slice3A_781 = vector.extract_strided_slice %get3A_20 {offsets = [0, 38], sizes = [20, 1], strides = [1, 1]} : vector<20x64xf32> to vector<20x1xf32>
    %slice3A_782 = vector.extract_strided_slice %get3A_23 {offsets = [0, 38], sizes = [20, 1], strides = [1, 1]} : vector<20x64xf32> to vector<20x1xf32>
    %sub3A_783 = vector.broadcast %slice3A_781 : vector<20x1xf32> to vector<20x400xf32>
    %sub3A_784 = vector.broadcast %slice3A : vector<1x400xf32> to vector<20x400xf32>
    %sub3A_785 = arith.subf %sub3A_783, %sub3A_784 : vector<20x400xf32>
    %integer_pow3A_786 = arith.mulf %sub3A_785, %sub3A_785 : vector<20x400xf32>
    %mul3A_787 = vector.broadcast %reduce_sum3A_14 : f32 to vector<20x400xf32>
    %mul3A_788 = arith.mulf %integer_pow3A_786, %mul3A_787 : vector<20x400xf32>
    %max3A_789 = arith.constant 9.99999996E-13 : f32
    %max3A_790 = vector.broadcast %max3A_789 : f32 to vector<20x400xf32>
    %max3A_791 = arith.maximumf %mul3A_788, %max3A_790 : vector<20x400xf32>
    %sqrt3A_792 = math.sqrt %max3A_791 : vector<20x400xf32>
    %mul3A_793 = vector.broadcast %slice3A_782 : vector<20x1xf32> to vector<20x400xf32>
    %mul3A_794 = arith.mulf %mul3A_793, %sqrt3A_792 : vector<20x400xf32>
    %get3A_795 = arith.constant 15200 : index
    %get3A_796 = arith.constant 0 : index
    %get3A_797 = vector.load %arg5[%get3A_795, %get3A_796] : memref<20000x128xf32, #tpu.memory_space<vmem>>, vector<400x128xf32>
    %dot_general3A_798 = arith.constant dense<0.000000e+00> : vector<20x128xf32>
    %dot_general3A_799 = tpu.matmul %mul3A_794, %get3A_797, %dot_general3A_798 {dimension_numbers = #tpu.dot_dimension_numbers<[1], [0], [0], [1], [0, 0, 1, 1], [], []>, transpose_lhs_hint = false} : vector<20x400xf32>, vector<400x128xf32>, vector<20x128xf32> -> vector<20x128xf32>
    %add3A_800 = arith.addf %add3A_780, %dot_general3A_799 : vector<20x128xf32>
    %slice3A_801 = vector.extract_strided_slice %get3A_20 {offsets = [0, 39], sizes = [20, 1], strides = [1, 1]} : vector<20x64xf32> to vector<20x1xf32>
    %slice3A_802 = vector.extract_strided_slice %get3A_23 {offsets = [0, 39], sizes = [20, 1], strides = [1, 1]} : vector<20x64xf32> to vector<20x1xf32>
    %sub3A_803 = vector.broadcast %slice3A_801 : vector<20x1xf32> to vector<20x400xf32>
    %sub3A_804 = vector.broadcast %slice3A : vector<1x400xf32> to vector<20x400xf32>
    %sub3A_805 = arith.subf %sub3A_803, %sub3A_804 : vector<20x400xf32>
    %integer_pow3A_806 = arith.mulf %sub3A_805, %sub3A_805 : vector<20x400xf32>
    %mul3A_807 = vector.broadcast %reduce_sum3A_14 : f32 to vector<20x400xf32>
    %mul3A_808 = arith.mulf %integer_pow3A_806, %mul3A_807 : vector<20x400xf32>
    %max3A_809 = arith.constant 9.99999996E-13 : f32
    %max3A_810 = vector.broadcast %max3A_809 : f32 to vector<20x400xf32>
    %max3A_811 = arith.maximumf %mul3A_808, %max3A_810 : vector<20x400xf32>
    %sqrt3A_812 = math.sqrt %max3A_811 : vector<20x400xf32>
    %mul3A_813 = vector.broadcast %slice3A_802 : vector<20x1xf32> to vector<20x400xf32>
    %mul3A_814 = arith.mulf %mul3A_813, %sqrt3A_812 : vector<20x400xf32>
    %get3A_815 = arith.constant 15600 : index
    %get3A_816 = arith.constant 0 : index
    %get3A_817 = vector.load %arg5[%get3A_815, %get3A_816] : memref<20000x128xf32, #tpu.memory_space<vmem>>, vector<400x128xf32>
    %dot_general3A_818 = arith.constant dense<0.000000e+00> : vector<20x128xf32>
    %dot_general3A_819 = tpu.matmul %mul3A_814, %get3A_817, %dot_general3A_818 {dimension_numbers = #tpu.dot_dimension_numbers<[1], [0], [0], [1], [0, 0, 1, 1], [], []>, transpose_lhs_hint = false} : vector<20x400xf32>, vector<400x128xf32>, vector<20x128xf32> -> vector<20x128xf32>
    %add3A_820 = arith.addf %add3A_800, %dot_general3A_819 : vector<20x128xf32>
    %slice3A_821 = vector.extract_strided_slice %get3A_20 {offsets = [0, 40], sizes = [20, 1], strides = [1, 1]} : vector<20x64xf32> to vector<20x1xf32>
    %slice3A_822 = vector.extract_strided_slice %get3A_23 {offsets = [0, 40], sizes = [20, 1], strides = [1, 1]} : vector<20x64xf32> to vector<20x1xf32>
    %sub3A_823 = vector.broadcast %slice3A_821 : vector<20x1xf32> to vector<20x400xf32>
    %sub3A_824 = vector.broadcast %slice3A : vector<1x400xf32> to vector<20x400xf32>
    %sub3A_825 = arith.subf %sub3A_823, %sub3A_824 : vector<20x400xf32>
    %integer_pow3A_826 = arith.mulf %sub3A_825, %sub3A_825 : vector<20x400xf32>
    %mul3A_827 = vector.broadcast %reduce_sum3A_14 : f32 to vector<20x400xf32>
    %mul3A_828 = arith.mulf %integer_pow3A_826, %mul3A_827 : vector<20x400xf32>
    %max3A_829 = arith.constant 9.99999996E-13 : f32
    %max3A_830 = vector.broadcast %max3A_829 : f32 to vector<20x400xf32>
    %max3A_831 = arith.maximumf %mul3A_828, %max3A_830 : vector<20x400xf32>
    %sqrt3A_832 = math.sqrt %max3A_831 : vector<20x400xf32>
    %mul3A_833 = vector.broadcast %slice3A_822 : vector<20x1xf32> to vector<20x400xf32>
    %mul3A_834 = arith.mulf %mul3A_833, %sqrt3A_832 : vector<20x400xf32>
    %get3A_835 = arith.constant 16000 : index
    %get3A_836 = arith.constant 0 : index
    %get3A_837 = vector.load %arg5[%get3A_835, %get3A_836] : memref<20000x128xf32, #tpu.memory_space<vmem>>, vector<400x128xf32>
    %dot_general3A_838 = arith.constant dense<0.000000e+00> : vector<20x128xf32>
    %dot_general3A_839 = tpu.matmul %mul3A_834, %get3A_837, %dot_general3A_838 {dimension_numbers = #tpu.dot_dimension_numbers<[1], [0], [0], [1], [0, 0, 1, 1], [], []>, transpose_lhs_hint = false} : vector<20x400xf32>, vector<400x128xf32>, vector<20x128xf32> -> vector<20x128xf32>
    %add3A_840 = arith.addf %add3A_820, %dot_general3A_839 : vector<20x128xf32>
    %slice3A_841 = vector.extract_strided_slice %get3A_20 {offsets = [0, 41], sizes = [20, 1], strides = [1, 1]} : vector<20x64xf32> to vector<20x1xf32>
    %slice3A_842 = vector.extract_strided_slice %get3A_23 {offsets = [0, 41], sizes = [20, 1], strides = [1, 1]} : vector<20x64xf32> to vector<20x1xf32>
    %sub3A_843 = vector.broadcast %slice3A_841 : vector<20x1xf32> to vector<20x400xf32>
    %sub3A_844 = vector.broadcast %slice3A : vector<1x400xf32> to vector<20x400xf32>
    %sub3A_845 = arith.subf %sub3A_843, %sub3A_844 : vector<20x400xf32>
    %integer_pow3A_846 = arith.mulf %sub3A_845, %sub3A_845 : vector<20x400xf32>
    %mul3A_847 = vector.broadcast %reduce_sum3A_14 : f32 to vector<20x400xf32>
    %mul3A_848 = arith.mulf %integer_pow3A_846, %mul3A_847 : vector<20x400xf32>
    %max3A_849 = arith.constant 9.99999996E-13 : f32
    %max3A_850 = vector.broadcast %max3A_849 : f32 to vector<20x400xf32>
    %max3A_851 = arith.maximumf %mul3A_848, %max3A_850 : vector<20x400xf32>
    %sqrt3A_852 = math.sqrt %max3A_851 : vector<20x400xf32>
    %mul3A_853 = vector.broadcast %slice3A_842 : vector<20x1xf32> to vector<20x400xf32>
    %mul3A_854 = arith.mulf %mul3A_853, %sqrt3A_852 : vector<20x400xf32>
    %get3A_855 = arith.constant 16400 : index
    %get3A_856 = arith.constant 0 : index
    %get3A_857 = vector.load %arg5[%get3A_855, %get3A_856] : memref<20000x128xf32, #tpu.memory_space<vmem>>, vector<400x128xf32>
    %dot_general3A_858 = arith.constant dense<0.000000e+00> : vector<20x128xf32>
    %dot_general3A_859 = tpu.matmul %mul3A_854, %get3A_857, %dot_general3A_858 {dimension_numbers = #tpu.dot_dimension_numbers<[1], [0], [0], [1], [0, 0, 1, 1], [], []>, transpose_lhs_hint = false} : vector<20x400xf32>, vector<400x128xf32>, vector<20x128xf32> -> vector<20x128xf32>
    %add3A_860 = arith.addf %add3A_840, %dot_general3A_859 : vector<20x128xf32>
    %slice3A_861 = vector.extract_strided_slice %get3A_20 {offsets = [0, 42], sizes = [20, 1], strides = [1, 1]} : vector<20x64xf32> to vector<20x1xf32>
    %slice3A_862 = vector.extract_strided_slice %get3A_23 {offsets = [0, 42], sizes = [20, 1], strides = [1, 1]} : vector<20x64xf32> to vector<20x1xf32>
    %sub3A_863 = vector.broadcast %slice3A_861 : vector<20x1xf32> to vector<20x400xf32>
    %sub3A_864 = vector.broadcast %slice3A : vector<1x400xf32> to vector<20x400xf32>
    %sub3A_865 = arith.subf %sub3A_863, %sub3A_864 : vector<20x400xf32>
    %integer_pow3A_866 = arith.mulf %sub3A_865, %sub3A_865 : vector<20x400xf32>
    %mul3A_867 = vector.broadcast %reduce_sum3A_14 : f32 to vector<20x400xf32>
    %mul3A_868 = arith.mulf %integer_pow3A_866, %mul3A_867 : vector<20x400xf32>
    %max3A_869 = arith.constant 9.99999996E-13 : f32
    %max3A_870 = vector.broadcast %max3A_869 : f32 to vector<20x400xf32>
    %max3A_871 = arith.maximumf %mul3A_868, %max3A_870 : vector<20x400xf32>
    %sqrt3A_872 = math.sqrt %max3A_871 : vector<20x400xf32>
    %mul3A_873 = vector.broadcast %slice3A_862 : vector<20x1xf32> to vector<20x400xf32>
    %mul3A_874 = arith.mulf %mul3A_873, %sqrt3A_872 : vector<20x400xf32>
    %get3A_875 = arith.constant 16800 : index
    %get3A_876 = arith.constant 0 : index
    %get3A_877 = vector.load %arg5[%get3A_875, %get3A_876] : memref<20000x128xf32, #tpu.memory_space<vmem>>, vector<400x128xf32>
    %dot_general3A_878 = arith.constant dense<0.000000e+00> : vector<20x128xf32>
    %dot_general3A_879 = tpu.matmul %mul3A_874, %get3A_877, %dot_general3A_878 {dimension_numbers = #tpu.dot_dimension_numbers<[1], [0], [0], [1], [0, 0, 1, 1], [], []>, transpose_lhs_hint = false} : vector<20x400xf32>, vector<400x128xf32>, vector<20x128xf32> -> vector<20x128xf32>
    %add3A_880 = arith.addf %add3A_860, %dot_general3A_879 : vector<20x128xf32>
    %slice3A_881 = vector.extract_strided_slice %get3A_20 {offsets = [0, 43], sizes = [20, 1], strides = [1, 1]} : vector<20x64xf32> to vector<20x1xf32>
    %slice3A_882 = vector.extract_strided_slice %get3A_23 {offsets = [0, 43], sizes = [20, 1], strides = [1, 1]} : vector<20x64xf32> to vector<20x1xf32>
    %sub3A_883 = vector.broadcast %slice3A_881 : vector<20x1xf32> to vector<20x400xf32>
    %sub3A_884 = vector.broadcast %slice3A : vector<1x400xf32> to vector<20x400xf32>
    %sub3A_885 = arith.subf %sub3A_883, %sub3A_884 : vector<20x400xf32>
    %integer_pow3A_886 = arith.mulf %sub3A_885, %sub3A_885 : vector<20x400xf32>
    %mul3A_887 = vector.broadcast %reduce_sum3A_14 : f32 to vector<20x400xf32>
    %mul3A_888 = arith.mulf %integer_pow3A_886, %mul3A_887 : vector<20x400xf32>
    %max3A_889 = arith.constant 9.99999996E-13 : f32
    %max3A_890 = vector.broadcast %max3A_889 : f32 to vector<20x400xf32>
    %max3A_891 = arith.maximumf %mul3A_888, %max3A_890 : vector<20x400xf32>
    %sqrt3A_892 = math.sqrt %max3A_891 : vector<20x400xf32>
    %mul3A_893 = vector.broadcast %slice3A_882 : vector<20x1xf32> to vector<20x400xf32>
    %mul3A_894 = arith.mulf %mul3A_893, %sqrt3A_892 : vector<20x400xf32>
    %get3A_895 = arith.constant 17200 : index
    %get3A_896 = arith.constant 0 : index
    %get3A_897 = vector.load %arg5[%get3A_895, %get3A_896] : memref<20000x128xf32, #tpu.memory_space<vmem>>, vector<400x128xf32>
    %dot_general3A_898 = arith.constant dense<0.000000e+00> : vector<20x128xf32>
    %dot_general3A_899 = tpu.matmul %mul3A_894, %get3A_897, %dot_general3A_898 {dimension_numbers = #tpu.dot_dimension_numbers<[1], [0], [0], [1], [0, 0, 1, 1], [], []>, transpose_lhs_hint = false} : vector<20x400xf32>, vector<400x128xf32>, vector<20x128xf32> -> vector<20x128xf32>
    %add3A_900 = arith.addf %add3A_880, %dot_general3A_899 : vector<20x128xf32>
    %slice3A_901 = vector.extract_strided_slice %get3A_20 {offsets = [0, 44], sizes = [20, 1], strides = [1, 1]} : vector<20x64xf32> to vector<20x1xf32>
    %slice3A_902 = vector.extract_strided_slice %get3A_23 {offsets = [0, 44], sizes = [20, 1], strides = [1, 1]} : vector<20x64xf32> to vector<20x1xf32>
    %sub3A_903 = vector.broadcast %slice3A_901 : vector<20x1xf32> to vector<20x400xf32>
    %sub3A_904 = vector.broadcast %slice3A : vector<1x400xf32> to vector<20x400xf32>
    %sub3A_905 = arith.subf %sub3A_903, %sub3A_904 : vector<20x400xf32>
    %integer_pow3A_906 = arith.mulf %sub3A_905, %sub3A_905 : vector<20x400xf32>
    %mul3A_907 = vector.broadcast %reduce_sum3A_14 : f32 to vector<20x400xf32>
    %mul3A_908 = arith.mulf %integer_pow3A_906, %mul3A_907 : vector<20x400xf32>
    %max3A_909 = arith.constant 9.99999996E-13 : f32
    %max3A_910 = vector.broadcast %max3A_909 : f32 to vector<20x400xf32>
    %max3A_911 = arith.maximumf %mul3A_908, %max3A_910 : vector<20x400xf32>
    %sqrt3A_912 = math.sqrt %max3A_911 : vector<20x400xf32>
    %mul3A_913 = vector.broadcast %slice3A_902 : vector<20x1xf32> to vector<20x400xf32>
    %mul3A_914 = arith.mulf %mul3A_913, %sqrt3A_912 : vector<20x400xf32>
    %get3A_915 = arith.constant 17600 : index
    %get3A_916 = arith.constant 0 : index
    %get3A_917 = vector.load %arg5[%get3A_915, %get3A_916] : memref<20000x128xf32, #tpu.memory_space<vmem>>, vector<400x128xf32>
    %dot_general3A_918 = arith.constant dense<0.000000e+00> : vector<20x128xf32>
    %dot_general3A_919 = tpu.matmul %mul3A_914, %get3A_917, %dot_general3A_918 {dimension_numbers = #tpu.dot_dimension_numbers<[1], [0], [0], [1], [0, 0, 1, 1], [], []>, transpose_lhs_hint = false} : vector<20x400xf32>, vector<400x128xf32>, vector<20x128xf32> -> vector<20x128xf32>
    %add3A_920 = arith.addf %add3A_900, %dot_general3A_919 : vector<20x128xf32>
    %slice3A_921 = vector.extract_strided_slice %get3A_20 {offsets = [0, 45], sizes = [20, 1], strides = [1, 1]} : vector<20x64xf32> to vector<20x1xf32>
    %slice3A_922 = vector.extract_strided_slice %get3A_23 {offsets = [0, 45], sizes = [20, 1], strides = [1, 1]} : vector<20x64xf32> to vector<20x1xf32>
    %sub3A_923 = vector.broadcast %slice3A_921 : vector<20x1xf32> to vector<20x400xf32>
    %sub3A_924 = vector.broadcast %slice3A : vector<1x400xf32> to vector<20x400xf32>
    %sub3A_925 = arith.subf %sub3A_923, %sub3A_924 : vector<20x400xf32>
    %integer_pow3A_926 = arith.mulf %sub3A_925, %sub3A_925 : vector<20x400xf32>
    %mul3A_927 = vector.broadcast %reduce_sum3A_14 : f32 to vector<20x400xf32>
    %mul3A_928 = arith.mulf %integer_pow3A_926, %mul3A_927 : vector<20x400xf32>
    %max3A_929 = arith.constant 9.99999996E-13 : f32
    %max3A_930 = vector.broadcast %max3A_929 : f32 to vector<20x400xf32>
    %max3A_931 = arith.maximumf %mul3A_928, %max3A_930 : vector<20x400xf32>
    %sqrt3A_932 = math.sqrt %max3A_931 : vector<20x400xf32>
    %mul3A_933 = vector.broadcast %slice3A_922 : vector<20x1xf32> to vector<20x400xf32>
    %mul3A_934 = arith.mulf %mul3A_933, %sqrt3A_932 : vector<20x400xf32>
    %get3A_935 = arith.constant 18000 : index
    %get3A_936 = arith.constant 0 : index
    %get3A_937 = vector.load %arg5[%get3A_935, %get3A_936] : memref<20000x128xf32, #tpu.memory_space<vmem>>, vector<400x128xf32>
    %dot_general3A_938 = arith.constant dense<0.000000e+00> : vector<20x128xf32>
    %dot_general3A_939 = tpu.matmul %mul3A_934, %get3A_937, %dot_general3A_938 {dimension_numbers = #tpu.dot_dimension_numbers<[1], [0], [0], [1], [0, 0, 1, 1], [], []>, transpose_lhs_hint = false} : vector<20x400xf32>, vector<400x128xf32>, vector<20x128xf32> -> vector<20x128xf32>
    %add3A_940 = arith.addf %add3A_920, %dot_general3A_939 : vector<20x128xf32>
    %slice3A_941 = vector.extract_strided_slice %get3A_20 {offsets = [0, 46], sizes = [20, 1], strides = [1, 1]} : vector<20x64xf32> to vector<20x1xf32>
    %slice3A_942 = vector.extract_strided_slice %get3A_23 {offsets = [0, 46], sizes = [20, 1], strides = [1, 1]} : vector<20x64xf32> to vector<20x1xf32>
    %sub3A_943 = vector.broadcast %slice3A_941 : vector<20x1xf32> to vector<20x400xf32>
    %sub3A_944 = vector.broadcast %slice3A : vector<1x400xf32> to vector<20x400xf32>
    %sub3A_945 = arith.subf %sub3A_943, %sub3A_944 : vector<20x400xf32>
    %integer_pow3A_946 = arith.mulf %sub3A_945, %sub3A_945 : vector<20x400xf32>
    %mul3A_947 = vector.broadcast %reduce_sum3A_14 : f32 to vector<20x400xf32>
    %mul3A_948 = arith.mulf %integer_pow3A_946, %mul3A_947 : vector<20x400xf32>
    %max3A_949 = arith.constant 9.99999996E-13 : f32
    %max3A_950 = vector.broadcast %max3A_949 : f32 to vector<20x400xf32>
    %max3A_951 = arith.maximumf %mul3A_948, %max3A_950 : vector<20x400xf32>
    %sqrt3A_952 = math.sqrt %max3A_951 : vector<20x400xf32>
    %mul3A_953 = vector.broadcast %slice3A_942 : vector<20x1xf32> to vector<20x400xf32>
    %mul3A_954 = arith.mulf %mul3A_953, %sqrt3A_952 : vector<20x400xf32>
    %get3A_955 = arith.constant 18400 : index
    %get3A_956 = arith.constant 0 : index
    %get3A_957 = vector.load %arg5[%get3A_955, %get3A_956] : memref<20000x128xf32, #tpu.memory_space<vmem>>, vector<400x128xf32>
    %dot_general3A_958 = arith.constant dense<0.000000e+00> : vector<20x128xf32>
    %dot_general3A_959 = tpu.matmul %mul3A_954, %get3A_957, %dot_general3A_958 {dimension_numbers = #tpu.dot_dimension_numbers<[1], [0], [0], [1], [0, 0, 1, 1], [], []>, transpose_lhs_hint = false} : vector<20x400xf32>, vector<400x128xf32>, vector<20x128xf32> -> vector<20x128xf32>
    %add3A_960 = arith.addf %add3A_940, %dot_general3A_959 : vector<20x128xf32>
    %slice3A_961 = vector.extract_strided_slice %get3A_20 {offsets = [0, 47], sizes = [20, 1], strides = [1, 1]} : vector<20x64xf32> to vector<20x1xf32>
    %slice3A_962 = vector.extract_strided_slice %get3A_23 {offsets = [0, 47], sizes = [20, 1], strides = [1, 1]} : vector<20x64xf32> to vector<20x1xf32>
    %sub3A_963 = vector.broadcast %slice3A_961 : vector<20x1xf32> to vector<20x400xf32>
    %sub3A_964 = vector.broadcast %slice3A : vector<1x400xf32> to vector<20x400xf32>
    %sub3A_965 = arith.subf %sub3A_963, %sub3A_964 : vector<20x400xf32>
    %integer_pow3A_966 = arith.mulf %sub3A_965, %sub3A_965 : vector<20x400xf32>
    %mul3A_967 = vector.broadcast %reduce_sum3A_14 : f32 to vector<20x400xf32>
    %mul3A_968 = arith.mulf %integer_pow3A_966, %mul3A_967 : vector<20x400xf32>
    %max3A_969 = arith.constant 9.99999996E-13 : f32
    %max3A_970 = vector.broadcast %max3A_969 : f32 to vector<20x400xf32>
    %max3A_971 = arith.maximumf %mul3A_968, %max3A_970 : vector<20x400xf32>
    %sqrt3A_972 = math.sqrt %max3A_971 : vector<20x400xf32>
    %mul3A_973 = vector.broadcast %slice3A_962 : vector<20x1xf32> to vector<20x400xf32>
    %mul3A_974 = arith.mulf %mul3A_973, %sqrt3A_972 : vector<20x400xf32>
    %get3A_975 = arith.constant 18800 : index
    %get3A_976 = arith.constant 0 : index
    %get3A_977 = vector.load %arg5[%get3A_975, %get3A_976] : memref<20000x128xf32, #tpu.memory_space<vmem>>, vector<400x128xf32>
    %dot_general3A_978 = arith.constant dense<0.000000e+00> : vector<20x128xf32>
    %dot_general3A_979 = tpu.matmul %mul3A_974, %get3A_977, %dot_general3A_978 {dimension_numbers = #tpu.dot_dimension_numbers<[1], [0], [0], [1], [0, 0, 1, 1], [], []>, transpose_lhs_hint = false} : vector<20x400xf32>, vector<400x128xf32>, vector<20x128xf32> -> vector<20x128xf32>
    %add3A_980 = arith.addf %add3A_960, %dot_general3A_979 : vector<20x128xf32>
    %slice3A_981 = vector.extract_strided_slice %get3A_20 {offsets = [0, 48], sizes = [20, 1], strides = [1, 1]} : vector<20x64xf32> to vector<20x1xf32>
    %slice3A_982 = vector.extract_strided_slice %get3A_23 {offsets = [0, 48], sizes = [20, 1], strides = [1, 1]} : vector<20x64xf32> to vector<20x1xf32>
    %sub3A_983 = vector.broadcast %slice3A_981 : vector<20x1xf32> to vector<20x400xf32>
    %sub3A_984 = vector.broadcast %slice3A : vector<1x400xf32> to vector<20x400xf32>
    %sub3A_985 = arith.subf %sub3A_983, %sub3A_984 : vector<20x400xf32>
    %integer_pow3A_986 = arith.mulf %sub3A_985, %sub3A_985 : vector<20x400xf32>
    %mul3A_987 = vector.broadcast %reduce_sum3A_14 : f32 to vector<20x400xf32>
    %mul3A_988 = arith.mulf %integer_pow3A_986, %mul3A_987 : vector<20x400xf32>
    %max3A_989 = arith.constant 9.99999996E-13 : f32
    %max3A_990 = vector.broadcast %max3A_989 : f32 to vector<20x400xf32>
    %max3A_991 = arith.maximumf %mul3A_988, %max3A_990 : vector<20x400xf32>
    %sqrt3A_992 = math.sqrt %max3A_991 : vector<20x400xf32>
    %mul3A_993 = vector.broadcast %slice3A_982 : vector<20x1xf32> to vector<20x400xf32>
    %mul3A_994 = arith.mulf %mul3A_993, %sqrt3A_992 : vector<20x400xf32>
    %get3A_995 = arith.constant 19200 : index
    %get3A_996 = arith.constant 0 : index
    %get3A_997 = vector.load %arg5[%get3A_995, %get3A_996] : memref<20000x128xf32, #tpu.memory_space<vmem>>, vector<400x128xf32>
    %dot_general3A_998 = arith.constant dense<0.000000e+00> : vector<20x128xf32>
    %dot_general3A_999 = tpu.matmul %mul3A_994, %get3A_997, %dot_general3A_998 {dimension_numbers = #tpu.dot_dimension_numbers<[1], [0], [0], [1], [0, 0, 1, 1], [], []>, transpose_lhs_hint = false} : vector<20x400xf32>, vector<400x128xf32>, vector<20x128xf32> -> vector<20x128xf32>
    %add3A_1000 = arith.addf %add3A_980, %dot_general3A_999 : vector<20x128xf32>
    %slice3A_1001 = vector.extract_strided_slice %get3A_20 {offsets = [0, 49], sizes = [20, 1], strides = [1, 1]} : vector<20x64xf32> to vector<20x1xf32>
    %slice3A_1002 = vector.extract_strided_slice %get3A_23 {offsets = [0, 49], sizes = [20, 1], strides = [1, 1]} : vector<20x64xf32> to vector<20x1xf32>
    %sub3A_1003 = vector.broadcast %slice3A_1001 : vector<20x1xf32> to vector<20x400xf32>
    %sub3A_1004 = vector.broadcast %slice3A : vector<1x400xf32> to vector<20x400xf32>
    %sub3A_1005 = arith.subf %sub3A_1003, %sub3A_1004 : vector<20x400xf32>
    %integer_pow3A_1006 = arith.mulf %sub3A_1005, %sub3A_1005 : vector<20x400xf32>
    %mul3A_1007 = vector.broadcast %reduce_sum3A_14 : f32 to vector<20x400xf32>
    %mul3A_1008 = arith.mulf %integer_pow3A_1006, %mul3A_1007 : vector<20x400xf32>
    %max3A_1009 = arith.constant 9.99999996E-13 : f32
    %max3A_1010 = vector.broadcast %max3A_1009 : f32 to vector<20x400xf32>
    %max3A_1011 = arith.maximumf %mul3A_1008, %max3A_1010 : vector<20x400xf32>
    %sqrt3A_1012 = math.sqrt %max3A_1011 : vector<20x400xf32>
    %mul3A_1013 = vector.broadcast %slice3A_1002 : vector<20x1xf32> to vector<20x400xf32>
    %mul3A_1014 = arith.mulf %mul3A_1013, %sqrt3A_1012 : vector<20x400xf32>
    %get3A_1015 = arith.constant 19600 : index
    %get3A_1016 = arith.constant 0 : index
    %get3A_1017 = vector.load %arg5[%get3A_1015, %get3A_1016] : memref<20000x128xf32, #tpu.memory_space<vmem>>, vector<400x128xf32>
    %dot_general3A_1018 = arith.constant dense<0.000000e+00> : vector<20x128xf32>
    %dot_general3A_1019 = tpu.matmul %mul3A_1014, %get3A_1017, %dot_general3A_1018 {dimension_numbers = #tpu.dot_dimension_numbers<[1], [0], [0], [1], [0, 0, 1, 1], [], []>, transpose_lhs_hint = false} : vector<20x400xf32>, vector<400x128xf32>, vector<20x128xf32> -> vector<20x128xf32>
    %add3A_1020 = arith.addf %add3A_1000, %dot_general3A_1019 : vector<20x128xf32>
    %get3A_1021 = arith.constant 0 : index
    %get3A_1022 = arith.constant 0 : index
    %get3A_1023 = vector.load %arg6[%get3A_1021, %get3A_1022] : memref<1x128xf32, #tpu.memory_space<vmem>>, vector<1x128xf32>
    %add3A_1024 = vector.broadcast %get3A_1023 : vector<1x128xf32> to vector<20x128xf32>
    %add3A_1025 = arith.addf %add3A_1020, %add3A_1024 : vector<20x128xf32>
    %get3A_1026 = arith.constant 0 : index
    %get3A_1027 = arith.constant 0 : index
    %get3A_1028 = vector.load %arg7[%get3A_1026, %get3A_1027] : memref<1x128xf32, #tpu.memory_space<vmem>>, vector<1x128xf32>
    %get3A_1029 = arith.constant 0 : index
    %get3A_1030 = arith.constant 0 : index
    %get3A_1031 = vector.load %arg8[%get3A_1029, %get3A_1030] : memref<1x128xf32, #tpu.memory_space<vmem>>, vector<1x128xf32>
    %reduce_sum3A_1032 = arith.constant dense<0.000000e+00> : vector<20xf32>
    %reduce_sum3A_1033 = vector.multi_reduction <add>, %add3A_1025, %reduce_sum3A_1032 [1] : vector<20x128xf32> to vector<20xf32>
    %broadcast_in_dim3A_1034 = vector.shape_cast %reduce_sum3A_1033 : vector<20xf32> to vector<20x1xf32>
    %div3A = arith.constant 1.280000e+02 : f32
    %div3A_1035 = vector.broadcast %div3A : f32 to vector<20x1xf32>
    %div3A_1036 = arith.divf %broadcast_in_dim3A_1034, %div3A_1035 : vector<20x1xf32>
    %sub3A_1037 = vector.broadcast %div3A_1036 : vector<20x1xf32> to vector<20x128xf32>
    %sub3A_1038 = arith.subf %add3A_1025, %sub3A_1037 : vector<20x128xf32>
    %integer_pow3A_1039 = arith.mulf %sub3A_1038, %sub3A_1038 : vector<20x128xf32>
    %reduce_sum3A_1040 = arith.constant dense<0.000000e+00> : vector<20xf32>
    %reduce_sum3A_1041 = vector.multi_reduction <add>, %integer_pow3A_1039, %reduce_sum3A_1040 [1] : vector<20x128xf32> to vector<20xf32>
    %broadcast_in_dim3A_1042 = vector.shape_cast %reduce_sum3A_1041 : vector<20xf32> to vector<20x1xf32>
    %div3A_1043 = arith.constant 1.280000e+02 : f32
    %div3A_1044 = vector.broadcast %div3A_1043 : f32 to vector<20x1xf32>
    %div3A_1045 = arith.divf %broadcast_in_dim3A_1042, %div3A_1044 : vector<20x1xf32>
    %sub3A_1046 = vector.broadcast %div3A_1036 : vector<20x1xf32> to vector<20x128xf32>
    %sub3A_1047 = arith.subf %add3A_1025, %sub3A_1046 : vector<20x128xf32>
    %add3A_1048 = arith.constant 9.99999974E-6 : f32
    %add3A_1049 = vector.broadcast %add3A_1048 : f32 to vector<20x1xf32>
    %add3A_1050 = arith.addf %div3A_1045, %add3A_1049 : vector<20x1xf32>
    %sqrt3A_1051 = math.sqrt %add3A_1050 : vector<20x1xf32>
    %div3A_1052 = vector.broadcast %sqrt3A_1051 : vector<20x1xf32> to vector<20x128xf32>
    %div3A_1053 = arith.divf %sub3A_1047, %div3A_1052 : vector<20x128xf32>
    %mul3A_1054 = vector.broadcast %get3A_1028 : vector<1x128xf32> to vector<20x128xf32>
    %mul3A_1055 = arith.mulf %div3A_1053, %mul3A_1054 : vector<20x128xf32>
    %add3A_1056 = vector.broadcast %get3A_1031 : vector<1x128xf32> to vector<20x128xf32>
    %add3A_1057 = arith.addf %mul3A_1055, %add3A_1056 : vector<20x128xf32>
    %max3A_1058 = arith.constant 0.000000e+00 : f32
    %max3A_1059 = vector.broadcast %max3A_1058 : f32 to vector<20x128xf32>
    %max3A_1060 = arith.maximumf %add3A_1057, %max3A_1059 : vector<20x128xf32>
    %get3A_1061 = arith.constant 0 : index
    %get3A_1062 = arith.constant 0 : index
    %get3A_1063 = vector.load %arg9[%get3A_1061, %get3A_1062] : memref<128x64xf32, #tpu.memory_space<vmem>>, vector<128x64xf32>
    %dot_general3A_1064 = arith.constant dense<0.000000e+00> : vector<20x64xf32>
    %dot_general3A_1065 = tpu.matmul %max3A_1060, %get3A_1063, %dot_general3A_1064 {dimension_numbers = #tpu.dot_dimension_numbers<[1], [0], [0], [1], [0, 0, 1, 1], [], []>, transpose_lhs_hint = false} : vector<20x128xf32>, vector<128x64xf32>, vector<20x64xf32> -> vector<20x64xf32>
    %get3A_1066 = arith.constant 0 : index
    %get3A_1067 = arith.constant 0 : index
    %get3A_1068 = vector.load %arg10[%get3A_1066, %get3A_1067] : memref<1x64xf32, #tpu.memory_space<vmem>>, vector<1x64xf32>
    %add3A_1069 = vector.broadcast %get3A_1068 : vector<1x64xf32> to vector<20x64xf32>
    %add3A_1070 = arith.addf %dot_general3A_1065, %add3A_1069 : vector<20x64xf32>
    %get3A_1071 = arith.constant 0 : index
    %get3A_1072 = arith.constant 0 : index
    %get3A_1073 = vector.load %arg11[%get3A_1071, %get3A_1072] : memref<1x64xf32, #tpu.memory_space<vmem>>, vector<1x64xf32>
    %get3A_1074 = arith.constant 0 : index
    %get3A_1075 = arith.constant 0 : index
    %get3A_1076 = vector.load %arg12[%get3A_1074, %get3A_1075] : memref<1x64xf32, #tpu.memory_space<vmem>>, vector<1x64xf32>
    %reduce_sum3A_1077 = arith.constant dense<0.000000e+00> : vector<20xf32>
    %reduce_sum3A_1078 = vector.multi_reduction <add>, %add3A_1070, %reduce_sum3A_1077 [1] : vector<20x64xf32> to vector<20xf32>
    %broadcast_in_dim3A_1079 = vector.shape_cast %reduce_sum3A_1078 : vector<20xf32> to vector<20x1xf32>
    %div3A_1080 = arith.constant 6.400000e+01 : f32
    %div3A_1081 = vector.broadcast %div3A_1080 : f32 to vector<20x1xf32>
    %div3A_1082 = arith.divf %broadcast_in_dim3A_1079, %div3A_1081 : vector<20x1xf32>
    %sub3A_1083 = vector.broadcast %div3A_1082 : vector<20x1xf32> to vector<20x64xf32>
    %sub3A_1084 = arith.subf %add3A_1070, %sub3A_1083 : vector<20x64xf32>
    %integer_pow3A_1085 = arith.mulf %sub3A_1084, %sub3A_1084 : vector<20x64xf32>
    %reduce_sum3A_1086 = arith.constant dense<0.000000e+00> : vector<20xf32>
    %reduce_sum3A_1087 = vector.multi_reduction <add>, %integer_pow3A_1085, %reduce_sum3A_1086 [1] : vector<20x64xf32> to vector<20xf32>
    %broadcast_in_dim3A_1088 = vector.shape_cast %reduce_sum3A_1087 : vector<20xf32> to vector<20x1xf32>
    %div3A_1089 = arith.constant 6.400000e+01 : f32
    %div3A_1090 = vector.broadcast %div3A_1089 : f32 to vector<20x1xf32>
    %div3A_1091 = arith.divf %broadcast_in_dim3A_1088, %div3A_1090 : vector<20x1xf32>
    %sub3A_1092 = vector.broadcast %div3A_1082 : vector<20x1xf32> to vector<20x64xf32>
    %sub3A_1093 = arith.subf %add3A_1070, %sub3A_1092 : vector<20x64xf32>
    %add3A_1094 = arith.constant 9.99999974E-6 : f32
    %add3A_1095 = vector.broadcast %add3A_1094 : f32 to vector<20x1xf32>
    %add3A_1096 = arith.addf %div3A_1091, %add3A_1095 : vector<20x1xf32>
    %sqrt3A_1097 = math.sqrt %add3A_1096 : vector<20x1xf32>
    %div3A_1098 = vector.broadcast %sqrt3A_1097 : vector<20x1xf32> to vector<20x64xf32>
    %div3A_1099 = arith.divf %sub3A_1093, %div3A_1098 : vector<20x64xf32>
    %mul3A_1100 = vector.broadcast %get3A_1073 : vector<1x64xf32> to vector<20x64xf32>
    %mul3A_1101 = arith.mulf %div3A_1099, %mul3A_1100 : vector<20x64xf32>
    %add3A_1102 = vector.broadcast %get3A_1076 : vector<1x64xf32> to vector<20x64xf32>
    %add3A_1103 = arith.addf %mul3A_1101, %add3A_1102 : vector<20x64xf32>
    %max3A_1104 = arith.constant 0.000000e+00 : f32
    %max3A_1105 = vector.broadcast %max3A_1104 : f32 to vector<20x64xf32>
    %max3A_1106 = arith.maximumf %add3A_1103, %max3A_1105 : vector<20x64xf32>
    %get3A_1107 = arith.constant 0 : index
    %get3A_1108 = arith.constant 0 : index
    %get3A_1109 = vector.load %arg13[%get3A_1107, %get3A_1108] : memref<64x1xf32, #tpu.memory_space<vmem>>, vector<64x1xf32>
    %dot_general3A_1110 = arith.constant dense<0.000000e+00> : vector<20x1xf32>
    %dot_general3A_1111 = tpu.matmul %max3A_1106, %get3A_1109, %dot_general3A_1110 {dimension_numbers = #tpu.dot_dimension_numbers<[1], [0], [0], [1], [0, 0, 1, 1], [], []>, transpose_lhs_hint = false} : vector<20x64xf32>, vector<64x1xf32>, vector<20x1xf32> -> vector<20x1xf32>
    %get3A_1112 = arith.constant 0 : index
    %get3A_1113 = arith.constant 0 : index
    %get3A_1114 = vector.load %arg14[%get3A_1112, %get3A_1113] : memref<1x1xf32, #tpu.memory_space<vmem>>, vector<1x1xf32>
    %add3A_1115 = vector.broadcast %get3A_1114 : vector<1x1xf32> to vector<20x1xf32>
    %add3A_1116 = arith.addf %dot_general3A_1111, %add3A_1115 : vector<20x1xf32>
    %neg3A = arith.constant 0.000000e+00 : f32
    %neg3A_1117 = vector.broadcast %neg3A : f32 to vector<20x1xf32>
    %neg3A_1118 = arith.subf %neg3A_1117, %add3A_1116 : vector<20x1xf32>
    %exp3A = math.exp %neg3A_1118 : vector<20x1xf32>
    %add3A_1119 = arith.constant 1.000000e+00 : f32
    %add3A_1120 = vector.broadcast %add3A_1119 : f32 to vector<20x1xf32>
    %add3A_1121 = arith.addf %add3A_1120, %exp3A : vector<20x1xf32>
    %div3A_1122 = arith.constant 1.000000e+00 : f32
    %div3A_1123 = vector.broadcast %div3A_1122 : f32 to vector<20x1xf32>
    %div3A_1124 = arith.divf %div3A_1123, %add3A_1121 : vector<20x1xf32>
    %swap3A = arith.constant 0 : index
    %swap3A_1125 = arith.constant 0 : index
    %swap3A_1126 = vector.load %arg15[%swap3A, %swap3A_1125] : memref<20x1xf32, #tpu.memory_space<vmem>>, vector<20x1xf32>
    tpu.vector_store %arg15[%swap3A, %swap3A_1125], %div3A_1124 {strides = array<i32>} : memref<20x1xf32, #tpu.memory_space<vmem>>, vector<20x1xf32>,
    return
  }
}

</mosaic_0001>

<sc_bundles>
// kernel: kernel.4.cloned.1.call-start
scs
__scs_entry_jumppad:
0x0: {  	(pc) =	sbr.rel $0x88, $3  }
0x1: {  	(tag) =	ssettag $0x0;
	lr =	simm.s32 $0x1  }
0x2: {  	[smem:$0x3F92] =	sst lr;
	_ =	strace $0xD0000000  }
0x3: {  	_ = 	snop  }
0x4: {  	_ = 	snop  }
0x5: {  	_ = 	snop  }
0x6: {  	_ = 	snop  }
0x7: {  	_ = 	snop  }
__scs_overlays_trampoline_lowered:
0x8: {  	[smem:$0x3FA1] =	sst s0  }
0x9: {  	[smem:$0x3FA2] =	sst s1  }
0xa: {  	[smem:$0x3FA3] =	sst s2  }
0xb: {  	[smem:$0x3FA4] =	sst s3  }
0xc: {  	[smem:$0x3FA5] =	sst s4  }
0xd: {  	[smem:$0x3FA6] =	sst s5  }
0xe: {  	[smem:$0x3FA7] =	sst s6  }
0xf: {  	[smem:$0x3FA8] =	sst s7  }
0x10: {  	[smem:$0x3FA9] =	sst s8  }
0x11: {  	[smem:$0x3FAA] =	sst s9;
	s0 =	simm.s32 @!p0 $0x0  }
0x12: {  	s1 =	sld [smem:$0x3F90];
	s0 =	simm.s32 @p0 $0x1  }
0x13: {  	[smem:$0x3FAB] =	sst s0;
	s0 =	simm.s32 @!p1 $0x0  }
0x14: {  	s2 =	sld [smem:$0x3F8F];
	s0 =	simm.s32 @p1 $0x1  }
0x15: {  	[smem:$0x3FAC] =	sst s0;
	s0 =	simm.s32 @!p2 $0x0  }
0x16: {  	s3 =	sld [smem:$0x3FDB];
	s0 =	simm.s32 @p2 $0x1  }
0x17: {  	s4 =	simm.s32 $0x1BF5;
	[smem:$0x3FAE] =	sst s0  }
0x18: {  	s0 =	sld [smem:$0x3F91];
	_ =	swait.ge [sflag:s4], $0x0  }
0x19: {  	s7 =	sld [smem:$0x3F92]  }
0x1a: {  	s8 =	sadd.s32 $0xFFFFE003, lr  }
0x1b: {  	s9 =	sadd.s32 $0xFFFFFEF7, lr;
	s5 =	simm.s32 $0xFFFFFFFF;
	p2 =	slt.u32 s8, $0xFFFFF086  }
0x1c: {  	p1 =	slt.u32 s9, $0xF7A;
	s5 =	simm.s32 @!p2 $0x0  }
0x1d: {  	s5 =	simm.s32 @p1 $0x1;
	p0 =	seq.s32 s7, s2  }
0x1e: {  	s7 =	smul.u32 @!p0 $0xF7A, s2;
	p2 =	seq.s32 @!p0 s5, $0x0  }
0x1f: {  	s9 =	smul.u32 $0xF7A, s1;
	s8 =	simm.s32 @!p0 $0x1BF5;
	p2 =	por !p2, p0  }
0x20: {  	[sflag:s8] =	ssyncset.s32 @!p0 $0xFFFFF086;
	s6 =	sadd.s32 @!p0 s3, s7;
	s7 =	simm.s32 @!p0 $0x108  }
0x21: {  	s3 =	sadd.s32 s3, s9;
	s6 =	sadd.s32 @!p0 $0x88, s6;
	s7 =	simm.s32 @p2 $0x1082  }
0x22: {  	[simem:s7], [sflag:s8] =	dma.local @!p0 [hbm:s6], $0xF7A  }
0x23: {  	s9 =	sor.u32 $0xD0000000, s2;
	s6 =	simm.s32 $0x108;
	_ =	swait.ge @!p0 [sflag:s8], $0x0  }
0x24: {  	s3 =	sadd.s32 $0x88, s3;
	s6 =	simm.s32 @!p1 $0x1082;
	[sflag:s4] =	ssyncset.s32 $0xFFFFF086  }
0x25: {  	[simem:s6], [sflag:s4] =	dma.local [hbm:s3], $0xF7A  }
0x26: {  	[smem:$0x3F92] =	sst s1;
	(tag) =	ssettag s2;
	_ =	strace s9  }
0x27: {  	s1 =	sld [smem:$0x3FA2]  }
0x28: {  	s2 =	sld [smem:$0x3FA3]  }
0x29: {  	s4 =	sld [smem:$0x3FA5]  }
0x2a: {  	p0 =	seq.s32 s5, $0x0;
	s5 =	sld [smem:$0x3FA6]  }
0x2b: {  	s6 =	sld [smem:$0x3FA7]  }
0x2c: {  	s7 =	sld [smem:$0x3FA8]  }
0x2d: {  	s3 =	simm.s32 $0x108;
	s8 =	sld [smem:$0x3FA9]  }
0x2e: {  	s3 =	simm.s32 @!p0 $0x1082;
	s9 =	sld [smem:$0x3FAA]  }
0x2f: {  	lr =	sadd.s32 s0, s3;
	s0 =	sld [smem:$0x3FA1]  }
0x30: {  	s3 =	sld [smem:$0x3FA4]  }
0x31: {  	[smem:$0x3FAD] =	sst s10  }
0x32: {  	s10 =	sld [smem:$0x3FAB];
	_ =	sdelay $0x3  }
0x33: {  	p0 =	seq.s32 s10, $0x1;
	s10 =	sld [smem:$0x3FAD];
	_ =	sdelay $0x3  }
0x34: {  	[smem:$0x3FAD] =	sst s10  }
0x35: {  	s10 =	sld [smem:$0x3FAC];
	_ =	sdelay $0x3  }
0x36: {  	p1 =	seq.s32 s10, $0x1;
	s10 =	sld [smem:$0x3FAD];
	_ =	sdelay $0x3  }
0x37: {  	[smem:$0x3FAD] =	sst s10  }
0x38: {  	s10 =	sld [smem:$0x3FAE]  }
0x39: {  	_ = 	snop;
	(pc) =	sbr.ind lr, $3  }
0x3a: {  	_ = 	snop  }
0x3b: {  	_ = 	snop  }
0x3c: {  	p2 =	seq.s32 s10, $0x1;
	s10 =	sld [smem:$0x3FAD]  }
0x3d: {  	_ =	shalt  }
0x3e: {  	_ =	shalt  }
0x3f: {  	_ =	shalt  }
0x40: {  	_ =	shalt  }
0x41: {  	_ =	shalt  }
0x42: {  	_ =	shalt  }
0x43: {  	_ =	shalt  }
0x44: {  	_ =	shalt  }
0x45: {  	_ =	shalt  }
0x46: {  	_ =	shalt  }
0x47: {  	_ =	shalt  }
0x48: {  	_ =	shalt  }
0x49: {  	_ =	shalt  }
0x4a: {  	_ =	shalt  }
0x4b: {  	_ =	shalt  }
0x4c: {  	_ =	shalt  }
0x4d: {  	_ =	shalt  }
0x4e: {  	_ =	shalt  }
0x4f: {  	_ =	shalt  }
0x50: {  	_ =	shalt  }
0x51: {  	_ =	shalt  }
0x52: {  	_ =	shalt  }
0x53: {  	_ =	shalt  }
0x54: {  	_ =	shalt  }
0x55: {  	_ =	shalt  }
0x56: {  	_ =	shalt  }
0x57: {  	_ =	shalt  }
0x58: {  	_ =	shalt  }
0x59: {  	_ =	shalt  }
0x5a: {  	_ =	shalt  }
0x5b: {  	_ =	shalt  }
0x5c: {  	_ =	shalt  }
0x5d: {  	_ =	shalt  }
0x5e: {  	_ =	shalt  }
0x5f: {  	_ =	shalt  }
0x60: {  	_ =	shalt  }
0x61: {  	_ =	shalt  }
0x62: {  	_ =	shalt  }
0x63: {  	_ =	shalt  }
0x64: {  	_ =	shalt  }
0x65: {  	_ =	shalt  }
0x66: {  	_ =	shalt  }
0x67: {  	_ =	shalt  }
0x68: {  	_ =	shalt  }
0x69: {  	_ =	shalt  }
0x6a: {  	_ =	shalt  }
0x6b: {  	_ =	shalt  }
0x6c: {  	_ =	shalt  }
0x6d: {  	_ =	shalt  }
0x6e: {  	_ =	shalt  }
0x6f: {  	_ =	shalt  }
0x70: {  	_ =	shalt  }
0x71: {  	_ =	shalt  }
0x72: {  	_ =	shalt  }
0x73: {  	_ =	shalt  }
0x74: {  	_ =	shalt  }
0x75: {  	_ =	shalt  }
0x76: {  	_ =	shalt  }
0x77: {  	_ =	shalt  }
0x78: {  	_ =	shalt  }
0x79: {  	_ =	shalt  }
0x7a: {  	_ =	shalt  }
0x7b: {  	_ =	shalt  }
0x7c: {  	_ =	shalt  }
0x7d: {  	_ =	shalt  }
0x7e: {  	_ =	shalt  }
0x7f: {  	_ =	shalt  }
0x80: {  	_ =	shalt  }
0x81: {  	_ =	shalt  }
0x82: {  	_ =	shalt  }
0x83: {  	_ =	shalt  }
0x84: {  	_ =	shalt  }
0x85: {  	_ =	shalt  }
0x86: {  	_ =	shalt  }
0x87: {  	_ =	shalt  }
.Lfunc_end0:
.L_simem_size_0:
called_computation_lowered:
.L_overlay_start_0:
0x88: {  	s2 =	sld [smem:$0x3FD9]  }
0x89: {  	s3 =	sld [smem:$0x3FFE];
	_ =	sdelay $0x1  }
0x8a: {  	s1 =	srdreg.scid  }
0x8b: {  	s0 =	sand.u32 $0x1, s1  }
0x8c: {  	s17 =	sshll.u32 s0, $0xA;
	s2 =	sadd.s32 s3, s2  }
0x8d: {  	s2 =	sadd.s32 s2, s17  }
0x8e: {  	[smem:$0x3FB9] =	sst s2  }
0x8f: {  	_ = 	snop  }
0x90: {  	s2 =	sld [smem:$0x3FC8];
	(tm) =	ssettm $0x1  }
0x91: {  	s18 =	sld [smem:$0x3FFB];
	_ =	sdelay $0x3  }
0x92: {  	_ =	strace s18  }
0x93: {  	s3 =	sld [smem:$0x3FFC];
	_ =	sdelay $0x3  }
0x94: {  	_ =	strace s3  }
0x95: {  	s3 =	sld [smem:$0x3FFD];
	_ =	sdelay $0x3  }
0x96: {  	_ =	strace s3  }
0x97: {  	_ =	strace $0x8FFFFFFF  }
0x98: {  	s19 =	sld [smem:$0x3FDB];
	_ =	sdelay $0x1  }
0x99: {  	s4 =	simm.s32 $_scs_section_size  }
0x9a: {  	s5 =	simm.s32 $_size__tile_overlayer_lowered;
	s6 =	simm.s32 $_tile_overlayer_lowered  }
0x9b: {  	s22 =	simm.s32 $0x1BFF;
	s21 =	sshll.u32 s6, $0x1;
	s3 =	sadd.s32 s4, s19  }
0x9c: {  	s7 =	simm.s32 $0x0;
	s20 =	sshll.u32 s5, $0x1;
	s5 =	sadd.s32 s21, s3  }
0x9d: {  	[timem:s7], [sflag:s22] =	dma.local [hbm:s5], s20  }
0x9e: {  	_ =	swait.ge [sflag:s22], s20  }
0x9f: {  	s4 =	ssub.s32 $0x0, s20;
	[sflag:s22] =	ssyncset.done $0x0  }
0xa0: {  	[sflag:s22] =	ssyncadd.s32 s4;
	_ =	sdelay $0x1  }
0xa1: {  	s23 =	simm.s32 $0x1B8B  }
0xa2: {  	_ =	swait.ge [sflag:s23], $0x1  }
0xa3: {  	[sflag:s23] =	ssyncset.done $0x0  }
0xa4: {  	s25 =	simm.s32 $0x1B8E;
	s24 =	sld [smem:$0x3FFE];
	[sflag:s23] =	ssyncadd.s32 $0xFFFFFFFF  }
0xa5: {  	s26 =	simm.s32 $execute0_lowered;
	[smem:$0x3FD2] =	sst s25  }
0xa6: {  	s5 =	sshll.u32 s26, $0x1;
	_ =	strace $0x80000046;
	[dreg:$0x1] =	wrdreg $0xFFFFFFFF  }
0xa7: {  	s28 =	simm.s32 $_size_execute0_lowered;
	s3 =	sadd.s32 s3, s5;
	[dreg:$0x0] =	wrdreg $0x0  }
0xa8: {  	s5 =	sshll.u32 s28, $0x1;
	[dreg:$0x2] =	wrdreg s3  }
0xa9: {  	[dreg:$0x3] =	wrdreg s5  }
0xaa: {  	[dreg:$0x4] =	wrdreg $0xC0  }
0xab: {  	_ =	task [dreg:s7], $0x5FFFF  }
0xac: {  	[dreg:$0x1] =	wrdreg $0xFFFFFFFF  }
0xad: {  	[dreg:$0x0] =	wrdreg $0x60  }
0xae: {  	[dreg:$0x2] =	wrdreg s24  }
0xaf: {  	[dreg:$0x3] =	wrdreg s2  }
0xb0: {  	[dreg:$0x4] =	wrdreg $0x16B000  }
0xb1: {  	[dreg:$0x5] =	wrdreg $0x193000  }
0xb2: {  	[dreg:$0x6] =	wrdreg $0x1BB000  }
0xb3: {  	[dreg:$0x7] =	wrdreg $0x1BD800  }
0xb4: {  	[dreg:$0x8] =	wrdreg $0x1C0000  }
0xb5: {  	[dreg:$0x9] =	wrdreg $0x9  }
0xb6: {  	_ =	task.clear_ibuf [dreg:s7], $0xAFFFF;
	_ =	strace $0x90000046  }
0xb7: {  	s29 =	simm.s32 $0x9;
	_ =	strace $0x80000048  }
0xb8: {  	_ =	swait.ge [sflag:s29], $0x1  }
0xb9: {  	[sflag:s29] =	ssyncadd.s32 $0xFFFFFFFF  }
0xba: {  	_ =	strace $0x90000048  }
0xbb: {  	_ =	sfence  }
0xbc: {  	s30 =	sld [smem:$0x0];
	_ =	sdelay $0x2  }
0xbd: {  	s31 =	sshll.u32 s1, $0xD;
	s1 =	sshrl.u32 s1, $0x2  }
0xbe: {  	s3 =	sand.u32 $0x4000, s31;
	s1 =	sadd.s32 s1, s30  }
0xbf: {  	s0 =	sor.u32 s3, s0;
	s1 =	sshll.u32 s1, $0x11  }
0xc0: {  	s0 =	sor.u32 s1, s0  }
0xc1: {  	s0 =	sadd.s32 $0x8F2B, s0  }
0xc2: {  	[sflag:s0] =	ssyncadd.remote.s32 $0x1  }
0xc3: {  	_ =	sfence.sel $0xFFFF  }
0xc4: {  	[dreg:$0x0] =	wrdreg $0xFFFFFFFF;
	(pc) =	sbr.abs _section_cstart, $3  }
0xc5: {  	[dreg:$0x1] =	wrdreg $0xFFFFFFFF  }
0xc6: {  	_ =	task.clear_ibuf [dreg:s7], $0x2FFFF;
	_ =	strace $0x9FFFFFFF  }
0xc7: {  	(tm) =	ssettm $0x7FFFFFFF  }
tec
execute0_lowered:
.L_overlay_start_1:
0x0: {  	(tag) =	ssettag $0x1  }
0x1: {  	s0 =	rddreg [dreg:$0x0]  }
0x2: {  	s12 =	rddreg [dreg:$0x2]  }
0x3: {  	s13 =	rddreg [dreg:$0x3]  }
0x4: {  	s14 =	rddreg [dreg:$0x4]  }
0x5: {  	s15 =	rddreg [dreg:$0x5]  }
0x6: {  	s1 =	rddreg [dreg:$0x6];
	s16 =	stileid.u32  }
0x7: {  	s2 =	srdreg.scid;
	s4 =	smul.u32 $0x4E20, s16  }
0x8: {  	s20 =	simm.s32 $0x0;
	s2 =	sand.u32 $0x1, s2;
	s19 =	smul.u32 $0x190, s16  }
0x9: {  	[smem:$0x7FF] =	sst s20;
	s5 =	sshll.u32 s16, $0x7;
	s21 =	smul.u32 $0x280, s16  }
0xa: {  	s8 =	sshrl.u32 s16, $0x3;
	s9 =	sshll.u32 s16, $0x2;
	s23 =	smul.u32 $0x1400, s16  }
0xb: {  	s24 =	sshll.u32 s16, $0x5;
	s3 =	sshll.u32 s2, $0x4;
	_ =	strace $0x80000047  }
0xc: {  	s5 =	sand.u32 $0x380, s5;
	s7 =	ssub.s32 $0x2, s2;
	s8 =	smul.u32 $0x14000, s8  }
0xd: {  	s26 =	sor.u32 $0x10, s24;
	p0 =	sne.s32 s2, $0x0;
	s11 =	sor.u32 s16, s3  }
0xe: {  	s4 =	sshrl.u32 s4, $0x3;
	s3 =	sshrl.u32 s19, $0x3;
	s10 =	sshrl.u32 s7, $0x1  }
0xf: {  	s25 =	sadd.s32 s23, s12;
	s30 =	sadd.s32 s21, s14;
	s17 =	sshll.u32 s26, $0x3  }
0x10: {  	s19 =	sshll.u32 s16, $0x8;
	s16 =	simm.s32 $0xED00;
	s6 =	sshll.u32 s11, $0x7  }
0x11: {  	s4 =	sadd.s32 s4, s0;
	s3 =	sadd.s32 s3, s0;
	[dreg:$0xb] =	wrdreg s25  }
0x12: {  	s7 =	ssub.s32 s7, s10;
	[dreg:$0xd] =	wrdreg s30;
	s2 =	sor.u32 s19, s24  }
0x13: {  	p1 =	sgt.u32 s11, $0x13;
	s30 =	sadd.s32 $0x14000, s13;
	s19 =	simm.s32 $0x400  }
0x14: {  	s6 =	sand.u32 $0xC00, s6;
	s22 =	sadd.s32 $0x2400, s4;
	[dreg:$0x19] =	wrdreg s30  }
0x15: {  	s4 =	sadd.s32 $0xC040, s4;
	s18 =	sadd.s32 $0x15E00, s3;
	[dreg:$0x8] =	wrdreg s22  }
0x16: {  	s3 =	sadd.s32 $0x16120, s3;
	s6 =	sor.u32 s5, s6;
	[dreg:$0x9] =	wrdreg s4  }
0x17: {  	s5 =	sor.u32 s5, s8;
	s8 =	sadd.s32 s23, s13;
	[dreg:$0xf] =	wrdreg s18  }
0x18: {  	[dreg:$0x10] =	wrdreg s3;
	s22 =	sadd.s32 s24, s1;
	s23 =	sadd.s32 $0x180, s1  }
0x19: {  	s4 =	simm.s32 $0x9D00;
	s6 =	sshrl.u32 s6, $0x3;
	[dreg:$0xc] =	wrdreg s8  }
0x1a: {  	s10 =	sadd.s32 s5, s12;
	s5 =	sadd.s32 s5, s13;
	[dreg:$0x12] =	wrdreg s22  }
0x1b: {  	[dreg:$0x14] =	wrdreg s23;
	s13 =	simm.s32 $0x1;
	s6 =	sadd.s32 s6, s0  }
0x1c: {  	s0 =	sadd.s32 s9, s0;
	[dreg:$0xa] =	wrdreg s5;
	s9 =	sadd.s32 s21, s15  }
0x1d: {  	s5 =	sor.u32 s17, s26;
	s21 =	sadd.s32 s24, s14;
	s26 =	smax.u32 s7, $0x1  }
0x1e: {  	s15 =	simm.s32 $0xC500;
	s17 =	simm.s32 $0x80;
	[dreg:$0xe] =	wrdreg s9  }
0x1f: {  	s14 =	simm.s32 $0x0;
	[dreg:$0x11] =	wrdreg s21;
	s0 =	sadd.s32 $0x16A00, s0  }
0x20: {  	s24 =	sadd.s32 $0x16600, s6;
	s25 =	sadd.s32 $0x16800, s6;
	[dreg:$0x17] =	wrdreg s26  }
0x21: {  	s26 =	sor.u32 $0x380, s2;
	s28 =	sand.u32 $0xC70, s5;
	[dreg:$0x13] =	wrdreg s0  }
0x22: {  	s29 =	sor.u32 $0x380, s5;
	s9 =	simm.s32 $0x11A00;
	[dreg:$0x15] =	wrdreg s24  }
.Ltmp0:
0x23: {  	[dreg:$0x16] =	wrdreg s25;
	s25 =	sand.u32 $0xC60, s2;
	(pc) =	sbr.rel .LBB2_1-.Ltmp0, $4  }
0x24: {  	s24 =	sadd.s32 $0x14000, s12;
	s21 =	sadd.s32 $0x11A00, s28;
	s22 =	sor.u32 $0x13000, s28  }
0x25: {  	s23 =	sor.u32 $0x13080, s28;
	s3 =	sor.u32 $0x13100, s28;
	s8 =	sor.u32 $0x13180, s28  }
0x26: {  	v1 =	vimm.f32 $0.0e+00;
	v2 =	vimm.f32 $1.000000000e+00;
	v3 =	vimm.s32 $0x0;
	s31 =	sadd.s32 $0x11A00, s25;
	s1 =	sor.u32 $0x13000, s25;
	s6 =	sor.u32 $0x13080, s25  }
0x27: {  	vm0 =	vmmov $0x7fff;
	v4 =	vlaneseq.u32;
	v0 =	vmov s11;
	s0 =	sor.u32 $0x13100, s25;
	s5 =	sor.u32 $0x13180, s25;
	[dreg:$0x18] =	wrdreg s24  }
.LBB2_57:
0x28: {  	s20 =	simm.s32 $0x0;
	s2 =	rddreg [dreg:$0x15];
	s7 =	simm.s32 $0x16980  }
0x29: {  	[hbm4b:s2+s20] =	stream.linear.scatter [tilespmem:s7], [sflag:$0x1], $0x80, $0x38;
	[tilespmem:$0x1C020] =	vst v63  }
0x2a: {  	_ =	swait.ge [sflag:s13], $0x80  }
0x2b: {  	[sflag:s13] =	ssyncset.done $0x0  }
0x2c: {  	s30 =	simm.s32 $0x16A00;
	s24 =	rddreg [dreg:$0x16];
	[sflag:s13] =	ssyncadd.s32 $0xFFFFFF80  }
0x2d: {  	[hbm4b:s24+s20] =	stream.linear.scatter [tilespmem:s30], [sflag:$0x1], $0x80, $0x38;
	[tilespmem:$0x1C020] =	vst v63  }
0x2e: {  	_ =	swait.ge [sflag:s13], $0x80  }
0x2f: {  	[sflag:s13] =	ssyncset.done $0x0  }
0x30: {  	[sflag:s13] =	ssyncadd.s32 $0xFFFFFF80  }
.LBB2_58:
0x31: {  	s14 =	sadd.s32 $0x1, s14;
	s2 =	rddreg [dreg:$0x17]  }
0x32: {  	p2 =	sne.s32 s14, s2  }
.Ltmp1:
0x33: {  	_ = 	snop;
	(pc) =	sbr.rel @!p2 .LBB2_59-.Ltmp1, $1  }
0x34: {  	_ =	sdelay $0x3  }
.LBB2_1:
0x35: {  	s2 =	rddreg [dreg:$0x8]  }
0x36: {  	[tilespmem:s20], [sflag:$0x1] =	stream.linear.gather [hbm4b:s2+s20], $0x4E20, $0x38;
	[tilespmem:$0x1C020] =	vst v63  }
0x37: {  	_ =	swait.ge [sflag:s13], $0x4E20  }
0x38: {  	[sflag:s13] =	ssyncset.done $0x0  }
0x39: {  	s7 =	simm.s32 $0x4E80;
	s30 =	rddreg [dreg:$0x9];
	[sflag:s13] =	ssyncadd.s32 $0xFFFFB1E0  }
0x3a: {  	[tilespmem:s7], [sflag:$0x1] =	stream.linear.gather [hbm4b:s30+s20], $0x4E20, $0x38;
	[tilespmem:$0x1C020] =	vst v63  }
0x3b: {  	_ =	swait.ge [sflag:s13], $0x4E20  }
0x3c: {  	[sflag:s13] =	ssyncset.done $0x0  }
0x3d: {  	s2 =	simm.s32 $0x0;
	[sflag:s13] =	ssyncadd.s32 $0xFFFFB1E0  }
.LBB2_2:
0x3e: {  	p2 =	sne.s32 s2, $0x9FC0  }
.Ltmp2:
0x3f: {  	_ = 	snop;
	(pc) =	sbr.rel @p2 .LBB2_2-.Ltmp2, $3  }
0x40: {  	_ =	sdelay $0x1  }
0x41: {  	s7 =	sshra.s32 s2, $0x2  }
0x42: {  	s2 =	sadd.s32 $0x40, s2;
	[tilespmem:s7+$0xC500] =	vst v1  }
0x43: {  	s2 =	simm.s32 $0x0  }
.LBB2_4:
0x44: {  	p2 =	sne.s32 s2, $0x9FC0  }
.Ltmp3:
0x45: {  	_ = 	snop;
	(pc) =	sbr.rel @p2 .LBB2_4-.Ltmp3, $3  }
0x46: {  	_ =	sdelay $0x1  }
0x47: {  	s7 =	sshra.s32 s2, $0x2  }
0x48: {  	s2 =	sadd.s32 $0x40, s2;
	[tilespmem:s7+$0xED00] =	vst v1  }
0x49: {  	s2 =	simm.s32 $0x20  }
0x4a: {  	v6 =	vld [tilespmem:s2+$0x10]  }
0x4b: {  	v8 =	vld [tilespmem:s2+$0xFFFFFFF0]  }
0x4c: {  	v10 =	vld [tilespmem:s2+$0x0]  }
0x4d: {  	s11 =	simm.s32 $0x4EA0;
	v12 =	vld [tilespmem:s2+$0xFFFFFFE0]  }
0x4e: {  	v7 =	vld [tilespmem:s11+$0x10]  }
0x4f: {  	v9 =	vld [tilespmem:s11+$0xFFFFFFF0]  }
0x50: {  	v11 =	vld [tilespmem:s11+$0x0]  }
0x51: {  	v5 =	vld [tilespmem:s11+$0xFFFFFFE0]  }
0x52: {  	[tilespmem:v6+s15+$0x0] =	vst.idx.add.f32.msk $0xffff, v2  }
0x53: {  	[tilespmem:v8+s15+$0x0] =	vst.idx.add.f32.msk $0xffff, v2  }
0x54: {  	[tilespmem:v10+s15+$0x0] =	vst.idx.add.f32.msk $0xffff, v2  }
0x55: {  	[tilespmem:v12+s15+$0x0] =	vst.idx.add.f32.msk $0xffff, v2  }
0x56: {  	[tilespmem:v7+s16+$0x0] =	vst.idx.add.f32.msk $0xffff, v2  }
0x57: {  	s7 =	simm.s32 $0x0;
	s18 =	simm.s32 $0x4DF0;
	[tilespmem:v9+s16+$0x0] =	vst.idx.add.f32.msk $0xffff, v2  }
0x58: {  	s20 =	simm.s32 $0x9C80;
	s24 =	simm.s32 $0x4E00;
	s12 =	simm.s32 $0x60;
	[tilespmem:v11+s16+$0x0] =	vst.idx.add.f32.msk $0xffff, v2  }
.LBB2_6:
0x59: {  	v6 =	vld [tilespmem:s12+$0x10];
	s11 =	sadd.s32 $0x40, s11  }
0x5a: {  	s7 =	sadd.s32 $0x40, s7;
	v7 =	vld [tilespmem:s11+$0x10]  }
0x5b: {  	p2 =	slt.u32 s7, $0x4DC0;
	v8 =	vld [tilespmem:s11+$0xFFFFFFE0]  }
0x5c: {  	v9 =	vld [tilespmem:s12+$0xFFFFFFF0]  }
0x5d: {  	v10 =	vld [tilespmem:s11+$0xFFFFFFF0]  }
0x5e: {  	v11 =	vld [tilespmem:s12+$0x0]  }
0x5f: {  	v12 =	vld [tilespmem:s11+$0x0]  }
0x60: {  	v13 =	vld [tilespmem:s12+$0xFFFFFFE0]  }
0x61: {  	[tilespmem:v6+s15+$0x0] =	vst.idx.add.f32.msk $0xffff, v2  }
0x62: {  	[tilespmem:v7+s16+$0x0] =	vst.idx.add.f32.msk $0xffff, v2  }
0x63: {  	[tilespmem:v5+s16+$0x0] =	vst.idx.add.f32.msk $0xffff, v2;
	v5 =	vmov v8  }
.Ltmp4:
0x64: {  	[tilespmem:v9+s15+$0x0] =	vst.idx.add.f32.msk $0xffff, v2;
	(pc) =	sbr.rel @p2 .LBB2_6-.Ltmp4, $4  }
0x65: {  	[tilespmem:v10+s16+$0x0] =	vst.idx.add.f32.msk $0xffff, v2  }
0x66: {  	[tilespmem:v11+s15+$0x0] =	vst.idx.add.f32.msk $0xffff, v2  }
0x67: {  	[tilespmem:v12+s16+$0x0] =	vst.idx.add.f32.msk $0xffff, v2  }
0x68: {  	s12 =	sadd.s32 $0x40, s12;
	[tilespmem:v13+s15+$0x0] =	vst.idx.add.f32.msk $0xffff, v2  }
0x69: {  	_ =	sdelay $0x3  }
0x6a: {  	[tilespmem:v5+s16+$0x0] =	vst.idx.add.f32.msk $0xffff, v2  }
.LBB2_8:
0x6b: {  	v5 =	vld [tilespmem:s24+$0x0]  }
0x6c: {  	v6 =	vld [tilespmem:s20+$0x0];
	_ =	sdelay $0x1  }
0x6d: {  	s18 =	sadd.s32 $0x10, s18  }
0x6e: {  	p2 =	slt.u32 s18, $0x4E10  }
.Ltmp5:
0x6f: {  	_ = 	snop;
	(pc) =	sbr.rel @p2 .LBB2_8-.Ltmp5, $3  }
0x70: {  	_ =	sdelay $0x1  }
0x71: {  	[tilespmem:v5+s15+$0x0] =	vst.idx.add.f32.msk $0xffff, v2  }
0x72: {  	s20 =	sadd.s32 $0x10, s20;
	s24 =	sadd.s32 $0x10, s24;
	[tilespmem:v6+s16+$0x0] =	vst.idx.add.f32.msk $0xffff, v2  }
0x73: {  	[spmem:s10] =	stream.strided.scatter [tilespmem:s15], [sflag:$0x1], $0x2800, s19, s17, $0x38;
	[tilespmem:$0x1C020] =	vst v63  }
0x74: {  	_ =	swait.ge [sflag:s13], $0x2800  }
0x75: {  	[sflag:s13] =	ssyncset.done $0x0  }
0x76: {  	s2 =	rddreg [dreg:$0xa];
	[sflag:s13] =	ssyncadd.s32 $0xFFFFD800  }
0x77: {  	[spmem:s2] =	stream.strided.scatter [tilespmem:s16], [sflag:$0x1], $0x2800, s19, s17, $0x38;
	[tilespmem:$0x1C020] =	vst v63  }
0x78: {  	_ =	swait.ge [sflag:s13], $0x2800  }
0x79: {  	[sflag:s13] =	ssyncset.done $0x0  }
0x7a: {  	[sflag:s13] =	ssyncadd.s32 $0xFFFFD800  }
0x7b: {  	s7 =	simm.s32 $0x1400;
	[bflag:$0x0] =	sbarrier.arrive $0xFFFF  }
0x7c: {  	s11 =	simm.s32 $0x14000;
	s12 =	simm.s32 $0x0;
	s30 =	rddreg [dreg:$0xb]  }
0x7d: {  	[tilespmem:s9], [sflag:$0x1] =	stream.strided.gather [spmem:s30], $0x2800, s11, s7, $0x38;
	[tilespmem:$0x1C020] =	vst v63  }
0x7e: {  	s18 =	sand.u32 $0x70, s12;
	s2 =	sand.u32 $0x1C00, s12;
	_ =	swait.ge [sflag:s13], $0x2800  }
0x7f: {  	s2 =	sor.u32 s18, s2;
	[sflag:s13] =	ssyncset.done $0x0  }
0x80: {  	s7 =	sadd.s32 $0x11A00, s2;
	[sflag:s13] =	ssyncadd.s32 $0xFFFFD800  }
0x81: {  	v5 =	vld [tilespmem:s7+$0x80]  }
0x82: {  	v6 =	vld [tilespmem:s2+$0x11A00];
	_ =	sdelay $0x1  }
0x83: {  	v7 =	vld [tilespmem:s7+$0x100];
	_ =	sdelay $0x1  }
0x84: {  	v8 =	vld [tilespmem:s7+$0x180]  }
0x85: {  	v5 =	vadd.f32 v5, v6  }
0x86: {  	v6 =	vld [tilespmem:s7+$0x200]  }
0x87: {  	v5 =	vadd.f32 v7, v5  }
0x88: {  	v7 =	vld [tilespmem:s7+$0x280]  }
0x89: {  	v5 =	vadd.f32 v8, v5  }
0x8a: {  	v60 =	vld [tilespmem:s7+$0x300]  }
0x8b: {  	v5 =	vadd.f32 v6, v5  }
0x8c: {  	v6 =	vld [tilespmem:s7+$0x380]  }
0x8d: {  	v5 =	vadd.f32 v7, v5  }
0x8e: {  	v7 =	vld [tilespmem:s2+$0x12E00]  }
0x8f: {  	v5 =	vadd.f32 v60, v5  }
0x90: {  	v61 =	vld [tilespmem:s2+$0x12E80]  }
0x91: {  	v5 =	vadd.f32 v6, v5  }
0x92: {  	v6 =	vld [tilespmem:s2+$0x12F00]  }
0x93: {  	v5 =	vadd.f32 v7, v5  }
0x94: {  	v7 =	vld [tilespmem:s2+$0x12F80]  }
0x95: {  	v5 =	vadd.f32 v61, v5  }
0x96: {  	v62 =	vld [tilespmem:s2+$0x13000]  }
0x97: {  	v5 =	vadd.f32 v6, v5  }
0x98: {  	v6 =	vld [tilespmem:s2+$0x13080]  }
0x99: {  	v5 =	vadd.f32 v7, v5  }
0x9a: {  	v7 =	vld [tilespmem:s2+$0x13100]  }
0x9b: {  	v5 =	vadd.f32 v62, v5  }
0x9c: {  	v63 =	vld [tilespmem:s2+$0x13180]  }
0x9d: {  	v5 =	vadd.f32 v6, v5;
	_ =	sdelay $0x1  }
0x9e: {  	v5 =	vadd.f32 v7, v5  }
0x9f: {  	s20 =	simm.s32 $0x10;
	s24 =	simm.s32 $0x80  }
0xa0: {  	s30 =	sand.u32 $0x1C00, s24;
	s2 =	sand.u32 $0x70, s20;
	v5 =	vadd.f32 v63, v5  }
0xa1: {  	s18 =	simm.s32 $0x9D00;
	s11 =	simm.s32 $0x20;
	s20 =	sor.u32 s2, s30  }
.LBB2_10:
0xa2: {  	p2 =	sne.s32 s11, $0x270;
	s2 =	sadd.s32 $0x11A00, s20;
	[tilespmem:s18+$0x0] =	vst v5  }
0xa3: {  	v5 =	vld [tilespmem:s2+$0x80]  }
0xa4: {  	v6 =	vld [tilespmem:s20+$0x11A00];
	_ =	sdelay $0x1  }
0xa5: {  	v7 =	vld [tilespmem:s2+$0x100];
	_ =	sdelay $0x1  }
0xa6: {  	v8 =	vld [tilespmem:s2+$0x180]  }
0xa7: {  	v5 =	vadd.f32 v5, v6  }
0xa8: {  	v6 =	vld [tilespmem:s2+$0x200]  }
0xa9: {  	v5 =	vadd.f32 v7, v5  }
0xaa: {  	v7 =	vld [tilespmem:s2+$0x280]  }
0xab: {  	v5 =	vadd.f32 v8, v5  }
0xac: {  	v8 =	vld [tilespmem:s2+$0x300]  }
0xad: {  	v5 =	vadd.f32 v6, v5  }
0xae: {  	v6 =	vld [tilespmem:s2+$0x380]  }
0xaf: {  	v5 =	vadd.f32 v7, v5  }
0xb0: {  	v7 =	vld [tilespmem:s20+$0x12E00]  }
0xb1: {  	v5 =	vadd.f32 v8, v5  }
0xb2: {  	v8 =	vld [tilespmem:s20+$0x12E80]  }
0xb3: {  	v5 =	vadd.f32 v6, v5  }
0xb4: {  	v6 =	vld [tilespmem:s20+$0x12F00]  }
0xb5: {  	v5 =	vadd.f32 v7, v5  }
0xb6: {  	v7 =	vld [tilespmem:s20+$0x12F80]  }
0xb7: {  	v5 =	vadd.f32 v8, v5  }
0xb8: {  	v8 =	vld [tilespmem:s20+$0x13000]  }
0xb9: {  	v5 =	vadd.f32 v6, v5  }
0xba: {  	v6 =	vld [tilespmem:s20+$0x13080]  }
0xbb: {  	v5 =	vadd.f32 v7, v5  }
0xbc: {  	v7 =	vld [tilespmem:s20+$0x13100]  }
0xbd: {  	v5 =	vadd.f32 v8, v5  }
0xbe: {  	v8 =	vld [tilespmem:s20+$0x13180]  }
0xbf: {  	v5 =	vadd.f32 v6, v5  }
.Ltmp6:
0xc0: {  	(pc) =	sbr.rel @p2 .LBB2_10-.Ltmp6, $4  }
0xc1: {  	v5 =	vadd.f32 v7, v5  }
0xc2: {  	s24 =	sadd.s32 $0x80, s24  }
0xc3: {  	s7 =	sand.u32 $0x1C00, s24;
	s2 =	sand.u32 $0x70, s11;
	v5 =	vadd.f32 v8, v5  }
0xc4: {  	s18 =	sadd.s32 $0x10, s18;
	s11 =	sadd.s32 $0x10, s11;
	s20 =	sor.u32 s2, s7  }
0xc5: {  	s2 =	sadd.s32 $0x11A00, s20;
	[tilespmem:s18+$0x0] =	vst v5  }
0xc6: {  	v5 =	vld [tilespmem:s2+$0x80]  }
0xc7: {  	v6 =	vld [tilespmem:s20+$0x11A00];
	_ =	sdelay $0x1  }
0xc8: {  	v7 =	vld [tilespmem:s2+$0x100];
	_ =	sdelay $0x1  }
0xc9: {  	v8 =	vld [tilespmem:s2+$0x180]  }
0xca: {  	v5 =	vadd.f32 v5, v6  }
0xcb: {  	v6 =	vld [tilespmem:s2+$0x200]  }
0xcc: {  	v5 =	vadd.f32 v7, v5  }
0xcd: {  	v7 =	vld [tilespmem:s2+$0x280]  }
0xce: {  	v5 =	vadd.f32 v8, v5  }
0xcf: {  	v55 =	vld [tilespmem:s2+$0x300]  }
0xd0: {  	v5 =	vadd.f32 v6, v5  }
0xd1: {  	v6 =	vld [tilespmem:s2+$0x380]  }
0xd2: {  	v5 =	vadd.f32 v7, v5  }
0xd3: {  	v7 =	vld [tilespmem:s20+$0x12E00]  }
0xd4: {  	v5 =	vadd.f32 v55, v5  }
0xd5: {  	v56 =	vld [tilespmem:s20+$0x12E80]  }
0xd6: {  	v5 =	vadd.f32 v6, v5  }
0xd7: {  	v6 =	vld [tilespmem:s20+$0x12F00]  }
0xd8: {  	v5 =	vadd.f32 v7, v5  }
0xd9: {  	v7 =	vld [tilespmem:s20+$0x12F80]  }
0xda: {  	v5 =	vadd.f32 v56, v5  }
0xdb: {  	v57 =	vld [tilespmem:s20+$0x13000]  }
0xdc: {  	v5 =	vadd.f32 v6, v5  }
0xdd: {  	v6 =	vld [tilespmem:s20+$0x13080]  }
0xde: {  	v5 =	vadd.f32 v7, v5  }
0xdf: {  	v7 =	vld [tilespmem:s20+$0x13100]  }
0xe0: {  	v5 =	vadd.f32 v57, v5  }
0xe1: {  	v58 =	vld [tilespmem:s20+$0x13180]  }
0xe2: {  	v5 =	vadd.f32 v6, v5;
	_ =	sdelay $0x1  }
0xe3: {  	v5 =	vadd.f32 v7, v5;
	_ =	sdelay $0x1  }
0xe4: {  	v5 =	vadd.f32 v58, v5  }
0xe5: {  	s24 =	sadd.s32 $0x10, s18;
	s30 =	rddreg [dreg:$0xc]  }
0xe6: {  	s7 =	simm.s32 $0x1400;
	s11 =	simm.s32 $0x14000;
	s12 =	simm.s32 $0x0;
	[tilespmem:s24+$0x0] =	vst v5  }
0xe7: {  	[tilespmem:s9], [sflag:$0x1] =	stream.strided.gather [spmem:s30], $0x2800, s11, s7, $0x38;
	[tilespmem:$0x1C020] =	vst v63  }
0xe8: {  	s18 =	sand.u32 $0x70, s12;
	s2 =	sand.u32 $0x1C00, s12;
	_ =	swait.ge [sflag:s13], $0x2800  }
0xe9: {  	s2 =	sor.u32 s18, s2;
	[sflag:s13] =	ssyncset.done $0x0  }
0xea: {  	s7 =	sadd.s32 $0x11A00, s2;
	[sflag:s13] =	ssyncadd.s32 $0xFFFFD800  }
0xeb: {  	v5 =	vld [tilespmem:s7+$0x80]  }
0xec: {  	v6 =	vld [tilespmem:s2+$0x11A00];
	_ =	sdelay $0x1  }
0xed: {  	v7 =	vld [tilespmem:s7+$0x100];
	_ =	sdelay $0x1  }
0xee: {  	v59 =	vld [tilespmem:s7+$0x180]  }
0xef: {  	v5 =	vadd.f32 v5, v6  }
0xf0: {  	v6 =	vld [tilespmem:s7+$0x200]  }
0xf1: {  	v5 =	vadd.f32 v7, v5  }
0xf2: {  	v7 =	vld [tilespmem:s7+$0x280]  }
0xf3: {  	v5 =	vadd.f32 v59, v5  }
0xf4: {  	v60 =	vld [tilespmem:s7+$0x300]  }
0xf5: {  	v5 =	vadd.f32 v6, v5  }
0xf6: {  	v6 =	vld [tilespmem:s7+$0x380]  }
0xf7: {  	v5 =	vadd.f32 v7, v5  }
0xf8: {  	v7 =	vld [tilespmem:s2+$0x12E00]  }
0xf9: {  	v5 =	vadd.f32 v60, v5  }
0xfa: {  	v61 =	vld [tilespmem:s2+$0x12E80]  }
0xfb: {  	v5 =	vadd.f32 v6, v5  }
0xfc: {  	v6 =	vld [tilespmem:s2+$0x12F00]  }
0xfd: {  	v5 =	vadd.f32 v7, v5  }
0xfe: {  	v7 =	vld [tilespmem:s2+$0x12F80]  }
0xff: {  	v5 =	vadd.f32 v61, v5  }
0x100: {  	v62 =	vld [tilespmem:s2+$0x13000]  }
0x101: {  	v5 =	vadd.f32 v6, v5  }
0x102: {  	v6 =	vld [tilespmem:s2+$0x13080]  }
0x103: {  	v5 =	vadd.f32 v7, v5  }
0x104: {  	v7 =	vld [tilespmem:s2+$0x13100]  }
0x105: {  	v5 =	vadd.f32 v62, v5  }
0x106: {  	v63 =	vld [tilespmem:s2+$0x13180]  }
0x107: {  	v5 =	vadd.f32 v6, v5;
	_ =	sdelay $0x1  }
0x108: {  	v5 =	vadd.f32 v7, v5  }
0x109: {  	s20 =	simm.s32 $0x10;
	s24 =	simm.s32 $0x80  }
0x10a: {  	s30 =	sand.u32 $0x1C00, s24;
	s2 =	sand.u32 $0x70, s20;
	v5 =	vadd.f32 v63, v5  }
0x10b: {  	s18 =	simm.s32 $0x11780;
	s11 =	simm.s32 $0x20;
	s20 =	sor.u32 s2, s30  }
.LBB2_12:
0x10c: {  	p2 =	sne.s32 s11, $0x270;
	s2 =	sadd.s32 $0x11A00, s20;
	[tilespmem:s18+$0x0] =	vst v5  }
0x10d: {  	v5 =	vld [tilespmem:s2+$0x80]  }
0x10e: {  	v6 =	vld [tilespmem:s20+$0x11A00];
	_ =	sdelay $0x1  }
0x10f: {  	v7 =	vld [tilespmem:s2+$0x100];
	_ =	sdelay $0x1  }
0x110: {  	v8 =	vld [tilespmem:s2+$0x180]  }
0x111: {  	v5 =	vadd.f32 v5, v6  }
0x112: {  	v6 =	vld [tilespmem:s2+$0x200]  }
0x113: {  	v5 =	vadd.f32 v7, v5  }
0x114: {  	v7 =	vld [tilespmem:s2+$0x280]  }
0x115: {  	v5 =	vadd.f32 v8, v5  }
0x116: {  	v8 =	vld [tilespmem:s2+$0x300]  }
0x117: {  	v5 =	vadd.f32 v6, v5  }
0x118: {  	v6 =	vld [tilespmem:s2+$0x380]  }
0x119: {  	v5 =	vadd.f32 v7, v5  }
0x11a: {  	v7 =	vld [tilespmem:s20+$0x12E00]  }
0x11b: {  	v5 =	vadd.f32 v8, v5  }
0x11c: {  	v8 =	vld [tilespmem:s20+$0x12E80]  }
0x11d: {  	v5 =	vadd.f32 v6, v5  }
0x11e: {  	v6 =	vld [tilespmem:s20+$0x12F00]  }
0x11f: {  	v5 =	vadd.f32 v7, v5  }
0x120: {  	v7 =	vld [tilespmem:s20+$0x12F80]  }
0x121: {  	v5 =	vadd.f32 v8, v5  }
0x122: {  	v8 =	vld [tilespmem:s20+$0x13000]  }
0x123: {  	v5 =	vadd.f32 v6, v5  }
0x124: {  	v6 =	vld [tilespmem:s20+$0x13080]  }
0x125: {  	v5 =	vadd.f32 v7, v5  }
0x126: {  	v7 =	vld [tilespmem:s20+$0x13100]  }
0x127: {  	v5 =	vadd.f32 v8, v5  }
0x128: {  	v8 =	vld [tilespmem:s20+$0x13180]  }
0x129: {  	v5 =	vadd.f32 v6, v5  }
.Ltmp7:
0x12a: {  	(pc) =	sbr.rel @p2 .LBB2_12-.Ltmp7, $4  }
0x12b: {  	v5 =	vadd.f32 v7, v5  }
0x12c: {  	s24 =	sadd.s32 $0x80, s24  }
0x12d: {  	s7 =	sand.u32 $0x1C00, s24;
	s2 =	sand.u32 $0x70, s11;
	v5 =	vadd.f32 v8, v5  }
0x12e: {  	s18 =	sadd.s32 $0x10, s18;
	s11 =	sadd.s32 $0x10, s11;
	s20 =	sor.u32 s2, s7  }
0x12f: {  	s2 =	sadd.s32 $0x11A00, s20;
	[tilespmem:s18+$0x0] =	vst v5  }
0x130: {  	v5 =	vld [tilespmem:s2+$0x80]  }
0x131: {  	v6 =	vld [tilespmem:s20+$0x11A00];
	_ =	sdelay $0x1  }
0x132: {  	v7 =	vld [tilespmem:s2+$0x100];
	_ =	sdelay $0x1  }
0x133: {  	v8 =	vld [tilespmem:s2+$0x180]  }
0x134: {  	v5 =	vadd.f32 v5, v6  }
0x135: {  	v6 =	vld [tilespmem:s2+$0x200]  }
0x136: {  	v5 =	vadd.f32 v7, v5  }
0x137: {  	v7 =	vld [tilespmem:s2+$0x280]  }
0x138: {  	v5 =	vadd.f32 v8, v5  }
0x139: {  	v60 =	vld [tilespmem:s2+$0x300]  }
0x13a: {  	v5 =	vadd.f32 v6, v5  }
0x13b: {  	v6 =	vld [tilespmem:s2+$0x380]  }
0x13c: {  	v5 =	vadd.f32 v7, v5  }
0x13d: {  	v7 =	vld [tilespmem:s20+$0x12E00]  }
0x13e: {  	v5 =	vadd.f32 v60, v5  }
0x13f: {  	v61 =	vld [tilespmem:s20+$0x12E80]  }
0x140: {  	v5 =	vadd.f32 v6, v5  }
0x141: {  	v6 =	vld [tilespmem:s20+$0x12F00]  }
0x142: {  	v5 =	vadd.f32 v7, v5  }
0x143: {  	v7 =	vld [tilespmem:s20+$0x12F80]  }
0x144: {  	v5 =	vadd.f32 v61, v5  }
0x145: {  	v62 =	vld [tilespmem:s20+$0x13000]  }
0x146: {  	v5 =	vadd.f32 v6, v5  }
0x147: {  	v6 =	vld [tilespmem:s20+$0x13080]  }
0x148: {  	v5 =	vadd.f32 v7, v5  }
0x149: {  	v7 =	vld [tilespmem:s20+$0x13100]  }
0x14a: {  	v5 =	vadd.f32 v62, v5  }
0x14b: {  	v63 =	vld [tilespmem:s20+$0x13180]  }
0x14c: {  	v5 =	vadd.f32 v6, v5;
	_ =	sdelay $0x1  }
0x14d: {  	v5 =	vadd.f32 v7, v5;
	_ =	sdelay $0x1  }
0x14e: {  	v5 =	vadd.f32 v63, v5  }
0x14f: {  	s30 =	sadd.s32 $0x10, s18  }
0x150: {  	s11 =	simm.s32 $0x0;
	s18 =	simm.s32 $0x40;
	[tilespmem:s30+$0x0] =	vst v5  }
.LBB2_14:
0x151: {  	p2 =	sne.s32 s18, $0x9C0;
	v5 =	vld [tilespmem:s11+$0x11780];
	_ =	sdelay $0x4  }
0x152: {  	v5 =	vadd.f32 $1.000000000e+00, v5;
	_ =	sdelay $0x1  }
0x153: {  	v6 =	vshra.s32 v5, $0x1;
	v5 =	vmul.f32 $5.000000000e-01, v5  }
0x154: {  	v6 =	vsub.s32 $0x5F3759DF, v6  }
0x155: {  	v7 =	vmul.f32 v6, v5;
	_ =	sdelay $0x1  }
0x156: {  	v7 =	vmul.f32 v6, v7;
	_ =	sdelay $0x1  }
0x157: {  	v7 =	vsub.f32 $1.500000000e+00, v7;
	_ =	sdelay $0x1  }
0x158: {  	v6 =	vmul.f32 v6, v7;
	_ =	sdelay $0x1  }
0x159: {  	v7 =	vmul.f32 v6, v5;
	_ =	sdelay $0x1  }
0x15a: {  	v7 =	vmul.f32 v7, v6;
	_ =	sdelay $0x1  }
0x15b: {  	v7 =	vsub.f32 $1.500000000e+00, v7;
	_ =	sdelay $0x1  }
0x15c: {  	v6 =	vmul.f32 v7, v6;
	_ =	sdelay $0x1  }
0x15d: {  	v5 =	vmul.f32 v6, v5;
	_ =	sdelay $0x1  }
0x15e: {  	v5 =	vmul.f32 v5, v6  }
0x15f: {  	v7 =	vld [tilespmem:s11+$0x9D00]  }
0x160: {  	v5 =	vsub.f32 $1.500000000e+00, v5;
	_ =	sdelay $0x1  }
.Ltmp8:
0x161: {  	v5 =	vmul.f32 v5, v6;
	(pc) =	sbr.rel @p2 .LBB2_14-.Ltmp8, $3  }
0x162: {  	_ = 	snop  }
0x163: {  	[tilespmem:s11+$0x11500] =	vst v5;
	v5 =	vmul.f32 v5, v7;
	_ =	sdelay $0x1  }
0x164: {  	[tilespmem:s11+$0x11780] =	vst v5;
	s11 =	sshra.s32 s18, $0x2;
	s18 =	sadd.s32 $0x40, s18  }
0x165: {  	v5 =	vld [tilespmem:s11+$0x11780];
	_ =	sdelay $0x4  }
0x166: {  	v5 =	vadd.f32 $1.000000000e+00, v5;
	_ =	sdelay $0x1  }
0x167: {  	v6 =	vshra.s32 v5, $0x1;
	v5 =	vmul.f32 $5.000000000e-01, v5  }
0x168: {  	v6 =	vsub.s32 $0x5F3759DF, v6  }
0x169: {  	v7 =	vmul.f32 v6, v5;
	_ =	sdelay $0x1  }
0x16a: {  	v7 =	vmul.f32 v6, v7;
	_ =	sdelay $0x1  }
0x16b: {  	v7 =	vsub.f32 $1.500000000e+00, v7;
	_ =	sdelay $0x1  }
0x16c: {  	v6 =	vmul.f32 v6, v7;
	_ =	sdelay $0x1  }
0x16d: {  	v7 =	vmul.f32 v6, v5;
	_ =	sdelay $0x1  }
0x16e: {  	v7 =	vmul.f32 v7, v6;
	_ =	sdelay $0x1  }
0x16f: {  	v7 =	vsub.f32 $1.500000000e+00, v7;
	_ =	sdelay $0x1  }
0x170: {  	v6 =	vmul.f32 v7, v6;
	_ =	sdelay $0x1  }
0x171: {  	v5 =	vmul.f32 v6, v5;
	_ =	sdelay $0x1  }
0x172: {  	v5 =	vmul.f32 v5, v6  }
0x173: {  	v7 =	vld [tilespmem:s11+$0x9D00]  }
0x174: {  	v5 =	vsub.f32 $1.500000000e+00, v5;
	_ =	sdelay $0x1  }
0x175: {  	v5 =	vmul.f32 v5, v6;
	_ =	sdelay $0x1  }
0x176: {  	v6 =	vmul.f32 v5, v7  }
0x177: {  	[tilespmem:s11+$0x11500] =	vst v5  }
0x178: {  	s2 =	rddreg [dreg:$0xd];
	s7 =	simm.s32 $0x11780;
	[tilespmem:s11+$0x11780] =	vst v6  }
0x179: {  	[spmem:s2] =	stream.linear.scatter [tilespmem:s7], [sflag:$0x1], $0x280, $0x38;
	[tilespmem:$0x1C020] =	vst v63  }
0x17a: {  	_ =	swait.ge [sflag:s13], $0x280  }
0x17b: {  	[sflag:s13] =	ssyncset.done $0x0  }
0x17c: {  	[sflag:s13] =	ssyncadd.s32 $0xFFFFFD80  }
0x17d: {  	[bflag:$0x0] =	sbarrier.arrive $0xFFFF  }
0x17e: {  	s30 =	rddreg [dreg:$0x4]  }
0x17f: {  	[tilespmem:s4], [sflag:$0x1] =	stream.linear.gather [spmem:s30], $0x2800, $0x38;
	[tilespmem:$0x1C020] =	vst v63  }
0x180: {  	_ =	swait.ge [sflag:s13], $0x2800  }
0x181: {  	[sflag:s13] =	ssyncset.done $0x0  }
0x182: {  	s2 =	simm.s32 $0x0;
	[sflag:s13] =	ssyncadd.s32 $0xFFFFD800  }
.LBB2_16:
0x183: {  	p2 =	sne.s32 s2, $0x9FC0  }
.Ltmp9:
0x184: {  	_ = 	snop;
	(pc) =	sbr.rel @p2 .LBB2_16-.Ltmp9, $3  }
0x185: {  	_ =	sdelay $0x1  }
0x186: {  	s7 =	sshra.s32 s2, $0x2  }
0x187: {  	s2 =	sadd.s32 $0x40, s2;
	[tilespmem:s7+$0xC500] =	vst v1  }
0x188: {  	s2 =	simm.s32 $0x20  }
0x189: {  	v6 =	vld [tilespmem:s2+$0x10]  }
0x18a: {  	v7 =	vld [tilespmem:s2+$0xFFFFFFF0]  }
0x18b: {  	v8 =	vld [tilespmem:s2+$0x0]  }
0x18c: {  	v10 =	vld [tilespmem:s2+$0xFFFFFFE0];
	_ =	sdelay $0x1  }
0x18d: {  	s11 =	simm.s32 $0x4EA0  }
0x18e: {  	v11 =	vld [tilespmem:s11+$0x10]  }
0x18f: {  	v5 =	vld [tilespmem:s11+$0xFFFFFFE0]  }
0x190: {  	v12 =	vld.idx.msk [tilespmem:v6+s4+$0x0], $0xffff  }
0x191: {  	v6 =	vld.idx.msk [tilespmem:v7+s4+$0x0], $0xffff  }
0x192: {  	v9 =	vld.idx.msk [tilespmem:v8+s4+$0x0], $0xffff  }
0x193: {  	v7 =	vld.idx.msk [tilespmem:v10+s4+$0x0], $0xffff  }
0x194: {  	v8 =	vld [tilespmem:s11+$0xFFFFFFF0]  }
0x195: {  	v10 =	vld [tilespmem:s11+$0x0];
	_ =	sdelay $0x1  }
0x196: {  	s7 =	simm.s32 $0x0;
	s18 =	simm.s32 $0x60;
	[tilespmem:v11+s15+$0x0] =	vst.idx.add.f32.msk $0xffff, v12  }
.LBB2_18:
0x197: {  	v11 =	vld [tilespmem:s18+$0x10];
	s7 =	sadd.s32 $0x40, s7;
	v12 =	vmov v9  }
0x198: {  	v9 =	vld [tilespmem:s18+$0xFFFFFFF0];
	p2 =	slt.u32 s7, $0x4DC0  }
0x199: {  	v13 =	vld [tilespmem:s18+$0x0];
	v14 =	vmov v10  }
0x19a: {  	v10 =	vld [tilespmem:s18+$0xFFFFFFE0]  }
0x19b: {  	[tilespmem:v5+s15+$0x0] =	vst.idx.add.f32.msk $0xffff, v7  }
0x19c: {  	s11 =	sadd.s32 $0x40, s11;
	[tilespmem:v8+s15+$0x0] =	vst.idx.add.f32.msk $0xffff, v6  }
0x19d: {  	v15 =	vld [tilespmem:s11+$0x10]  }
0x19e: {  	v5 =	vld [tilespmem:s11+$0xFFFFFFE0]  }
0x19f: {  	v11 =	vld.idx.msk [tilespmem:v11+s4+$0x0], $0xffff  }
0x1a0: {  	v6 =	vld.idx.msk [tilespmem:v9+s4+$0x0], $0xffff  }
0x1a1: {  	v9 =	vld.idx.msk [tilespmem:v13+s4+$0x0], $0xffff  }
.Ltmp10:
0x1a2: {  	v7 =	vld.idx.msk [tilespmem:v10+s4+$0x0], $0xffff;
	(pc) =	sbr.rel @p2 .LBB2_18-.Ltmp10, $4  }
0x1a3: {  	v8 =	vld [tilespmem:s11+$0xFFFFFFF0]  }
0x1a4: {  	v10 =	vld [tilespmem:s11+$0x0]  }
0x1a5: {  	s2 =	simm.s32 $0x4DF0;
	s12 =	simm.s32 $0x9C80;
	s20 =	simm.s32 $0x4E00;
	[tilespmem:v15+s15+$0x0] =	vst.idx.add.f32.msk $0xffff, v11  }
0x1a6: {  	s18 =	sadd.s32 $0x40, s18;
	[tilespmem:v14+s15+$0x0] =	vst.idx.add.f32.msk $0xffff, v12  }
0x1a7: {  	_ =	sdelay $0x3  }
0x1a8: {  	[tilespmem:v5+s15+$0x0] =	vst.idx.add.f32.msk $0xffff, v7  }
0x1a9: {  	[tilespmem:v8+s15+$0x0] =	vst.idx.add.f32.msk $0xffff, v6  }
0x1aa: {  	[tilespmem:v10+s15+$0x0] =	vst.idx.add.f32.msk $0xffff, v9  }
.LBB2_20:
0x1ab: {  	v5 =	vld [tilespmem:s20+$0x0];
	_ =	sdelay $0x4  }
0x1ac: {  	v6 =	vld [tilespmem:s12+$0x0];
	_ =	sdelay $0x1  }
0x1ad: {  	s2 =	sadd.s32 $0x10, s2  }
0x1ae: {  	p2 =	slt.u32 s2, $0x4E10;
	v5 =	vld.idx.msk [tilespmem:v5+s4+$0x0], $0xffff  }
.Ltmp11:
0x1af: {  	_ = 	snop;
	(pc) =	sbr.rel @p2 .LBB2_20-.Ltmp11, $2  }
0x1b0: {  	_ =	sdelay $0x2  }
0x1b1: {  	s12 =	sadd.s32 $0x10, s12;
	s20 =	sadd.s32 $0x10, s20;
	[tilespmem:v6+s15+$0x0] =	vst.idx.add.f32.msk $0xffff, v5  }
0x1b2: {  	[spmem:s10] =	stream.strided.scatter [tilespmem:s15], [sflag:$0x1], $0x2800, s19, s17, $0x38;
	[tilespmem:$0x1C020] =	vst v63  }
0x1b3: {  	_ =	swait.ge [sflag:s13], $0x2800  }
0x1b4: {  	[sflag:s13] =	ssyncset.done $0x0  }
0x1b5: {  	[sflag:s13] =	ssyncadd.s32 $0xFFFFD800  }
0x1b6: {  	s7 =	simm.s32 $0x1400;
	[bflag:$0x0] =	sbarrier.arrive $0xFFFF  }
0x1b7: {  	s11 =	simm.s32 $0x14000;
	s12 =	simm.s32 $0x0;
	s2 =	rddreg [dreg:$0xb]  }
0x1b8: {  	[tilespmem:s9], [sflag:$0x1] =	stream.strided.gather [spmem:s2], $0x2800, s11, s7, $0x38;
	[tilespmem:$0x1C020] =	vst v63  }
0x1b9: {  	s18 =	sand.u32 $0x70, s12;
	s2 =	sand.u32 $0x1C00, s12;
	_ =	swait.ge [sflag:s13], $0x2800  }
0x1ba: {  	s2 =	sor.u32 s18, s2;
	[sflag:s13] =	ssyncset.done $0x0  }
0x1bb: {  	s7 =	sadd.s32 $0x11A00, s2;
	[sflag:s13] =	ssyncadd.s32 $0xFFFFD800  }
0x1bc: {  	v5 =	vld [tilespmem:s7+$0x80]  }
0x1bd: {  	v6 =	vld [tilespmem:s2+$0x11A00];
	_ =	sdelay $0x1  }
0x1be: {  	v7 =	vld [tilespmem:s7+$0x100];
	_ =	sdelay $0x1  }
0x1bf: {  	v8 =	vld [tilespmem:s7+$0x180]  }
0x1c0: {  	v5 =	vadd.f32 v5, v6  }
0x1c1: {  	v6 =	vld [tilespmem:s7+$0x200]  }
0x1c2: {  	v5 =	vadd.f32 v7, v5  }
0x1c3: {  	v7 =	vld [tilespmem:s7+$0x280]  }
0x1c4: {  	v5 =	vadd.f32 v8, v5  }
0x1c5: {  	v60 =	vld [tilespmem:s7+$0x300]  }
0x1c6: {  	v5 =	vadd.f32 v6, v5  }
0x1c7: {  	v6 =	vld [tilespmem:s7+$0x380]  }
0x1c8: {  	v5 =	vadd.f32 v7, v5  }
0x1c9: {  	v7 =	vld [tilespmem:s2+$0x12E00]  }
0x1ca: {  	v5 =	vadd.f32 v60, v5  }
0x1cb: {  	v61 =	vld [tilespmem:s2+$0x12E80]  }
0x1cc: {  	v5 =	vadd.f32 v6, v5  }
0x1cd: {  	v6 =	vld [tilespmem:s2+$0x12F00]  }
0x1ce: {  	v5 =	vadd.f32 v7, v5  }
0x1cf: {  	v7 =	vld [tilespmem:s2+$0x12F80]  }
0x1d0: {  	v5 =	vadd.f32 v61, v5  }
0x1d1: {  	v62 =	vld [tilespmem:s2+$0x13000]  }
0x1d2: {  	v5 =	vadd.f32 v6, v5  }
0x1d3: {  	v6 =	vld [tilespmem:s2+$0x13080]  }
0x1d4: {  	v5 =	vadd.f32 v7, v5  }
0x1d5: {  	v7 =	vld [tilespmem:s2+$0x13100]  }
0x1d6: {  	v5 =	vadd.f32 v62, v5  }
0x1d7: {  	v63 =	vld [tilespmem:s2+$0x13180]  }
0x1d8: {  	v5 =	vadd.f32 v6, v5;
	_ =	sdelay $0x1  }
0x1d9: {  	v5 =	vadd.f32 v7, v5  }
0x1da: {  	s20 =	simm.s32 $0x10;
	s24 =	simm.s32 $0x80  }
0x1db: {  	s30 =	sand.u32 $0x1C00, s24;
	s2 =	sand.u32 $0x70, s20;
	v5 =	vadd.f32 v63, v5  }
0x1dc: {  	s11 =	simm.s32 $0x20;
	s18 =	simm.s32 $0xED00;
	s20 =	sor.u32 s2, s30  }
.LBB2_22:
0x1dd: {  	p2 =	sne.s32 s11, $0x270;
	s2 =	sadd.s32 $0x11A00, s20;
	[tilespmem:s18+$0x0] =	vst v5  }
0x1de: {  	v5 =	vld [tilespmem:s2+$0x80]  }
0x1df: {  	v6 =	vld [tilespmem:s20+$0x11A00];
	_ =	sdelay $0x1  }
0x1e0: {  	v7 =	vld [tilespmem:s2+$0x100];
	_ =	sdelay $0x1  }
0x1e1: {  	v8 =	vld [tilespmem:s2+$0x180]  }
0x1e2: {  	v5 =	vadd.f32 v5, v6  }
0x1e3: {  	v6 =	vld [tilespmem:s2+$0x200]  }
0x1e4: {  	v5 =	vadd.f32 v7, v5  }
0x1e5: {  	v7 =	vld [tilespmem:s2+$0x280]  }
0x1e6: {  	v5 =	vadd.f32 v8, v5  }
0x1e7: {  	v8 =	vld [tilespmem:s2+$0x300]  }
0x1e8: {  	v5 =	vadd.f32 v6, v5  }
0x1e9: {  	v6 =	vld [tilespmem:s2+$0x380]  }
0x1ea: {  	v5 =	vadd.f32 v7, v5  }
0x1eb: {  	v7 =	vld [tilespmem:s20+$0x12E00]  }
0x1ec: {  	v5 =	vadd.f32 v8, v5  }
0x1ed: {  	v8 =	vld [tilespmem:s20+$0x12E80]  }
0x1ee: {  	v5 =	vadd.f32 v6, v5  }
0x1ef: {  	v6 =	vld [tilespmem:s20+$0x12F00]  }
0x1f0: {  	v5 =	vadd.f32 v7, v5  }
0x1f1: {  	v7 =	vld [tilespmem:s20+$0x12F80]  }
0x1f2: {  	v5 =	vadd.f32 v8, v5  }
0x1f3: {  	v8 =	vld [tilespmem:s20+$0x13000]  }
0x1f4: {  	v5 =	vadd.f32 v6, v5  }
0x1f5: {  	v6 =	vld [tilespmem:s20+$0x13080]  }
0x1f6: {  	v5 =	vadd.f32 v7, v5  }
0x1f7: {  	v7 =	vld [tilespmem:s20+$0x13100]  }
0x1f8: {  	v5 =	vadd.f32 v8, v5  }
0x1f9: {  	v8 =	vld [tilespmem:s20+$0x13180]  }
0x1fa: {  	v5 =	vadd.f32 v6, v5  }
.Ltmp12:
0x1fb: {  	(pc) =	sbr.rel @p2 .LBB2_22-.Ltmp12, $4  }
0x1fc: {  	v5 =	vadd.f32 v7, v5  }
0x1fd: {  	s24 =	sadd.s32 $0x80, s24  }
0x1fe: {  	s7 =	sand.u32 $0x1C00, s24;
	s2 =	sand.u32 $0x70, s11;
	v5 =	vadd.f32 v8, v5  }
0x1ff: {  	s18 =	sadd.s32 $0x10, s18;
	s11 =	sadd.s32 $0x10, s11;
	s20 =	sor.u32 s2, s7  }
0x200: {  	s2 =	sadd.s32 $0x11A00, s20;
	[tilespmem:s18+$0x0] =	vst v5  }
0x201: {  	v5 =	vld [tilespmem:s2+$0x80]  }
0x202: {  	v6 =	vld [tilespmem:s20+$0x11A00];
	_ =	sdelay $0x1  }
0x203: {  	v7 =	vld [tilespmem:s2+$0x100];
	_ =	sdelay $0x1  }
0x204: {  	v8 =	vld [tilespmem:s2+$0x180]  }
0x205: {  	v5 =	vadd.f32 v5, v6  }
0x206: {  	v6 =	vld [tilespmem:s2+$0x200]  }
0x207: {  	v5 =	vadd.f32 v7, v5  }
0x208: {  	v7 =	vld [tilespmem:s2+$0x280]  }
0x209: {  	v5 =	vadd.f32 v8, v5  }
0x20a: {  	v60 =	vld [tilespmem:s2+$0x300]  }
0x20b: {  	v5 =	vadd.f32 v6, v5  }
0x20c: {  	v6 =	vld [tilespmem:s2+$0x380]  }
0x20d: {  	v5 =	vadd.f32 v7, v5  }
0x20e: {  	v7 =	vld [tilespmem:s20+$0x12E00]  }
0x20f: {  	v5 =	vadd.f32 v60, v5  }
0x210: {  	v61 =	vld [tilespmem:s20+$0x12E80]  }
0x211: {  	v5 =	vadd.f32 v6, v5  }
0x212: {  	v6 =	vld [tilespmem:s20+$0x12F00]  }
0x213: {  	v5 =	vadd.f32 v7, v5  }
0x214: {  	v7 =	vld [tilespmem:s20+$0x12F80]  }
0x215: {  	v5 =	vadd.f32 v61, v5  }
0x216: {  	v62 =	vld [tilespmem:s20+$0x13000]  }
0x217: {  	v5 =	vadd.f32 v6, v5  }
0x218: {  	v6 =	vld [tilespmem:s20+$0x13080]  }
0x219: {  	v5 =	vadd.f32 v7, v5  }
0x21a: {  	v7 =	vld [tilespmem:s20+$0x13100]  }
0x21b: {  	v5 =	vadd.f32 v62, v5  }
0x21c: {  	v63 =	vld [tilespmem:s20+$0x13180]  }
0x21d: {  	v5 =	vadd.f32 v6, v5;
	_ =	sdelay $0x1  }
0x21e: {  	v5 =	vadd.f32 v7, v5;
	_ =	sdelay $0x1  }
0x21f: {  	v5 =	vadd.f32 v63, v5  }
0x220: {  	s30 =	sadd.s32 $0x10, s18  }
0x221: {  	s7 =	simm.s32 $0x0;
	[tilespmem:s30+$0x0] =	vst v5  }
0x222: {  	s2 =	simm.s32 $0x40;
	v5 =	vld [tilespmem:s7+$0xED00]  }
.LBB2_24:
0x223: {  	p2 =	sne.s32 s2, $0x9C0;
	v6 =	vld [tilespmem:s7+$0x11780];
	_ =	sdelay $0x1  }
0x224: {  	v7 =	vld [tilespmem:s7+$0x11500];
	_ =	sdelay $0x2  }
0x225: {  	v5 =	vadd.f32 v6, v5;
	_ =	sdelay $0x1  }
.Ltmp13:
0x226: {  	v5 =	vmul.f32 v5, v7;
	(pc) =	sbr.rel @p2 .LBB2_24-.Ltmp13, $4  }
0x227: {  	_ = 	snop  }
0x228: {  	v6 =	vmul.f32 v5, v7  }
0x229: {  	s11 =	sshra.s32 s2, $0x2  }
0x22a: {  	s2 =	sadd.s32 $0x40, s2;
	v5 =	vld [tilespmem:s11+$0xED00];
	[tilespmem:s7+$0x11780] =	vst v6;
	s7 =	smov.u32 s11  }
0x22b: {  	v6 =	vld [tilespmem:s7+$0x11780];
	_ =	sdelay $0x1  }
0x22c: {  	v7 =	vld [tilespmem:s7+$0x11500];
	_ =	sdelay $0x2  }
0x22d: {  	v5 =	vadd.f32 v6, v5;
	_ =	sdelay $0x1  }
0x22e: {  	v5 =	vmul.f32 v5, v7;
	_ =	sdelay $0x1  }
0x22f: {  	v5 =	vmul.f32 v5, v7;
	_ =	sdelay $0x1  }
0x230: {  	s2 =	rddreg [dreg:$0xd];
	s24 =	simm.s32 $0x11780;
	[tilespmem:s7+$0x11780] =	vst v5  }
0x231: {  	[spmem:s2] =	stream.linear.scatter [tilespmem:s24], [sflag:$0x1], $0x280, $0x38;
	[tilespmem:$0x1C020] =	vst v63  }
0x232: {  	_ =	swait.ge [sflag:s13], $0x280  }
0x233: {  	[sflag:s13] =	ssyncset.done $0x0  }
0x234: {  	[sflag:s13] =	ssyncadd.s32 $0xFFFFFD80  }
0x235: {  	[bflag:$0x0] =	sbarrier.arrive $0xFFFF  }
0x236: {  	s30 =	rddreg [dreg:$0x4]  }
0x237: {  	[tilespmem:s4], [sflag:$0x1] =	stream.linear.gather [spmem:s30], $0x2800, $0x38;
	[tilespmem:$0x1C020] =	vst v63  }
0x238: {  	_ =	swait.ge [sflag:s13], $0x2800  }
0x239: {  	[sflag:s13] =	ssyncset.done $0x0  }
0x23a: {  	s2 =	simm.s32 $0x0;
	[sflag:s13] =	ssyncadd.s32 $0xFFFFD800  }
.LBB2_26:
0x23b: {  	p2 =	sne.s32 s2, $0x9FC0  }
.Ltmp14:
0x23c: {  	_ = 	snop;
	(pc) =	sbr.rel @p2 .LBB2_26-.Ltmp14, $3  }
0x23d: {  	_ =	sdelay $0x1  }
0x23e: {  	s7 =	sshra.s32 s2, $0x2  }
0x23f: {  	s2 =	sadd.s32 $0x40, s2;
	[tilespmem:s7+$0xC500] =	vst v1  }
0x240: {  	s2 =	simm.s32 $0x20  }
0x241: {  	v6 =	vld [tilespmem:s2+$0x10]  }
0x242: {  	v7 =	vld [tilespmem:s2+$0xFFFFFFF0]  }
0x243: {  	v8 =	vld [tilespmem:s2+$0x0]  }
0x244: {  	v10 =	vld [tilespmem:s2+$0xFFFFFFE0];
	_ =	sdelay $0x1  }
0x245: {  	s11 =	simm.s32 $0x4EA0  }
0x246: {  	v11 =	vld [tilespmem:s11+$0x10]  }
0x247: {  	v5 =	vld [tilespmem:s11+$0xFFFFFFE0]  }
0x248: {  	v12 =	vld.idx.msk [tilespmem:v6+s4+$0x0], $0xffff  }
0x249: {  	v6 =	vld.idx.msk [tilespmem:v7+s4+$0x0], $0xffff  }
0x24a: {  	v9 =	vld.idx.msk [tilespmem:v8+s4+$0x0], $0xffff  }
0x24b: {  	v7 =	vld.idx.msk [tilespmem:v10+s4+$0x0], $0xffff  }
0x24c: {  	v8 =	vld [tilespmem:s11+$0xFFFFFFF0]  }
0x24d: {  	v10 =	vld [tilespmem:s11+$0x0];
	_ =	sdelay $0x1  }
0x24e: {  	s7 =	simm.s32 $0x0;
	s18 =	simm.s32 $0x60;
	[tilespmem:v11+s15+$0x0] =	vst.idx.add.f32.msk $0xffff, v12  }
.LBB2_28:
0x24f: {  	v11 =	vld [tilespmem:s18+$0x10];
	s7 =	sadd.s32 $0x40, s7;
	v12 =	vmov v9  }
0x250: {  	v9 =	vld [tilespmem:s18+$0xFFFFFFF0];
	p2 =	slt.u32 s7, $0x4DC0  }
0x251: {  	v13 =	vld [tilespmem:s18+$0x0];
	v14 =	vmov v10  }
0x252: {  	v10 =	vld [tilespmem:s18+$0xFFFFFFE0]  }
0x253: {  	[tilespmem:v5+s15+$0x0] =	vst.idx.add.f32.msk $0xffff, v7  }
0x254: {  	s11 =	sadd.s32 $0x40, s11;
	[tilespmem:v8+s15+$0x0] =	vst.idx.add.f32.msk $0xffff, v6  }
0x255: {  	v15 =	vld [tilespmem:s11+$0x10]  }
0x256: {  	v5 =	vld [tilespmem:s11+$0xFFFFFFE0]  }
0x257: {  	v11 =	vld.idx.msk [tilespmem:v11+s4+$0x0], $0xffff  }
0x258: {  	v6 =	vld.idx.msk [tilespmem:v9+s4+$0x0], $0xffff  }
0x259: {  	v9 =	vld.idx.msk [tilespmem:v13+s4+$0x0], $0xffff  }
.Ltmp15:
0x25a: {  	v7 =	vld.idx.msk [tilespmem:v10+s4+$0x0], $0xffff;
	(pc) =	sbr.rel @p2 .LBB2_28-.Ltmp15, $4  }
0x25b: {  	v8 =	vld [tilespmem:s11+$0xFFFFFFF0]  }
0x25c: {  	v10 =	vld [tilespmem:s11+$0x0]  }
0x25d: {  	s2 =	simm.s32 $0x4DF0;
	s12 =	simm.s32 $0x9C80;
	s20 =	simm.s32 $0x4E00;
	[tilespmem:v15+s15+$0x0] =	vst.idx.add.f32.msk $0xffff, v11  }
0x25e: {  	s18 =	sadd.s32 $0x40, s18;
	[tilespmem:v14+s15+$0x0] =	vst.idx.add.f32.msk $0xffff, v12  }
0x25f: {  	_ =	sdelay $0x3  }
0x260: {  	[tilespmem:v5+s15+$0x0] =	vst.idx.add.f32.msk $0xffff, v7  }
0x261: {  	[tilespmem:v8+s15+$0x0] =	vst.idx.add.f32.msk $0xffff, v6  }
0x262: {  	[tilespmem:v10+s15+$0x0] =	vst.idx.add.f32.msk $0xffff, v9  }
.LBB2_30:
0x263: {  	v5 =	vld [tilespmem:s20+$0x0];
	_ =	sdelay $0x4  }
0x264: {  	v6 =	vld [tilespmem:s12+$0x0];
	_ =	sdelay $0x1  }
0x265: {  	s2 =	sadd.s32 $0x10, s2  }
0x266: {  	p2 =	slt.u32 s2, $0x4E10;
	v5 =	vld.idx.msk [tilespmem:v5+s4+$0x0], $0xffff  }
.Ltmp16:
0x267: {  	_ = 	snop;
	(pc) =	sbr.rel @p2 .LBB2_30-.Ltmp16, $2  }
0x268: {  	_ =	sdelay $0x2  }
0x269: {  	s12 =	sadd.s32 $0x10, s12;
	s20 =	sadd.s32 $0x10, s20;
	[tilespmem:v6+s15+$0x0] =	vst.idx.add.f32.msk $0xffff, v5  }
0x26a: {  	[spmem:s10] =	stream.strided.scatter [tilespmem:s15], [sflag:$0x1], $0x2800, s19, s17, $0x38;
	[tilespmem:$0x1C020] =	vst v63  }
0x26b: {  	_ =	swait.ge [sflag:s13], $0x2800  }
0x26c: {  	[sflag:s13] =	ssyncset.done $0x0  }
0x26d: {  	[sflag:s13] =	ssyncadd.s32 $0xFFFFD800  }
0x26e: {  	s7 =	simm.s32 $0x1400;
	[bflag:$0x0] =	sbarrier.arrive $0xFFFF  }
0x26f: {  	s11 =	simm.s32 $0x14000;
	s12 =	simm.s32 $0x0;
	s2 =	rddreg [dreg:$0xb]  }
0x270: {  	[tilespmem:s9], [sflag:$0x1] =	stream.strided.gather [spmem:s2], $0x2800, s11, s7, $0x38;
	[tilespmem:$0x1C020] =	vst v63  }
0x271: {  	s18 =	sand.u32 $0x70, s12;
	s2 =	sand.u32 $0x1C00, s12;
	_ =	swait.ge [sflag:s13], $0x2800  }
0x272: {  	s2 =	sor.u32 s18, s2;
	[sflag:s13] =	ssyncset.done $0x0  }
0x273: {  	s7 =	sadd.s32 $0x11A00, s2;
	[sflag:s13] =	ssyncadd.s32 $0xFFFFD800  }
0x274: {  	v5 =	vld [tilespmem:s7+$0x80]  }
0x275: {  	v6 =	vld [tilespmem:s2+$0x11A00];
	_ =	sdelay $0x1  }
0x276: {  	v7 =	vld [tilespmem:s7+$0x100];
	_ =	sdelay $0x1  }
0x277: {  	v8 =	vld [tilespmem:s7+$0x180]  }
0x278: {  	v5 =	vadd.f32 v5, v6  }
0x279: {  	v6 =	vld [tilespmem:s7+$0x200]  }
0x27a: {  	v5 =	vadd.f32 v7, v5  }
0x27b: {  	v7 =	vld [tilespmem:s7+$0x280]  }
0x27c: {  	v5 =	vadd.f32 v8, v5  }
0x27d: {  	v60 =	vld [tilespmem:s7+$0x300]  }
0x27e: {  	v5 =	vadd.f32 v6, v5  }
0x27f: {  	v6 =	vld [tilespmem:s7+$0x380]  }
0x280: {  	v5 =	vadd.f32 v7, v5  }
0x281: {  	v7 =	vld [tilespmem:s2+$0x12E00]  }
0x282: {  	v5 =	vadd.f32 v60, v5  }
0x283: {  	v61 =	vld [tilespmem:s2+$0x12E80]  }
0x284: {  	v5 =	vadd.f32 v6, v5  }
0x285: {  	v6 =	vld [tilespmem:s2+$0x12F00]  }
0x286: {  	v5 =	vadd.f32 v7, v5  }
0x287: {  	v7 =	vld [tilespmem:s2+$0x12F80]  }
0x288: {  	v5 =	vadd.f32 v61, v5  }
0x289: {  	v62 =	vld [tilespmem:s2+$0x13000]  }
0x28a: {  	v5 =	vadd.f32 v6, v5  }
0x28b: {  	v6 =	vld [tilespmem:s2+$0x13080]  }
0x28c: {  	v5 =	vadd.f32 v7, v5  }
0x28d: {  	v7 =	vld [tilespmem:s2+$0x13100]  }
0x28e: {  	v5 =	vadd.f32 v62, v5  }
0x28f: {  	v63 =	vld [tilespmem:s2+$0x13180]  }
0x290: {  	v5 =	vadd.f32 v6, v5;
	_ =	sdelay $0x1  }
0x291: {  	v5 =	vadd.f32 v7, v5  }
0x292: {  	s20 =	simm.s32 $0x10;
	s24 =	simm.s32 $0x80  }
0x293: {  	s30 =	sand.u32 $0x1C00, s24;
	s2 =	sand.u32 $0x70, s20;
	v5 =	vadd.f32 v63, v5  }
0x294: {  	s11 =	simm.s32 $0x20;
	s18 =	simm.s32 $0xED00;
	s20 =	sor.u32 s2, s30  }
.LBB2_32:
0x295: {  	p2 =	sne.s32 s11, $0x270;
	s2 =	sadd.s32 $0x11A00, s20;
	[tilespmem:s18+$0x0] =	vst v5  }
0x296: {  	v5 =	vld [tilespmem:s2+$0x80]  }
0x297: {  	v6 =	vld [tilespmem:s20+$0x11A00];
	_ =	sdelay $0x1  }
0x298: {  	v7 =	vld [tilespmem:s2+$0x100];
	_ =	sdelay $0x1  }
0x299: {  	v8 =	vld [tilespmem:s2+$0x180]  }
0x29a: {  	v5 =	vadd.f32 v5, v6  }
0x29b: {  	v6 =	vld [tilespmem:s2+$0x200]  }
0x29c: {  	v5 =	vadd.f32 v7, v5  }
0x29d: {  	v7 =	vld [tilespmem:s2+$0x280]  }
0x29e: {  	v5 =	vadd.f32 v8, v5  }
0x29f: {  	v8 =	vld [tilespmem:s2+$0x300]  }
0x2a0: {  	v5 =	vadd.f32 v6, v5  }
0x2a1: {  	v6 =	vld [tilespmem:s2+$0x380]  }
0x2a2: {  	v5 =	vadd.f32 v7, v5  }
0x2a3: {  	v7 =	vld [tilespmem:s20+$0x12E00]  }
0x2a4: {  	v5 =	vadd.f32 v8, v5  }
0x2a5: {  	v8 =	vld [tilespmem:s20+$0x12E80]  }
0x2a6: {  	v5 =	vadd.f32 v6, v5  }
0x2a7: {  	v6 =	vld [tilespmem:s20+$0x12F00]  }
0x2a8: {  	v5 =	vadd.f32 v7, v5  }
0x2a9: {  	v7 =	vld [tilespmem:s20+$0x12F80]  }
0x2aa: {  	v5 =	vadd.f32 v8, v5  }
0x2ab: {  	v8 =	vld [tilespmem:s20+$0x13000]  }
0x2ac: {  	v5 =	vadd.f32 v6, v5  }
0x2ad: {  	v6 =	vld [tilespmem:s20+$0x13080]  }
0x2ae: {  	v5 =	vadd.f32 v7, v5  }
0x2af: {  	v7 =	vld [tilespmem:s20+$0x13100]  }
0x2b0: {  	v5 =	vadd.f32 v8, v5  }
0x2b1: {  	v8 =	vld [tilespmem:s20+$0x13180]  }
0x2b2: {  	v5 =	vadd.f32 v6, v5  }
.Ltmp17:
0x2b3: {  	(pc) =	sbr.rel @p2 .LBB2_32-.Ltmp17, $4  }
0x2b4: {  	v5 =	vadd.f32 v7, v5  }
0x2b5: {  	s24 =	sadd.s32 $0x80, s24  }
0x2b6: {  	s7 =	sand.u32 $0x1C00, s24;
	s2 =	sand.u32 $0x70, s11;
	v5 =	vadd.f32 v8, v5  }
0x2b7: {  	s18 =	sadd.s32 $0x10, s18;
	s11 =	sadd.s32 $0x10, s11;
	s20 =	sor.u32 s2, s7  }
0x2b8: {  	s2 =	sadd.s32 $0x11A00, s20;
	[tilespmem:s18+$0x0] =	vst v5  }
0x2b9: {  	v5 =	vld [tilespmem:s2+$0x80]  }
0x2ba: {  	v6 =	vld [tilespmem:s20+$0x11A00];
	_ =	sdelay $0x1  }
0x2bb: {  	v7 =	vld [tilespmem:s2+$0x100];
	_ =	sdelay $0x1  }
0x2bc: {  	v8 =	vld [tilespmem:s2+$0x180]  }
0x2bd: {  	v5 =	vadd.f32 v5, v6  }
0x2be: {  	v6 =	vld [tilespmem:s2+$0x200]  }
0x2bf: {  	v5 =	vadd.f32 v7, v5  }
0x2c0: {  	v7 =	vld [tilespmem:s2+$0x280]  }
0x2c1: {  	v5 =	vadd.f32 v8, v5  }
0x2c2: {  	v60 =	vld [tilespmem:s2+$0x300]  }
0x2c3: {  	v5 =	vadd.f32 v6, v5  }
0x2c4: {  	v6 =	vld [tilespmem:s2+$0x380]  }
0x2c5: {  	v5 =	vadd.f32 v7, v5  }
0x2c6: {  	v7 =	vld [tilespmem:s20+$0x12E00]  }
0x2c7: {  	v5 =	vadd.f32 v60, v5  }
0x2c8: {  	v61 =	vld [tilespmem:s20+$0x12E80]  }
0x2c9: {  	v5 =	vadd.f32 v6, v5  }
0x2ca: {  	v6 =	vld [tilespmem:s20+$0x12F00]  }
0x2cb: {  	v5 =	vadd.f32 v7, v5  }
0x2cc: {  	v7 =	vld [tilespmem:s20+$0x12F80]  }
0x2cd: {  	v5 =	vadd.f32 v61, v5  }
0x2ce: {  	v62 =	vld [tilespmem:s20+$0x13000]  }
0x2cf: {  	v5 =	vadd.f32 v6, v5  }
0x2d0: {  	v6 =	vld [tilespmem:s20+$0x13080]  }
0x2d1: {  	v5 =	vadd.f32 v7, v5  }
0x2d2: {  	v7 =	vld [tilespmem:s20+$0x13100]  }
0x2d3: {  	v5 =	vadd.f32 v62, v5  }
0x2d4: {  	v63 =	vld [tilespmem:s20+$0x13180]  }
0x2d5: {  	v5 =	vadd.f32 v6, v5;
	_ =	sdelay $0x1  }
0x2d6: {  	v5 =	vadd.f32 v7, v5;
	_ =	sdelay $0x1  }
0x2d7: {  	v5 =	vadd.f32 v63, v5  }
0x2d8: {  	s30 =	sadd.s32 $0x10, s18  }
0x2d9: {  	s2 =	simm.s32 $0x0;
	[tilespmem:s30+$0x0] =	vst v5  }
0x2da: {  	s7 =	simm.s32 $0x40;
	v5 =	vld [tilespmem:s2+$0xED00]  }
.LBB2_34:
0x2db: {  	p2 =	sne.s32 s7, $0x9C0;
	v6 =	vld [tilespmem:s2+$0x11780];
	_ =	sdelay $0x1  }
0x2dc: {  	v7 =	vld [tilespmem:s2+$0x11500];
	_ =	sdelay $0x2  }
.Ltmp18:
0x2dd: {  	v5 =	vadd.f32 v6, v5;
	(pc) =	sbr.rel @p2 .LBB2_34-.Ltmp18, $4  }
0x2de: {  	_ = 	snop  }
0x2df: {  	v6 =	vmul.f32 v5, v7  }
0x2e0: {  	s11 =	sshra.s32 s7, $0x2  }
0x2e1: {  	s7 =	sadd.s32 $0x40, s7;
	v5 =	vld [tilespmem:s11+$0xED00];
	[tilespmem:s2+$0x11780] =	vst v6;
	s2 =	smov.u32 s11  }
0x2e2: {  	v6 =	vld [tilespmem:s2+$0x11780];
	_ =	sdelay $0x1  }
0x2e3: {  	v7 =	vld [tilespmem:s2+$0x11500];
	_ =	sdelay $0x2  }
0x2e4: {  	v5 =	vadd.f32 v6, v5;
	_ =	sdelay $0x1  }
0x2e5: {  	v5 =	vmul.f32 v5, v7;
	_ =	sdelay $0x1  }
0x2e6: {  	s11 =	rddreg [dreg:$0xe];
	s7 =	simm.s32 $0x11780;
	[tilespmem:s2+$0x11780] =	vst v5  }
0x2e7: {  	[spmem:s11] =	stream.linear.scatter [tilespmem:s7], [sflag:$0x1], $0x280, $0x38;
	[tilespmem:$0x1C020] =	vst v63  }
0x2e8: {  	_ =	swait.ge [sflag:s13], $0x280  }
0x2e9: {  	[sflag:s13] =	ssyncset.done $0x0  }
0x2ea: {  	[sflag:s13] =	ssyncadd.s32 $0xFFFFFD80  }
0x2eb: {  	[bflag:$0x0] =	sbarrier.arrive $0xFFFF  }
0x2ec: {  	s20 =	simm.s32 $0x0;
	s12 =	rddreg [dreg:$0xf]  }
0x2ed: {  	[tilespmem:s20], [sflag:$0x1] =	stream.linear.gather [hbm4b:s12+s20], $0x190, $0x38;
	[tilespmem:$0x1C020] =	vst v63  }
0x2ee: {  	_ =	swait.ge [sflag:s13], $0x190  }
0x2ef: {  	[sflag:s13] =	ssyncset.done $0x0  }
0x2f0: {  	s24 =	simm.s32 $0x4E80;
	s18 =	rddreg [dreg:$0x10];
	[sflag:s13] =	ssyncadd.s32 $0xFFFFFE70  }
0x2f1: {  	[tilespmem:s24], [sflag:$0x1] =	stream.linear.gather [hbm4b:s18+s20], $0x190, $0x38;
	[tilespmem:$0x1C020] =	vst v63  }
0x2f2: {  	_ =	swait.ge [sflag:s13], $0x190  }
0x2f3: {  	[sflag:s13] =	ssyncset.done $0x0  }
0x2f4: {  	[sflag:s13] =	ssyncadd.s32 $0xFFFFFE70  }
0x2f5: {  	[tilespmem:$0xC500] =	vst v1  }
0x2f6: {  	[tilespmem:$0xC510] =	vst v1  }
0x2f7: {  	[tilespmem:$0xC520] =	vst v1  }
0x2f8: {  	[tilespmem:$0xC530] =	vst v1  }
0x2f9: {  	[tilespmem:$0xC540] =	vst v1  }
0x2fa: {  	[tilespmem:$0xC550] =	vst v1  }
0x2fb: {  	[tilespmem:$0xC560] =	vst v1  }
0x2fc: {  	[tilespmem:$0xC570] =	vst v1  }
0x2fd: {  	[tilespmem:$0xC580] =	vst v1  }
0x2fe: {  	[tilespmem:$0xC590] =	vst v1  }
0x2ff: {  	[tilespmem:$0xC5A0] =	vst v1  }
0x300: {  	[tilespmem:$0xC5B0] =	vst v1  }
0x301: {  	[tilespmem:$0xC5C0] =	vst v1  }
0x302: {  	[tilespmem:$0xC5D0] =	vst v1  }
0x303: {  	[tilespmem:$0xC5E0] =	vst v1  }
0x304: {  	[tilespmem:$0xC5F0] =	vst v1  }
0x305: {  	[tilespmem:$0xC600] =	vst v1  }
0x306: {  	[tilespmem:$0xC610] =	vst v1  }
0x307: {  	[tilespmem:$0xC620] =	vst v1  }
0x308: {  	[tilespmem:$0xC630] =	vst v1  }
0x309: {  	[tilespmem:$0xC640] =	vst v1  }
0x30a: {  	[tilespmem:$0xC650] =	vst v1  }
0x30b: {  	[tilespmem:$0xC660] =	vst v1  }
0x30c: {  	[tilespmem:$0xC670] =	vst v1  }
0x30d: {  	[tilespmem:$0xC680] =	vst v1  }
0x30e: {  	[tilespmem:$0xC690] =	vst v1  }
0x30f: {  	[tilespmem:$0xC6A0] =	vst v1  }
0x310: {  	[tilespmem:$0xC6B0] =	vst v1  }
0x311: {  	[tilespmem:$0xC6C0] =	vst v1  }
0x312: {  	[tilespmem:$0xC6D0] =	vst v1  }
0x313: {  	[tilespmem:$0xC6E0] =	vst v1  }
0x314: {  	[tilespmem:$0xC6F0] =	vst v1  }
0x315: {  	[tilespmem:$0xED00] =	vst v1  }
0x316: {  	[tilespmem:$0xED10] =	vst v1  }
0x317: {  	[tilespmem:$0xED20] =	vst v1  }
0x318: {  	[tilespmem:$0xED30] =	vst v1  }
0x319: {  	[tilespmem:$0xED40] =	vst v1  }
0x31a: {  	[tilespmem:$0xED50] =	vst v1  }
0x31b: {  	[tilespmem:$0xED60] =	vst v1  }
0x31c: {  	[tilespmem:$0xED70] =	vst v1  }
0x31d: {  	[tilespmem:$0xED80] =	vst v1  }
0x31e: {  	[tilespmem:$0xED90] =	vst v1  }
0x31f: {  	[tilespmem:$0xEDA0] =	vst v1  }
0x320: {  	[tilespmem:$0xEDB0] =	vst v1  }
0x321: {  	[tilespmem:$0xEDC0] =	vst v1  }
0x322: {  	[tilespmem:$0xEDD0] =	vst v1  }
0x323: {  	[tilespmem:$0xEDE0] =	vst v1  }
0x324: {  	[tilespmem:$0xEDF0] =	vst v1  }
0x325: {  	[tilespmem:$0xEE00] =	vst v1  }
0x326: {  	[tilespmem:$0xEE10] =	vst v1  }
0x327: {  	[tilespmem:$0xEE20] =	vst v1  }
0x328: {  	[tilespmem:$0xEE30] =	vst v1  }
0x329: {  	[tilespmem:$0xEE40] =	vst v1  }
0x32a: {  	[tilespmem:$0xEE50] =	vst v1  }
0x32b: {  	[tilespmem:$0xEE60] =	vst v1  }
0x32c: {  	[tilespmem:$0xEE70] =	vst v1  }
0x32d: {  	[tilespmem:$0xEE80] =	vst v1  }
0x32e: {  	[tilespmem:$0xEE90] =	vst v1  }
0x32f: {  	[tilespmem:$0xEEA0] =	vst v1  }
0x330: {  	[tilespmem:$0xEEB0] =	vst v1  }
0x331: {  	[tilespmem:$0xEEC0] =	vst v1  }
0x332: {  	[tilespmem:$0xEED0] =	vst v1  }
0x333: {  	[tilespmem:$0xEEE0] =	vst v1  }
0x334: {  	s30 =	simm.s32 $0x20;
	[tilespmem:$0xEEF0] =	vst v1  }
0x335: {  	v6 =	vld [tilespmem:s30+$0x10]  }
0x336: {  	v8 =	vld [tilespmem:s30+$0xFFFFFFF0]  }
0x337: {  	v10 =	vld [tilespmem:s30+$0x0]  }
0x338: {  	s11 =	simm.s32 $0x4EA0;
	v12 =	vld [tilespmem:s30+$0xFFFFFFE0]  }
0x339: {  	v7 =	vld [tilespmem:s11+$0x10]  }
0x33a: {  	v9 =	vld [tilespmem:s11+$0xFFFFFFF0]  }
0x33b: {  	v11 =	vld [tilespmem:s11+$0x0]  }
0x33c: {  	v5 =	vld [tilespmem:s11+$0xFFFFFFE0]  }
0x33d: {  	[tilespmem:v6+s15+$0x0] =	vst.idx.add.f32.msk $0xffff, v2  }
0x33e: {  	[tilespmem:v8+s15+$0x0] =	vst.idx.add.f32.msk $0xffff, v2  }
0x33f: {  	[tilespmem:v10+s15+$0x0] =	vst.idx.add.f32.msk $0xffff, v2  }
0x340: {  	[tilespmem:v12+s15+$0x0] =	vst.idx.add.f32.msk $0xffff, v2  }
0x341: {  	[tilespmem:v7+s16+$0x0] =	vst.idx.add.f32.msk $0xffff, v2  }
0x342: {  	[tilespmem:v9+s16+$0x0] =	vst.idx.add.f32.msk $0xffff, v2  }
0x343: {  	[tilespmem:v11+s16+$0x0] =	vst.idx.add.f32.msk $0xffff, v2  }
0x344: {  	s7 =	simm.s32 $0x0;
	s12 =	simm.s32 $0x60;
	s24 =	rddreg [dreg:$0x18]  }
.LBB2_36:
0x345: {  	v6 =	vld [tilespmem:s12+$0x10];
	s11 =	sadd.s32 $0x40, s11  }
0x346: {  	s7 =	sadd.s32 $0x40, s7;
	v7 =	vld [tilespmem:s11+$0x10]  }
0x347: {  	p2 =	slt.u32 s7, $0x140;
	v8 =	vld [tilespmem:s11+$0xFFFFFFE0]  }
0x348: {  	v9 =	vld [tilespmem:s12+$0xFFFFFFF0]  }
0x349: {  	v10 =	vld [tilespmem:s11+$0xFFFFFFF0]  }
0x34a: {  	v11 =	vld [tilespmem:s12+$0x0]  }
0x34b: {  	v12 =	vld [tilespmem:s11+$0x0]  }
0x34c: {  	v13 =	vld [tilespmem:s12+$0xFFFFFFE0]  }
0x34d: {  	[tilespmem:v6+s15+$0x0] =	vst.idx.add.f32.msk $0xffff, v2  }
0x34e: {  	[tilespmem:v7+s16+$0x0] =	vst.idx.add.f32.msk $0xffff, v2  }
0x34f: {  	[tilespmem:v5+s16+$0x0] =	vst.idx.add.f32.msk $0xffff, v2;
	v5 =	vmov v8  }
.Ltmp19:
0x350: {  	[tilespmem:v9+s15+$0x0] =	vst.idx.add.f32.msk $0xffff, v2;
	(pc) =	sbr.rel @p2 .LBB2_36-.Ltmp19, $4  }
0x351: {  	[tilespmem:v10+s16+$0x0] =	vst.idx.add.f32.msk $0xffff, v2  }
0x352: {  	[tilespmem:v11+s15+$0x0] =	vst.idx.add.f32.msk $0xffff, v2  }
0x353: {  	[tilespmem:v12+s16+$0x0] =	vst.idx.add.f32.msk $0xffff, v2  }
0x354: {  	s12 =	sadd.s32 $0x40, s12;
	[tilespmem:v13+s15+$0x0] =	vst.idx.add.f32.msk $0xffff, v2  }
0x355: {  	_ =	sdelay $0x3  }
0x356: {  	[tilespmem:v5+s16+$0x0] =	vst.idx.add.f32.msk $0xffff, v2  }
0x357: {  	v5 =	vld [tilespmem:$0x180]  }
0x358: {  	v6 =	vld [tilespmem:$0x5000];
	_ =	sdelay $0x6  }
0x359: {  	[tilespmem:v5+s15+$0x0] =	vst.idx.add.f32.msk $0xffff, v2  }
0x35a: {  	[tilespmem:v6+s16+$0x0] =	vst.idx.add.f32.msk $0xffff, v2  }
0x35b: {  	[spmem:s10] =	stream.strided.scatter [tilespmem:s15], [sflag:$0x1], $0x200, s19, s17, $0x38;
	[tilespmem:$0x1C020] =	vst v63  }
0x35c: {  	_ =	swait.ge [sflag:s13], $0x200  }
0x35d: {  	[sflag:s13] =	ssyncset.done $0x0  }
0x35e: {  	s2 =	rddreg [dreg:$0xa];
	[sflag:s13] =	ssyncadd.s32 $0xFFFFFE00  }
0x35f: {  	[spmem:s2] =	stream.strided.scatter [tilespmem:s16], [sflag:$0x1], $0x200, s19, s17, $0x38;
	[tilespmem:$0x1C020] =	vst v63  }
0x360: {  	_ =	swait.ge [sflag:s13], $0x200  }
0x361: {  	[sflag:s13] =	ssyncset.done $0x0  }
0x362: {  	[sflag:s13] =	ssyncadd.s32 $0xFFFFFE00  }
0x363: {  	[bflag:$0x0] =	sbarrier.arrive $0xFFFF  }
0x364: {  	s12 =	rddreg [dreg:$0x2]  }
0x365: {  	[tilespmem:s9], [sflag:$0x1] =	stream.linear.gather [spmem:s12], $0x1000, $0x38;
	[tilespmem:$0x1C020] =	vst v63  }
0x366: {  	s7 =	simm.s32 $0x12E00  }
0x367: {  	[tilespmem:s7], [sflag:$0x1] =	stream.linear.gather [spmem:s24], $0x1000, $0x38;
	[tilespmem:$0x1C020] =	vst v63  }
0x368: {  	_ =	swait.ge [sflag:s13], $0x2000  }
0x369: {  	[sflag:s13] =	ssyncset.done $0x0  }
0x36a: {  	[sflag:s13] =	ssyncadd.s32 $0xFFFFE000  }
0x36b: {  	v5 =	vld [tilespmem:s25+$0x11A00]  }
0x36c: {  	v6 =	vld [tilespmem:s31+$0x80];
	_ =	sdelay $0x1  }
0x36d: {  	v7 =	vld [tilespmem:s31+$0x100];
	_ =	sdelay $0x1  }
0x36e: {  	v8 =	vld [tilespmem:s31+$0x180]  }
0x36f: {  	v5 =	vadd.f32 v6, v5  }
0x370: {  	v6 =	vld [tilespmem:s31+$0x200]  }
0x371: {  	v5 =	vadd.f32 v7, v5  }
0x372: {  	v7 =	vld [tilespmem:s31+$0x280]  }
0x373: {  	v5 =	vadd.f32 v8, v5  }
0x374: {  	v8 =	vld [tilespmem:s31+$0x300]  }
0x375: {  	v5 =	vadd.f32 v6, v5  }
0x376: {  	v6 =	vld [tilespmem:s26+$0x11A00]  }
0x377: {  	v5 =	vadd.f32 v7, v5  }
0x378: {  	v7 =	vld [tilespmem:s25+$0x12E00]  }
0x379: {  	v5 =	vadd.f32 v8, v5  }
0x37a: {  	v8 =	vld [tilespmem:s25+$0x12E80]  }
0x37b: {  	v5 =	vadd.f32 v6, v5  }
0x37c: {  	v6 =	vld [tilespmem:s25+$0x12F00]  }
0x37d: {  	v5 =	vadd.f32 v7, v5  }
0x37e: {  	v7 =	vld [tilespmem:s25+$0x12F80]  }
0x37f: {  	v5 =	vadd.f32 v8, v5  }
0x380: {  	v8 =	vld [tilespmem:s1+$0x0]  }
0x381: {  	v5 =	vadd.f32 v6, v5  }
0x382: {  	v6 =	vld [tilespmem:s6+$0x0]  }
0x383: {  	v5 =	vadd.f32 v7, v5  }
0x384: {  	v7 =	vld [tilespmem:s0+$0x0]  }
0x385: {  	v5 =	vadd.f32 v8, v5  }
0x386: {  	v8 =	vld [tilespmem:s5+$0x0]  }
0x387: {  	v5 =	vadd.f32 v6, v5;
	_ =	sdelay $0x1  }
0x388: {  	v5 =	vadd.f32 v7, v5;
	_ =	sdelay $0x1  }
0x389: {  	v5 =	vadd.f32 v8, v5;
	_ =	sdelay $0x1  }
0x38a: {  	[tilespmem:$0x9D00] =	vst v5  }
0x38b: {  	v5 =	vld [tilespmem:s28+$0x11A00]  }
0x38c: {  	v6 =	vld [tilespmem:s21+$0x80];
	_ =	sdelay $0x1  }
0x38d: {  	v7 =	vld [tilespmem:s21+$0x100];
	_ =	sdelay $0x1  }
0x38e: {  	v8 =	vld [tilespmem:s21+$0x180]  }
0x38f: {  	v5 =	vadd.f32 v6, v5  }
0x390: {  	v6 =	vld [tilespmem:s21+$0x200]  }
0x391: {  	v5 =	vadd.f32 v7, v5  }
0x392: {  	v7 =	vld [tilespmem:s21+$0x280]  }
0x393: {  	v5 =	vadd.f32 v8, v5  }
0x394: {  	v8 =	vld [tilespmem:s21+$0x300]  }
0x395: {  	v5 =	vadd.f32 v6, v5  }
0x396: {  	v6 =	vld [tilespmem:s29+$0x11A00]  }
0x397: {  	v5 =	vadd.f32 v7, v5  }
0x398: {  	v7 =	vld [tilespmem:s28+$0x12E00]  }
0x399: {  	v5 =	vadd.f32 v8, v5  }
0x39a: {  	v8 =	vld [tilespmem:s28+$0x12E80]  }
0x39b: {  	v5 =	vadd.f32 v6, v5  }
0x39c: {  	v6 =	vld [tilespmem:s28+$0x12F00]  }
0x39d: {  	v5 =	vadd.f32 v7, v5  }
0x39e: {  	v7 =	vld [tilespmem:s28+$0x12F80]  }
0x39f: {  	v5 =	vadd.f32 v8, v5  }
0x3a0: {  	v8 =	vld [tilespmem:s22+$0x0]  }
0x3a1: {  	v5 =	vadd.f32 v6, v5  }
0x3a2: {  	v6 =	vld [tilespmem:s23+$0x0]  }
0x3a3: {  	v5 =	vadd.f32 v7, v5  }
0x3a4: {  	v7 =	vld [tilespmem:s3+$0x0]  }
0x3a5: {  	v5 =	vadd.f32 v8, v5  }
0x3a6: {  	v8 =	vld [tilespmem:s8+$0x0]  }
0x3a7: {  	v5 =	vadd.f32 v6, v5;
	_ =	sdelay $0x1  }
0x3a8: {  	v5 =	vadd.f32 v7, v5;
	_ =	sdelay $0x1  }
0x3a9: {  	v5 =	vadd.f32 v8, v5;
	_ =	sdelay $0x1  }
0x3aa: {  	s11 =	rddreg [dreg:$0x3];
	[tilespmem:$0x9D10] =	vst v5  }
0x3ab: {  	[tilespmem:s9], [sflag:$0x1] =	stream.linear.gather [spmem:s11], $0x1000, $0x38;
	[tilespmem:$0x1C020] =	vst v63  }
0x3ac: {  	s18 =	rddreg [dreg:$0x19]  }
0x3ad: {  	[tilespmem:s7], [sflag:$0x1] =	stream.linear.gather [spmem:s18], $0x1000, $0x38;
	[tilespmem:$0x1C020] =	vst v63  }
0x3ae: {  	_ =	swait.ge [sflag:s13], $0x2000  }
0x3af: {  	[sflag:s13] =	ssyncset.done $0x0  }
0x3b0: {  	[sflag:s13] =	ssyncadd.s32 $0xFFFFE000  }
0x3b1: {  	v5 =	vld [tilespmem:s25+$0x11A00]  }
0x3b2: {  	v6 =	vld [tilespmem:s31+$0x80];
	_ =	sdelay $0x1  }
0x3b3: {  	v7 =	vld [tilespmem:s31+$0x100];
	_ =	sdelay $0x1  }
0x3b4: {  	v8 =	vld [tilespmem:s31+$0x180]  }
0x3b5: {  	v5 =	vadd.f32 v6, v5  }
0x3b6: {  	v6 =	vld [tilespmem:s31+$0x200]  }
0x3b7: {  	v5 =	vadd.f32 v7, v5  }
0x3b8: {  	v7 =	vld [tilespmem:s31+$0x280]  }
0x3b9: {  	v5 =	vadd.f32 v8, v5  }
0x3ba: {  	v8 =	vld [tilespmem:s31+$0x300]  }
0x3bb: {  	v5 =	vadd.f32 v6, v5  }
0x3bc: {  	v6 =	vld [tilespmem:s26+$0x11A00]  }
0x3bd: {  	v5 =	vadd.f32 v7, v5  }
0x3be: {  	v7 =	vld [tilespmem:s25+$0x12E00]  }
0x3bf: {  	v5 =	vadd.f32 v8, v5  }
0x3c0: {  	v8 =	vld [tilespmem:s25+$0x12E80]  }
0x3c1: {  	v5 =	vadd.f32 v6, v5  }
0x3c2: {  	v6 =	vld [tilespmem:s25+$0x12F00]  }
0x3c3: {  	v5 =	vadd.f32 v7, v5  }
0x3c4: {  	v7 =	vld [tilespmem:s25+$0x12F80]  }
0x3c5: {  	v5 =	vadd.f32 v8, v5  }
0x3c6: {  	v8 =	vld [tilespmem:s1+$0x0]  }
0x3c7: {  	v5 =	vadd.f32 v6, v5  }
0x3c8: {  	v6 =	vld [tilespmem:s6+$0x0]  }
0x3c9: {  	v5 =	vadd.f32 v7, v5  }
0x3ca: {  	v7 =	vld [tilespmem:s0+$0x0]  }
0x3cb: {  	v5 =	vadd.f32 v8, v5  }
0x3cc: {  	v8 =	vld [tilespmem:s5+$0x0]  }
0x3cd: {  	v5 =	vadd.f32 v6, v5;
	_ =	sdelay $0x1  }
0x3ce: {  	v5 =	vadd.f32 v7, v5;
	_ =	sdelay $0x1  }
0x3cf: {  	v5 =	vadd.f32 v8, v5;
	_ =	sdelay $0x1  }
0x3d0: {  	[tilespmem:$0x11780] =	vst v5  }
0x3d1: {  	v6 =	vld [tilespmem:s28+$0x11A00]  }
0x3d2: {  	v7 =	vld [tilespmem:s21+$0x80];
	_ =	sdelay $0x1  }
0x3d3: {  	v8 =	vld [tilespmem:s21+$0x100];
	_ =	sdelay $0x1  }
0x3d4: {  	v9 =	vld [tilespmem:s21+$0x180]  }
0x3d5: {  	v6 =	vadd.f32 v7, v6  }
0x3d6: {  	v7 =	vld [tilespmem:s21+$0x200]  }
0x3d7: {  	v6 =	vadd.f32 v8, v6  }
0x3d8: {  	v8 =	vld [tilespmem:s21+$0x280]  }
0x3d9: {  	v6 =	vadd.f32 v9, v6  }
0x3da: {  	v9 =	vld [tilespmem:s21+$0x300]  }
0x3db: {  	v6 =	vadd.f32 v7, v6  }
0x3dc: {  	v7 =	vld [tilespmem:s29+$0x11A00]  }
0x3dd: {  	v6 =	vadd.f32 v8, v6  }
0x3de: {  	v8 =	vld [tilespmem:s28+$0x12E00]  }
0x3df: {  	v6 =	vadd.f32 v9, v6  }
0x3e0: {  	v9 =	vld [tilespmem:s28+$0x12E80]  }
0x3e1: {  	v6 =	vadd.f32 v7, v6  }
0x3e2: {  	v7 =	vld [tilespmem:s28+$0x12F00]  }
0x3e3: {  	v6 =	vadd.f32 v8, v6  }
0x3e4: {  	v8 =	vld [tilespmem:s28+$0x12F80]  }
0x3e5: {  	v6 =	vadd.f32 v9, v6  }
0x3e6: {  	v9 =	vld [tilespmem:s22+$0x0]  }
0x3e7: {  	v6 =	vadd.f32 v7, v6  }
0x3e8: {  	v7 =	vld [tilespmem:s23+$0x0]  }
0x3e9: {  	v6 =	vadd.f32 v8, v6  }
0x3ea: {  	v8 =	vld [tilespmem:s3+$0x0]  }
0x3eb: {  	v6 =	vadd.f32 v9, v6  }
0x3ec: {  	v9 =	vld [tilespmem:s8+$0x0]  }
0x3ed: {  	v6 =	vadd.f32 v7, v6;
	_ =	sdelay $0x1  }
0x3ee: {  	v6 =	vadd.f32 v8, v6;
	_ =	sdelay $0x1  }
0x3ef: {  	v6 =	vadd.f32 v9, v6;
	_ =	sdelay $0x1  }
0x3f0: {  	[tilespmem:$0x11790] =	vst v6  }
0x3f1: {  	v6 =	vld [tilespmem:$0x11790];
	_ =	sdelay $0x2  }
0x3f2: {  	v5 =	vadd.f32 $1.000000000e+00, v5;
	_ =	sdelay $0x1  }
0x3f3: {  	v7 =	vshra.s32 v5, $0x1;
	v5 =	vmul.f32 $5.000000000e-01, v5;
	v6 =	vadd.f32 $1.000000000e+00, v6  }
0x3f4: {  	v7 =	vsub.s32 $0x5F3759DF, v7  }
0x3f5: {  	v8 =	vmul.f32 v7, v5;
	v9 =	vshra.s32 v6, $0x1;
	v6 =	vmul.f32 $5.000000000e-01, v6  }
0x3f6: {  	v9 =	vsub.s32 $0x5F3759DF, v9  }
0x3f7: {  	v8 =	vmul.f32 v7, v8;
	v10 =	vmul.f32 v9, v6;
	_ =	sdelay $0x1  }
0x3f8: {  	v8 =	vsub.f32 $1.500000000e+00, v8;
	v10 =	vmul.f32 v9, v10;
	_ =	sdelay $0x1  }
0x3f9: {  	v7 =	vmul.f32 v7, v8;
	v8 =	vsub.f32 $1.500000000e+00, v10;
	_ =	sdelay $0x1  }
0x3fa: {  	v10 =	vmul.f32 v7, v5;
	v8 =	vmul.f32 v9, v8;
	_ =	sdelay $0x1  }
0x3fb: {  	v9 =	vmul.f32 v10, v7;
	v10 =	vmul.f32 v8, v6;
	_ =	sdelay $0x1  }
0x3fc: {  	v9 =	vsub.f32 $1.500000000e+00, v9;
	v10 =	vmul.f32 v10, v8;
	_ =	sdelay $0x1  }
0x3fd: {  	v7 =	vmul.f32 v9, v7;
	v9 =	vsub.f32 $1.500000000e+00, v10;
	_ =	sdelay $0x1  }
0x3fe: {  	v5 =	vmul.f32 v7, v5;
	v8 =	vmul.f32 v9, v8;
	_ =	sdelay $0x1  }
0x3ff: {  	v5 =	vmul.f32 v5, v7;
	v6 =	vmul.f32 v8, v6  }
0x400: {  	v9 =	vld [tilespmem:$0x9D00]  }
0x401: {  	v5 =	vsub.f32 $1.500000000e+00, v5;
	v6 =	vmul.f32 v6, v8  }
0x402: {  	v10 =	vld [tilespmem:$0x9D10]  }
0x403: {  	v5 =	vmul.f32 v5, v7;
	v6 =	vsub.f32 $1.500000000e+00, v6;
	_ =	sdelay $0x1  }
0x404: {  	v7 =	vmul.f32 v5, v9;
	v6 =	vmul.f32 v6, v8  }
0x405: {  	[tilespmem:$0x11500] =	vst v5  }
0x406: {  	[tilespmem:$0x11780] =	vst v7;
	v5 =	vmul.f32 v6, v10  }
0x407: {  	[tilespmem:$0x11510] =	vst v6  }
0x408: {  	s18 =	simm.s32 $0x11780;
	s11 =	rddreg [dreg:$0x11];
	[tilespmem:$0x11790] =	vst v5  }
0x409: {  	[spmem:s11] =	stream.linear.scatter [tilespmem:s18], [sflag:$0x1], $0x20, $0x38;
	[tilespmem:$0x1C020] =	vst v63  }
0x40a: {  	_ =	swait.ge [sflag:s13], $0x20  }
0x40b: {  	[sflag:s13] =	ssyncset.done $0x0  }
0x40c: {  	[sflag:s13] =	ssyncadd.s32 $0xFFFFFFE0  }
0x40d: {  	[bflag:$0x0] =	sbarrier.arrive $0xFFFF  }
0x40e: {  	s11 =	rddreg [dreg:$0x4]  }
0x40f: {  	[tilespmem:s4], [sflag:$0x1] =	stream.linear.gather [spmem:s11], $0x200, $0x38;
	[tilespmem:$0x1C020] =	vst v63  }
0x410: {  	_ =	swait.ge [sflag:s13], $0x200  }
0x411: {  	[sflag:s13] =	ssyncset.done $0x0  }
0x412: {  	[sflag:s13] =	ssyncadd.s32 $0xFFFFFE00  }
0x413: {  	[tilespmem:$0xC500] =	vst v1  }
0x414: {  	[tilespmem:$0xC510] =	vst v1  }
0x415: {  	[tilespmem:$0xC520] =	vst v1  }
0x416: {  	[tilespmem:$0xC530] =	vst v1  }
0x417: {  	[tilespmem:$0xC540] =	vst v1  }
0x418: {  	[tilespmem:$0xC550] =	vst v1  }
0x419: {  	[tilespmem:$0xC560] =	vst v1  }
0x41a: {  	[tilespmem:$0xC570] =	vst v1  }
0x41b: {  	[tilespmem:$0xC580] =	vst v1  }
0x41c: {  	[tilespmem:$0xC590] =	vst v1  }
0x41d: {  	[tilespmem:$0xC5A0] =	vst v1  }
0x41e: {  	[tilespmem:$0xC5B0] =	vst v1  }
0x41f: {  	[tilespmem:$0xC5C0] =	vst v1  }
0x420: {  	[tilespmem:$0xC5D0] =	vst v1  }
0x421: {  	[tilespmem:$0xC5E0] =	vst v1  }
0x422: {  	[tilespmem:$0xC5F0] =	vst v1  }
0x423: {  	[tilespmem:$0xC600] =	vst v1  }
0x424: {  	[tilespmem:$0xC610] =	vst v1  }
0x425: {  	[tilespmem:$0xC620] =	vst v1  }
0x426: {  	[tilespmem:$0xC630] =	vst v1  }
0x427: {  	[tilespmem:$0xC640] =	vst v1  }
0x428: {  	[tilespmem:$0xC650] =	vst v1  }
0x429: {  	[tilespmem:$0xC660] =	vst v1  }
0x42a: {  	[tilespmem:$0xC670] =	vst v1  }
0x42b: {  	[tilespmem:$0xC680] =	vst v1  }
0x42c: {  	[tilespmem:$0xC690] =	vst v1  }
0x42d: {  	[tilespmem:$0xC6A0] =	vst v1  }
0x42e: {  	[tilespmem:$0xC6B0] =	vst v1  }
0x42f: {  	[tilespmem:$0xC6C0] =	vst v1  }
0x430: {  	[tilespmem:$0xC6D0] =	vst v1  }
0x431: {  	[tilespmem:$0xC6E0] =	vst v1  }
0x432: {  	s18 =	simm.s32 $0x20;
	[tilespmem:$0xC6F0] =	vst v1  }
0x433: {  	v6 =	vld [tilespmem:s18+$0x10]  }
0x434: {  	v7 =	vld [tilespmem:s18+$0xFFFFFFF0]  }
0x435: {  	v8 =	vld [tilespmem:s18+$0x0]  }
0x436: {  	v10 =	vld [tilespmem:s18+$0xFFFFFFE0];
	_ =	sdelay $0x1  }
0x437: {  	s11 =	simm.s32 $0x4EA0  }
0x438: {  	v11 =	vld [tilespmem:s11+$0x10]  }
0x439: {  	v5 =	vld [tilespmem:s11+$0xFFFFFFE0]  }
0x43a: {  	v12 =	vld.idx.msk [tilespmem:v6+s4+$0x0], $0xffff  }
0x43b: {  	v6 =	vld.idx.msk [tilespmem:v7+s4+$0x0], $0xffff  }
0x43c: {  	v9 =	vld.idx.msk [tilespmem:v8+s4+$0x0], $0xffff  }
0x43d: {  	v7 =	vld.idx.msk [tilespmem:v10+s4+$0x0], $0xffff  }
0x43e: {  	v8 =	vld [tilespmem:s11+$0xFFFFFFF0]  }
0x43f: {  	v10 =	vld [tilespmem:s11+$0x0];
	_ =	sdelay $0x1  }
0x440: {  	s30 =	simm.s32 $0x12E00;
	s7 =	simm.s32 $0x0;
	s18 =	simm.s32 $0x60;
	[tilespmem:v11+s15+$0x0] =	vst.idx.add.f32.msk $0xffff, v12  }
.LBB2_38:
0x441: {  	v11 =	vld [tilespmem:s18+$0x10];
	s7 =	sadd.s32 $0x40, s7;
	v12 =	vmov v9  }
0x442: {  	v9 =	vld [tilespmem:s18+$0xFFFFFFF0];
	p2 =	slt.u32 s7, $0x140  }
0x443: {  	v13 =	vld [tilespmem:s18+$0x0];
	v14 =	vmov v10  }
0x444: {  	v10 =	vld [tilespmem:s18+$0xFFFFFFE0]  }
0x445: {  	[tilespmem:v5+s15+$0x0] =	vst.idx.add.f32.msk $0xffff, v7  }
0x446: {  	s11 =	sadd.s32 $0x40, s11;
	[tilespmem:v8+s15+$0x0] =	vst.idx.add.f32.msk $0xffff, v6  }
0x447: {  	v15 =	vld [tilespmem:s11+$0x10]  }
0x448: {  	v5 =	vld [tilespmem:s11+$0xFFFFFFE0]  }
0x449: {  	v11 =	vld.idx.msk [tilespmem:v11+s4+$0x0], $0xffff  }
0x44a: {  	v6 =	vld.idx.msk [tilespmem:v9+s4+$0x0], $0xffff  }
0x44b: {  	v9 =	vld.idx.msk [tilespmem:v13+s4+$0x0], $0xffff  }
.Ltmp20:
0x44c: {  	v7 =	vld.idx.msk [tilespmem:v10+s4+$0x0], $0xffff;
	(pc) =	sbr.rel @p2 .LBB2_38-.Ltmp20, $4  }
0x44d: {  	v8 =	vld [tilespmem:s11+$0xFFFFFFF0]  }
0x44e: {  	v10 =	vld [tilespmem:s11+$0x0]  }
0x44f: {  	[tilespmem:v15+s15+$0x0] =	vst.idx.add.f32.msk $0xffff, v11  }
0x450: {  	s18 =	sadd.s32 $0x40, s18;
	[tilespmem:v14+s15+$0x0] =	vst.idx.add.f32.msk $0xffff, v12  }
0x451: {  	_ =	sdelay $0x3  }
0x452: {  	[tilespmem:v5+s15+$0x0] =	vst.idx.add.f32.msk $0xffff, v7  }
0x453: {  	[tilespmem:v8+s15+$0x0] =	vst.idx.add.f32.msk $0xffff, v6  }
0x454: {  	[tilespmem:v10+s15+$0x0] =	vst.idx.add.f32.msk $0xffff, v9  }
0x455: {  	v5 =	vld [tilespmem:$0x180];
	_ =	sdelay $0x4  }
0x456: {  	v6 =	vld [tilespmem:$0x5000];
	_ =	sdelay $0x2  }
0x457: {  	v5 =	vld.idx.msk [tilespmem:v5+s4+$0x0], $0xffff;
	_ =	sdelay $0x4  }
0x458: {  	[tilespmem:v6+s15+$0x0] =	vst.idx.add.f32.msk $0xffff, v5  }
0x459: {  	[spmem:s10] =	stream.strided.scatter [tilespmem:s15], [sflag:$0x1], $0x200, s19, s17, $0x38;
	[tilespmem:$0x1C020] =	vst v63  }
0x45a: {  	_ =	swait.ge [sflag:s13], $0x200  }
0x45b: {  	[sflag:s13] =	ssyncset.done $0x0  }
0x45c: {  	[sflag:s13] =	ssyncadd.s32 $0xFFFFFE00  }
0x45d: {  	[bflag:$0x0] =	sbarrier.arrive $0xFFFF  }
0x45e: {  	[tilespmem:s9], [sflag:$0x1] =	stream.linear.gather [spmem:s12], $0x1000, $0x38;
	[tilespmem:$0x1C020] =	vst v63  }
0x45f: {  	_ = 	snop  }
0x460: {  	[tilespmem:s30], [sflag:$0x1] =	stream.linear.gather [spmem:s24], $0x1000, $0x38;
	[tilespmem:$0x1C020] =	vst v63  }
0x461: {  	_ =	swait.ge [sflag:s13], $0x2000  }
0x462: {  	[sflag:s13] =	ssyncset.done $0x0  }
0x463: {  	[sflag:s13] =	ssyncadd.s32 $0xFFFFE000  }
0x464: {  	v5 =	vld [tilespmem:s25+$0x11A00]  }
0x465: {  	v6 =	vld [tilespmem:s31+$0x80];
	_ =	sdelay $0x1  }
0x466: {  	v7 =	vld [tilespmem:s31+$0x100];
	_ =	sdelay $0x1  }
0x467: {  	v8 =	vld [tilespmem:s31+$0x180]  }
0x468: {  	v5 =	vadd.f32 v6, v5  }
0x469: {  	v6 =	vld [tilespmem:s31+$0x200]  }
0x46a: {  	v5 =	vadd.f32 v7, v5  }
0x46b: {  	v7 =	vld [tilespmem:s31+$0x280]  }
0x46c: {  	v5 =	vadd.f32 v8, v5  }
0x46d: {  	v8 =	vld [tilespmem:s31+$0x300]  }
0x46e: {  	v5 =	vadd.f32 v6, v5  }
0x46f: {  	v6 =	vld [tilespmem:s26+$0x11A00]  }
0x470: {  	v5 =	vadd.f32 v7, v5  }
0x471: {  	v7 =	vld [tilespmem:s25+$0x12E00]  }
0x472: {  	v5 =	vadd.f32 v8, v5  }
0x473: {  	v8 =	vld [tilespmem:s25+$0x12E80]  }
0x474: {  	v5 =	vadd.f32 v6, v5  }
0x475: {  	v6 =	vld [tilespmem:s25+$0x12F00]  }
0x476: {  	v5 =	vadd.f32 v7, v5  }
0x477: {  	v7 =	vld [tilespmem:s25+$0x12F80]  }
0x478: {  	v5 =	vadd.f32 v8, v5  }
0x479: {  	v8 =	vld [tilespmem:s1+$0x0]  }
0x47a: {  	v5 =	vadd.f32 v6, v5  }
0x47b: {  	v6 =	vld [tilespmem:s6+$0x0]  }
0x47c: {  	v5 =	vadd.f32 v7, v5  }
0x47d: {  	v7 =	vld [tilespmem:s0+$0x0]  }
0x47e: {  	v5 =	vadd.f32 v8, v5  }
0x47f: {  	v8 =	vld [tilespmem:s5+$0x0]  }
0x480: {  	v5 =	vadd.f32 v6, v5;
	_ =	sdelay $0x1  }
0x481: {  	v5 =	vadd.f32 v7, v5;
	_ =	sdelay $0x1  }
0x482: {  	v5 =	vadd.f32 v8, v5;
	_ =	sdelay $0x1  }
0x483: {  	[tilespmem:$0xED00] =	vst v5  }
0x484: {  	v6 =	vld [tilespmem:s28+$0x11A00]  }
0x485: {  	v7 =	vld [tilespmem:s21+$0x80];
	_ =	sdelay $0x1  }
0x486: {  	v8 =	vld [tilespmem:s21+$0x100];
	_ =	sdelay $0x1  }
0x487: {  	v9 =	vld [tilespmem:s21+$0x180]  }
0x488: {  	v6 =	vadd.f32 v7, v6  }
0x489: {  	v7 =	vld [tilespmem:s21+$0x200]  }
0x48a: {  	v6 =	vadd.f32 v8, v6  }
0x48b: {  	v8 =	vld [tilespmem:s21+$0x280]  }
0x48c: {  	v6 =	vadd.f32 v9, v6  }
0x48d: {  	v9 =	vld [tilespmem:s21+$0x300]  }
0x48e: {  	v6 =	vadd.f32 v7, v6  }
0x48f: {  	v7 =	vld [tilespmem:s29+$0x11A00]  }
0x490: {  	v6 =	vadd.f32 v8, v6  }
0x491: {  	v8 =	vld [tilespmem:s28+$0x12E00]  }
0x492: {  	v6 =	vadd.f32 v9, v6  }
0x493: {  	v9 =	vld [tilespmem:s28+$0x12E80]  }
0x494: {  	v6 =	vadd.f32 v7, v6  }
0x495: {  	v7 =	vld [tilespmem:s28+$0x12F00]  }
0x496: {  	v6 =	vadd.f32 v8, v6  }
0x497: {  	v8 =	vld [tilespmem:s28+$0x12F80]  }
0x498: {  	v6 =	vadd.f32 v9, v6  }
0x499: {  	v9 =	vld [tilespmem:s22+$0x0]  }
0x49a: {  	v6 =	vadd.f32 v7, v6  }
0x49b: {  	v7 =	vld [tilespmem:s23+$0x0]  }
0x49c: {  	v6 =	vadd.f32 v8, v6  }
0x49d: {  	v8 =	vld [tilespmem:s3+$0x0]  }
0x49e: {  	v6 =	vadd.f32 v9, v6  }
0x49f: {  	v9 =	vld [tilespmem:s8+$0x0]  }
0x4a0: {  	v6 =	vadd.f32 v7, v6;
	_ =	sdelay $0x1  }
0x4a1: {  	v6 =	vadd.f32 v8, v6;
	_ =	sdelay $0x1  }
0x4a2: {  	v6 =	vadd.f32 v9, v6  }
0x4a3: {  	v8 =	vld [tilespmem:$0x11790]  }
0x4a4: {  	[tilespmem:$0xED10] =	vst v6;
	v6 =	vld [tilespmem:$0x11780]  }
0x4a5: {  	v7 =	vld [tilespmem:$0xED10]  }
0x4a6: {  	v9 =	vld [tilespmem:$0x11500]  }
0x4a7: {  	v10 =	vld [tilespmem:$0x11510];
	_ =	sdelay $0x1  }
0x4a8: {  	v5 =	vadd.f32 v6, v5  }
0x4a9: {  	v6 =	vadd.f32 v8, v7  }
0x4aa: {  	v5 =	vmul.f32 v5, v9  }
0x4ab: {  	v6 =	vmul.f32 v6, v10  }
0x4ac: {  	v5 =	vmul.f32 v5, v9  }
0x4ad: {  	v6 =	vmul.f32 v6, v10  }
0x4ae: {  	[tilespmem:$0x11780] =	vst v5  }
0x4af: {  	s7 =	simm.s32 $0x11780;
	s2 =	rddreg [dreg:$0x11];
	[tilespmem:$0x11790] =	vst v6  }
0x4b0: {  	[spmem:s2] =	stream.linear.scatter [tilespmem:s7], [sflag:$0x1], $0x20, $0x38;
	[tilespmem:$0x1C020] =	vst v63  }
0x4b1: {  	_ =	swait.ge [sflag:s13], $0x20  }
0x4b2: {  	[sflag:s13] =	ssyncset.done $0x0  }
0x4b3: {  	[sflag:s13] =	ssyncadd.s32 $0xFFFFFFE0  }
0x4b4: {  	[bflag:$0x0] =	sbarrier.arrive $0xFFFF  }
0x4b5: {  	s11 =	rddreg [dreg:$0x4]  }
0x4b6: {  	[tilespmem:s4], [sflag:$0x1] =	stream.linear.gather [spmem:s11], $0x200, $0x38;
	[tilespmem:$0x1C020] =	vst v63  }
0x4b7: {  	_ =	swait.ge [sflag:s13], $0x200  }
0x4b8: {  	[sflag:s13] =	ssyncset.done $0x0  }
0x4b9: {  	[sflag:s13] =	ssyncadd.s32 $0xFFFFFE00  }
0x4ba: {  	[tilespmem:$0xC500] =	vst v1  }
0x4bb: {  	[tilespmem:$0xC510] =	vst v1  }
0x4bc: {  	[tilespmem:$0xC520] =	vst v1  }
0x4bd: {  	[tilespmem:$0xC530] =	vst v1  }
0x4be: {  	[tilespmem:$0xC540] =	vst v1  }
0x4bf: {  	[tilespmem:$0xC550] =	vst v1  }
0x4c0: {  	[tilespmem:$0xC560] =	vst v1  }
0x4c1: {  	[tilespmem:$0xC570] =	vst v1  }
0x4c2: {  	[tilespmem:$0xC580] =	vst v1  }
0x4c3: {  	[tilespmem:$0xC590] =	vst v1  }
0x4c4: {  	[tilespmem:$0xC5A0] =	vst v1  }
0x4c5: {  	[tilespmem:$0xC5B0] =	vst v1  }
0x4c6: {  	[tilespmem:$0xC5C0] =	vst v1  }
0x4c7: {  	[tilespmem:$0xC5D0] =	vst v1  }
0x4c8: {  	[tilespmem:$0xC5E0] =	vst v1  }
0x4c9: {  	[tilespmem:$0xC5F0] =	vst v1  }
0x4ca: {  	[tilespmem:$0xC600] =	vst v1  }
0x4cb: {  	[tilespmem:$0xC610] =	vst v1  }
0x4cc: {  	[tilespmem:$0xC620] =	vst v1  }
0x4cd: {  	[tilespmem:$0xC630] =	vst v1  }
0x4ce: {  	[tilespmem:$0xC640] =	vst v1  }
0x4cf: {  	[tilespmem:$0xC650] =	vst v1  }
0x4d0: {  	[tilespmem:$0xC660] =	vst v1  }
0x4d1: {  	[tilespmem:$0xC670] =	vst v1  }
0x4d2: {  	[tilespmem:$0xC680] =	vst v1  }
0x4d3: {  	[tilespmem:$0xC690] =	vst v1  }
0x4d4: {  	[tilespmem:$0xC6A0] =	vst v1  }
0x4d5: {  	[tilespmem:$0xC6B0] =	vst v1  }
0x4d6: {  	[tilespmem:$0xC6C0] =	vst v1  }
0x4d7: {  	[tilespmem:$0xC6D0] =	vst v1  }
0x4d8: {  	[tilespmem:$0xC6E0] =	vst v1  }
0x4d9: {  	s18 =	simm.s32 $0x20;
	[tilespmem:$0xC6F0] =	vst v1  }
0x4da: {  	v6 =	vld [tilespmem:s18+$0x10]  }
0x4db: {  	v7 =	vld [tilespmem:s18+$0xFFFFFFF0]  }
0x4dc: {  	v8 =	vld [tilespmem:s18+$0x0]  }
0x4dd: {  	v10 =	vld [tilespmem:s18+$0xFFFFFFE0];
	_ =	sdelay $0x1  }
0x4de: {  	s11 =	simm.s32 $0x4EA0  }
0x4df: {  	v11 =	vld [tilespmem:s11+$0x10]  }
0x4e0: {  	v5 =	vld [tilespmem:s11+$0xFFFFFFE0]  }
0x4e1: {  	v12 =	vld.idx.msk [tilespmem:v6+s4+$0x0], $0xffff  }
0x4e2: {  	v6 =	vld.idx.msk [tilespmem:v7+s4+$0x0], $0xffff  }
0x4e3: {  	v9 =	vld.idx.msk [tilespmem:v8+s4+$0x0], $0xffff  }
0x4e4: {  	v7 =	vld.idx.msk [tilespmem:v10+s4+$0x0], $0xffff  }
0x4e5: {  	v8 =	vld [tilespmem:s11+$0xFFFFFFF0]  }
0x4e6: {  	v10 =	vld [tilespmem:s11+$0x0];
	_ =	sdelay $0x1  }
0x4e7: {  	s7 =	simm.s32 $0x0;
	s18 =	simm.s32 $0x60;
	[tilespmem:v11+s15+$0x0] =	vst.idx.add.f32.msk $0xffff, v12  }
.LBB2_40:
0x4e8: {  	v11 =	vld [tilespmem:s18+$0x10];
	s7 =	sadd.s32 $0x40, s7;
	v12 =	vmov v9  }
0x4e9: {  	v9 =	vld [tilespmem:s18+$0xFFFFFFF0];
	p2 =	slt.u32 s7, $0x140  }
0x4ea: {  	v13 =	vld [tilespmem:s18+$0x0];
	v14 =	vmov v10  }
0x4eb: {  	v10 =	vld [tilespmem:s18+$0xFFFFFFE0]  }
0x4ec: {  	[tilespmem:v5+s15+$0x0] =	vst.idx.add.f32.msk $0xffff, v7  }
0x4ed: {  	s11 =	sadd.s32 $0x40, s11;
	[tilespmem:v8+s15+$0x0] =	vst.idx.add.f32.msk $0xffff, v6  }
0x4ee: {  	v15 =	vld [tilespmem:s11+$0x10]  }
0x4ef: {  	v5 =	vld [tilespmem:s11+$0xFFFFFFE0]  }
0x4f0: {  	v11 =	vld.idx.msk [tilespmem:v11+s4+$0x0], $0xffff  }
0x4f1: {  	v6 =	vld.idx.msk [tilespmem:v9+s4+$0x0], $0xffff  }
0x4f2: {  	v9 =	vld.idx.msk [tilespmem:v13+s4+$0x0], $0xffff  }
.Ltmp21:
0x4f3: {  	v7 =	vld.idx.msk [tilespmem:v10+s4+$0x0], $0xffff;
	(pc) =	sbr.rel @p2 .LBB2_40-.Ltmp21, $4  }
0x4f4: {  	v8 =	vld [tilespmem:s11+$0xFFFFFFF0]  }
0x4f5: {  	v10 =	vld [tilespmem:s11+$0x0]  }
0x4f6: {  	[tilespmem:v15+s15+$0x0] =	vst.idx.add.f32.msk $0xffff, v11  }
0x4f7: {  	s18 =	sadd.s32 $0x40, s18;
	[tilespmem:v14+s15+$0x0] =	vst.idx.add.f32.msk $0xffff, v12  }
0x4f8: {  	_ =	sdelay $0x3  }
0x4f9: {  	[tilespmem:v5+s15+$0x0] =	vst.idx.add.f32.msk $0xffff, v7  }
0x4fa: {  	[tilespmem:v8+s15+$0x0] =	vst.idx.add.f32.msk $0xffff, v6  }
0x4fb: {  	[tilespmem:v10+s15+$0x0] =	vst.idx.add.f32.msk $0xffff, v9  }
0x4fc: {  	v5 =	vld [tilespmem:$0x180];
	_ =	sdelay $0x4  }
0x4fd: {  	v6 =	vld [tilespmem:$0x5000];
	_ =	sdelay $0x2  }
0x4fe: {  	v5 =	vld.idx.msk [tilespmem:v5+s4+$0x0], $0xffff;
	_ =	sdelay $0x4  }
0x4ff: {  	[tilespmem:v6+s15+$0x0] =	vst.idx.add.f32.msk $0xffff, v5  }
0x500: {  	[spmem:s10] =	stream.strided.scatter [tilespmem:s15], [sflag:$0x1], $0x200, s19, s17, $0x38;
	[tilespmem:$0x1C020] =	vst v63  }
0x501: {  	_ =	swait.ge [sflag:s13], $0x200  }
0x502: {  	[sflag:s13] =	ssyncset.done $0x0  }
0x503: {  	[sflag:s13] =	ssyncadd.s32 $0xFFFFFE00  }
0x504: {  	[bflag:$0x0] =	sbarrier.arrive $0xFFFF  }
0x505: {  	[tilespmem:s9], [sflag:$0x1] =	stream.linear.gather [spmem:s12], $0x1000, $0x38;
	[tilespmem:$0x1C020] =	vst v63  }
0x506: {  	_ = 	snop  }
0x507: {  	[tilespmem:s30], [sflag:$0x1] =	stream.linear.gather [spmem:s24], $0x1000, $0x38;
	[tilespmem:$0x1C020] =	vst v63  }
0x508: {  	_ =	swait.ge [sflag:s13], $0x2000  }
0x509: {  	[sflag:s13] =	ssyncset.done $0x0  }
0x50a: {  	[sflag:s13] =	ssyncadd.s32 $0xFFFFE000  }
0x50b: {  	v5 =	vld [tilespmem:s25+$0x11A00]  }
0x50c: {  	v6 =	vld [tilespmem:s31+$0x80];
	_ =	sdelay $0x1  }
0x50d: {  	v7 =	vld [tilespmem:s31+$0x100];
	_ =	sdelay $0x1  }
0x50e: {  	v46 =	vld [tilespmem:s31+$0x180]  }
0x50f: {  	v5 =	vadd.f32 v6, v5  }
0x510: {  	v6 =	vld [tilespmem:s31+$0x200]  }
0x511: {  	v5 =	vadd.f32 v7, v5  }
0x512: {  	v7 =	vld [tilespmem:s31+$0x280]  }
0x513: {  	v5 =	vadd.f32 v46, v5  }
0x514: {  	v47 =	vld [tilespmem:s31+$0x300]  }
0x515: {  	v5 =	vadd.f32 v6, v5  }
0x516: {  	v6 =	vld [tilespmem:s26+$0x11A00]  }
0x517: {  	v5 =	vadd.f32 v7, v5  }
0x518: {  	v7 =	vld [tilespmem:s25+$0x12E00]  }
0x519: {  	v5 =	vadd.f32 v47, v5  }
0x51a: {  	v48 =	vld [tilespmem:s25+$0x12E80]  }
0x51b: {  	v5 =	vadd.f32 v6, v5  }
0x51c: {  	v6 =	vld [tilespmem:s25+$0x12F00]  }
0x51d: {  	v5 =	vadd.f32 v7, v5  }
0x51e: {  	v7 =	vld [tilespmem:s25+$0x12F80]  }
0x51f: {  	v5 =	vadd.f32 v48, v5  }
0x520: {  	v49 =	vld [tilespmem:s1+$0x0]  }
0x521: {  	v5 =	vadd.f32 v6, v5  }
0x522: {  	v6 =	vld [tilespmem:s6+$0x0]  }
0x523: {  	v5 =	vadd.f32 v7, v5  }
0x524: {  	v7 =	vld [tilespmem:s0+$0x0]  }
0x525: {  	v5 =	vadd.f32 v49, v5  }
0x526: {  	v50 =	vld [tilespmem:s5+$0x0]  }
0x527: {  	v5 =	vadd.f32 v6, v5;
	_ =	sdelay $0x1  }
0x528: {  	v5 =	vadd.f32 v7, v5;
	_ =	sdelay $0x1  }
0x529: {  	v5 =	vadd.f32 v50, v5;
	_ =	sdelay $0x1  }
0x52a: {  	[tilespmem:$0xED00] =	vst v5  }
0x52b: {  	v6 =	vld [tilespmem:s28+$0x11A00]  }
0x52c: {  	v7 =	vld [tilespmem:s21+$0x80];
	_ =	sdelay $0x1  }
0x52d: {  	v51 =	vld [tilespmem:s21+$0x100];
	_ =	sdelay $0x1  }
0x52e: {  	v52 =	vld [tilespmem:s21+$0x180]  }
0x52f: {  	v6 =	vadd.f32 v7, v6  }
0x530: {  	v7 =	vld [tilespmem:s21+$0x200]  }
0x531: {  	v6 =	vadd.f32 v51, v6  }
0x532: {  	v53 =	vld [tilespmem:s21+$0x280]  }
0x533: {  	v6 =	vadd.f32 v52, v6  }
0x534: {  	v54 =	vld [tilespmem:s21+$0x300]  }
0x535: {  	v6 =	vadd.f32 v7, v6  }
0x536: {  	v7 =	vld [tilespmem:s29+$0x11A00]  }
0x537: {  	v6 =	vadd.f32 v53, v6  }
0x538: {  	v55 =	vld [tilespmem:s28+$0x12E00]  }
0x539: {  	v6 =	vadd.f32 v54, v6  }
0x53a: {  	v56 =	vld [tilespmem:s28+$0x12E80]  }
0x53b: {  	v6 =	vadd.f32 v7, v6  }
0x53c: {  	v7 =	vld [tilespmem:s28+$0x12F00]  }
0x53d: {  	v6 =	vadd.f32 v55, v6  }
0x53e: {  	v57 =	vld [tilespmem:s28+$0x12F80]  }
0x53f: {  	v6 =	vadd.f32 v56, v6  }
0x540: {  	v58 =	vld [tilespmem:s22+$0x0]  }
0x541: {  	v6 =	vadd.f32 v7, v6  }
0x542: {  	v7 =	vld [tilespmem:s23+$0x0]  }
0x543: {  	v6 =	vadd.f32 v57, v6  }
0x544: {  	v59 =	vld [tilespmem:s3+$0x0]  }
0x545: {  	v6 =	vadd.f32 v58, v6  }
0x546: {  	v60 =	vld [tilespmem:s8+$0x0]  }
0x547: {  	v6 =	vadd.f32 v7, v6;
	_ =	sdelay $0x1  }
0x548: {  	v6 =	vadd.f32 v59, v6;
	_ =	sdelay $0x1  }
0x549: {  	v6 =	vadd.f32 v60, v6  }
0x54a: {  	v61 =	vld [tilespmem:$0x11790]  }
0x54b: {  	[tilespmem:$0xED10] =	vst v6;
	v6 =	vld [tilespmem:$0x11780]  }
0x54c: {  	v7 =	vld [tilespmem:$0xED10]  }
0x54d: {  	v62 =	vld [tilespmem:$0x11500]  }
0x54e: {  	v63 =	vld [tilespmem:$0x11510];
	_ =	sdelay $0x1  }
0x54f: {  	v5 =	vadd.f32 v6, v5  }
0x550: {  	v6 =	vadd.f32 v61, v7  }
0x551: {  	v5 =	vmul.f32 v5, v62  }
0x552: {  	v6 =	vmul.f32 v6, v63  }
0x553: {  	[tilespmem:$0x11780] =	vst v5  }
0x554: {  	s7 =	simm.s32 $0x11780;
	s2 =	rddreg [dreg:$0x12];
	[tilespmem:$0x11790] =	vst v6  }
0x555: {  	[spmem:s2] =	stream.linear.scatter [tilespmem:s7], [sflag:$0x1], $0x20, $0x38;
	[tilespmem:$0x1C020] =	vst v63  }
0x556: {  	_ =	swait.ge [sflag:s13], $0x20  }
0x557: {  	[sflag:s13] =	ssyncset.done $0x0  }
0x558: {  	[sflag:s13] =	ssyncadd.s32 $0xFFFFFFE0  }
0x559: {  	[bflag:$0x0] =	sbarrier.arrive $0xFFFF  }
0x55a: {  	s2 =	simm.s32 @!p0 $0x0;
	s7 =	simm.s32 @!p0 $0x11780;
	s11 =	rddreg [dreg:$0x13]  }
0x55b: {  	[hbm4b:s11+s2] =	stream.linear.scatter @!p0 [tilespmem:s7], [sflag:$0x1], $0x20, $0x38;
	[tilespmem:$0x1C020] =	vst v63  }
.Ltmp22:
0x55c: {  	_ = 	snop;
	(pc) =	sbr.rel @p1 .LBB2_58-.Ltmp22, $4  }
0x55d: {  	s2 =	simm.s32 @!p0 $0x1  }
0x55e: {  	_ =	swait.ge @!p0 [sflag:s2], $0x20  }
0x55f: {  	[sflag:s2] =	ssyncset.done @!p0 $0x0  }
0x560: {  	[sflag:s2] =	ssyncadd.s32 @!p0 $0xFFFFFFE0  }
0x561: {  	s2 =	rddreg [dreg:$0x1];
	s7 =	simm.s32 $0x14200  }
0x562: {  	[tilespmem:s7], [sflag:$0x1] =	stream.linear.gather [hbm4b:s2+s20], $0x2780, $0x38;
	[tilespmem:$0x1C020] =	vst v63  }
0x563: {  	_ =	swait.ge [sflag:s13], $0x2780  }
0x564: {  	[sflag:s13] =	ssyncset.done $0x0  }
0x565: {  	[sflag:s13] =	ssyncadd.s32 $0xFFFFD880  }
0x566: {  	s18 =	rddreg [dreg:$0x5]  }
0x567: {  	[tilespmem:s4], [sflag:$0x1] =	stream.linear.gather [spmem:s18], $0x2800, $0x38;
	[tilespmem:$0x1C020] =	vst v63  }
0x568: {  	_ =	swait.ge [sflag:s13], $0x2800  }
0x569: {  	[sflag:s13] =	ssyncset.done $0x0  }
0x56a: {  	s24 =	simm.s32 $0x16A80;
	s20 =	rddreg [dreg:$0x14];
	[sflag:s13] =	ssyncadd.s32 $0xFFFFD800  }
0x56b: {  	[tilespmem:s24], [sflag:$0x1] =	stream.linear.gather [spmem:s20], $0x10, $0x38;
	[tilespmem:$0x1C020] =	vst v63  }
0x56c: {  	_ =	swait.ge [sflag:s13], $0x10  }
0x56d: {  	[sflag:s13] =	ssyncset.done $0x0  }
0x56e: {  	s30 =	simm.s32 $0x14220;
	[sflag:s13] =	ssyncadd.s32 $0xFFFFFFF0  }
0x56f: {  	v9 =	vld [tilespmem:s30+$0x10]  }
0x570: {  	v10 =	vld [tilespmem:s30+$0x0]  }
0x571: {  	v6 =	vld [tilespmem:s30+$0xFFFFFFF0]  }
0x572: {  	v7 =	vld [tilespmem:s30+$0xFFFFFFE0];
	_ =	sdelay $0x2  }
0x573: {  	v8 =	vimm.s32 $0x0;
	vm3 =	vlt.s32 v9, v0;
	vm4 =	vlt.s32 v10, v0  }
0x574: {  	s11 =	simm.s32 $0x14260;
	s7 =	simm.s32 $0x0;
	v5 =	vld [tilespmem:$0x16A80];
	vm2 =	vle.s32 v10, v0;
	vm1 =	vle.s32 v9, v0;
	v9 =	vimm.s32 $0x0  }
.LBB2_43:
0x575: {  	v10 =	vld [tilespmem:s11+$0x10];
	vm5 =	vlt.s32 v7, v0;
	vm6 =	vlt.s32 v6, v0;
	vm7 =	vle.s32 v6, v0  }
0x576: {  	vm8 =	vle.s32 v7, v0;
	v12 =	vsel vm4, $0x1, v3;
	v13 =	vsel vm3, $0x1, v3;
	s7 =	sadd.s32 $0x4, s7;
	v11 =	vld [tilespmem:s11+$0x0]  }
0x577: {  	v14 =	vsel vm5, $0x1, v3;
	v15 =	vsel vm8, $0x1, v3;
	v16 =	vsel vm6, $0x1, v3;
	p2 =	slt.u32 s7, $0x26C;
	v6 =	vld [tilespmem:s11+$0xFFFFFFF0]  }
.Ltmp23:
0x578: {  	v8 =	vadd.s32 v14, v8;
	v9 =	vadd.s32 v15, v9;
	v14 =	vsel vm7, $0x1, v3;
	v7 =	vld [tilespmem:s11+$0xFFFFFFE0];
	(pc) =	sbr.rel @p2 .LBB2_43-.Ltmp23, $4  }
0x579: {  	v8 =	vadd.s32 v16, v8;
	v9 =	vadd.s32 v14, v9;
	v14 =	vsel vm2, $0x1, v3  }
0x57a: {  	v8 =	vadd.s32 v12, v8;
	v9 =	vadd.s32 v14, v9;
	v12 =	vsel vm1, $0x1, v3  }
0x57b: {  	vm3 =	vlt.s32 v10, v0;
	v8 =	vadd.s32 v13, v8;
	v9 =	vadd.s32 v12, v9  }
0x57c: {  	s11 =	sadd.s32 $0x40, s11;
	vm1 =	vle.s32 v10, v0;
	vm4 =	vlt.s32 v11, v0;
	vm2 =	vle.s32 v11, v0  }
0x57d: {  	vm5 =	vlt.s32 v7, v0  }
0x57e: {  	v10 =	vsel vm5, $0x1, v3  }
0x57f: {  	vm15 =	vlt.s32 v6, v0;
	v8 =	vadd.s32 v10, v8;
	v10 =	vld [tilespmem:$0x16900]  }
0x580: {  	vm6 =	vle.s32 v6, v0;
	vm7 =	vle.s32 v7, v0;
	v6 =	vsel vm4, $0x1, v3  }
0x581: {  	v7 =	vsel vm3, $0x1, v3;
	v11 =	vsel vm7, $0x1, v3;
	v12 =	vsel vm15, $0x1, v3  }
0x582: {  	v9 =	vadd.s32 v11, v9;
	v11 =	vsel vm6, $0x1, v3;
	v8 =	vadd.s32 v12, v8  }
0x583: {  	v9 =	vadd.s32 v11, v9;
	v11 =	vsel vm2, $0x1, v3;
	v6 =	vadd.s32 v6, v8  }
0x584: {  	v8 =	vadd.s32 v11, v9;
	v9 =	vsel vm1, $0x1, v3;
	vm1 =	vlt.s32 v10, v0  }
0x585: {  	v6 =	vadd.s32 v7, v6;
	v7 =	vsel vm1, $0x1, v3;
	vm1 =	vle.s32 v10, v0  }
0x586: {  	v8 =	vadd.s32 v9, v8;
	v6 =	vadd.s32 v7, v6;
	v7 =	vsel vm1, $0x1, v3  }
0x587: {  	v7 =	vadd.s32 v7, v8;
	(xrf0) =	vadd.scan.msk.s32 $0xffff, v6  }
0x588: {  	(xrf0) =	vadd.scan.msk.s32 $0xffff, v7;
	_ =	sdelay $0x4  }
0x589: {  	v6, _, _ =	vpop (xrf0)  }
0x58a: {  	(v2sf) =	vpush v6, $0xF;
	v8, _, _ =	vpop (xrf0)  }
0x58b: {  	(v2sf) =	vpush v8, $0xF;
	_ =	sdelay $0xd  }
0x58c: {  	s2 =	spop (v2sf)  }
0x58d: {  	s7 =	spop (v2sf)  }
0x58e: {  	s7 =	sadd.s32 $0xF, s7  }
0x58f: {  	s18 =	sshra.s32 s2, $0x4;
	s20 =	sshra.s32 s7, $0x4  }
0x590: {  	p2 =	sle.s32 s20, s18  }
.Ltmp24:
0x591: {  	_ = 	snop;
	(pc) =	sbr.rel @p2 .LBB2_51-.Ltmp24, $1  }
0x592: {  	_ =	sdelay $0x3  }
0x593: {  	v5 =	vsel vm0, $0x0, v5  }
0x594: {  	(xrf2) =	vadd.scan.msk.f32 $0xffff, v5;
	_ =	sdelay $0x5  }
0x595: {  	s7 =	ssub.s32 s20, s18  }
0x596: {  	p4 =	seq.s32 s7, $0x1  }
.Ltmp25:
0x597: {  	_ = 	snop;
	(pc) =	sbr.rel @p4 .LBB2_46-.Ltmp25, $4  }
0x598: {  	s2 =	sshll.u32 s18, $0x6  }
0x599: {  	s11 =	sshra.s32 s2, $0x2;
	v5, _, _ =	vpop (xrf2)  }
0x59a: {  	s24 =	sshll.u32 s18, $0x4;
	s2 =	sadd.s32 $0x9D00, s11;
	v7 =	vbroadcast v5, $0xF  }
0x59b: {  	p3 =	por $0x0, $0x0;
	s7 =	sadd.s32 $0xFFFFFFFF, s7;
	s11 =	sadd.s32 $0xC500, s11;
	v5 =	vbroadcast v6, $0xF;
	v6 =	vbroadcast v8, $0xF;
	v8 =	vld [tilespmem:s2+$0x0]  }
0x59c: {  	_ =	sdelay $0x3  }
0x59d: {  	v8 =	vsub.f32 v8, v7  }
0x59e: {  	v9 =	vor.u32 s24, v4;
	p4 =	seq.s32 s7, $0x1  }
.Ltmp26:
0x59f: {  	vm1 =	vge.s32 v9, v5;
	vm2 =	vlt.s32 v9, v6;
	v8 =	vmul.f32 v8, v8;
	(pc) =	sbr.rel @p4 .LBB2_48-.Ltmp26, $4  }
0x5a0: {  	vm1 =	vmand vm1, vm2  }
0x5a1: {  	v8 =	vnsel vm1, $0xBF800000, v8  }
0x5a2: {  	s30 =	sadd.s32 $0x10, s2;
	s2 =	sadd.s32 $0xFFFFFFFF, s7;
	[tilespmem:s11+$0x0] =	vst v8  }
0x5a3: {  	p3 =	por $0x1, $0x1;
	s12 =	smov.u32 s24;
	s7 =	smov.u32 s11;
	v8 =	vld [tilespmem:s30+$0x0]  }
.LBB2_49:
0x5a4: {  	p4 =	seq.s32 s2, $0x1;
	_ =	sdelay $0x3  }
0x5a5: {  	s12 =	sadd.s32 $0x10, s12;
	v8 =	vsub.f32 v8, v7  }
0x5a6: {  	v9 =	vor.u32 s12, v4  }
.Ltmp27:
0x5a7: {  	vm1 =	vge.s32 v9, v5;
	vm2 =	vlt.s32 v9, v6;
	v8 =	vmul.f32 v8, v8;
	(pc) =	sbr.rel @!p4 .LBB2_49-.Ltmp27, $4  }
0x5a8: {  	vm1 =	vmand vm1, vm2  }
0x5a9: {  	s7 =	sadd.s32 $0x10, s7;
	v8 =	vnsel vm1, $0xBF800000, v8  }
0x5aa: {  	s30 =	sadd.s32 $0x10, s30;
	[tilespmem:s7+$0x0] =	vst v8  }
0x5ab: {  	s2 =	sadd.s32 $0xFFFFFFFF, s2;
	v8 =	vld [tilespmem:s30+$0x0]  }
.LBB2_50:
0x5ac: {  	_ =	sdelay $0x2  }
0x5ad: {  	s2 =	sadd.s32 @p3 $0x10, s12  }
0x5ae: {  	s24 =	smov.u32 @p3 s2;
	v7 =	vsub.f32 v8, v7  }
0x5af: {  	v63 =	vor.u32 s24, v4  }
0x5b0: {  	vm1 =	vge.s32 v63, v5;
	vm2 =	vlt.s32 v63, v6;
	v7 =	vmul.f32 v7, v7  }
0x5b1: {  	s2 =	sadd.s32 @p3 $0x10, s7;
	vm1 =	vmand vm1, vm2  }
0x5b2: {  	s11 =	smov.u32 @p3 s2;
	v5 =	vnsel vm1, $0xBF800000, v7  }
0x5b3: {  	[tilespmem:s11+$0x0] =	vst v5  }
.LBB2_51:
0x5b4: {  	[tilespmem:$0x16980] =	vst v1  }
0x5b5: {  	[tilespmem:$0x16990] =	vst v1  }
0x5b6: {  	[tilespmem:$0x169A0] =	vst v1  }
.Ltmp28:
0x5b7: {  	[tilespmem:$0x169B0] =	vst v1;
	(pc) =	sbr.rel .LBB2_52-.Ltmp28, $4  }
0x5b8: {  	[tilespmem:$0x16A00] =	vst v1  }
0x5b9: {  	[tilespmem:$0x16A10] =	vst v1;
	s2 =	sshll.u32 s18, $0x6  }
0x5ba: {  	[tilespmem:$0x16A20] =	vst v1;
	s20 =	ssub.s32 s20, s18;
	s2 =	sshra.s32 s2, $0x2  }
0x5bb: {  	[tilespmem:$0x16A30] =	vst v1;
	s18 =	sshll.u32 s18, $0x4;
	s11 =	simm.s32 $0x0;
	s24 =	sadd.s32 $0xC500, s2  }
.LBB2_55:
0x5bc: {  	v6 =	vsel vm1, v8, v6  }
0x5bd: {  	v5 =	vsel vm1, v7, v5;
	v7 =	vxor.u32 $0x80000000, v6  }
.LBB2_56:
0x5be: {  	(xrf0) =	vmax.scan.msk.f32 $0xffff, v5;
	_ =	sdelay $0x5  }
0x5bf: {  	v6, _, _ =	vpop (xrf0)  }
0x5c0: {  	v8 =	vbroadcast v6, $0xF;
	_ =	sdelay $0x1  }
0x5c1: {  	vm1 =	veq.f32 v5, v8  }
0x5c2: {  	v5 =	vnsel vm1, $0xC0000000, v7  }
0x5c3: {  	(xrf0) =	vmin.scan.msk.u32 $0xffff, v5;
	_ =	sdelay $0x5  }
0x5c4: {  	(v2sf) =	vpush v6, $0xF;
	v5, _, _ =	vpop (xrf0)  }
0x5c5: {  	(v2sf) =	vpush v5, $0xF;
	_ =	sdelay $0xd  }
0x5c6: {  	s2 =	spop (v2sf)  }
0x5c7: {  	s7 =	spop (v2sf)  }
0x5c8: {  	s7 =	sxor.u32 $0x80000000, s7  }
0x5c9: {  	p3 =	slt.s32 s7, $0x27FF  }
0x5ca: {  	s7 =	simm.s32 @!p3 $0x27FF  }
0x5cb: {  	s12 =	sand.u32 $0xFFFFFFF0, s7  }
0x5cc: {  	v5 =	vld [tilespmem:s12+$0x9D00];
	_ =	sdelay $0x1  }
0x5cd: {  	s7 =	sand.u32 $0xF, s7  }
0x5ce: {  	v6 =	vmov s7  }
0x5cf: {  	vm1 =	veq.s32 v6, v4  }
0x5d0: {  	v5 =	vnsel vm1, $0x0, v5  }
0x5d1: {  	(xrf2) =	vadd.scan.msk.f32 $0xffff, v5;
	_ =	sdelay $0x9  }
0x5d2: {  	v5, _, _ =	vpop (xrf2)  }
0x5d3: {  	(v2sf) =	vpush v5, $0xF;
	_ =	sdelay $0x6  }
0x5d4: {  	v5 =	vld [tilespmem:s12+$0xC500];
	_ =	sdelay $0x4  }
0x5d5: {  	v5 =	vsel vm1, $0xBF800000, v5  }
0x5d6: {  	p3 =	sge.f32 s2, $0.0e+00;
	s7 =	sand.u32 $0x30, s11;
	[tilespmem:s12+$0xC500] =	vst v5  }
0x5d7: {  	s30 =	sand.u32 $0xF, s11;
	s2 =	simm.f32 $1.000000000e+00;
	v5 =	vld [tilespmem:s7+$0x16980]  }
0x5d8: {  	s2 =	simm.s32 @!p3 $0x0;
	s11 =	sadd.s32 $0x1, s11;
	v6 =	vld [tilespmem:s7+$0x16A00];
	s12 =	spop (v2sf)  }
0x5d9: {  	p3 =	sne.s32 s11, $0x32;
	s12 =	smul.f32 s12, s2  }
.Ltmp29:
0x5da: {  	v7 =	vmov s30;
	(pc) =	sbr.rel @!p3 .LBB2_57-.Ltmp29, $4  }
0x5db: {  	vm1 =	veq.s32 v7, v4  }
0x5dc: {  	v5 =	vsel vm1, s12, v5  }
0x5dd: {  	[tilespmem:s7+$0x16980] =	vst v5;
	v5 =	vsel vm1, s2, v6  }
0x5de: {  	[tilespmem:s7+$0x16A00] =	vst v5  }
.LBB2_52:
.Ltmp30:
0x5df: {  	(pc) =	sbr.rel @p2 .LBB2_56-.Ltmp30, $2  }
0x5e0: {  	_ =	sdelay $0x2  }
0x5e1: {  	v7 =	vimm.s32 $0xC0000000;
	v5 =	vimm.f32 $-2.000000000e+00;
	v6 =	vimm.s32 $0x40000000  }
0x5e2: {  	v7 =	vld [tilespmem:s24+$0x0];
	p3 =	sne.s32 s20, $0x1  }
.Ltmp31:
0x5e3: {  	_ = 	snop;
	(pc) =	sbr.rel @!p3 .LBB2_55-.Ltmp31, $2  }
0x5e4: {  	_ =	sdelay $0x2  }
0x5e5: {  	s2 =	sadd.s32 $0xFFFFFFFF, s20;
	v8 =	vor.u32 s18, v4;
	s7 =	sadd.s32 $0x10, s24;
	s12 =	smov.u32 s18;
	vm1 =	vgt.f32 v7, v5  }
.LBB2_54:
0x5e6: {  	p3 =	sne.s32 s2, $0x1;
	s2 =	sadd.s32 $0xFFFFFFFF, s2;
	v5 =	vsel vm1, v7, v5;
	v7 =	vld [tilespmem:s7+$0x0];
	v6 =	vsel vm1, v8, v6  }
.Ltmp32:
0x5e7: {  	(pc) =	sbr.rel @p3 .LBB2_54-.Ltmp32, $3  }
0x5e8: {  	_ =	sdelay $0x1  }
0x5e9: {  	s12 =	sadd.s32 $0x10, s12  }
0x5ea: {  	s7 =	sadd.s32 $0x10, s7;
	v8 =	vor.u32 s12, v4;
	vm1 =	vgt.f32 v7, v5  }
.Ltmp33:
0x5eb: {  	_ = 	snop;
	(pc) =	sbr.rel .LBB2_55-.Ltmp33, $1  }
0x5ec: {  	_ =	sdelay $0x3  }
.LBB2_46:
.Ltmp34:
0x5ed: {  	(pc) =	sbr.rel .LBB2_50-.Ltmp34, $2  }
0x5ee: {  	_ =	sdelay $0x2  }
0x5ef: {  	s12 =	smov.u32 s24;
	s7 =	smov.u32 s11  }
.LBB2_48:
.Ltmp35:
0x5f0: {  	(pc) =	sbr.rel .LBB2_50-.Ltmp35, $2  }
0x5f1: {  	_ =	sdelay $0x2  }
0x5f2: {  	s12 =	smov.u32 s24;
	s7 =	smov.u32 s11  }
.LBB2_59:
0x5f3: {  	_ =	sfence.sel $0x180000  }
0x5f4: {  	[bflag:$0x0] =	sbarrier.arrive $0xFFFF  }
0x5f5: {  	_ =	strace $0x90000047  }
0x5f6: {  	s0 =	stileid.u32;
	[bflag:$0x2] =	sbarrier.arrive $0xFFFF  }
0x5f7: {  	p0 =	sne.s32 s0, $0x0;
	s0 =	rddreg [dreg:$0x7]  }
0x5f8: {  	s0 =	sadd.s32 @!p0 $0x100000, s0  }
0x5f9: {  	[sflag:s0] =	ssyncadd.tile.s32 @!p0 $0x1;
	_ =	shalt  }
.Lfunc_end2:
_tile_overlayer_lowered:
.L_overlay_start_2:
0x5fa: {  	(tag) =	ssettag $0x2  }
0x5fb: {  	s0 =	rddreg [dreg:$0x0];
	s2 =	stileid.u32  }
0x5fc: {  	s1 =	rddreg [dreg:$0x1];
	p0 =	sne.s32 s2, $0x0  }
0x5fd: {  	s3 =	rddreg [dreg:$0x2];
	[bflag:$0x3] =	sbarrier.arrive $0xFFFF;
	s2 =	simm.s32 @!p0 $0x1C01  }
0x5fe: {  	[timem:s3], [sflag:s2] =	dma.local @!p0 [hbm:s0], s1  }
0x5ff: {  	s0 =	simm.s32 @!p0 $0x1  }
0x600: {  	_ =	swait.ge @!p0 [sflag:s0], s1  }
0x601: {  	s1 =	ssub.s32 @!p0 $0x0, s1;
	[sflag:s0] =	ssyncset.done @!p0 $0x0  }
0x602: {  	[sflag:s0] =	ssyncadd.s32 @!p0 s1  }
0x603: {  	[bflag:$0x3] =	sbarrier.arrive $0xFFFF  }
0x604: {  	_ =	shalt  }

</sc_bundles>
